<compile_context>
chip_gen: v7x
topology: tpu7x:2x2x1
jax: 0.10.2.dev20260603
libtpu: 0.0.44.dev20260713+nightly
codegen_flags: <defaults>
</compile_context>

<pallas_src>
import jax
import jax.numpy as jnp
from jax import lax
from jax.experimental import pallas as pl
from jax.experimental.pallas import tpu as pltpu
from jax.experimental.pallas import tpu_sc as plsc

D = 256
HALF = 128
N_NODES = 10000
N_SC = 2
N_TILE = 16
LANES = 16
CHUNK = 128
EC = 80
EPT = EC * CHUNK
E_PAD = N_TILE * EPT
ND_PAD = 10240
RPT = ND_PAD // N_TILE


NBUF = 2
SGC = 8


def _sc_body(gidx_hbm, col_hbm, cflat_hbm, xr_hbm, t_out, parts_out,
             ibuf, cbuf, cflat, gbuf, hist, acc,
             sg0, sg1):
    c = lax.axis_index("c")
    s = lax.axis_index("s")
    w = c * N_TILE + s
    zero16 = jnp.zeros((LANES,), jnp.float32)
    sgs = (sg0, sg1)

    @pl.loop(0, CHUNK)
    def _(i):
        for j in range(HALF // LANES):
            gbuf[0, i, pl.ds(j * LANES, LANES)] = zero16
    for k in range(RPT // CHUNK):
        pltpu.sync_copy(gbuf.at[0], acc.at[pl.ds(s * RPT + k * CHUNK, CHUNK)])

    izero16 = jnp.zeros((LANES,), jnp.int32)

    @pl.loop(0, ND_PAD // LANES)
    def _(i):
        hist[pl.ds(i * LANES, LANES)] = izero16

    plsc.subcore_barrier()

    iota16 = lax.iota(jnp.int32, LANES)

    @pl.loop(0, EC // SGC)
    def _(sg):
        base = sg * SGC
        pltpu.sync_copy(gidx_hbm.at[pl.ds(w * EC + base, SGC)], ibuf)
        pltpu.sync_copy(col_hbm.at[pl.ds(s * EC + base, SGC)], cbuf)
        pltpu.sync_copy(cflat_hbm.at[pl.ds(s * EPT + base * CHUNK, SGC * CHUNK)],
                        cflat)

        def _mk(k):
            return pltpu.make_async_copy(xr_hbm.at[ibuf.at[k]],
                                         gbuf.at[k % NBUF], sgs[k % NBUF])

        descs = {k: _mk(k) for k in range(NBUF)}
        for k in range(NBUF):
            descs[k].start()

        @pl.loop(0, SGC * CHUNK // LANES)
        def _(q):
            cv = cflat[pl.ds(q * LANES, LANES)]
            for l in range(LANES):
                v = cv[l]
                b0 = (v >> 4) << 4
                win = hist[pl.ds(b0, LANES)]
                hist[pl.ds(b0, LANES)] = win + jnp.where(
                    iota16 == (v - b0), 1, 0).astype(jnp.int32)

        for k in range(SGC):
            descs[k].wait()
            pltpu.sync_copy(gbuf.at[k % NBUF], acc.at[cbuf.at[k]], add=True)
            if k + NBUF < SGC:
                descs[k + NBUF] = _mk(k + NBUF)
                descs[k + NBUF].start()

    plsc.subcore_barrier()

    pltpu.sync_copy(acc.at[pl.ds(s * RPT, RPT)],
                    t_out.at[pl.ds(c * ND_PAD + s * RPT, RPT)])
    pltpu.sync_copy(hist, parts_out.at[pl.ds(w * ND_PAD, ND_PAD)])


_sc_call = pl.kernel(
    _sc_body,
    out_type=[
        jax.ShapeDtypeStruct((N_SC * ND_PAD, HALF), jnp.float32),
        jax.ShapeDtypeStruct((N_SC * N_TILE * ND_PAD,), jnp.int32),
    ],
    mesh=plsc.VectorSubcoreMesh(core_axis_name="c", subcore_axis_name="s"),
    scratch_types=[
        pltpu.VMEM((SGC, CHUNK), jnp.int32),
        pltpu.VMEM((SGC, CHUNK), jnp.int32),
        pltpu.VMEM((SGC * CHUNK,), jnp.int32),
        pltpu.VMEM((NBUF, CHUNK, HALF), jnp.float32),
        pltpu.VMEM((ND_PAD,), jnp.int32),
        pltpu.VMEM_SHARED((ND_PAD, HALF), jnp.float32),
        pltpu.SemaphoreType.DMA,
        pltpu.SemaphoreType.DMA,
    ],
)


BLK = 256


def _tc_body(h_ref, tl_ref, tr_ref, parts_ref, ws_t_ref, b_ref, w_t_ref,
             rel_ref, wrel_t_ref, o_ref):
    deg = jnp.sum(parts_ref[...], axis=0).astype(jnp.float32).reshape(BLK, 1)
    pos = deg > 0.0
    dinv = jnp.where(pos, 1.0 / deg, 0.0)
    hr = jnp.dot(rel_ref[...], wrel_t_ref[...],
                 preferred_element_type=jnp.float32)
    sl = tl_ref[...] * dinv - jnp.where(pos, hr[:, :HALF], 0.0)
    sr = tr_ref[...] * dinv - jnp.where(pos, hr[:, HALF:], 0.0)
    a = jnp.dot(h_ref[...], ws_t_ref[...], preferred_element_type=jnp.float32)
    a = a + jnp.dot(sl, w_t_ref[:HALF, :], preferred_element_type=jnp.float32)
    a = a + jnp.dot(sr, w_t_ref[HALF:, :], preferred_element_type=jnp.float32)
    a = a + b_ref[...]
    o_ref[...] = jnp.where(a > 0.0, a, jnp.exp(a) - 1.0)


_tc_call = pl.pallas_call(
    _tc_body,
    grid=(ND_PAD // BLK,),
    in_specs=[
        pl.BlockSpec((BLK, D), lambda i: (i, 0)),
        pl.BlockSpec((BLK, HALF), lambda i: (i, 0)),
        pl.BlockSpec((BLK, HALF), lambda i: (i, 0)),
        pl.BlockSpec((N_TILE, BLK), lambda i: (0, i)),
        pl.BlockSpec((D, D), lambda i: (0, 0)),
        pl.BlockSpec((1, D), lambda i: (0, 0)),
        pl.BlockSpec((D, D), lambda i: (0, 0)),
        pl.BlockSpec((1, D), lambda i: (0, 0)),
        pl.BlockSpec((D, D), lambda i: (0, 0)),
    ],
    out_specs=pl.BlockSpec((BLK, D), lambda i: (i, 0)),
    out_shape=jax.ShapeDtypeStruct((ND_PAD, D), jnp.float32),
)


def _prep_edges(row, col):
    pad = E_PAD - row.shape[0]
    rowp = jnp.concatenate([row, jnp.zeros((pad,), jnp.int32)])
    colp = jnp.concatenate([col, jnp.full((pad,), N_NODES, jnp.int32)])
    rowp = rowp.reshape(N_TILE, EC, CHUNK)
    gidx = jnp.stack([rowp * 2, rowp * 2 + 1]).reshape(N_SC * N_TILE * EC, CHUNK)
    return gidx, colp.reshape(N_TILE * EC, CHUNK), colp


def kernel(h_project, h_company, edge_index_fwd, edge_index_bwd,
           W_self_p, b_self_p, W_self_c, b_self_c,
           W_out, W_in, W_rel, rel_fwd, rel_bwd):
    ei_f = edge_index_fwd.astype(jnp.int32)
    ei_b = edge_index_bwd.astype(jnp.int32)
    gidxf, colf_t, colf_flat = _prep_edges(ei_f[0], ei_f[1])
    gidxb, colb_t, colb_flat = _prep_edges(ei_b[0], ei_b[1])
    xr_p = h_project.reshape(N_NODES * 2, HALF)
    xr_c = h_company.reshape(N_NODES * 2, HALF)
    t_c, parts_c = _sc_call(gidxf, colf_t, colf_flat, xr_p)
    xr_c, t_c = lax.optimization_barrier((xr_c, t_c))
    t_p, parts_p = _sc_call(gidxb, colb_t, colb_flat, xr_c)

    hp_pad = jnp.pad(h_project, ((0, ND_PAD - N_NODES), (0, 0)))
    hc_pad = jnp.pad(h_company, ((0, ND_PAD - N_NODES), (0, 0)))
    wrel_t = W_rel.T

    parts_p = parts_p.reshape(N_SC, N_TILE, ND_PAD)[0]
    parts_c = parts_c.reshape(N_SC, N_TILE, ND_PAD)[0]
    out_p = _tc_call(hp_pad, t_p[:ND_PAD], t_p[ND_PAD:], parts_p,
                     W_self_p.T, b_self_p.reshape(1, D), W_in.T,
                     rel_bwd.reshape(1, D), wrel_t)
    out_c = _tc_call(hc_pad, t_c[:ND_PAD], t_c[ND_PAD:], parts_c,
                     W_self_c.T, b_self_c.reshape(1, D), W_out.T,
                     rel_fwd.reshape(1, D), wrel_t)
    return out_p[:N_NODES], out_c[:N_NODES]

# --- scband reference (transcript-rebuilt; emitter-appended) ---
"""Pipeline reference for scband-comp-gcnlayer-66365834658434 (READ-ONLY COPY).

The authoritative reference and input builder live on the scoring server;
editing this copy changes nothing except your own understanding.
"""

import jax, jax.numpy as jnp
import numpy as np

D = 256
NP = 10000
NC = 10000
E = 160000


def setup_inputs(seed: int = 0) -> dict:
    key = jax.random.key(seed)
    ks = jax.random.split(key, 16)
    s = 1.0 / np.sqrt(D)
    xav = np.sqrt(6.0 / (1 + D))  # xavier_uniform on (1, D)
    inp = {}
    inp['h_project'] = jax.random.normal(ks[0], (NP, D), dtype=jnp.float32)
    inp['h_company'] = jax.random.normal(ks[1], (NC, D), dtype=jnp.float32)
    # edge_index_fwd: (project -> company): row indexes project nodes, col indexes company nodes
    inp['edge_index_fwd'] = jax.random.randint(ks[2], (2, E), 0, NP, dtype=jnp.int64) if jax.config.jax_enable_x64 else jax.random.randint(ks[2], (2, E), 0, NP, dtype=jnp.int32)
    inp['edge_index_bwd'] = jax.random.randint(ks[3], (2, E), 0, NC, dtype=jnp.int64) if jax.config.jax_enable_x64 else jax.random.randint(ks[3], (2, E), 0, NC, dtype=jnp.int32)
    # nn.Linear(D, D) weights stored [out, in] like torch; applied as x @ W.T + b
    inp['W_self_p'] = jax.random.uniform(ks[4], (D, D), minval=-s, maxval=s, dtype=jnp.float32)
    inp['b_self_p'] = jax.random.uniform(ks[5], (D,), minval=-s, maxval=s, dtype=jnp.float32)
    inp['W_self_c'] = jax.random.uniform(ks[6], (D, D), minval=-s, maxval=s, dtype=jnp.float32)
    inp['b_self_c'] = jax.random.uniform(ks[7], (D,), minval=-s, maxval=s, dtype=jnp.float32)
    inp['W_out'] = jax.random.uniform(ks[8], (D, D), minval=-s, maxval=s, dtype=jnp.float32)
    inp['W_in'] = jax.random.uniform(ks[9], (D, D), minval=-s, maxval=s, dtype=jnp.float32)
    inp['W_rel'] = jax.random.uniform(ks[10], (D, D), minval=-s, maxval=s, dtype=jnp.float32)
    inp['rel_fwd'] = jax.random.uniform(ks[11], (D,), minval=-xav, maxval=xav, dtype=jnp.float32)
    inp['rel_bwd'] = jax.random.uniform(ks[12], (D,), minval=-xav, maxval=xav, dtype=jnp.float32)
    return inp


def _dir_aggregate(x_src, edge_index, num_dst, h_r_eff, W_dir):
    row = edge_index[0]
    col = edge_index[1]
    # R-GCN style destination-degree normalization: w = 1/deg_dst[col], inf -> 0
    deg = jax.ops.segment_sum(jnp.ones_like(col, dtype=jnp.float32), col, num_segments=num_dst)
    deg_inv = jnp.where(deg > 0, 1.0 / deg, 0.0)
    w = deg_inv[col]
    # composition op 'sub': phi(h_u, h_r) = h_u - h_r
    comp = x_src[row] - h_r_eff[None, :]
    comp = comp @ W_dir.T
    msg = comp * w[:, None]
    agg = jax.ops.segment_sum(msg, col, num_segments=num_dst)
    return agg


def reference(h_project, h_company, edge_index_fwd, edge_index_bwd,
              W_self_p, b_self_p, W_self_c, b_self_c,
              W_out, W_in, W_rel, rel_fwd, rel_bwd):
    # self transforms
    out_p = h_project @ W_self_p.T + b_self_p
    out_c = h_company @ W_self_c.T + b_self_c
    # relation embeddings through w_rel (Linear, no bias)
    hr_f = rel_fwd @ W_rel.T
    hr_b = rel_bwd @ W_rel.T
    # forward edge type (project -> company) uses w_out
    agg_c = _dir_aggregate(h_project, edge_index_fwd, NC, hr_f, W_out)
    # inverse edge type (company -> project) uses w_in
    agg_p = _dir_aggregate(h_company, edge_index_bwd, NP, hr_b, W_in)
    out_p = jax.nn.elu(out_p + agg_p)
    out_c = jax.nn.elu(out_c + agg_c)
    # eval mode: dropout skipped
    return (out_p, out_c)

if __name__ == "__main__":
    import jax
    _d = setup_inputs()
    print(jax.jit(kernel)(*tuple(_d.values())))

</pallas_src>

<mosaic_0001>
#map = affine_map<(d0, d1) -> (0, 0)>
#map1 = affine_map<(d0, d1) -> (0)>
module attributes {stable_mosaic.version = 14 : i64} {
  func.func @_sc_body(%arg0: i32, %arg1: i32, %arg2: memref<2560x128xi32, #tpu.memory_space<hbm>>, %arg3: memref<1280x128xi32, #tpu.memory_space<hbm>>, %arg4: memref<163840xi32, #tpu.memory_space<hbm>>, %arg5: memref<20000x128xf32, #tpu.memory_space<hbm>>, %arg6: memref<20480x128xf32, #tpu.memory_space<hbm>>, %arg7: memref<327680xi32, #tpu.memory_space<hbm>>, %arg8: memref<8x128xi32, #tpu.memory_space<vmem>>, %arg9: memref<8x128xi32, #tpu.memory_space<vmem>>, %arg10: memref<1024xi32, #tpu.memory_space<vmem>>, %arg11: memref<2x128x128xf32, #tpu.memory_space<vmem>>, %arg12: memref<10240xi32, #tpu.memory_space<vmem>>, %arg13: memref<10240x128xf32, #tpu.memory_space<vmem_shared>>, %arg14: memref<!tpu.dma_semaphore, #tpu.memory_space<semaphore_mem>>, %arg15: memref<!tpu.dma_semaphore, #tpu.memory_space<semaphore_mem>>) attributes {dimension_semantics = [#tpu.dimension_semantics<core_parallel>, #tpu.dimension_semantics<subcore_parallel>], iteration_bounds = array<i64: 2, 16>, scalar_prefetch = 0 : i64, scratch_operands = 8 : i64, tpu.core_type = #tpu.core_type<sc_vector_subcore>, window_params = [{transform_indices = #map}, {transform_indices = #map}, {transform_indices = #map1}, {transform_indices = #map}, {transform_indices = #map}, {transform_indices = #map1}]} {
    %mul3A = arith.constant 16 : i32
    %mul3A_0 = arith.muli %arg0, %mul3A : i32
    %add3A = arith.addi %mul3A_0, %arg1 : i32
    %broadcast_in_dim3A = arith.constant 0.000000e+00 : f32
    %broadcast_in_dim3A_1 = vector.broadcast %broadcast_in_dim3A : f32 to vector<16xf32>
    %scan3A = arith.constant 0 : i32
    %scan3A_2 = arith.constant 128 : i32
    %scan3A_3 = arith.addi %scan3A, %scan3A_2 : i32
    %scan3A_4 = arith.constant 1 : i32
    scf.for %scan3A_52 = %scan3A to %scan3A_3 step %scan3A_4  : i32 {
      %mul3A_53 = arith.constant 1 : i32
      %mul3A_54 = arith.muli %scan3A_52, %mul3A_53 : i32
      %add3A_55 = arith.constant 0 : i32
      %add3A_56 = arith.addi %add3A_55, %mul3A_54 : i32
      %swap3A = arith.constant 0 : i32
      %swap3A_57 = arith.index_cast %swap3A : i32 to index
      %swap3A_58 = arith.index_cast %add3A_56 : i32 to index
      %swap3A_59 = arith.constant 0 : index
      %swap3A_60 = tpu.vector_load %arg11[%swap3A_57, %swap3A_58, %swap3A_59] {strides = array<i32>} : memref<2x128x128xf32, #tpu.memory_space<vmem>>, vector<1x1x16xf32>,
      %swap3A_61 = vector.shape_cast %swap3A_60 : vector<1x1x16xf32> to vector<16xf32>
      %swap3A_62 = vector.shape_cast %broadcast_in_dim3A_1 : vector<16xf32> to vector<1x1x16xf32>
      tpu.vector_store %arg11[%swap3A_57, %swap3A_58, %swap3A_59], %swap3A_62 {strides = array<i32>} : memref<2x128x128xf32, #tpu.memory_space<vmem>>, vector<1x1x16xf32>,
      %swap3A_63 = arith.constant 0 : i32
      %swap3A_64 = arith.index_cast %swap3A_63 : i32 to index
      %swap3A_65 = arith.index_cast %add3A_56 : i32 to index
      %swap3A_66 = arith.constant 16 : index
      %swap3A_67 = tpu.vector_load %arg11[%swap3A_64, %swap3A_65, %swap3A_66] {strides = array<i32>} : memref<2x128x128xf32, #tpu.memory_space<vmem>>, vector<1x1x16xf32>,
      %swap3A_68 = vector.shape_cast %swap3A_67 : vector<1x1x16xf32> to vector<16xf32>
      %swap3A_69 = vector.shape_cast %broadcast_in_dim3A_1 : vector<16xf32> to vector<1x1x16xf32>
      tpu.vector_store %arg11[%swap3A_64, %swap3A_65, %swap3A_66], %swap3A_69 {strides = array<i32>} : memref<2x128x128xf32, #tpu.memory_space<vmem>>, vector<1x1x16xf32>,
      %swap3A_70 = arith.constant 0 : i32
      %swap3A_71 = arith.index_cast %swap3A_70 : i32 to index
      %swap3A_72 = arith.index_cast %add3A_56 : i32 to index
      %swap3A_73 = arith.constant 32 : index
      %swap3A_74 = tpu.vector_load %arg11[%swap3A_71, %swap3A_72, %swap3A_73] {strides = array<i32>} : memref<2x128x128xf32, #tpu.memory_space<vmem>>, vector<1x1x16xf32>,
      %swap3A_75 = vector.shape_cast %swap3A_74 : vector<1x1x16xf32> to vector<16xf32>
      %swap3A_76 = vector.shape_cast %broadcast_in_dim3A_1 : vector<16xf32> to vector<1x1x16xf32>
      tpu.vector_store %arg11[%swap3A_71, %swap3A_72, %swap3A_73], %swap3A_76 {strides = array<i32>} : memref<2x128x128xf32, #tpu.memory_space<vmem>>, vector<1x1x16xf32>,
      %swap3A_77 = arith.constant 0 : i32
      %swap3A_78 = arith.index_cast %swap3A_77 : i32 to index
      %swap3A_79 = arith.index_cast %add3A_56 : i32 to index
      %swap3A_80 = arith.constant 48 : index
      %swap3A_81 = tpu.vector_load %arg11[%swap3A_78, %swap3A_79, %swap3A_80] {strides = array<i32>} : memref<2x128x128xf32, #tpu.memory_space<vmem>>, vector<1x1x16xf32>,
      %swap3A_82 = vector.shape_cast %swap3A_81 : vector<1x1x16xf32> to vector<16xf32>
      %swap3A_83 = vector.shape_cast %broadcast_in_dim3A_1 : vector<16xf32> to vector<1x1x16xf32>
      tpu.vector_store %arg11[%swap3A_78, %swap3A_79, %swap3A_80], %swap3A_83 {strides = array<i32>} : memref<2x128x128xf32, #tpu.memory_space<vmem>>, vector<1x1x16xf32>,
      %swap3A_84 = arith.constant 0 : i32
      %swap3A_85 = arith.index_cast %swap3A_84 : i32 to index
      %swap3A_86 = arith.index_cast %add3A_56 : i32 to index
      %swap3A_87 = arith.constant 64 : index
      %swap3A_88 = tpu.vector_load %arg11[%swap3A_85, %swap3A_86, %swap3A_87] {strides = array<i32>} : memref<2x128x128xf32, #tpu.memory_space<vmem>>, vector<1x1x16xf32>,
      %swap3A_89 = vector.shape_cast %swap3A_88 : vector<1x1x16xf32> to vector<16xf32>
      %swap3A_90 = vector.shape_cast %broadcast_in_dim3A_1 : vector<16xf32> to vector<1x1x16xf32>
      tpu.vector_store %arg11[%swap3A_85, %swap3A_86, %swap3A_87], %swap3A_90 {strides = array<i32>} : memref<2x128x128xf32, #tpu.memory_space<vmem>>, vector<1x1x16xf32>,
      %swap3A_91 = arith.constant 0 : i32
      %swap3A_92 = arith.index_cast %swap3A_91 : i32 to index
      %swap3A_93 = arith.index_cast %add3A_56 : i32 to index
      %swap3A_94 = arith.constant 80 : index
      %swap3A_95 = tpu.vector_load %arg11[%swap3A_92, %swap3A_93, %swap3A_94] {strides = array<i32>} : memref<2x128x128xf32, #tpu.memory_space<vmem>>, vector<1x1x16xf32>,
      %swap3A_96 = vector.shape_cast %swap3A_95 : vector<1x1x16xf32> to vector<16xf32>
      %swap3A_97 = vector.shape_cast %broadcast_in_dim3A_1 : vector<16xf32> to vector<1x1x16xf32>
      tpu.vector_store %arg11[%swap3A_92, %swap3A_93, %swap3A_94], %swap3A_97 {strides = array<i32>} : memref<2x128x128xf32, #tpu.memory_space<vmem>>, vector<1x1x16xf32>,
      %swap3A_98 = arith.constant 0 : i32
      %swap3A_99 = arith.index_cast %swap3A_98 : i32 to index
      %swap3A_100 = arith.index_cast %add3A_56 : i32 to index
      %swap3A_101 = arith.constant 96 : index
      %swap3A_102 = tpu.vector_load %arg11[%swap3A_99, %swap3A_100, %swap3A_101] {strides = array<i32>} : memref<2x128x128xf32, #tpu.memory_space<vmem>>, vector<1x1x16xf32>,
      %swap3A_103 = vector.shape_cast %swap3A_102 : vector<1x1x16xf32> to vector<16xf32>
      %swap3A_104 = vector.shape_cast %broadcast_in_dim3A_1 : vector<16xf32> to vector<1x1x16xf32>
      tpu.vector_store %arg11[%swap3A_99, %swap3A_100, %swap3A_101], %swap3A_104 {strides = array<i32>} : memref<2x128x128xf32, #tpu.memory_space<vmem>>, vector<1x1x16xf32>,
      %swap3A_105 = arith.constant 0 : i32
      %swap3A_106 = arith.index_cast %swap3A_105 : i32 to index
      %swap3A_107 = arith.index_cast %add3A_56 : i32 to index
      %swap3A_108 = arith.constant 112 : index
      %swap3A_109 = tpu.vector_load %arg11[%swap3A_106, %swap3A_107, %swap3A_108] {strides = array<i32>} : memref<2x128x128xf32, #tpu.memory_space<vmem>>, vector<1x1x16xf32>,
      %swap3A_110 = vector.shape_cast %swap3A_109 : vector<1x1x16xf32> to vector<16xf32>
      %swap3A_111 = vector.shape_cast %broadcast_in_dim3A_1 : vector<16xf32> to vector<1x1x16xf32>
      tpu.vector_store %arg11[%swap3A_106, %swap3A_107, %swap3A_108], %swap3A_111 {strides = array<i32>} : memref<2x128x128xf32, #tpu.memory_space<vmem>>, vector<1x1x16xf32>,
    }
    %scan3A_5 = arith.constant 128 : i32
    %mul3A_6 = arith.constant 640 : i32
    %mul3A_7 = arith.muli %arg1, %mul3A_6 : i32
    %add3A_8 = arith.constant 0 : i32
    %add3A_9 = arith.addi %mul3A_7, %add3A_8 : i32
    %run_scoped3A = arith.constant 0 : i32
    "tpu.region"() ({
      %run_scoped3A_52 = tpu.sem_alloc : memref<!tpu.dma_semaphore, #tpu.memory_space<semaphore_mem>>
      %dma_start3A = arith.constant 0 : i32
      %dma_start3A_53 = arith.constant 0 : i32
      %dma_start3A_54 = tpu.memref_slice %arg11[%run_scoped3A, %dma_start3A, %dma_start3A_53] : memref<2x128x128xf32, #tpu.memory_space<vmem>> -> memref<1x128x128xf32, #tpu.memory_space<vmem>>
      %dma_start3A_55 = tpu.memref_squeeze %dma_start3A_54 : memref<1x128x128xf32, #tpu.memory_space<vmem>> -> memref<128x128xf32, #tpu.memory_space<vmem>>
      %dma_start3A_56 = arith.constant 0 : i32
      %dma_start3A_57 = tpu.memref_slice %arg13[%add3A_9, %dma_start3A_56] : memref<10240x128xf32, #tpu.memory_space<vmem_shared>> -> memref<128x128xf32, #tpu.memory_space<vmem_shared>>
      %dma_start3A_58 = arith.constant 0 : i32
      %dma_start3A_59 = tpu.memref_slice %arg13[%add3A_9, %dma_start3A_58] : memref<10240x128xf32, #tpu.memory_space<vmem_shared>> -> memref<128x128xf32, #tpu.memory_space<vmem_shared>>
      %dma_start3A_60 = arith.constant 0 : i32
      %dma_start3A_61 = arith.constant 0 : i32
      %dma_start3A_62 = tpu.memref_slice %arg11[%run_scoped3A, %dma_start3A_60, %dma_start3A_61] : memref<2x128x128xf32, #tpu.memory_space<vmem>> -> memref<1x128x128xf32, #tpu.memory_space<vmem>>
      %dma_start3A_63 = tpu.memref_squeeze %dma_start3A_62 : memref<1x128x128xf32, #tpu.memory_space<vmem>> -> memref<128x128xf32, #tpu.memory_space<vmem>>
      tpu.enqueue_dma source(%dma_start3A_63 : memref<128x128xf32, #tpu.memory_space<vmem>>) target(%dma_start3A_59 : memref<128x128xf32, #tpu.memory_space<vmem_shared>>) target_semaphore(%run_scoped3A_52 : memref<!tpu.dma_semaphore, #tpu.memory_space<semaphore_mem>>)
      %dma_wait3A = arith.constant 0 : i32
      %dma_wait3A_64 = arith.constant 0 : i32
      %dma_wait3A_65 = tpu.memref_slice %arg11[%run_scoped3A, %dma_wait3A, %dma_wait3A_64] : memref<2x128x128xf32, #tpu.memory_space<vmem>> -> memref<1x128x128xf32, #tpu.memory_space<vmem>>
      %dma_wait3A_66 = tpu.memref_squeeze %dma_wait3A_65 : memref<1x128x128xf32, #tpu.memory_space<vmem>> -> memref<128x128xf32, #tpu.memory_space<vmem>>
      %dma_wait3A_67 = arith.constant 0 : i32
      %dma_wait3A_68 = tpu.memref_slice %arg13[%add3A_9, %dma_wait3A_67] : memref<10240x128xf32, #tpu.memory_space<vmem_shared>> -> memref<128x128xf32, #tpu.memory_space<vmem_shared>>
      %dma_wait3A_69 = arith.constant 0 : i32
      %dma_wait3A_70 = tpu.memref_slice %arg13[%add3A_9, %dma_wait3A_69] : memref<10240x128xf32, #tpu.memory_space<vmem_shared>> -> memref<128x128xf32, #tpu.memory_space<vmem_shared>>
      %dma_wait3A_71 = arith.constant 0 : i32
      %dma_wait3A_72 = arith.constant 0 : i32
      %dma_wait3A_73 = tpu.memref_slice %arg11[%run_scoped3A, %dma_wait3A_71, %dma_wait3A_72] : memref<2x128x128xf32, #tpu.memory_space<vmem>> -> memref<1x128x128xf32, #tpu.memory_space<vmem>>
      %dma_wait3A_74 = tpu.memref_squeeze %dma_wait3A_73 : memref<1x128x128xf32, #tpu.memory_space<vmem>> -> memref<128x128xf32, #tpu.memory_space<vmem>>
      tpu.wait_dma2 semaphore(%run_scoped3A_52 : memref<!tpu.dma_semaphore, #tpu.memory_space<semaphore_mem>>) src(%dma_wait3A_74 : memref<128x128xf32, #tpu.memory_space<vmem>>) dst(%dma_wait3A_70 : memref<128x128xf32, #tpu.memory_space<vmem_shared>>)
      tpu.yield
    }) : () -> ()
    %mul3A_10 = arith.constant 640 : i32
    %mul3A_11 = arith.muli %arg1, %mul3A_10 : i32
    %add3A_12 = arith.constant 128 : i32
    %add3A_13 = arith.addi %mul3A_11, %add3A_12 : i32
    %run_scoped3A_14 = arith.constant 0 : i32
    "tpu.region"() ({
      %run_scoped3A_52 = tpu.sem_alloc : memref<!tpu.dma_semaphore, #tpu.memory_space<semaphore_mem>>
      %dma_start3A = arith.constant 0 : i32
      %dma_start3A_53 = arith.constant 0 : i32
      %dma_start3A_54 = tpu.memref_slice %arg11[%run_scoped3A_14, %dma_start3A, %dma_start3A_53] : memref<2x128x128xf32, #tpu.memory_space<vmem>> -> memref<1x128x128xf32, #tpu.memory_space<vmem>>
      %dma_start3A_55 = tpu.memref_squeeze %dma_start3A_54 : memref<1x128x128xf32, #tpu.memory_space<vmem>> -> memref<128x128xf32, #tpu.memory_space<vmem>>
      %dma_start3A_56 = arith.constant 0 : i32
      %dma_start3A_57 = tpu.memref_slice %arg13[%add3A_13, %dma_start3A_56] : memref<10240x128xf32, #tpu.memory_space<vmem_shared>> -> memref<128x128xf32, #tpu.memory_space<vmem_shared>>
      %dma_start3A_58 = arith.constant 0 : i32
      %dma_start3A_59 = tpu.memref_slice %arg13[%add3A_13, %dma_start3A_58] : memref<10240x128xf32, #tpu.memory_space<vmem_shared>> -> memref<128x128xf32, #tpu.memory_space<vmem_shared>>
      %dma_start3A_60 = arith.constant 0 : i32
      %dma_start3A_61 = arith.constant 0 : i32
      %dma_start3A_62 = tpu.memref_slice %arg11[%run_scoped3A_14, %dma_start3A_60, %dma_start3A_61] : memref<2x128x128xf32, #tpu.memory_space<vmem>> -> memref<1x128x128xf32, #tpu.memory_space<vmem>>
      %dma_start3A_63 = tpu.memref_squeeze %dma_start3A_62 : memref<1x128x128xf32, #tpu.memory_space<vmem>> -> memref<128x128xf32, #tpu.memory_space<vmem>>
      tpu.enqueue_dma source(%dma_start3A_63 : memref<128x128xf32, #tpu.memory_space<vmem>>) target(%dma_start3A_59 : memref<128x128xf32, #tpu.memory_space<vmem_shared>>) target_semaphore(%run_scoped3A_52 : memref<!tpu.dma_semaphore, #tpu.memory_space<semaphore_mem>>)
      %dma_wait3A = arith.constant 0 : i32
      %dma_wait3A_64 = arith.constant 0 : i32
      %dma_wait3A_65 = tpu.memref_slice %arg11[%run_scoped3A_14, %dma_wait3A, %dma_wait3A_64] : memref<2x128x128xf32, #tpu.memory_space<vmem>> -> memref<1x128x128xf32, #tpu.memory_space<vmem>>
      %dma_wait3A_66 = tpu.memref_squeeze %dma_wait3A_65 : memref<1x128x128xf32, #tpu.memory_space<vmem>> -> memref<128x128xf32, #tpu.memory_space<vmem>>
      %dma_wait3A_67 = arith.constant 0 : i32
      %dma_wait3A_68 = tpu.memref_slice %arg13[%add3A_13, %dma_wait3A_67] : memref<10240x128xf32, #tpu.memory_space<vmem_shared>> -> memref<128x128xf32, #tpu.memory_space<vmem_shared>>
      %dma_wait3A_69 = arith.constant 0 : i32
      %dma_wait3A_70 = tpu.memref_slice %arg13[%add3A_13, %dma_wait3A_69] : memref<10240x128xf32, #tpu.memory_space<vmem_shared>> -> memref<128x128xf32, #tpu.memory_space<vmem_shared>>
      %dma_wait3A_71 = arith.constant 0 : i32
      %dma_wait3A_72 = arith.constant 0 : i32
      %dma_wait3A_73 = tpu.memref_slice %arg11[%run_scoped3A_14, %dma_wait3A_71, %dma_wait3A_72] : memref<2x128x128xf32, #tpu.memory_space<vmem>> -> memref<1x128x128xf32, #tpu.memory_space<vmem>>
      %dma_wait3A_74 = tpu.memref_squeeze %dma_wait3A_73 : memref<1x128x128xf32, #tpu.memory_space<vmem>> -> memref<128x128xf32, #tpu.memory_space<vmem>>
      tpu.wait_dma2 semaphore(%run_scoped3A_52 : memref<!tpu.dma_semaphore, #tpu.memory_space<semaphore_mem>>) src(%dma_wait3A_74 : memref<128x128xf32, #tpu.memory_space<vmem>>) dst(%dma_wait3A_70 : memref<128x128xf32, #tpu.memory_space<vmem_shared>>)
      tpu.yield
    }) : () -> ()
    %mul3A_15 = arith.constant 640 : i32
    %mul3A_16 = arith.muli %arg1, %mul3A_15 : i32
    %add3A_17 = arith.constant 256 : i32
    %add3A_18 = arith.addi %mul3A_16, %add3A_17 : i32
    %run_scoped3A_19 = arith.constant 0 : i32
    "tpu.region"() ({
      %run_scoped3A_52 = tpu.sem_alloc : memref<!tpu.dma_semaphore, #tpu.memory_space<semaphore_mem>>
      %dma_start3A = arith.constant 0 : i32
      %dma_start3A_53 = arith.constant 0 : i32
      %dma_start3A_54 = tpu.memref_slice %arg11[%run_scoped3A_19, %dma_start3A, %dma_start3A_53] : memref<2x128x128xf32, #tpu.memory_space<vmem>> -> memref<1x128x128xf32, #tpu.memory_space<vmem>>
      %dma_start3A_55 = tpu.memref_squeeze %dma_start3A_54 : memref<1x128x128xf32, #tpu.memory_space<vmem>> -> memref<128x128xf32, #tpu.memory_space<vmem>>
      %dma_start3A_56 = arith.constant 0 : i32
      %dma_start3A_57 = tpu.memref_slice %arg13[%add3A_18, %dma_start3A_56] : memref<10240x128xf32, #tpu.memory_space<vmem_shared>> -> memref<128x128xf32, #tpu.memory_space<vmem_shared>>
      %dma_start3A_58 = arith.constant 0 : i32
      %dma_start3A_59 = tpu.memref_slice %arg13[%add3A_18, %dma_start3A_58] : memref<10240x128xf32, #tpu.memory_space<vmem_shared>> -> memref<128x128xf32, #tpu.memory_space<vmem_shared>>
      %dma_start3A_60 = arith.constant 0 : i32
      %dma_start3A_61 = arith.constant 0 : i32
      %dma_start3A_62 = tpu.memref_slice %arg11[%run_scoped3A_19, %dma_start3A_60, %dma_start3A_61] : memref<2x128x128xf32, #tpu.memory_space<vmem>> -> memref<1x128x128xf32, #tpu.memory_space<vmem>>
      %dma_start3A_63 = tpu.memref_squeeze %dma_start3A_62 : memref<1x128x128xf32, #tpu.memory_space<vmem>> -> memref<128x128xf32, #tpu.memory_space<vmem>>
      tpu.enqueue_dma source(%dma_start3A_63 : memref<128x128xf32, #tpu.memory_space<vmem>>) target(%dma_start3A_59 : memref<128x128xf32, #tpu.memory_space<vmem_shared>>) target_semaphore(%run_scoped3A_52 : memref<!tpu.dma_semaphore, #tpu.memory_space<semaphore_mem>>)
      %dma_wait3A = arith.constant 0 : i32
      %dma_wait3A_64 = arith.constant 0 : i32
      %dma_wait3A_65 = tpu.memref_slice %arg11[%run_scoped3A_19, %dma_wait3A, %dma_wait3A_64] : memref<2x128x128xf32, #tpu.memory_space<vmem>> -> memref<1x128x128xf32, #tpu.memory_space<vmem>>
      %dma_wait3A_66 = tpu.memref_squeeze %dma_wait3A_65 : memref<1x128x128xf32, #tpu.memory_space<vmem>> -> memref<128x128xf32, #tpu.memory_space<vmem>>
      %dma_wait3A_67 = arith.constant 0 : i32
      %dma_wait3A_68 = tpu.memref_slice %arg13[%add3A_18, %dma_wait3A_67] : memref<10240x128xf32, #tpu.memory_space<vmem_shared>> -> memref<128x128xf32, #tpu.memory_space<vmem_shared>>
      %dma_wait3A_69 = arith.constant 0 : i32
      %dma_wait3A_70 = tpu.memref_slice %arg13[%add3A_18, %dma_wait3A_69] : memref<10240x128xf32, #tpu.memory_space<vmem_shared>> -> memref<128x128xf32, #tpu.memory_space<vmem_shared>>
      %dma_wait3A_71 = arith.constant 0 : i32
      %dma_wait3A_72 = arith.constant 0 : i32
      %dma_wait3A_73 = tpu.memref_slice %arg11[%run_scoped3A_19, %dma_wait3A_71, %dma_wait3A_72] : memref<2x128x128xf32, #tpu.memory_space<vmem>> -> memref<1x128x128xf32, #tpu.memory_space<vmem>>
      %dma_wait3A_74 = tpu.memref_squeeze %dma_wait3A_73 : memref<1x128x128xf32, #tpu.memory_space<vmem>> -> memref<128x128xf32, #tpu.memory_space<vmem>>
      tpu.wait_dma2 semaphore(%run_scoped3A_52 : memref<!tpu.dma_semaphore, #tpu.memory_space<semaphore_mem>>) src(%dma_wait3A_74 : memref<128x128xf32, #tpu.memory_space<vmem>>) dst(%dma_wait3A_70 : memref<128x128xf32, #tpu.memory_space<vmem_shared>>)
      tpu.yield
    }) : () -> ()
    %mul3A_20 = arith.constant 640 : i32
    %mul3A_21 = arith.muli %arg1, %mul3A_20 : i32
    %add3A_22 = arith.constant 384 : i32
    %add3A_23 = arith.addi %mul3A_21, %add3A_22 : i32
    %run_scoped3A_24 = arith.constant 0 : i32
    "tpu.region"() ({
      %run_scoped3A_52 = tpu.sem_alloc : memref<!tpu.dma_semaphore, #tpu.memory_space<semaphore_mem>>
      %dma_start3A = arith.constant 0 : i32
      %dma_start3A_53 = arith.constant 0 : i32
      %dma_start3A_54 = tpu.memref_slice %arg11[%run_scoped3A_24, %dma_start3A, %dma_start3A_53] : memref<2x128x128xf32, #tpu.memory_space<vmem>> -> memref<1x128x128xf32, #tpu.memory_space<vmem>>
      %dma_start3A_55 = tpu.memref_squeeze %dma_start3A_54 : memref<1x128x128xf32, #tpu.memory_space<vmem>> -> memref<128x128xf32, #tpu.memory_space<vmem>>
      %dma_start3A_56 = arith.constant 0 : i32
      %dma_start3A_57 = tpu.memref_slice %arg13[%add3A_23, %dma_start3A_56] : memref<10240x128xf32, #tpu.memory_space<vmem_shared>> -> memref<128x128xf32, #tpu.memory_space<vmem_shared>>
      %dma_start3A_58 = arith.constant 0 : i32
      %dma_start3A_59 = tpu.memref_slice %arg13[%add3A_23, %dma_start3A_58] : memref<10240x128xf32, #tpu.memory_space<vmem_shared>> -> memref<128x128xf32, #tpu.memory_space<vmem_shared>>
      %dma_start3A_60 = arith.constant 0 : i32
      %dma_start3A_61 = arith.constant 0 : i32
      %dma_start3A_62 = tpu.memref_slice %arg11[%run_scoped3A_24, %dma_start3A_60, %dma_start3A_61] : memref<2x128x128xf32, #tpu.memory_space<vmem>> -> memref<1x128x128xf32, #tpu.memory_space<vmem>>
      %dma_start3A_63 = tpu.memref_squeeze %dma_start3A_62 : memref<1x128x128xf32, #tpu.memory_space<vmem>> -> memref<128x128xf32, #tpu.memory_space<vmem>>
      tpu.enqueue_dma source(%dma_start3A_63 : memref<128x128xf32, #tpu.memory_space<vmem>>) target(%dma_start3A_59 : memref<128x128xf32, #tpu.memory_space<vmem_shared>>) target_semaphore(%run_scoped3A_52 : memref<!tpu.dma_semaphore, #tpu.memory_space<semaphore_mem>>)
      %dma_wait3A = arith.constant 0 : i32
      %dma_wait3A_64 = arith.constant 0 : i32
      %dma_wait3A_65 = tpu.memref_slice %arg11[%run_scoped3A_24, %dma_wait3A, %dma_wait3A_64] : memref<2x128x128xf32, #tpu.memory_space<vmem>> -> memref<1x128x128xf32, #tpu.memory_space<vmem>>
      %dma_wait3A_66 = tpu.memref_squeeze %dma_wait3A_65 : memref<1x128x128xf32, #tpu.memory_space<vmem>> -> memref<128x128xf32, #tpu.memory_space<vmem>>
      %dma_wait3A_67 = arith.constant 0 : i32
      %dma_wait3A_68 = tpu.memref_slice %arg13[%add3A_23, %dma_wait3A_67] : memref<10240x128xf32, #tpu.memory_space<vmem_shared>> -> memref<128x128xf32, #tpu.memory_space<vmem_shared>>
      %dma_wait3A_69 = arith.constant 0 : i32
      %dma_wait3A_70 = tpu.memref_slice %arg13[%add3A_23, %dma_wait3A_69] : memref<10240x128xf32, #tpu.memory_space<vmem_shared>> -> memref<128x128xf32, #tpu.memory_space<vmem_shared>>
      %dma_wait3A_71 = arith.constant 0 : i32
      %dma_wait3A_72 = arith.constant 0 : i32
      %dma_wait3A_73 = tpu.memref_slice %arg11[%run_scoped3A_24, %dma_wait3A_71, %dma_wait3A_72] : memref<2x128x128xf32, #tpu.memory_space<vmem>> -> memref<1x128x128xf32, #tpu.memory_space<vmem>>
      %dma_wait3A_74 = tpu.memref_squeeze %dma_wait3A_73 : memref<1x128x128xf32, #tpu.memory_space<vmem>> -> memref<128x128xf32, #tpu.memory_space<vmem>>
      tpu.wait_dma2 semaphore(%run_scoped3A_52 : memref<!tpu.dma_semaphore, #tpu.memory_space<semaphore_mem>>) src(%dma_wait3A_74 : memref<128x128xf32, #tpu.memory_space<vmem>>) dst(%dma_wait3A_70 : memref<128x128xf32, #tpu.memory_space<vmem_shared>>)
      tpu.yield
    }) : () -> ()
    %mul3A_25 = arith.constant 640 : i32
    %mul3A_26 = arith.muli %arg1, %mul3A_25 : i32
    %add3A_27 = arith.constant 512 : i32
    %add3A_28 = arith.addi %mul3A_26, %add3A_27 : i32
    %run_scoped3A_29 = arith.constant 0 : i32
    "tpu.region"() ({
      %run_scoped3A_52 = tpu.sem_alloc : memref<!tpu.dma_semaphore, #tpu.memory_space<semaphore_mem>>
      %dma_start3A = arith.constant 0 : i32
      %dma_start3A_53 = arith.constant 0 : i32
      %dma_start3A_54 = tpu.memref_slice %arg11[%run_scoped3A_29, %dma_start3A, %dma_start3A_53] : memref<2x128x128xf32, #tpu.memory_space<vmem>> -> memref<1x128x128xf32, #tpu.memory_space<vmem>>
      %dma_start3A_55 = tpu.memref_squeeze %dma_start3A_54 : memref<1x128x128xf32, #tpu.memory_space<vmem>> -> memref<128x128xf32, #tpu.memory_space<vmem>>
      %dma_start3A_56 = arith.constant 0 : i32
      %dma_start3A_57 = tpu.memref_slice %arg13[%add3A_28, %dma_start3A_56] : memref<10240x128xf32, #tpu.memory_space<vmem_shared>> -> memref<128x128xf32, #tpu.memory_space<vmem_shared>>
      %dma_start3A_58 = arith.constant 0 : i32
      %dma_start3A_59 = tpu.memref_slice %arg13[%add3A_28, %dma_start3A_58] : memref<10240x128xf32, #tpu.memory_space<vmem_shared>> -> memref<128x128xf32, #tpu.memory_space<vmem_shared>>
      %dma_start3A_60 = arith.constant 0 : i32
      %dma_start3A_61 = arith.constant 0 : i32
      %dma_start3A_62 = tpu.memref_slice %arg11[%run_scoped3A_29, %dma_start3A_60, %dma_start3A_61] : memref<2x128x128xf32, #tpu.memory_space<vmem>> -> memref<1x128x128xf32, #tpu.memory_space<vmem>>
      %dma_start3A_63 = tpu.memref_squeeze %dma_start3A_62 : memref<1x128x128xf32, #tpu.memory_space<vmem>> -> memref<128x128xf32, #tpu.memory_space<vmem>>
      tpu.enqueue_dma source(%dma_start3A_63 : memref<128x128xf32, #tpu.memory_space<vmem>>) target(%dma_start3A_59 : memref<128x128xf32, #tpu.memory_space<vmem_shared>>) target_semaphore(%run_scoped3A_52 : memref<!tpu.dma_semaphore, #tpu.memory_space<semaphore_mem>>)
      %dma_wait3A = arith.constant 0 : i32
      %dma_wait3A_64 = arith.constant 0 : i32
      %dma_wait3A_65 = tpu.memref_slice %arg11[%run_scoped3A_29, %dma_wait3A, %dma_wait3A_64] : memref<2x128x128xf32, #tpu.memory_space<vmem>> -> memref<1x128x128xf32, #tpu.memory_space<vmem>>
      %dma_wait3A_66 = tpu.memref_squeeze %dma_wait3A_65 : memref<1x128x128xf32, #tpu.memory_space<vmem>> -> memref<128x128xf32, #tpu.memory_space<vmem>>
      %dma_wait3A_67 = arith.constant 0 : i32
      %dma_wait3A_68 = tpu.memref_slice %arg13[%add3A_28, %dma_wait3A_67] : memref<10240x128xf32, #tpu.memory_space<vmem_shared>> -> memref<128x128xf32, #tpu.memory_space<vmem_shared>>
      %dma_wait3A_69 = arith.constant 0 : i32
      %dma_wait3A_70 = tpu.memref_slice %arg13[%add3A_28, %dma_wait3A_69] : memref<10240x128xf32, #tpu.memory_space<vmem_shared>> -> memref<128x128xf32, #tpu.memory_space<vmem_shared>>
      %dma_wait3A_71 = arith.constant 0 : i32
      %dma_wait3A_72 = arith.constant 0 : i32
      %dma_wait3A_73 = tpu.memref_slice %arg11[%run_scoped3A_29, %dma_wait3A_71, %dma_wait3A_72] : memref<2x128x128xf32, #tpu.memory_space<vmem>> -> memref<1x128x128xf32, #tpu.memory_space<vmem>>
      %dma_wait3A_74 = tpu.memref_squeeze %dma_wait3A_73 : memref<1x128x128xf32, #tpu.memory_space<vmem>> -> memref<128x128xf32, #tpu.memory_space<vmem>>
      tpu.wait_dma2 semaphore(%run_scoped3A_52 : memref<!tpu.dma_semaphore, #tpu.memory_space<semaphore_mem>>) src(%dma_wait3A_74 : memref<128x128xf32, #tpu.memory_space<vmem>>) dst(%dma_wait3A_70 : memref<128x128xf32, #tpu.memory_space<vmem_shared>>)
      tpu.yield
    }) : () -> ()
    %broadcast_in_dim3A_30 = arith.constant 0 : i32
    %broadcast_in_dim3A_31 = vector.broadcast %broadcast_in_dim3A_30 : i32 to vector<16xi32>
    %scan3A_32 = arith.constant 0 : i32
    %scan3A_33 = arith.constant 640 : i32
    %scan3A_34 = arith.addi %scan3A_32, %scan3A_33 : i32
    %scan3A_35 = arith.constant 1 : i32
    scf.for %scan3A_52 = %scan3A_32 to %scan3A_34 step %scan3A_35  : i32 {
      %mul3A_53 = arith.constant 1 : i32
      %mul3A_54 = arith.muli %scan3A_52, %mul3A_53 : i32
      %add3A_55 = arith.constant 0 : i32
      %add3A_56 = arith.addi %add3A_55, %mul3A_54 : i32
      %mul3A_57 = arith.constant 16 : i32
      %mul3A_58 = arith.muli %add3A_56, %mul3A_57 : i32
      %swap3A = arith.index_cast %mul3A_58 : i32 to index
      %swap3A_59 = tpu.vector_load %arg12[%swap3A] {strides = array<i32>} : memref<10240xi32, #tpu.memory_space<vmem>>, vector<16xi32>,
      %swap3A_60 = vector.shape_cast %swap3A_59 : vector<16xi32> to vector<16xi32>
      %swap3A_61 = vector.shape_cast %broadcast_in_dim3A_31 : vector<16xi32> to vector<16xi32>
      tpu.vector_store %arg12[%swap3A], %swap3A_61 {strides = array<i32>} : memref<10240xi32, #tpu.memory_space<vmem>>, vector<16xi32>,
    }
    %scan3A_36 = arith.constant 640 : i32
    %barrier3A = arith.constant 0 : index
    tpu.barrier barrier_id(%barrier3A)
    %iota3A = tpu.iota {dimensions = array<i32: 0>} : vector<16xi32>
    %scan3A_37 = arith.constant 0 : i32
    %scan3A_38 = arith.constant 10 : i32
    %scan3A_39 = arith.addi %scan3A_37, %scan3A_38 : i32
    %scan3A_40 = arith.constant 1 : i32
    scf.for %scan3A_52 = %scan3A_37 to %scan3A_39 step %scan3A_40  : i32 {
      %mul3A_53 = arith.constant 1 : i32
      %mul3A_54 = arith.muli %scan3A_52, %mul3A_53 : i32
      %add3A_55 = arith.constant 0 : i32
      %add3A_56 = arith.addi %add3A_55, %mul3A_54 : i32
      %mul3A_57 = arith.constant 8 : i32
      %mul3A_58 = arith.muli %add3A_56, %mul3A_57 : i32
      %mul3A_59 = arith.constant 80 : i32
      %mul3A_60 = arith.muli %add3A, %mul3A_59 : i32
      %add3A_61 = arith.addi %mul3A_60, %mul3A_58 : i32
      "tpu.region"() ({
        %run_scoped3A_281 = tpu.sem_alloc : memref<!tpu.dma_semaphore, #tpu.memory_space<semaphore_mem>>
        %dma_start3A_282 = arith.constant 0 : i32
        %dma_start3A_283 = tpu.memref_slice %arg2[%add3A_61, %dma_start3A_282] : memref<2560x128xi32, #tpu.memory_space<hbm>> -> memref<8x128xi32, #tpu.memory_space<hbm>>
        %dma_start3A_284 = arith.constant 0 : i32
        %dma_start3A_285 = tpu.memref_slice %arg2[%add3A_61, %dma_start3A_284] : memref<2560x128xi32, #tpu.memory_space<hbm>> -> memref<8x128xi32, #tpu.memory_space<hbm>>
        tpu.enqueue_dma source(%dma_start3A_285 : memref<8x128xi32, #tpu.memory_space<hbm>>) target(%arg8 : memref<8x128xi32, #tpu.memory_space<vmem>>) target_semaphore(%run_scoped3A_281 : memref<!tpu.dma_semaphore, #tpu.memory_space<semaphore_mem>>)
        %dma_wait3A_286 = arith.constant 0 : i32
        %dma_wait3A_287 = tpu.memref_slice %arg2[%add3A_61, %dma_wait3A_286] : memref<2560x128xi32, #tpu.memory_space<hbm>> -> memref<8x128xi32, #tpu.memory_space<hbm>>
        %dma_wait3A_288 = arith.constant 0 : i32
        %dma_wait3A_289 = tpu.memref_slice %arg2[%add3A_61, %dma_wait3A_288] : memref<2560x128xi32, #tpu.memory_space<hbm>> -> memref<8x128xi32, #tpu.memory_space<hbm>>
        tpu.wait_dma2 semaphore(%run_scoped3A_281 : memref<!tpu.dma_semaphore, #tpu.memory_space<semaphore_mem>>) src(%dma_wait3A_289 : memref<8x128xi32, #tpu.memory_space<hbm>>) dst(%arg8 : memref<8x128xi32, #tpu.memory_space<vmem>>)
        tpu.yield
      }) : () -> ()
      %mul3A_62 = arith.constant 80 : i32
      %mul3A_63 = arith.muli %arg1, %mul3A_62 : i32
      %add3A_64 = arith.addi %mul3A_63, %mul3A_58 : i32
      "tpu.region"() ({
        %run_scoped3A_281 = tpu.sem_alloc : memref<!tpu.dma_semaphore, #tpu.memory_space<semaphore_mem>>
        %dma_start3A_282 = arith.constant 0 : i32
        %dma_start3A_283 = tpu.memref_slice %arg3[%add3A_64, %dma_start3A_282] : memref<1280x128xi32, #tpu.memory_space<hbm>> -> memref<8x128xi32, #tpu.memory_space<hbm>>
        %dma_start3A_284 = arith.constant 0 : i32
        %dma_start3A_285 = tpu.memref_slice %arg3[%add3A_64, %dma_start3A_284] : memref<1280x128xi32, #tpu.memory_space<hbm>> -> memref<8x128xi32, #tpu.memory_space<hbm>>
        tpu.enqueue_dma source(%dma_start3A_285 : memref<8x128xi32, #tpu.memory_space<hbm>>) target(%arg9 : memref<8x128xi32, #tpu.memory_space<vmem>>) target_semaphore(%run_scoped3A_281 : memref<!tpu.dma_semaphore, #tpu.memory_space<semaphore_mem>>)
        %dma_wait3A_286 = arith.constant 0 : i32
        %dma_wait3A_287 = tpu.memref_slice %arg3[%add3A_64, %dma_wait3A_286] : memref<1280x128xi32, #tpu.memory_space<hbm>> -> memref<8x128xi32, #tpu.memory_space<hbm>>
        %dma_wait3A_288 = arith.constant 0 : i32
        %dma_wait3A_289 = tpu.memref_slice %arg3[%add3A_64, %dma_wait3A_288] : memref<1280x128xi32, #tpu.memory_space<hbm>> -> memref<8x128xi32, #tpu.memory_space<hbm>>
        tpu.wait_dma2 semaphore(%run_scoped3A_281 : memref<!tpu.dma_semaphore, #tpu.memory_space<semaphore_mem>>) src(%dma_wait3A_289 : memref<8x128xi32, #tpu.memory_space<hbm>>) dst(%arg9 : memref<8x128xi32, #tpu.memory_space<vmem>>)
        tpu.yield
      }) : () -> ()
      %mul3A_65 = arith.constant 10240 : i32
      %mul3A_66 = arith.muli %arg1, %mul3A_65 : i32
      %mul3A_67 = arith.constant 128 : i32
      %mul3A_68 = arith.muli %mul3A_58, %mul3A_67 : i32
      %add3A_69 = arith.addi %mul3A_66, %mul3A_68 : i32
      "tpu.region"() ({
        %run_scoped3A_281 = tpu.sem_alloc : memref<!tpu.dma_semaphore, #tpu.memory_space<semaphore_mem>>
        %dma_start3A_282 = tpu.memref_slice %arg4[%add3A_69] : memref<163840xi32, #tpu.memory_space<hbm>> -> memref<1024xi32, #tpu.memory_space<hbm>>
        %dma_start3A_283 = tpu.memref_slice %arg4[%add3A_69] : memref<163840xi32, #tpu.memory_space<hbm>> -> memref<1024xi32, #tpu.memory_space<hbm>>
        tpu.enqueue_dma source(%dma_start3A_283 : memref<1024xi32, #tpu.memory_space<hbm>>) target(%arg10 : memref<1024xi32, #tpu.memory_space<vmem>>) target_semaphore(%run_scoped3A_281 : memref<!tpu.dma_semaphore, #tpu.memory_space<semaphore_mem>>)
        %dma_wait3A_284 = tpu.memref_slice %arg4[%add3A_69] : memref<163840xi32, #tpu.memory_space<hbm>> -> memref<1024xi32, #tpu.memory_space<hbm>>
        %dma_wait3A_285 = tpu.memref_slice %arg4[%add3A_69] : memref<163840xi32, #tpu.memory_space<hbm>> -> memref<1024xi32, #tpu.memory_space<hbm>>
        tpu.wait_dma2 semaphore(%run_scoped3A_281 : memref<!tpu.dma_semaphore, #tpu.memory_space<semaphore_mem>>) src(%dma_wait3A_285 : memref<1024xi32, #tpu.memory_space<hbm>>) dst(%arg10 : memref<1024xi32, #tpu.memory_space<vmem>>)
        tpu.yield
      }) : () -> ()
      %dma_start3A = arith.constant 0 : i32
      %dma_start3A_70 = arith.constant 0 : i32
      %dma_start3A_71 = arith.constant 0 : i32
      %dma_start3A_72 = arith.constant 0 : i32
      %dma_start3A_73 = tpu.memref_slice %arg11[%dma_start3A_70, %dma_start3A_71, %dma_start3A_72] : memref<2x128x128xf32, #tpu.memory_space<vmem>> -> memref<1x128x128xf32, #tpu.memory_space<vmem>>
      %dma_start3A_74 = tpu.memref_squeeze %dma_start3A_73 : memref<1x128x128xf32, #tpu.memory_space<vmem>> -> memref<128x128xf32, #tpu.memory_space<vmem>>
      %dma_start3A_75 = arith.constant 0 : i32
      %dma_start3A_76 = tpu.memref_slice %arg8[%dma_start3A, %dma_start3A_75] : memref<8x128xi32, #tpu.memory_space<vmem>> -> memref<1x128xi32, #tpu.memory_space<vmem>>
      %dma_start3A_77 = tpu.memref_squeeze %dma_start3A_76 : memref<1x128xi32, #tpu.memory_space<vmem>> -> memref<128xi32, #tpu.memory_space<vmem>>
      %dma_start3A_78 = arith.constant 0 : i32
      %dma_start3A_79 = arith.constant 0 : i32
      %dma_start3A_80 = tpu.memref_slice %arg5[%dma_start3A_78, %dma_start3A_79] : memref<20000x128xf32, #tpu.memory_space<hbm>> -> memref<20000x128xf32, #tpu.memory_space<hbm>>
      tpu.enqueue_indirect_dma source(%dma_start3A_80 : memref<20000x128xf32, #tpu.memory_space<hbm>>) target(%dma_start3A_74 : memref<128x128xf32, #tpu.memory_space<vmem>>) offsets(%dma_start3A_77 : memref<128xi32, #tpu.memory_space<vmem>>) semaphore(%arg14 : memref<!tpu.dma_semaphore, #tpu.memory_space<semaphore_mem>>)
      %dma_start3A_81 = arith.constant 1 : i32
      %dma_start3A_82 = arith.constant 1 : i32
      %dma_start3A_83 = arith.constant 0 : i32
      %dma_start3A_84 = arith.constant 0 : i32
      %dma_start3A_85 = tpu.memref_slice %arg11[%dma_start3A_82, %dma_start3A_83, %dma_start3A_84] : memref<2x128x128xf32, #tpu.memory_space<vmem>> -> memref<1x128x128xf32, #tpu.memory_space<vmem>>
      %dma_start3A_86 = tpu.memref_squeeze %dma_start3A_85 : memref<1x128x128xf32, #tpu.memory_space<vmem>> -> memref<128x128xf32, #tpu.memory_space<vmem>>
      %dma_start3A_87 = arith.constant 0 : i32
      %dma_start3A_88 = tpu.memref_slice %arg8[%dma_start3A_81, %dma_start3A_87] : memref<8x128xi32, #tpu.memory_space<vmem>> -> memref<1x128xi32, #tpu.memory_space<vmem>>
      %dma_start3A_89 = tpu.memref_squeeze %dma_start3A_88 : memref<1x128xi32, #tpu.memory_space<vmem>> -> memref<128xi32, #tpu.memory_space<vmem>>
      %dma_start3A_90 = arith.constant 0 : i32
      %dma_start3A_91 = arith.constant 0 : i32
      %dma_start3A_92 = tpu.memref_slice %arg5[%dma_start3A_90, %dma_start3A_91] : memref<20000x128xf32, #tpu.memory_space<hbm>> -> memref<20000x128xf32, #tpu.memory_space<hbm>>
      tpu.enqueue_indirect_dma source(%dma_start3A_92 : memref<20000x128xf32, #tpu.memory_space<hbm>>) target(%dma_start3A_86 : memref<128x128xf32, #tpu.memory_space<vmem>>) offsets(%dma_start3A_89 : memref<128xi32, #tpu.memory_space<vmem>>) semaphore(%arg15 : memref<!tpu.dma_semaphore, #tpu.memory_space<semaphore_mem>>)
      %scan3A_93 = arith.constant 0 : i32
      %scan3A_94 = arith.constant 64 : i32
      %scan3A_95 = arith.addi %scan3A_93, %scan3A_94 : i32
      %scan3A_96 = arith.constant 1 : i32
      scf.for %scan3A_281 = %scan3A_93 to %scan3A_95 step %scan3A_96  : i32 {
        %mul3A_282 = arith.constant 1 : i32
        %mul3A_283 = arith.muli %scan3A_281, %mul3A_282 : i32
        %add3A_284 = arith.constant 0 : i32
        %add3A_285 = arith.addi %add3A_284, %mul3A_283 : i32
        %mul3A_286 = arith.constant 16 : i32
        %mul3A_287 = arith.muli %add3A_285, %mul3A_286 : i32
        %get3A = arith.index_cast %mul3A_287 : i32 to index
        %get3A_288 = tpu.vector_load %arg10[%get3A] {strides = array<i32>} : memref<1024xi32, #tpu.memory_space<vmem>>, vector<16xi32>,
        %get3A_289 = vector.shape_cast %get3A_288 : vector<16xi32> to vector<16xi32>
        %slice3A = vector.extract_strided_slice %get3A_289 {offsets = [0], sizes = [1], strides = [1]} : vector<16xi32> to vector<1xi32>
        %squeeze3A = vector.extract %slice3A[0] : i32 from vector<1xi32>
        %shift_right_arithmetic3A = arith.constant 4 : i32
        %shift_right_arithmetic3A_290 = arith.shrsi %squeeze3A, %shift_right_arithmetic3A : i32
        %shift_left3A = arith.constant 4 : i32
        %shift_left3A_291 = arith.shli %shift_right_arithmetic3A_290, %shift_left3A : i32
        %get3A_292 = arith.index_cast %shift_left3A_291 : i32 to index
        %get3A_293 = tpu.vector_load %arg12[%get3A_292] {strides = array<i32>} : memref<10240xi32, #tpu.memory_space<vmem>>, vector<16xi32>,
        %get3A_294 = vector.shape_cast %get3A_293 : vector<16xi32> to vector<16xi32>
        %sub3A = arith.subi %squeeze3A, %shift_left3A_291 : i32
        %eq3A = vector.broadcast %sub3A : i32 to vector<16xi32>
        %eq3A_295 = arith.cmpi eq, %iota3A, %eq3A : vector<16xi32>
        %jit3A = arith.constant 1 : i32
        %jit3A_296 = arith.constant 0 : i32
        %broadcast_in_dim3A_297 = vector.broadcast %jit3A : i32 to vector<16xi32>
        %broadcast_in_dim3A_298 = vector.broadcast %jit3A_296 : i32 to vector<16xi32>
        %select_n3A = arith.select %eq3A_295, %broadcast_in_dim3A_297, %broadcast_in_dim3A_298 : vector<16xi1>, vector<16xi32>
        %add3A_299 = arith.addi %get3A_294, %select_n3A : vector<16xi32>
        %swap3A = arith.index_cast %shift_left3A_291 : i32 to index
        %swap3A_300 = tpu.vector_load %arg12[%swap3A] {strides = array<i32>} : memref<10240xi32, #tpu.memory_space<vmem>>, vector<16xi32>,
        %swap3A_301 = vector.shape_cast %swap3A_300 : vector<16xi32> to vector<16xi32>
        %swap3A_302 = vector.shape_cast %add3A_299 : vector<16xi32> to vector<16xi32>
        tpu.vector_store %arg12[%swap3A], %swap3A_302 {strides = array<i32>} : memref<10240xi32, #tpu.memory_space<vmem>>, vector<16xi32>,
        %slice3A_303 = vector.extract_strided_slice %get3A_289 {offsets = [1], sizes = [1], strides = [1]} : vector<16xi32> to vector<1xi32>
        %squeeze3A_304 = vector.extract %slice3A_303[0] : i32 from vector<1xi32>
        %shift_right_arithmetic3A_305 = arith.constant 4 : i32
        %shift_right_arithmetic3A_306 = arith.shrsi %squeeze3A_304, %shift_right_arithmetic3A_305 : i32
        %shift_left3A_307 = arith.constant 4 : i32
        %shift_left3A_308 = arith.shli %shift_right_arithmetic3A_306, %shift_left3A_307 : i32
        %get3A_309 = arith.index_cast %shift_left3A_308 : i32 to index
        %get3A_310 = tpu.vector_load %arg12[%get3A_309] {strides = array<i32>} : memref<10240xi32, #tpu.memory_space<vmem>>, vector<16xi32>,
        %get3A_311 = vector.shape_cast %get3A_310 : vector<16xi32> to vector<16xi32>
        %sub3A_312 = arith.subi %squeeze3A_304, %shift_left3A_308 : i32
        %eq3A_313 = vector.broadcast %sub3A_312 : i32 to vector<16xi32>
        %eq3A_314 = arith.cmpi eq, %iota3A, %eq3A_313 : vector<16xi32>
        %jit3A_315 = arith.constant 1 : i32
        %jit3A_316 = arith.constant 0 : i32
        %broadcast_in_dim3A_317 = vector.broadcast %jit3A_315 : i32 to vector<16xi32>
        %broadcast_in_dim3A_318 = vector.broadcast %jit3A_316 : i32 to vector<16xi32>
        %select_n3A_319 = arith.select %eq3A_314, %broadcast_in_dim3A_317, %broadcast_in_dim3A_318 : vector<16xi1>, vector<16xi32>
        %add3A_320 = arith.addi %get3A_311, %select_n3A_319 : vector<16xi32>
        %swap3A_321 = arith.index_cast %shift_left3A_308 : i32 to index
        %swap3A_322 = tpu.vector_load %arg12[%swap3A_321] {strides = array<i32>} : memref<10240xi32, #tpu.memory_space<vmem>>, vector<16xi32>,
        %swap3A_323 = vector.shape_cast %swap3A_322 : vector<16xi32> to vector<16xi32>
        %swap3A_324 = vector.shape_cast %add3A_320 : vector<16xi32> to vector<16xi32>
        tpu.vector_store %arg12[%swap3A_321], %swap3A_324 {strides = array<i32>} : memref<10240xi32, #tpu.memory_space<vmem>>, vector<16xi32>,
        %slice3A_325 = vector.extract_strided_slice %get3A_289 {offsets = [2], sizes = [1], strides = [1]} : vector<16xi32> to vector<1xi32>
        %squeeze3A_326 = vector.extract %slice3A_325[0] : i32 from vector<1xi32>
        %shift_right_arithmetic3A_327 = arith.constant 4 : i32
        %shift_right_arithmetic3A_328 = arith.shrsi %squeeze3A_326, %shift_right_arithmetic3A_327 : i32
        %shift_left3A_329 = arith.constant 4 : i32
        %shift_left3A_330 = arith.shli %shift_right_arithmetic3A_328, %shift_left3A_329 : i32
        %get3A_331 = arith.index_cast %shift_left3A_330 : i32 to index
        %get3A_332 = tpu.vector_load %arg12[%get3A_331] {strides = array<i32>} : memref<10240xi32, #tpu.memory_space<vmem>>, vector<16xi32>,
        %get3A_333 = vector.shape_cast %get3A_332 : vector<16xi32> to vector<16xi32>
        %sub3A_334 = arith.subi %squeeze3A_326, %shift_left3A_330 : i32
        %eq3A_335 = vector.broadcast %sub3A_334 : i32 to vector<16xi32>
        %eq3A_336 = arith.cmpi eq, %iota3A, %eq3A_335 : vector<16xi32>
        %jit3A_337 = arith.constant 1 : i32
        %jit3A_338 = arith.constant 0 : i32
        %broadcast_in_dim3A_339 = vector.broadcast %jit3A_337 : i32 to vector<16xi32>
        %broadcast_in_dim3A_340 = vector.broadcast %jit3A_338 : i32 to vector<16xi32>
        %select_n3A_341 = arith.select %eq3A_336, %broadcast_in_dim3A_339, %broadcast_in_dim3A_340 : vector<16xi1>, vector<16xi32>
        %add3A_342 = arith.addi %get3A_333, %select_n3A_341 : vector<16xi32>
        %swap3A_343 = arith.index_cast %shift_left3A_330 : i32 to index
        %swap3A_344 = tpu.vector_load %arg12[%swap3A_343] {strides = array<i32>} : memref<10240xi32, #tpu.memory_space<vmem>>, vector<16xi32>,
        %swap3A_345 = vector.shape_cast %swap3A_344 : vector<16xi32> to vector<16xi32>
        %swap3A_346 = vector.shape_cast %add3A_342 : vector<16xi32> to vector<16xi32>
        tpu.vector_store %arg12[%swap3A_343], %swap3A_346 {strides = array<i32>} : memref<10240xi32, #tpu.memory_space<vmem>>, vector<16xi32>,
        %slice3A_347 = vector.extract_strided_slice %get3A_289 {offsets = [3], sizes = [1], strides = [1]} : vector<16xi32> to vector<1xi32>
        %squeeze3A_348 = vector.extract %slice3A_347[0] : i32 from vector<1xi32>
        %shift_right_arithmetic3A_349 = arith.constant 4 : i32
        %shift_right_arithmetic3A_350 = arith.shrsi %squeeze3A_348, %shift_right_arithmetic3A_349 : i32
        %shift_left3A_351 = arith.constant 4 : i32
        %shift_left3A_352 = arith.shli %shift_right_arithmetic3A_350, %shift_left3A_351 : i32
        %get3A_353 = arith.index_cast %shift_left3A_352 : i32 to index
        %get3A_354 = tpu.vector_load %arg12[%get3A_353] {strides = array<i32>} : memref<10240xi32, #tpu.memory_space<vmem>>, vector<16xi32>,
        %get3A_355 = vector.shape_cast %get3A_354 : vector<16xi32> to vector<16xi32>
        %sub3A_356 = arith.subi %squeeze3A_348, %shift_left3A_352 : i32
        %eq3A_357 = vector.broadcast %sub3A_356 : i32 to vector<16xi32>
        %eq3A_358 = arith.cmpi eq, %iota3A, %eq3A_357 : vector<16xi32>
        %jit3A_359 = arith.constant 1 : i32
        %jit3A_360 = arith.constant 0 : i32
        %broadcast_in_dim3A_361 = vector.broadcast %jit3A_359 : i32 to vector<16xi32>
        %broadcast_in_dim3A_362 = vector.broadcast %jit3A_360 : i32 to vector<16xi32>
        %select_n3A_363 = arith.select %eq3A_358, %broadcast_in_dim3A_361, %broadcast_in_dim3A_362 : vector<16xi1>, vector<16xi32>
        %add3A_364 = arith.addi %get3A_355, %select_n3A_363 : vector<16xi32>
        %swap3A_365 = arith.index_cast %shift_left3A_352 : i32 to index
        %swap3A_366 = tpu.vector_load %arg12[%swap3A_365] {strides = array<i32>} : memref<10240xi32, #tpu.memory_space<vmem>>, vector<16xi32>,
        %swap3A_367 = vector.shape_cast %swap3A_366 : vector<16xi32> to vector<16xi32>
        %swap3A_368 = vector.shape_cast %add3A_364 : vector<16xi32> to vector<16xi32>
        tpu.vector_store %arg12[%swap3A_365], %swap3A_368 {strides = array<i32>} : memref<10240xi32, #tpu.memory_space<vmem>>, vector<16xi32>,
        %slice3A_369 = vector.extract_strided_slice %get3A_289 {offsets = [4], sizes = [1], strides = [1]} : vector<16xi32> to vector<1xi32>
        %squeeze3A_370 = vector.extract %slice3A_369[0] : i32 from vector<1xi32>
        %shift_right_arithmetic3A_371 = arith.constant 4 : i32
        %shift_right_arithmetic3A_372 = arith.shrsi %squeeze3A_370, %shift_right_arithmetic3A_371 : i32
        %shift_left3A_373 = arith.constant 4 : i32
        %shift_left3A_374 = arith.shli %shift_right_arithmetic3A_372, %shift_left3A_373 : i32
        %get3A_375 = arith.index_cast %shift_left3A_374 : i32 to index
        %get3A_376 = tpu.vector_load %arg12[%get3A_375] {strides = array<i32>} : memref<10240xi32, #tpu.memory_space<vmem>>, vector<16xi32>,
        %get3A_377 = vector.shape_cast %get3A_376 : vector<16xi32> to vector<16xi32>
        %sub3A_378 = arith.subi %squeeze3A_370, %shift_left3A_374 : i32
        %eq3A_379 = vector.broadcast %sub3A_378 : i32 to vector<16xi32>
        %eq3A_380 = arith.cmpi eq, %iota3A, %eq3A_379 : vector<16xi32>
        %jit3A_381 = arith.constant 1 : i32
        %jit3A_382 = arith.constant 0 : i32
        %broadcast_in_dim3A_383 = vector.broadcast %jit3A_381 : i32 to vector<16xi32>
        %broadcast_in_dim3A_384 = vector.broadcast %jit3A_382 : i32 to vector<16xi32>
        %select_n3A_385 = arith.select %eq3A_380, %broadcast_in_dim3A_383, %broadcast_in_dim3A_384 : vector<16xi1>, vector<16xi32>
        %add3A_386 = arith.addi %get3A_377, %select_n3A_385 : vector<16xi32>
        %swap3A_387 = arith.index_cast %shift_left3A_374 : i32 to index
        %swap3A_388 = tpu.vector_load %arg12[%swap3A_387] {strides = array<i32>} : memref<10240xi32, #tpu.memory_space<vmem>>, vector<16xi32>,
        %swap3A_389 = vector.shape_cast %swap3A_388 : vector<16xi32> to vector<16xi32>
        %swap3A_390 = vector.shape_cast %add3A_386 : vector<16xi32> to vector<16xi32>
        tpu.vector_store %arg12[%swap3A_387], %swap3A_390 {strides = array<i32>} : memref<10240xi32, #tpu.memory_space<vmem>>, vector<16xi32>,
        %slice3A_391 = vector.extract_strided_slice %get3A_289 {offsets = [5], sizes = [1], strides = [1]} : vector<16xi32> to vector<1xi32>
        %squeeze3A_392 = vector.extract %slice3A_391[0] : i32 from vector<1xi32>
        %shift_right_arithmetic3A_393 = arith.constant 4 : i32
        %shift_right_arithmetic3A_394 = arith.shrsi %squeeze3A_392, %shift_right_arithmetic3A_393 : i32
        %shift_left3A_395 = arith.constant 4 : i32
        %shift_left3A_396 = arith.shli %shift_right_arithmetic3A_394, %shift_left3A_395 : i32
        %get3A_397 = arith.index_cast %shift_left3A_396 : i32 to index
        %get3A_398 = tpu.vector_load %arg12[%get3A_397] {strides = array<i32>} : memref<10240xi32, #tpu.memory_space<vmem>>, vector<16xi32>,
        %get3A_399 = vector.shape_cast %get3A_398 : vector<16xi32> to vector<16xi32>
        %sub3A_400 = arith.subi %squeeze3A_392, %shift_left3A_396 : i32
        %eq3A_401 = vector.broadcast %sub3A_400 : i32 to vector<16xi32>
        %eq3A_402 = arith.cmpi eq, %iota3A, %eq3A_401 : vector<16xi32>
        %jit3A_403 = arith.constant 1 : i32
        %jit3A_404 = arith.constant 0 : i32
        %broadcast_in_dim3A_405 = vector.broadcast %jit3A_403 : i32 to vector<16xi32>
        %broadcast_in_dim3A_406 = vector.broadcast %jit3A_404 : i32 to vector<16xi32>
        %select_n3A_407 = arith.select %eq3A_402, %broadcast_in_dim3A_405, %broadcast_in_dim3A_406 : vector<16xi1>, vector<16xi32>
        %add3A_408 = arith.addi %get3A_399, %select_n3A_407 : vector<16xi32>
        %swap3A_409 = arith.index_cast %shift_left3A_396 : i32 to index
        %swap3A_410 = tpu.vector_load %arg12[%swap3A_409] {strides = array<i32>} : memref<10240xi32, #tpu.memory_space<vmem>>, vector<16xi32>,
        %swap3A_411 = vector.shape_cast %swap3A_410 : vector<16xi32> to vector<16xi32>
        %swap3A_412 = vector.shape_cast %add3A_408 : vector<16xi32> to vector<16xi32>
        tpu.vector_store %arg12[%swap3A_409], %swap3A_412 {strides = array<i32>} : memref<10240xi32, #tpu.memory_space<vmem>>, vector<16xi32>,
        %slice3A_413 = vector.extract_strided_slice %get3A_289 {offsets = [6], sizes = [1], strides = [1]} : vector<16xi32> to vector<1xi32>
        %squeeze3A_414 = vector.extract %slice3A_413[0] : i32 from vector<1xi32>
        %shift_right_arithmetic3A_415 = arith.constant 4 : i32
        %shift_right_arithmetic3A_416 = arith.shrsi %squeeze3A_414, %shift_right_arithmetic3A_415 : i32
        %shift_left3A_417 = arith.constant 4 : i32
        %shift_left3A_418 = arith.shli %shift_right_arithmetic3A_416, %shift_left3A_417 : i32
        %get3A_419 = arith.index_cast %shift_left3A_418 : i32 to index
        %get3A_420 = tpu.vector_load %arg12[%get3A_419] {strides = array<i32>} : memref<10240xi32, #tpu.memory_space<vmem>>, vector<16xi32>,
        %get3A_421 = vector.shape_cast %get3A_420 : vector<16xi32> to vector<16xi32>
        %sub3A_422 = arith.subi %squeeze3A_414, %shift_left3A_418 : i32
        %eq3A_423 = vector.broadcast %sub3A_422 : i32 to vector<16xi32>
        %eq3A_424 = arith.cmpi eq, %iota3A, %eq3A_423 : vector<16xi32>
        %jit3A_425 = arith.constant 1 : i32
        %jit3A_426 = arith.constant 0 : i32
        %broadcast_in_dim3A_427 = vector.broadcast %jit3A_425 : i32 to vector<16xi32>
        %broadcast_in_dim3A_428 = vector.broadcast %jit3A_426 : i32 to vector<16xi32>
        %select_n3A_429 = arith.select %eq3A_424, %broadcast_in_dim3A_427, %broadcast_in_dim3A_428 : vector<16xi1>, vector<16xi32>
        %add3A_430 = arith.addi %get3A_421, %select_n3A_429 : vector<16xi32>
        %swap3A_431 = arith.index_cast %shift_left3A_418 : i32 to index
        %swap3A_432 = tpu.vector_load %arg12[%swap3A_431] {strides = array<i32>} : memref<10240xi32, #tpu.memory_space<vmem>>, vector<16xi32>,
        %swap3A_433 = vector.shape_cast %swap3A_432 : vector<16xi32> to vector<16xi32>
        %swap3A_434 = vector.shape_cast %add3A_430 : vector<16xi32> to vector<16xi32>
        tpu.vector_store %arg12[%swap3A_431], %swap3A_434 {strides = array<i32>} : memref<10240xi32, #tpu.memory_space<vmem>>, vector<16xi32>,
        %slice3A_435 = vector.extract_strided_slice %get3A_289 {offsets = [7], sizes = [1], strides = [1]} : vector<16xi32> to vector<1xi32>
        %squeeze3A_436 = vector.extract %slice3A_435[0] : i32 from vector<1xi32>
        %shift_right_arithmetic3A_437 = arith.constant 4 : i32
        %shift_right_arithmetic3A_438 = arith.shrsi %squeeze3A_436, %shift_right_arithmetic3A_437 : i32
        %shift_left3A_439 = arith.constant 4 : i32
        %shift_left3A_440 = arith.shli %shift_right_arithmetic3A_438, %shift_left3A_439 : i32
        %get3A_441 = arith.index_cast %shift_left3A_440 : i32 to index
        %get3A_442 = tpu.vector_load %arg12[%get3A_441] {strides = array<i32>} : memref<10240xi32, #tpu.memory_space<vmem>>, vector<16xi32>,
        %get3A_443 = vector.shape_cast %get3A_442 : vector<16xi32> to vector<16xi32>
        %sub3A_444 = arith.subi %squeeze3A_436, %shift_left3A_440 : i32
        %eq3A_445 = vector.broadcast %sub3A_444 : i32 to vector<16xi32>
        %eq3A_446 = arith.cmpi eq, %iota3A, %eq3A_445 : vector<16xi32>
        %jit3A_447 = arith.constant 1 : i32
        %jit3A_448 = arith.constant 0 : i32
        %broadcast_in_dim3A_449 = vector.broadcast %jit3A_447 : i32 to vector<16xi32>
        %broadcast_in_dim3A_450 = vector.broadcast %jit3A_448 : i32 to vector<16xi32>
        %select_n3A_451 = arith.select %eq3A_446, %broadcast_in_dim3A_449, %broadcast_in_dim3A_450 : vector<16xi1>, vector<16xi32>
        %add3A_452 = arith.addi %get3A_443, %select_n3A_451 : vector<16xi32>
        %swap3A_453 = arith.index_cast %shift_left3A_440 : i32 to index
        %swap3A_454 = tpu.vector_load %arg12[%swap3A_453] {strides = array<i32>} : memref<10240xi32, #tpu.memory_space<vmem>>, vector<16xi32>,
        %swap3A_455 = vector.shape_cast %swap3A_454 : vector<16xi32> to vector<16xi32>
        %swap3A_456 = vector.shape_cast %add3A_452 : vector<16xi32> to vector<16xi32>
        tpu.vector_store %arg12[%swap3A_453], %swap3A_456 {strides = array<i32>} : memref<10240xi32, #tpu.memory_space<vmem>>, vector<16xi32>,
        %slice3A_457 = vector.extract_strided_slice %get3A_289 {offsets = [8], sizes = [1], strides = [1]} : vector<16xi32> to vector<1xi32>
        %squeeze3A_458 = vector.extract %slice3A_457[0] : i32 from vector<1xi32>
        %shift_right_arithmetic3A_459 = arith.constant 4 : i32
        %shift_right_arithmetic3A_460 = arith.shrsi %squeeze3A_458, %shift_right_arithmetic3A_459 : i32
        %shift_left3A_461 = arith.constant 4 : i32
        %shift_left3A_462 = arith.shli %shift_right_arithmetic3A_460, %shift_left3A_461 : i32
        %get3A_463 = arith.index_cast %shift_left3A_462 : i32 to index
        %get3A_464 = tpu.vector_load %arg12[%get3A_463] {strides = array<i32>} : memref<10240xi32, #tpu.memory_space<vmem>>, vector<16xi32>,
        %get3A_465 = vector.shape_cast %get3A_464 : vector<16xi32> to vector<16xi32>
        %sub3A_466 = arith.subi %squeeze3A_458, %shift_left3A_462 : i32
        %eq3A_467 = vector.broadcast %sub3A_466 : i32 to vector<16xi32>
        %eq3A_468 = arith.cmpi eq, %iota3A, %eq3A_467 : vector<16xi32>
        %jit3A_469 = arith.constant 1 : i32
        %jit3A_470 = arith.constant 0 : i32
        %broadcast_in_dim3A_471 = vector.broadcast %jit3A_469 : i32 to vector<16xi32>
        %broadcast_in_dim3A_472 = vector.broadcast %jit3A_470 : i32 to vector<16xi32>
        %select_n3A_473 = arith.select %eq3A_468, %broadcast_in_dim3A_471, %broadcast_in_dim3A_472 : vector<16xi1>, vector<16xi32>
        %add3A_474 = arith.addi %get3A_465, %select_n3A_473 : vector<16xi32>
        %swap3A_475 = arith.index_cast %shift_left3A_462 : i32 to index
        %swap3A_476 = tpu.vector_load %arg12[%swap3A_475] {strides = array<i32>} : memref<10240xi32, #tpu.memory_space<vmem>>, vector<16xi32>,
        %swap3A_477 = vector.shape_cast %swap3A_476 : vector<16xi32> to vector<16xi32>
        %swap3A_478 = vector.shape_cast %add3A_474 : vector<16xi32> to vector<16xi32>
        tpu.vector_store %arg12[%swap3A_475], %swap3A_478 {strides = array<i32>} : memref<10240xi32, #tpu.memory_space<vmem>>, vector<16xi32>,
        %slice3A_479 = vector.extract_strided_slice %get3A_289 {offsets = [9], sizes = [1], strides = [1]} : vector<16xi32> to vector<1xi32>
        %squeeze3A_480 = vector.extract %slice3A_479[0] : i32 from vector<1xi32>
        %shift_right_arithmetic3A_481 = arith.constant 4 : i32
        %shift_right_arithmetic3A_482 = arith.shrsi %squeeze3A_480, %shift_right_arithmetic3A_481 : i32
        %shift_left3A_483 = arith.constant 4 : i32
        %shift_left3A_484 = arith.shli %shift_right_arithmetic3A_482, %shift_left3A_483 : i32
        %get3A_485 = arith.index_cast %shift_left3A_484 : i32 to index
        %get3A_486 = tpu.vector_load %arg12[%get3A_485] {strides = array<i32>} : memref<10240xi32, #tpu.memory_space<vmem>>, vector<16xi32>,
        %get3A_487 = vector.shape_cast %get3A_486 : vector<16xi32> to vector<16xi32>
        %sub3A_488 = arith.subi %squeeze3A_480, %shift_left3A_484 : i32
        %eq3A_489 = vector.broadcast %sub3A_488 : i32 to vector<16xi32>
        %eq3A_490 = arith.cmpi eq, %iota3A, %eq3A_489 : vector<16xi32>
        %jit3A_491 = arith.constant 1 : i32
        %jit3A_492 = arith.constant 0 : i32
        %broadcast_in_dim3A_493 = vector.broadcast %jit3A_491 : i32 to vector<16xi32>
        %broadcast_in_dim3A_494 = vector.broadcast %jit3A_492 : i32 to vector<16xi32>
        %select_n3A_495 = arith.select %eq3A_490, %broadcast_in_dim3A_493, %broadcast_in_dim3A_494 : vector<16xi1>, vector<16xi32>
        %add3A_496 = arith.addi %get3A_487, %select_n3A_495 : vector<16xi32>
        %swap3A_497 = arith.index_cast %shift_left3A_484 : i32 to index
        %swap3A_498 = tpu.vector_load %arg12[%swap3A_497] {strides = array<i32>} : memref<10240xi32, #tpu.memory_space<vmem>>, vector<16xi32>,
        %swap3A_499 = vector.shape_cast %swap3A_498 : vector<16xi32> to vector<16xi32>
        %swap3A_500 = vector.shape_cast %add3A_496 : vector<16xi32> to vector<16xi32>
        tpu.vector_store %arg12[%swap3A_497], %swap3A_500 {strides = array<i32>} : memref<10240xi32, #tpu.memory_space<vmem>>, vector<16xi32>,
        %slice3A_501 = vector.extract_strided_slice %get3A_289 {offsets = [10], sizes = [1], strides = [1]} : vector<16xi32> to vector<1xi32>
        %squeeze3A_502 = vector.extract %slice3A_501[0] : i32 from vector<1xi32>
        %shift_right_arithmetic3A_503 = arith.constant 4 : i32
        %shift_right_arithmetic3A_504 = arith.shrsi %squeeze3A_502, %shift_right_arithmetic3A_503 : i32
        %shift_left3A_505 = arith.constant 4 : i32
        %shift_left3A_506 = arith.shli %shift_right_arithmetic3A_504, %shift_left3A_505 : i32
        %get3A_507 = arith.index_cast %shift_left3A_506 : i32 to index
        %get3A_508 = tpu.vector_load %arg12[%get3A_507] {strides = array<i32>} : memref<10240xi32, #tpu.memory_space<vmem>>, vector<16xi32>,
        %get3A_509 = vector.shape_cast %get3A_508 : vector<16xi32> to vector<16xi32>
        %sub3A_510 = arith.subi %squeeze3A_502, %shift_left3A_506 : i32
        %eq3A_511 = vector.broadcast %sub3A_510 : i32 to vector<16xi32>
        %eq3A_512 = arith.cmpi eq, %iota3A, %eq3A_511 : vector<16xi32>
        %jit3A_513 = arith.constant 1 : i32
        %jit3A_514 = arith.constant 0 : i32
        %broadcast_in_dim3A_515 = vector.broadcast %jit3A_513 : i32 to vector<16xi32>
        %broadcast_in_dim3A_516 = vector.broadcast %jit3A_514 : i32 to vector<16xi32>
        %select_n3A_517 = arith.select %eq3A_512, %broadcast_in_dim3A_515, %broadcast_in_dim3A_516 : vector<16xi1>, vector<16xi32>
        %add3A_518 = arith.addi %get3A_509, %select_n3A_517 : vector<16xi32>
        %swap3A_519 = arith.index_cast %shift_left3A_506 : i32 to index
        %swap3A_520 = tpu.vector_load %arg12[%swap3A_519] {strides = array<i32>} : memref<10240xi32, #tpu.memory_space<vmem>>, vector<16xi32>,
        %swap3A_521 = vector.shape_cast %swap3A_520 : vector<16xi32> to vector<16xi32>
        %swap3A_522 = vector.shape_cast %add3A_518 : vector<16xi32> to vector<16xi32>
        tpu.vector_store %arg12[%swap3A_519], %swap3A_522 {strides = array<i32>} : memref<10240xi32, #tpu.memory_space<vmem>>, vector<16xi32>,
        %slice3A_523 = vector.extract_strided_slice %get3A_289 {offsets = [11], sizes = [1], strides = [1]} : vector<16xi32> to vector<1xi32>
        %squeeze3A_524 = vector.extract %slice3A_523[0] : i32 from vector<1xi32>
        %shift_right_arithmetic3A_525 = arith.constant 4 : i32
        %shift_right_arithmetic3A_526 = arith.shrsi %squeeze3A_524, %shift_right_arithmetic3A_525 : i32
        %shift_left3A_527 = arith.constant 4 : i32
        %shift_left3A_528 = arith.shli %shift_right_arithmetic3A_526, %shift_left3A_527 : i32
        %get3A_529 = arith.index_cast %shift_left3A_528 : i32 to index
        %get3A_530 = tpu.vector_load %arg12[%get3A_529] {strides = array<i32>} : memref<10240xi32, #tpu.memory_space<vmem>>, vector<16xi32>,
        %get3A_531 = vector.shape_cast %get3A_530 : vector<16xi32> to vector<16xi32>
        %sub3A_532 = arith.subi %squeeze3A_524, %shift_left3A_528 : i32
        %eq3A_533 = vector.broadcast %sub3A_532 : i32 to vector<16xi32>
        %eq3A_534 = arith.cmpi eq, %iota3A, %eq3A_533 : vector<16xi32>
        %jit3A_535 = arith.constant 1 : i32
        %jit3A_536 = arith.constant 0 : i32
        %broadcast_in_dim3A_537 = vector.broadcast %jit3A_535 : i32 to vector<16xi32>
        %broadcast_in_dim3A_538 = vector.broadcast %jit3A_536 : i32 to vector<16xi32>
        %select_n3A_539 = arith.select %eq3A_534, %broadcast_in_dim3A_537, %broadcast_in_dim3A_538 : vector<16xi1>, vector<16xi32>
        %add3A_540 = arith.addi %get3A_531, %select_n3A_539 : vector<16xi32>
        %swap3A_541 = arith.index_cast %shift_left3A_528 : i32 to index
        %swap3A_542 = tpu.vector_load %arg12[%swap3A_541] {strides = array<i32>} : memref<10240xi32, #tpu.memory_space<vmem>>, vector<16xi32>,
        %swap3A_543 = vector.shape_cast %swap3A_542 : vector<16xi32> to vector<16xi32>
        %swap3A_544 = vector.shape_cast %add3A_540 : vector<16xi32> to vector<16xi32>
        tpu.vector_store %arg12[%swap3A_541], %swap3A_544 {strides = array<i32>} : memref<10240xi32, #tpu.memory_space<vmem>>, vector<16xi32>,
        %slice3A_545 = vector.extract_strided_slice %get3A_289 {offsets = [12], sizes = [1], strides = [1]} : vector<16xi32> to vector<1xi32>
        %squeeze3A_546 = vector.extract %slice3A_545[0] : i32 from vector<1xi32>
        %shift_right_arithmetic3A_547 = arith.constant 4 : i32
        %shift_right_arithmetic3A_548 = arith.shrsi %squeeze3A_546, %shift_right_arithmetic3A_547 : i32
        %shift_left3A_549 = arith.constant 4 : i32
        %shift_left3A_550 = arith.shli %shift_right_arithmetic3A_548, %shift_left3A_549 : i32
        %get3A_551 = arith.index_cast %shift_left3A_550 : i32 to index
        %get3A_552 = tpu.vector_load %arg12[%get3A_551] {strides = array<i32>} : memref<10240xi32, #tpu.memory_space<vmem>>, vector<16xi32>,
        %get3A_553 = vector.shape_cast %get3A_552 : vector<16xi32> to vector<16xi32>
        %sub3A_554 = arith.subi %squeeze3A_546, %shift_left3A_550 : i32
        %eq3A_555 = vector.broadcast %sub3A_554 : i32 to vector<16xi32>
        %eq3A_556 = arith.cmpi eq, %iota3A, %eq3A_555 : vector<16xi32>
        %jit3A_557 = arith.constant 1 : i32
        %jit3A_558 = arith.constant 0 : i32
        %broadcast_in_dim3A_559 = vector.broadcast %jit3A_557 : i32 to vector<16xi32>
        %broadcast_in_dim3A_560 = vector.broadcast %jit3A_558 : i32 to vector<16xi32>
        %select_n3A_561 = arith.select %eq3A_556, %broadcast_in_dim3A_559, %broadcast_in_dim3A_560 : vector<16xi1>, vector<16xi32>
        %add3A_562 = arith.addi %get3A_553, %select_n3A_561 : vector<16xi32>
        %swap3A_563 = arith.index_cast %shift_left3A_550 : i32 to index
        %swap3A_564 = tpu.vector_load %arg12[%swap3A_563] {strides = array<i32>} : memref<10240xi32, #tpu.memory_space<vmem>>, vector<16xi32>,
        %swap3A_565 = vector.shape_cast %swap3A_564 : vector<16xi32> to vector<16xi32>
        %swap3A_566 = vector.shape_cast %add3A_562 : vector<16xi32> to vector<16xi32>
        tpu.vector_store %arg12[%swap3A_563], %swap3A_566 {strides = array<i32>} : memref<10240xi32, #tpu.memory_space<vmem>>, vector<16xi32>,
        %slice3A_567 = vector.extract_strided_slice %get3A_289 {offsets = [13], sizes = [1], strides = [1]} : vector<16xi32> to vector<1xi32>
        %squeeze3A_568 = vector.extract %slice3A_567[0] : i32 from vector<1xi32>
        %shift_right_arithmetic3A_569 = arith.constant 4 : i32
        %shift_right_arithmetic3A_570 = arith.shrsi %squeeze3A_568, %shift_right_arithmetic3A_569 : i32
        %shift_left3A_571 = arith.constant 4 : i32
        %shift_left3A_572 = arith.shli %shift_right_arithmetic3A_570, %shift_left3A_571 : i32
        %get3A_573 = arith.index_cast %shift_left3A_572 : i32 to index
        %get3A_574 = tpu.vector_load %arg12[%get3A_573] {strides = array<i32>} : memref<10240xi32, #tpu.memory_space<vmem>>, vector<16xi32>,
        %get3A_575 = vector.shape_cast %get3A_574 : vector<16xi32> to vector<16xi32>
        %sub3A_576 = arith.subi %squeeze3A_568, %shift_left3A_572 : i32
        %eq3A_577 = vector.broadcast %sub3A_576 : i32 to vector<16xi32>
        %eq3A_578 = arith.cmpi eq, %iota3A, %eq3A_577 : vector<16xi32>
        %jit3A_579 = arith.constant 1 : i32
        %jit3A_580 = arith.constant 0 : i32
        %broadcast_in_dim3A_581 = vector.broadcast %jit3A_579 : i32 to vector<16xi32>
        %broadcast_in_dim3A_582 = vector.broadcast %jit3A_580 : i32 to vector<16xi32>
        %select_n3A_583 = arith.select %eq3A_578, %broadcast_in_dim3A_581, %broadcast_in_dim3A_582 : vector<16xi1>, vector<16xi32>
        %add3A_584 = arith.addi %get3A_575, %select_n3A_583 : vector<16xi32>
        %swap3A_585 = arith.index_cast %shift_left3A_572 : i32 to index
        %swap3A_586 = tpu.vector_load %arg12[%swap3A_585] {strides = array<i32>} : memref<10240xi32, #tpu.memory_space<vmem>>, vector<16xi32>,
        %swap3A_587 = vector.shape_cast %swap3A_586 : vector<16xi32> to vector<16xi32>
        %swap3A_588 = vector.shape_cast %add3A_584 : vector<16xi32> to vector<16xi32>
        tpu.vector_store %arg12[%swap3A_585], %swap3A_588 {strides = array<i32>} : memref<10240xi32, #tpu.memory_space<vmem>>, vector<16xi32>,
        %slice3A_589 = vector.extract_strided_slice %get3A_289 {offsets = [14], sizes = [1], strides = [1]} : vector<16xi32> to vector<1xi32>
        %squeeze3A_590 = vector.extract %slice3A_589[0] : i32 from vector<1xi32>
        %shift_right_arithmetic3A_591 = arith.constant 4 : i32
        %shift_right_arithmetic3A_592 = arith.shrsi %squeeze3A_590, %shift_right_arithmetic3A_591 : i32
        %shift_left3A_593 = arith.constant 4 : i32
        %shift_left3A_594 = arith.shli %shift_right_arithmetic3A_592, %shift_left3A_593 : i32
        %get3A_595 = arith.index_cast %shift_left3A_594 : i32 to index
        %get3A_596 = tpu.vector_load %arg12[%get3A_595] {strides = array<i32>} : memref<10240xi32, #tpu.memory_space<vmem>>, vector<16xi32>,
        %get3A_597 = vector.shape_cast %get3A_596 : vector<16xi32> to vector<16xi32>
        %sub3A_598 = arith.subi %squeeze3A_590, %shift_left3A_594 : i32
        %eq3A_599 = vector.broadcast %sub3A_598 : i32 to vector<16xi32>
        %eq3A_600 = arith.cmpi eq, %iota3A, %eq3A_599 : vector<16xi32>
        %jit3A_601 = arith.constant 1 : i32
        %jit3A_602 = arith.constant 0 : i32
        %broadcast_in_dim3A_603 = vector.broadcast %jit3A_601 : i32 to vector<16xi32>
        %broadcast_in_dim3A_604 = vector.broadcast %jit3A_602 : i32 to vector<16xi32>
        %select_n3A_605 = arith.select %eq3A_600, %broadcast_in_dim3A_603, %broadcast_in_dim3A_604 : vector<16xi1>, vector<16xi32>
        %add3A_606 = arith.addi %get3A_597, %select_n3A_605 : vector<16xi32>
        %swap3A_607 = arith.index_cast %shift_left3A_594 : i32 to index
        %swap3A_608 = tpu.vector_load %arg12[%swap3A_607] {strides = array<i32>} : memref<10240xi32, #tpu.memory_space<vmem>>, vector<16xi32>,
        %swap3A_609 = vector.shape_cast %swap3A_608 : vector<16xi32> to vector<16xi32>
        %swap3A_610 = vector.shape_cast %add3A_606 : vector<16xi32> to vector<16xi32>
        tpu.vector_store %arg12[%swap3A_607], %swap3A_610 {strides = array<i32>} : memref<10240xi32, #tpu.memory_space<vmem>>, vector<16xi32>,
        %slice3A_611 = vector.extract_strided_slice %get3A_289 {offsets = [15], sizes = [1], strides = [1]} : vector<16xi32> to vector<1xi32>
        %squeeze3A_612 = vector.extract %slice3A_611[0] : i32 from vector<1xi32>
        %shift_right_arithmetic3A_613 = arith.constant 4 : i32
        %shift_right_arithmetic3A_614 = arith.shrsi %squeeze3A_612, %shift_right_arithmetic3A_613 : i32
        %shift_left3A_615 = arith.constant 4 : i32
        %shift_left3A_616 = arith.shli %shift_right_arithmetic3A_614, %shift_left3A_615 : i32
        %get3A_617 = arith.index_cast %shift_left3A_616 : i32 to index
        %get3A_618 = tpu.vector_load %arg12[%get3A_617] {strides = array<i32>} : memref<10240xi32, #tpu.memory_space<vmem>>, vector<16xi32>,
        %get3A_619 = vector.shape_cast %get3A_618 : vector<16xi32> to vector<16xi32>
        %sub3A_620 = arith.subi %squeeze3A_612, %shift_left3A_616 : i32
        %eq3A_621 = vector.broadcast %sub3A_620 : i32 to vector<16xi32>
        %eq3A_622 = arith.cmpi eq, %iota3A, %eq3A_621 : vector<16xi32>
        %jit3A_623 = arith.constant 1 : i32
        %jit3A_624 = arith.constant 0 : i32
        %broadcast_in_dim3A_625 = vector.broadcast %jit3A_623 : i32 to vector<16xi32>
        %broadcast_in_dim3A_626 = vector.broadcast %jit3A_624 : i32 to vector<16xi32>
        %select_n3A_627 = arith.select %eq3A_622, %broadcast_in_dim3A_625, %broadcast_in_dim3A_626 : vector<16xi1>, vector<16xi32>
        %add3A_628 = arith.addi %get3A_619, %select_n3A_627 : vector<16xi32>
        %swap3A_629 = arith.index_cast %shift_left3A_616 : i32 to index
        %swap3A_630 = tpu.vector_load %arg12[%swap3A_629] {strides = array<i32>} : memref<10240xi32, #tpu.memory_space<vmem>>, vector<16xi32>,
        %swap3A_631 = vector.shape_cast %swap3A_630 : vector<16xi32> to vector<16xi32>
        %swap3A_632 = vector.shape_cast %add3A_628 : vector<16xi32> to vector<16xi32>
        tpu.vector_store %arg12[%swap3A_629], %swap3A_632 {strides = array<i32>} : memref<10240xi32, #tpu.memory_space<vmem>>, vector<16xi32>,
      }
      %scan3A_97 = arith.constant 64 : i32
      %dma_wait3A = arith.constant 0 : i32
      %dma_wait3A_98 = arith.constant 0 : i32
      %dma_wait3A_99 = arith.constant 0 : i32
      %dma_wait3A_100 = arith.constant 0 : i32
      %dma_wait3A_101 = tpu.memref_slice %arg11[%dma_wait3A_98, %dma_wait3A_99, %dma_wait3A_100] : memref<2x128x128xf32, #tpu.memory_space<vmem>> -> memref<1x128x128xf32, #tpu.memory_space<vmem>>
      %dma_wait3A_102 = tpu.memref_squeeze %dma_wait3A_101 : memref<1x128x128xf32, #tpu.memory_space<vmem>> -> memref<128x128xf32, #tpu.memory_space<vmem>>
      %dma_wait3A_103 = arith.constant 0 : i32
      %dma_wait3A_104 = tpu.memref_slice %arg8[%dma_wait3A, %dma_wait3A_103] : memref<8x128xi32, #tpu.memory_space<vmem>> -> memref<1x128xi32, #tpu.memory_space<vmem>>
      %dma_wait3A_105 = tpu.memref_squeeze %dma_wait3A_104 : memref<1x128xi32, #tpu.memory_space<vmem>> -> memref<128xi32, #tpu.memory_space<vmem>>
      %dma_wait3A_106 = arith.constant 0 : i32
      %dma_wait3A_107 = arith.constant 0 : i32
      %dma_wait3A_108 = tpu.memref_slice %arg5[%dma_wait3A_106, %dma_wait3A_107] : memref<20000x128xf32, #tpu.memory_space<hbm>> -> memref<20000x128xf32, #tpu.memory_space<hbm>>
      tpu.wait_indirect_dma semaphore(%arg14 : memref<!tpu.dma_semaphore, #tpu.memory_space<semaphore_mem>>) src(%dma_wait3A_108 : memref<20000x128xf32, #tpu.memory_space<hbm>>) dst(%dma_wait3A_102 : memref<128x128xf32, #tpu.memory_space<vmem>>)
      %run_scoped3A_109 = arith.constant 0 : i32
      %run_scoped3A_110 = arith.constant 0 : i32
      "tpu.region"() ({
        %run_scoped3A_281 = tpu.sem_alloc : memref<!tpu.dma_semaphore, #tpu.memory_space<semaphore_mem>>
        %dma_start3A_282 = arith.constant 0 : i32
        %dma_start3A_283 = arith.constant 0 : i32
        %dma_start3A_284 = tpu.memref_slice %arg11[%run_scoped3A_109, %dma_start3A_282, %dma_start3A_283] : memref<2x128x128xf32, #tpu.memory_space<vmem>> -> memref<1x128x128xf32, #tpu.memory_space<vmem>>
        %dma_start3A_285 = tpu.memref_squeeze %dma_start3A_284 : memref<1x128x128xf32, #tpu.memory_space<vmem>> -> memref<128x128xf32, #tpu.memory_space<vmem>>
        %dma_start3A_286 = arith.constant 0 : i32
        %dma_start3A_287 = tpu.memref_slice %arg9[%run_scoped3A_110, %dma_start3A_286] : memref<8x128xi32, #tpu.memory_space<vmem>> -> memref<1x128xi32, #tpu.memory_space<vmem>>
        %dma_start3A_288 = tpu.memref_squeeze %dma_start3A_287 : memref<1x128xi32, #tpu.memory_space<vmem>> -> memref<128xi32, #tpu.memory_space<vmem>>
        %dma_start3A_289 = arith.constant 0 : i32
        %dma_start3A_290 = arith.constant 0 : i32
        %dma_start3A_291 = tpu.memref_slice %arg13[%dma_start3A_289, %dma_start3A_290] : memref<10240x128xf32, #tpu.memory_space<vmem_shared>> -> memref<10240x128xf32, #tpu.memory_space<vmem_shared>>
        tpu.enqueue_indirect_dma source(%dma_start3A_285 : memref<128x128xf32, #tpu.memory_space<vmem>>) target(%dma_start3A_291 : memref<10240x128xf32, #tpu.memory_space<vmem_shared>>) offsets(%dma_start3A_288 : memref<128xi32, #tpu.memory_space<vmem>>) semaphore(%run_scoped3A_281 : memref<!tpu.dma_semaphore, #tpu.memory_space<semaphore_mem>>) {add = true}
        %dma_wait3A_292 = arith.constant 0 : i32
        %dma_wait3A_293 = arith.constant 0 : i32
        %dma_wait3A_294 = tpu.memref_slice %arg11[%run_scoped3A_109, %dma_wait3A_292, %dma_wait3A_293] : memref<2x128x128xf32, #tpu.memory_space<vmem>> -> memref<1x128x128xf32, #tpu.memory_space<vmem>>
        %dma_wait3A_295 = tpu.memref_squeeze %dma_wait3A_294 : memref<1x128x128xf32, #tpu.memory_space<vmem>> -> memref<128x128xf32, #tpu.memory_space<vmem>>
        %dma_wait3A_296 = arith.constant 0 : i32
        %dma_wait3A_297 = tpu.memref_slice %arg9[%run_scoped3A_110, %dma_wait3A_296] : memref<8x128xi32, #tpu.memory_space<vmem>> -> memref<1x128xi32, #tpu.memory_space<vmem>>
        %dma_wait3A_298 = tpu.memref_squeeze %dma_wait3A_297 : memref<1x128xi32, #tpu.memory_space<vmem>> -> memref<128xi32, #tpu.memory_space<vmem>>
        %dma_wait3A_299 = arith.constant 0 : i32
        %dma_wait3A_300 = arith.constant 0 : i32
        %dma_wait3A_301 = tpu.memref_slice %arg13[%dma_wait3A_299, %dma_wait3A_300] : memref<10240x128xf32, #tpu.memory_space<vmem_shared>> -> memref<10240x128xf32, #tpu.memory_space<vmem_shared>>
        tpu.wait_indirect_dma semaphore(%run_scoped3A_281 : memref<!tpu.dma_semaphore, #tpu.memory_space<semaphore_mem>>) src(%dma_wait3A_295 : memref<128x128xf32, #tpu.memory_space<vmem>>) dst(%dma_wait3A_301 : memref<10240x128xf32, #tpu.memory_space<vmem_shared>>)
        tpu.yield
      }) : () -> ()
      %dma_start3A_111 = arith.constant 2 : i32
      %dma_start3A_112 = arith.constant 0 : i32
      %dma_start3A_113 = arith.constant 0 : i32
      %dma_start3A_114 = arith.constant 0 : i32
      %dma_start3A_115 = tpu.memref_slice %arg11[%dma_start3A_112, %dma_start3A_113, %dma_start3A_114] : memref<2x128x128xf32, #tpu.memory_space<vmem>> -> memref<1x128x128xf32, #tpu.memory_space<vmem>>
      %dma_start3A_116 = tpu.memref_squeeze %dma_start3A_115 : memref<1x128x128xf32, #tpu.memory_space<vmem>> -> memref<128x128xf32, #tpu.memory_space<vmem>>
      %dma_start3A_117 = arith.constant 0 : i32
      %dma_start3A_118 = tpu.memref_slice %arg8[%dma_start3A_111, %dma_start3A_117] : memref<8x128xi32, #tpu.memory_space<vmem>> -> memref<1x128xi32, #tpu.memory_space<vmem>>
      %dma_start3A_119 = tpu.memref_squeeze %dma_start3A_118 : memref<1x128xi32, #tpu.memory_space<vmem>> -> memref<128xi32, #tpu.memory_space<vmem>>
      %dma_start3A_120 = arith.constant 0 : i32
      %dma_start3A_121 = arith.constant 0 : i32
      %dma_start3A_122 = tpu.memref_slice %arg5[%dma_start3A_120, %dma_start3A_121] : memref<20000x128xf32, #tpu.memory_space<hbm>> -> memref<20000x128xf32, #tpu.memory_space<hbm>>
      tpu.enqueue_indirect_dma source(%dma_start3A_122 : memref<20000x128xf32, #tpu.memory_space<hbm>>) target(%dma_start3A_116 : memref<128x128xf32, #tpu.memory_space<vmem>>) offsets(%dma_start3A_119 : memref<128xi32, #tpu.memory_space<vmem>>) semaphore(%arg14 : memref<!tpu.dma_semaphore, #tpu.memory_space<semaphore_mem>>)
      %dma_wait3A_123 = arith.constant 1 : i32
      %dma_wait3A_124 = arith.constant 1 : i32
      %dma_wait3A_125 = arith.constant 0 : i32
      %dma_wait3A_126 = arith.constant 0 : i32
      %dma_wait3A_127 = tpu.memref_slice %arg11[%dma_wait3A_124, %dma_wait3A_125, %dma_wait3A_126] : memref<2x128x128xf32, #tpu.memory_space<vmem>> -> memref<1x128x128xf32, #tpu.memory_space<vmem>>
      %dma_wait3A_128 = tpu.memref_squeeze %dma_wait3A_127 : memref<1x128x128xf32, #tpu.memory_space<vmem>> -> memref<128x128xf32, #tpu.memory_space<vmem>>
      %dma_wait3A_129 = arith.constant 0 : i32
      %dma_wait3A_130 = tpu.memref_slice %arg8[%dma_wait3A_123, %dma_wait3A_129] : memref<8x128xi32, #tpu.memory_space<vmem>> -> memref<1x128xi32, #tpu.memory_space<vmem>>
      %dma_wait3A_131 = tpu.memref_squeeze %dma_wait3A_130 : memref<1x128xi32, #tpu.memory_space<vmem>> -> memref<128xi32, #tpu.memory_space<vmem>>
      %dma_wait3A_132 = arith.constant 0 : i32
      %dma_wait3A_133 = arith.constant 0 : i32
      %dma_wait3A_134 = tpu.memref_slice %arg5[%dma_wait3A_132, %dma_wait3A_133] : memref<20000x128xf32, #tpu.memory_space<hbm>> -> memref<20000x128xf32, #tpu.memory_space<hbm>>
      tpu.wait_indirect_dma semaphore(%arg15 : memref<!tpu.dma_semaphore, #tpu.memory_space<semaphore_mem>>) src(%dma_wait3A_134 : memref<20000x128xf32, #tpu.memory_space<hbm>>) dst(%dma_wait3A_128 : memref<128x128xf32, #tpu.memory_space<vmem>>)
      %run_scoped3A_135 = arith.constant 1 : i32
      %run_scoped3A_136 = arith.constant 1 : i32
      "tpu.region"() ({
        %run_scoped3A_281 = tpu.sem_alloc : memref<!tpu.dma_semaphore, #tpu.memory_space<semaphore_mem>>
        %dma_start3A_282 = arith.constant 0 : i32
        %dma_start3A_283 = arith.constant 0 : i32
        %dma_start3A_284 = tpu.memref_slice %arg11[%run_scoped3A_135, %dma_start3A_282, %dma_start3A_283] : memref<2x128x128xf32, #tpu.memory_space<vmem>> -> memref<1x128x128xf32, #tpu.memory_space<vmem>>
        %dma_start3A_285 = tpu.memref_squeeze %dma_start3A_284 : memref<1x128x128xf32, #tpu.memory_space<vmem>> -> memref<128x128xf32, #tpu.memory_space<vmem>>
        %dma_start3A_286 = arith.constant 0 : i32
        %dma_start3A_287 = tpu.memref_slice %arg9[%run_scoped3A_136, %dma_start3A_286] : memref<8x128xi32, #tpu.memory_space<vmem>> -> memref<1x128xi32, #tpu.memory_space<vmem>>
        %dma_start3A_288 = tpu.memref_squeeze %dma_start3A_287 : memref<1x128xi32, #tpu.memory_space<vmem>> -> memref<128xi32, #tpu.memory_space<vmem>>
        %dma_start3A_289 = arith.constant 0 : i32
        %dma_start3A_290 = arith.constant 0 : i32
        %dma_start3A_291 = tpu.memref_slice %arg13[%dma_start3A_289, %dma_start3A_290] : memref<10240x128xf32, #tpu.memory_space<vmem_shared>> -> memref<10240x128xf32, #tpu.memory_space<vmem_shared>>
        tpu.enqueue_indirect_dma source(%dma_start3A_285 : memref<128x128xf32, #tpu.memory_space<vmem>>) target(%dma_start3A_291 : memref<10240x128xf32, #tpu.memory_space<vmem_shared>>) offsets(%dma_start3A_288 : memref<128xi32, #tpu.memory_space<vmem>>) semaphore(%run_scoped3A_281 : memref<!tpu.dma_semaphore, #tpu.memory_space<semaphore_mem>>) {add = true}
        %dma_wait3A_292 = arith.constant 0 : i32
        %dma_wait3A_293 = arith.constant 0 : i32
        %dma_wait3A_294 = tpu.memref_slice %arg11[%run_scoped3A_135, %dma_wait3A_292, %dma_wait3A_293] : memref<2x128x128xf32, #tpu.memory_space<vmem>> -> memref<1x128x128xf32, #tpu.memory_space<vmem>>
        %dma_wait3A_295 = tpu.memref_squeeze %dma_wait3A_294 : memref<1x128x128xf32, #tpu.memory_space<vmem>> -> memref<128x128xf32, #tpu.memory_space<vmem>>
        %dma_wait3A_296 = arith.constant 0 : i32
        %dma_wait3A_297 = tpu.memref_slice %arg9[%run_scoped3A_136, %dma_wait3A_296] : memref<8x128xi32, #tpu.memory_space<vmem>> -> memref<1x128xi32, #tpu.memory_space<vmem>>
        %dma_wait3A_298 = tpu.memref_squeeze %dma_wait3A_297 : memref<1x128xi32, #tpu.memory_space<vmem>> -> memref<128xi32, #tpu.memory_space<vmem>>
        %dma_wait3A_299 = arith.constant 0 : i32
        %dma_wait3A_300 = arith.constant 0 : i32
        %dma_wait3A_301 = tpu.memref_slice %arg13[%dma_wait3A_299, %dma_wait3A_300] : memref<10240x128xf32, #tpu.memory_space<vmem_shared>> -> memref<10240x128xf32, #tpu.memory_space<vmem_shared>>
        tpu.wait_indirect_dma semaphore(%run_scoped3A_281 : memref<!tpu.dma_semaphore, #tpu.memory_space<semaphore_mem>>) src(%dma_wait3A_295 : memref<128x128xf32, #tpu.memory_space<vmem>>) dst(%dma_wait3A_301 : memref<10240x128xf32, #tpu.memory_space<vmem_shared>>)
        tpu.yield
      }) : () -> ()
      %dma_start3A_137 = arith.constant 3 : i32
      %dma_start3A_138 = arith.constant 1 : i32
      %dma_start3A_139 = arith.constant 0 : i32
      %dma_start3A_140 = arith.constant 0 : i32
      %dma_start3A_141 = tpu.memref_slice %arg11[%dma_start3A_138, %dma_start3A_139, %dma_start3A_140] : memref<2x128x128xf32, #tpu.memory_space<vmem>> -> memref<1x128x128xf32, #tpu.memory_space<vmem>>
      %dma_start3A_142 = tpu.memref_squeeze %dma_start3A_141 : memref<1x128x128xf32, #tpu.memory_space<vmem>> -> memref<128x128xf32, #tpu.memory_space<vmem>>
      %dma_start3A_143 = arith.constant 0 : i32
      %dma_start3A_144 = tpu.memref_slice %arg8[%dma_start3A_137, %dma_start3A_143] : memref<8x128xi32, #tpu.memory_space<vmem>> -> memref<1x128xi32, #tpu.memory_space<vmem>>
      %dma_start3A_145 = tpu.memref_squeeze %dma_start3A_144 : memref<1x128xi32, #tpu.memory_space<vmem>> -> memref<128xi32, #tpu.memory_space<vmem>>
      %dma_start3A_146 = arith.constant 0 : i32
      %dma_start3A_147 = arith.constant 0 : i32
      %dma_start3A_148 = tpu.memref_slice %arg5[%dma_start3A_146, %dma_start3A_147] : memref<20000x128xf32, #tpu.memory_space<hbm>> -> memref<20000x128xf32, #tpu.memory_space<hbm>>
      tpu.enqueue_indirect_dma source(%dma_start3A_148 : memref<20000x128xf32, #tpu.memory_space<hbm>>) target(%dma_start3A_142 : memref<128x128xf32, #tpu.memory_space<vmem>>) offsets(%dma_start3A_145 : memref<128xi32, #tpu.memory_space<vmem>>) semaphore(%arg15 : memref<!tpu.dma_semaphore, #tpu.memory_space<semaphore_mem>>)
      %dma_wait3A_149 = arith.constant 2 : i32
      %dma_wait3A_150 = arith.constant 0 : i32
      %dma_wait3A_151 = arith.constant 0 : i32
      %dma_wait3A_152 = arith.constant 0 : i32
      %dma_wait3A_153 = tpu.memref_slice %arg11[%dma_wait3A_150, %dma_wait3A_151, %dma_wait3A_152] : memref<2x128x128xf32, #tpu.memory_space<vmem>> -> memref<1x128x128xf32, #tpu.memory_space<vmem>>
      %dma_wait3A_154 = tpu.memref_squeeze %dma_wait3A_153 : memref<1x128x128xf32, #tpu.memory_space<vmem>> -> memref<128x128xf32, #tpu.memory_space<vmem>>
      %dma_wait3A_155 = arith.constant 0 : i32
      %dma_wait3A_156 = tpu.memref_slice %arg8[%dma_wait3A_149, %dma_wait3A_155] : memref<8x128xi32, #tpu.memory_space<vmem>> -> memref<1x128xi32, #tpu.memory_space<vmem>>
      %dma_wait3A_157 = tpu.memref_squeeze %dma_wait3A_156 : memref<1x128xi32, #tpu.memory_space<vmem>> -> memref<128xi32, #tpu.memory_space<vmem>>
      %dma_wait3A_158 = arith.constant 0 : i32
      %dma_wait3A_159 = arith.constant 0 : i32
      %dma_wait3A_160 = tpu.memref_slice %arg5[%dma_wait3A_158, %dma_wait3A_159] : memref<20000x128xf32, #tpu.memory_space<hbm>> -> memref<20000x128xf32, #tpu.memory_space<hbm>>
      tpu.wait_indirect_dma semaphore(%arg14 : memref<!tpu.dma_semaphore, #tpu.memory_space<semaphore_mem>>) src(%dma_wait3A_160 : memref<20000x128xf32, #tpu.memory_space<hbm>>) dst(%dma_wait3A_154 : memref<128x128xf32, #tpu.memory_space<vmem>>)
      %run_scoped3A_161 = arith.constant 0 : i32
      %run_scoped3A_162 = arith.constant 2 : i32
      "tpu.region"() ({
        %run_scoped3A_281 = tpu.sem_alloc : memref<!tpu.dma_semaphore, #tpu.memory_space<semaphore_mem>>
        %dma_start3A_282 = arith.constant 0 : i32
        %dma_start3A_283 = arith.constant 0 : i32
        %dma_start3A_284 = tpu.memref_slice %arg11[%run_scoped3A_161, %dma_start3A_282, %dma_start3A_283] : memref<2x128x128xf32, #tpu.memory_space<vmem>> -> memref<1x128x128xf32, #tpu.memory_space<vmem>>
        %dma_start3A_285 = tpu.memref_squeeze %dma_start3A_284 : memref<1x128x128xf32, #tpu.memory_space<vmem>> -> memref<128x128xf32, #tpu.memory_space<vmem>>
        %dma_start3A_286 = arith.constant 0 : i32
        %dma_start3A_287 = tpu.memref_slice %arg9[%run_scoped3A_162, %dma_start3A_286] : memref<8x128xi32, #tpu.memory_space<vmem>> -> memref<1x128xi32, #tpu.memory_space<vmem>>
        %dma_start3A_288 = tpu.memref_squeeze %dma_start3A_287 : memref<1x128xi32, #tpu.memory_space<vmem>> -> memref<128xi32, #tpu.memory_space<vmem>>
        %dma_start3A_289 = arith.constant 0 : i32
        %dma_start3A_290 = arith.constant 0 : i32
        %dma_start3A_291 = tpu.memref_slice %arg13[%dma_start3A_289, %dma_start3A_290] : memref<10240x128xf32, #tpu.memory_space<vmem_shared>> -> memref<10240x128xf32, #tpu.memory_space<vmem_shared>>
        tpu.enqueue_indirect_dma source(%dma_start3A_285 : memref<128x128xf32, #tpu.memory_space<vmem>>) target(%dma_start3A_291 : memref<10240x128xf32, #tpu.memory_space<vmem_shared>>) offsets(%dma_start3A_288 : memref<128xi32, #tpu.memory_space<vmem>>) semaphore(%run_scoped3A_281 : memref<!tpu.dma_semaphore, #tpu.memory_space<semaphore_mem>>) {add = true}
        %dma_wait3A_292 = arith.constant 0 : i32
        %dma_wait3A_293 = arith.constant 0 : i32
        %dma_wait3A_294 = tpu.memref_slice %arg11[%run_scoped3A_161, %dma_wait3A_292, %dma_wait3A_293] : memref<2x128x128xf32, #tpu.memory_space<vmem>> -> memref<1x128x128xf32, #tpu.memory_space<vmem>>
        %dma_wait3A_295 = tpu.memref_squeeze %dma_wait3A_294 : memref<1x128x128xf32, #tpu.memory_space<vmem>> -> memref<128x128xf32, #tpu.memory_space<vmem>>
        %dma_wait3A_296 = arith.constant 0 : i32
        %dma_wait3A_297 = tpu.memref_slice %arg9[%run_scoped3A_162, %dma_wait3A_296] : memref<8x128xi32, #tpu.memory_space<vmem>> -> memref<1x128xi32, #tpu.memory_space<vmem>>
        %dma_wait3A_298 = tpu.memref_squeeze %dma_wait3A_297 : memref<1x128xi32, #tpu.memory_space<vmem>> -> memref<128xi32, #tpu.memory_space<vmem>>
        %dma_wait3A_299 = arith.constant 0 : i32
        %dma_wait3A_300 = arith.constant 0 : i32
        %dma_wait3A_301 = tpu.memref_slice %arg13[%dma_wait3A_299, %dma_wait3A_300] : memref<10240x128xf32, #tpu.memory_space<vmem_shared>> -> memref<10240x128xf32, #tpu.memory_space<vmem_shared>>
        tpu.wait_indirect_dma semaphore(%run_scoped3A_281 : memref<!tpu.dma_semaphore, #tpu.memory_space<semaphore_mem>>) src(%dma_wait3A_295 : memref<128x128xf32, #tpu.memory_space<vmem>>) dst(%dma_wait3A_301 : memref<10240x128xf32, #tpu.memory_space<vmem_shared>>)
        tpu.yield
      }) : () -> ()
      %dma_start3A_163 = arith.constant 4 : i32
      %dma_start3A_164 = arith.constant 0 : i32
      %dma_start3A_165 = arith.constant 0 : i32
      %dma_start3A_166 = arith.constant 0 : i32
      %dma_start3A_167 = tpu.memref_slice %arg11[%dma_start3A_164, %dma_start3A_165, %dma_start3A_166] : memref<2x128x128xf32, #tpu.memory_space<vmem>> -> memref<1x128x128xf32, #tpu.memory_space<vmem>>
      %dma_start3A_168 = tpu.memref_squeeze %dma_start3A_167 : memref<1x128x128xf32, #tpu.memory_space<vmem>> -> memref<128x128xf32, #tpu.memory_space<vmem>>
      %dma_start3A_169 = arith.constant 0 : i32
      %dma_start3A_170 = tpu.memref_slice %arg8[%dma_start3A_163, %dma_start3A_169] : memref<8x128xi32, #tpu.memory_space<vmem>> -> memref<1x128xi32, #tpu.memory_space<vmem>>
      %dma_start3A_171 = tpu.memref_squeeze %dma_start3A_170 : memref<1x128xi32, #tpu.memory_space<vmem>> -> memref<128xi32, #tpu.memory_space<vmem>>
      %dma_start3A_172 = arith.constant 0 : i32
      %dma_start3A_173 = arith.constant 0 : i32
      %dma_start3A_174 = tpu.memref_slice %arg5[%dma_start3A_172, %dma_start3A_173] : memref<20000x128xf32, #tpu.memory_space<hbm>> -> memref<20000x128xf32, #tpu.memory_space<hbm>>
      tpu.enqueue_indirect_dma source(%dma_start3A_174 : memref<20000x128xf32, #tpu.memory_space<hbm>>) target(%dma_start3A_168 : memref<128x128xf32, #tpu.memory_space<vmem>>) offsets(%dma_start3A_171 : memref<128xi32, #tpu.memory_space<vmem>>) semaphore(%arg14 : memref<!tpu.dma_semaphore, #tpu.memory_space<semaphore_mem>>)
      %dma_wait3A_175 = arith.constant 3 : i32
      %dma_wait3A_176 = arith.constant 1 : i32
      %dma_wait3A_177 = arith.constant 0 : i32
      %dma_wait3A_178 = arith.constant 0 : i32
      %dma_wait3A_179 = tpu.memref_slice %arg11[%dma_wait3A_176, %dma_wait3A_177, %dma_wait3A_178] : memref<2x128x128xf32, #tpu.memory_space<vmem>> -> memref<1x128x128xf32, #tpu.memory_space<vmem>>
      %dma_wait3A_180 = tpu.memref_squeeze %dma_wait3A_179 : memref<1x128x128xf32, #tpu.memory_space<vmem>> -> memref<128x128xf32, #tpu.memory_space<vmem>>
      %dma_wait3A_181 = arith.constant 0 : i32
      %dma_wait3A_182 = tpu.memref_slice %arg8[%dma_wait3A_175, %dma_wait3A_181] : memref<8x128xi32, #tpu.memory_space<vmem>> -> memref<1x128xi32, #tpu.memory_space<vmem>>
      %dma_wait3A_183 = tpu.memref_squeeze %dma_wait3A_182 : memref<1x128xi32, #tpu.memory_space<vmem>> -> memref<128xi32, #tpu.memory_space<vmem>>
      %dma_wait3A_184 = arith.constant 0 : i32
      %dma_wait3A_185 = arith.constant 0 : i32
      %dma_wait3A_186 = tpu.memref_slice %arg5[%dma_wait3A_184, %dma_wait3A_185] : memref<20000x128xf32, #tpu.memory_space<hbm>> -> memref<20000x128xf32, #tpu.memory_space<hbm>>
      tpu.wait_indirect_dma semaphore(%arg15 : memref<!tpu.dma_semaphore, #tpu.memory_space<semaphore_mem>>) src(%dma_wait3A_186 : memref<20000x128xf32, #tpu.memory_space<hbm>>) dst(%dma_wait3A_180 : memref<128x128xf32, #tpu.memory_space<vmem>>)
      %run_scoped3A_187 = arith.constant 1 : i32
      %run_scoped3A_188 = arith.constant 3 : i32
      "tpu.region"() ({
        %run_scoped3A_281 = tpu.sem_alloc : memref<!tpu.dma_semaphore, #tpu.memory_space<semaphore_mem>>
        %dma_start3A_282 = arith.constant 0 : i32
        %dma_start3A_283 = arith.constant 0 : i32
        %dma_start3A_284 = tpu.memref_slice %arg11[%run_scoped3A_187, %dma_start3A_282, %dma_start3A_283] : memref<2x128x128xf32, #tpu.memory_space<vmem>> -> memref<1x128x128xf32, #tpu.memory_space<vmem>>
        %dma_start3A_285 = tpu.memref_squeeze %dma_start3A_284 : memref<1x128x128xf32, #tpu.memory_space<vmem>> -> memref<128x128xf32, #tpu.memory_space<vmem>>
        %dma_start3A_286 = arith.constant 0 : i32
        %dma_start3A_287 = tpu.memref_slice %arg9[%run_scoped3A_188, %dma_start3A_286] : memref<8x128xi32, #tpu.memory_space<vmem>> -> memref<1x128xi32, #tpu.memory_space<vmem>>
        %dma_start3A_288 = tpu.memref_squeeze %dma_start3A_287 : memref<1x128xi32, #tpu.memory_space<vmem>> -> memref<128xi32, #tpu.memory_space<vmem>>
        %dma_start3A_289 = arith.constant 0 : i32
        %dma_start3A_290 = arith.constant 0 : i32
        %dma_start3A_291 = tpu.memref_slice %arg13[%dma_start3A_289, %dma_start3A_290] : memref<10240x128xf32, #tpu.memory_space<vmem_shared>> -> memref<10240x128xf32, #tpu.memory_space<vmem_shared>>
        tpu.enqueue_indirect_dma source(%dma_start3A_285 : memref<128x128xf32, #tpu.memory_space<vmem>>) target(%dma_start3A_291 : memref<10240x128xf32, #tpu.memory_space<vmem_shared>>) offsets(%dma_start3A_288 : memref<128xi32, #tpu.memory_space<vmem>>) semaphore(%run_scoped3A_281 : memref<!tpu.dma_semaphore, #tpu.memory_space<semaphore_mem>>) {add = true}
        %dma_wait3A_292 = arith.constant 0 : i32
        %dma_wait3A_293 = arith.constant 0 : i32
        %dma_wait3A_294 = tpu.memref_slice %arg11[%run_scoped3A_187, %dma_wait3A_292, %dma_wait3A_293] : memref<2x128x128xf32, #tpu.memory_space<vmem>> -> memref<1x128x128xf32, #tpu.memory_space<vmem>>
        %dma_wait3A_295 = tpu.memref_squeeze %dma_wait3A_294 : memref<1x128x128xf32, #tpu.memory_space<vmem>> -> memref<128x128xf32, #tpu.memory_space<vmem>>
        %dma_wait3A_296 = arith.constant 0 : i32
        %dma_wait3A_297 = tpu.memref_slice %arg9[%run_scoped3A_188, %dma_wait3A_296] : memref<8x128xi32, #tpu.memory_space<vmem>> -> memref<1x128xi32, #tpu.memory_space<vmem>>
        %dma_wait3A_298 = tpu.memref_squeeze %dma_wait3A_297 : memref<1x128xi32, #tpu.memory_space<vmem>> -> memref<128xi32, #tpu.memory_space<vmem>>
        %dma_wait3A_299 = arith.constant 0 : i32
        %dma_wait3A_300 = arith.constant 0 : i32
        %dma_wait3A_301 = tpu.memref_slice %arg13[%dma_wait3A_299, %dma_wait3A_300] : memref<10240x128xf32, #tpu.memory_space<vmem_shared>> -> memref<10240x128xf32, #tpu.memory_space<vmem_shared>>
        tpu.wait_indirect_dma semaphore(%run_scoped3A_281 : memref<!tpu.dma_semaphore, #tpu.memory_space<semaphore_mem>>) src(%dma_wait3A_295 : memref<128x128xf32, #tpu.memory_space<vmem>>) dst(%dma_wait3A_301 : memref<10240x128xf32, #tpu.memory_space<vmem_shared>>)
        tpu.yield
      }) : () -> ()
      %dma_start3A_189 = arith.constant 5 : i32
      %dma_start3A_190 = arith.constant 1 : i32
      %dma_start3A_191 = arith.constant 0 : i32
      %dma_start3A_192 = arith.constant 0 : i32
      %dma_start3A_193 = tpu.memref_slice %arg11[%dma_start3A_190, %dma_start3A_191, %dma_start3A_192] : memref<2x128x128xf32, #tpu.memory_space<vmem>> -> memref<1x128x128xf32, #tpu.memory_space<vmem>>
      %dma_start3A_194 = tpu.memref_squeeze %dma_start3A_193 : memref<1x128x128xf32, #tpu.memory_space<vmem>> -> memref<128x128xf32, #tpu.memory_space<vmem>>
      %dma_start3A_195 = arith.constant 0 : i32
      %dma_start3A_196 = tpu.memref_slice %arg8[%dma_start3A_189, %dma_start3A_195] : memref<8x128xi32, #tpu.memory_space<vmem>> -> memref<1x128xi32, #tpu.memory_space<vmem>>
      %dma_start3A_197 = tpu.memref_squeeze %dma_start3A_196 : memref<1x128xi32, #tpu.memory_space<vmem>> -> memref<128xi32, #tpu.memory_space<vmem>>
      %dma_start3A_198 = arith.constant 0 : i32
      %dma_start3A_199 = arith.constant 0 : i32
      %dma_start3A_200 = tpu.memref_slice %arg5[%dma_start3A_198, %dma_start3A_199] : memref<20000x128xf32, #tpu.memory_space<hbm>> -> memref<20000x128xf32, #tpu.memory_space<hbm>>
      tpu.enqueue_indirect_dma source(%dma_start3A_200 : memref<20000x128xf32, #tpu.memory_space<hbm>>) target(%dma_start3A_194 : memref<128x128xf32, #tpu.memory_space<vmem>>) offsets(%dma_start3A_197 : memref<128xi32, #tpu.memory_space<vmem>>) semaphore(%arg15 : memref<!tpu.dma_semaphore, #tpu.memory_space<semaphore_mem>>)
      %dma_wait3A_201 = arith.constant 4 : i32
      %dma_wait3A_202 = arith.constant 0 : i32
      %dma_wait3A_203 = arith.constant 0 : i32
      %dma_wait3A_204 = arith.constant 0 : i32
      %dma_wait3A_205 = tpu.memref_slice %arg11[%dma_wait3A_202, %dma_wait3A_203, %dma_wait3A_204] : memref<2x128x128xf32, #tpu.memory_space<vmem>> -> memref<1x128x128xf32, #tpu.memory_space<vmem>>
      %dma_wait3A_206 = tpu.memref_squeeze %dma_wait3A_205 : memref<1x128x128xf32, #tpu.memory_space<vmem>> -> memref<128x128xf32, #tpu.memory_space<vmem>>
      %dma_wait3A_207 = arith.constant 0 : i32
      %dma_wait3A_208 = tpu.memref_slice %arg8[%dma_wait3A_201, %dma_wait3A_207] : memref<8x128xi32, #tpu.memory_space<vmem>> -> memref<1x128xi32, #tpu.memory_space<vmem>>
      %dma_wait3A_209 = tpu.memref_squeeze %dma_wait3A_208 : memref<1x128xi32, #tpu.memory_space<vmem>> -> memref<128xi32, #tpu.memory_space<vmem>>
      %dma_wait3A_210 = arith.constant 0 : i32
      %dma_wait3A_211 = arith.constant 0 : i32
      %dma_wait3A_212 = tpu.memref_slice %arg5[%dma_wait3A_210, %dma_wait3A_211] : memref<20000x128xf32, #tpu.memory_space<hbm>> -> memref<20000x128xf32, #tpu.memory_space<hbm>>
      tpu.wait_indirect_dma semaphore(%arg14 : memref<!tpu.dma_semaphore, #tpu.memory_space<semaphore_mem>>) src(%dma_wait3A_212 : memref<20000x128xf32, #tpu.memory_space<hbm>>) dst(%dma_wait3A_206 : memref<128x128xf32, #tpu.memory_space<vmem>>)
      %run_scoped3A_213 = arith.constant 0 : i32
      %run_scoped3A_214 = arith.constant 4 : i32
      "tpu.region"() ({
        %run_scoped3A_281 = tpu.sem_alloc : memref<!tpu.dma_semaphore, #tpu.memory_space<semaphore_mem>>
        %dma_start3A_282 = arith.constant 0 : i32
        %dma_start3A_283 = arith.constant 0 : i32
        %dma_start3A_284 = tpu.memref_slice %arg11[%run_scoped3A_213, %dma_start3A_282, %dma_start3A_283] : memref<2x128x128xf32, #tpu.memory_space<vmem>> -> memref<1x128x128xf32, #tpu.memory_space<vmem>>
        %dma_start3A_285 = tpu.memref_squeeze %dma_start3A_284 : memref<1x128x128xf32, #tpu.memory_space<vmem>> -> memref<128x128xf32, #tpu.memory_space<vmem>>
        %dma_start3A_286 = arith.constant 0 : i32
        %dma_start3A_287 = tpu.memref_slice %arg9[%run_scoped3A_214, %dma_start3A_286] : memref<8x128xi32, #tpu.memory_space<vmem>> -> memref<1x128xi32, #tpu.memory_space<vmem>>
        %dma_start3A_288 = tpu.memref_squeeze %dma_start3A_287 : memref<1x128xi32, #tpu.memory_space<vmem>> -> memref<128xi32, #tpu.memory_space<vmem>>
        %dma_start3A_289 = arith.constant 0 : i32
        %dma_start3A_290 = arith.constant 0 : i32
        %dma_start3A_291 = tpu.memref_slice %arg13[%dma_start3A_289, %dma_start3A_290] : memref<10240x128xf32, #tpu.memory_space<vmem_shared>> -> memref<10240x128xf32, #tpu.memory_space<vmem_shared>>
        tpu.enqueue_indirect_dma source(%dma_start3A_285 : memref<128x128xf32, #tpu.memory_space<vmem>>) target(%dma_start3A_291 : memref<10240x128xf32, #tpu.memory_space<vmem_shared>>) offsets(%dma_start3A_288 : memref<128xi32, #tpu.memory_space<vmem>>) semaphore(%run_scoped3A_281 : memref<!tpu.dma_semaphore, #tpu.memory_space<semaphore_mem>>) {add = true}
        %dma_wait3A_292 = arith.constant 0 : i32
        %dma_wait3A_293 = arith.constant 0 : i32
        %dma_wait3A_294 = tpu.memref_slice %arg11[%run_scoped3A_213, %dma_wait3A_292, %dma_wait3A_293] : memref<2x128x128xf32, #tpu.memory_space<vmem>> -> memref<1x128x128xf32, #tpu.memory_space<vmem>>
        %dma_wait3A_295 = tpu.memref_squeeze %dma_wait3A_294 : memref<1x128x128xf32, #tpu.memory_space<vmem>> -> memref<128x128xf32, #tpu.memory_space<vmem>>
        %dma_wait3A_296 = arith.constant 0 : i32
        %dma_wait3A_297 = tpu.memref_slice %arg9[%run_scoped3A_214, %dma_wait3A_296] : memref<8x128xi32, #tpu.memory_space<vmem>> -> memref<1x128xi32, #tpu.memory_space<vmem>>
        %dma_wait3A_298 = tpu.memref_squeeze %dma_wait3A_297 : memref<1x128xi32, #tpu.memory_space<vmem>> -> memref<128xi32, #tpu.memory_space<vmem>>
        %dma_wait3A_299 = arith.constant 0 : i32
        %dma_wait3A_300 = arith.constant 0 : i32
        %dma_wait3A_301 = tpu.memref_slice %arg13[%dma_wait3A_299, %dma_wait3A_300] : memref<10240x128xf32, #tpu.memory_space<vmem_shared>> -> memref<10240x128xf32, #tpu.memory_space<vmem_shared>>
        tpu.wait_indirect_dma semaphore(%run_scoped3A_281 : memref<!tpu.dma_semaphore, #tpu.memory_space<semaphore_mem>>) src(%dma_wait3A_295 : memref<128x128xf32, #tpu.memory_space<vmem>>) dst(%dma_wait3A_301 : memref<10240x128xf32, #tpu.memory_space<vmem_shared>>)
        tpu.yield
      }) : () -> ()
      %dma_start3A_215 = arith.constant 6 : i32
      %dma_start3A_216 = arith.constant 0 : i32
      %dma_start3A_217 = arith.constant 0 : i32
      %dma_start3A_218 = arith.constant 0 : i32
      %dma_start3A_219 = tpu.memref_slice %arg11[%dma_start3A_216, %dma_start3A_217, %dma_start3A_218] : memref<2x128x128xf32, #tpu.memory_space<vmem>> -> memref<1x128x128xf32, #tpu.memory_space<vmem>>
      %dma_start3A_220 = tpu.memref_squeeze %dma_start3A_219 : memref<1x128x128xf32, #tpu.memory_space<vmem>> -> memref<128x128xf32, #tpu.memory_space<vmem>>
      %dma_start3A_221 = arith.constant 0 : i32
      %dma_start3A_222 = tpu.memref_slice %arg8[%dma_start3A_215, %dma_start3A_221] : memref<8x128xi32, #tpu.memory_space<vmem>> -> memref<1x128xi32, #tpu.memory_space<vmem>>
      %dma_start3A_223 = tpu.memref_squeeze %dma_start3A_222 : memref<1x128xi32, #tpu.memory_space<vmem>> -> memref<128xi32, #tpu.memory_space<vmem>>
      %dma_start3A_224 = arith.constant 0 : i32
      %dma_start3A_225 = arith.constant 0 : i32
      %dma_start3A_226 = tpu.memref_slice %arg5[%dma_start3A_224, %dma_start3A_225] : memref<20000x128xf32, #tpu.memory_space<hbm>> -> memref<20000x128xf32, #tpu.memory_space<hbm>>
      tpu.enqueue_indirect_dma source(%dma_start3A_226 : memref<20000x128xf32, #tpu.memory_space<hbm>>) target(%dma_start3A_220 : memref<128x128xf32, #tpu.memory_space<vmem>>) offsets(%dma_start3A_223 : memref<128xi32, #tpu.memory_space<vmem>>) semaphore(%arg14 : memref<!tpu.dma_semaphore, #tpu.memory_space<semaphore_mem>>)
      %dma_wait3A_227 = arith.constant 5 : i32
      %dma_wait3A_228 = arith.constant 1 : i32
      %dma_wait3A_229 = arith.constant 0 : i32
      %dma_wait3A_230 = arith.constant 0 : i32
      %dma_wait3A_231 = tpu.memref_slice %arg11[%dma_wait3A_228, %dma_wait3A_229, %dma_wait3A_230] : memref<2x128x128xf32, #tpu.memory_space<vmem>> -> memref<1x128x128xf32, #tpu.memory_space<vmem>>
      %dma_wait3A_232 = tpu.memref_squeeze %dma_wait3A_231 : memref<1x128x128xf32, #tpu.memory_space<vmem>> -> memref<128x128xf32, #tpu.memory_space<vmem>>
      %dma_wait3A_233 = arith.constant 0 : i32
      %dma_wait3A_234 = tpu.memref_slice %arg8[%dma_wait3A_227, %dma_wait3A_233] : memref<8x128xi32, #tpu.memory_space<vmem>> -> memref<1x128xi32, #tpu.memory_space<vmem>>
      %dma_wait3A_235 = tpu.memref_squeeze %dma_wait3A_234 : memref<1x128xi32, #tpu.memory_space<vmem>> -> memref<128xi32, #tpu.memory_space<vmem>>
      %dma_wait3A_236 = arith.constant 0 : i32
      %dma_wait3A_237 = arith.constant 0 : i32
      %dma_wait3A_238 = tpu.memref_slice %arg5[%dma_wait3A_236, %dma_wait3A_237] : memref<20000x128xf32, #tpu.memory_space<hbm>> -> memref<20000x128xf32, #tpu.memory_space<hbm>>
      tpu.wait_indirect_dma semaphore(%arg15 : memref<!tpu.dma_semaphore, #tpu.memory_space<semaphore_mem>>) src(%dma_wait3A_238 : memref<20000x128xf32, #tpu.memory_space<hbm>>) dst(%dma_wait3A_232 : memref<128x128xf32, #tpu.memory_space<vmem>>)
      %run_scoped3A_239 = arith.constant 1 : i32
      %run_scoped3A_240 = arith.constant 5 : i32
      "tpu.region"() ({
        %run_scoped3A_281 = tpu.sem_alloc : memref<!tpu.dma_semaphore, #tpu.memory_space<semaphore_mem>>
        %dma_start3A_282 = arith.constant 0 : i32
        %dma_start3A_283 = arith.constant 0 : i32
        %dma_start3A_284 = tpu.memref_slice %arg11[%run_scoped3A_239, %dma_start3A_282, %dma_start3A_283] : memref<2x128x128xf32, #tpu.memory_space<vmem>> -> memref<1x128x128xf32, #tpu.memory_space<vmem>>
        %dma_start3A_285 = tpu.memref_squeeze %dma_start3A_284 : memref<1x128x128xf32, #tpu.memory_space<vmem>> -> memref<128x128xf32, #tpu.memory_space<vmem>>
        %dma_start3A_286 = arith.constant 0 : i32
        %dma_start3A_287 = tpu.memref_slice %arg9[%run_scoped3A_240, %dma_start3A_286] : memref<8x128xi32, #tpu.memory_space<vmem>> -> memref<1x128xi32, #tpu.memory_space<vmem>>
        %dma_start3A_288 = tpu.memref_squeeze %dma_start3A_287 : memref<1x128xi32, #tpu.memory_space<vmem>> -> memref<128xi32, #tpu.memory_space<vmem>>
        %dma_start3A_289 = arith.constant 0 : i32
        %dma_start3A_290 = arith.constant 0 : i32
        %dma_start3A_291 = tpu.memref_slice %arg13[%dma_start3A_289, %dma_start3A_290] : memref<10240x128xf32, #tpu.memory_space<vmem_shared>> -> memref<10240x128xf32, #tpu.memory_space<vmem_shared>>
        tpu.enqueue_indirect_dma source(%dma_start3A_285 : memref<128x128xf32, #tpu.memory_space<vmem>>) target(%dma_start3A_291 : memref<10240x128xf32, #tpu.memory_space<vmem_shared>>) offsets(%dma_start3A_288 : memref<128xi32, #tpu.memory_space<vmem>>) semaphore(%run_scoped3A_281 : memref<!tpu.dma_semaphore, #tpu.memory_space<semaphore_mem>>) {add = true}
        %dma_wait3A_292 = arith.constant 0 : i32
        %dma_wait3A_293 = arith.constant 0 : i32
        %dma_wait3A_294 = tpu.memref_slice %arg11[%run_scoped3A_239, %dma_wait3A_292, %dma_wait3A_293] : memref<2x128x128xf32, #tpu.memory_space<vmem>> -> memref<1x128x128xf32, #tpu.memory_space<vmem>>
        %dma_wait3A_295 = tpu.memref_squeeze %dma_wait3A_294 : memref<1x128x128xf32, #tpu.memory_space<vmem>> -> memref<128x128xf32, #tpu.memory_space<vmem>>
        %dma_wait3A_296 = arith.constant 0 : i32
        %dma_wait3A_297 = tpu.memref_slice %arg9[%run_scoped3A_240, %dma_wait3A_296] : memref<8x128xi32, #tpu.memory_space<vmem>> -> memref<1x128xi32, #tpu.memory_space<vmem>>
        %dma_wait3A_298 = tpu.memref_squeeze %dma_wait3A_297 : memref<1x128xi32, #tpu.memory_space<vmem>> -> memref<128xi32, #tpu.memory_space<vmem>>
        %dma_wait3A_299 = arith.constant 0 : i32
        %dma_wait3A_300 = arith.constant 0 : i32
        %dma_wait3A_301 = tpu.memref_slice %arg13[%dma_wait3A_299, %dma_wait3A_300] : memref<10240x128xf32, #tpu.memory_space<vmem_shared>> -> memref<10240x128xf32, #tpu.memory_space<vmem_shared>>
        tpu.wait_indirect_dma semaphore(%run_scoped3A_281 : memref<!tpu.dma_semaphore, #tpu.memory_space<semaphore_mem>>) src(%dma_wait3A_295 : memref<128x128xf32, #tpu.memory_space<vmem>>) dst(%dma_wait3A_301 : memref<10240x128xf32, #tpu.memory_space<vmem_shared>>)
        tpu.yield
      }) : () -> ()
      %dma_start3A_241 = arith.constant 7 : i32
      %dma_start3A_242 = arith.constant 1 : i32
      %dma_start3A_243 = arith.constant 0 : i32
      %dma_start3A_244 = arith.constant 0 : i32
      %dma_start3A_245 = tpu.memref_slice %arg11[%dma_start3A_242, %dma_start3A_243, %dma_start3A_244] : memref<2x128x128xf32, #tpu.memory_space<vmem>> -> memref<1x128x128xf32, #tpu.memory_space<vmem>>
      %dma_start3A_246 = tpu.memref_squeeze %dma_start3A_245 : memref<1x128x128xf32, #tpu.memory_space<vmem>> -> memref<128x128xf32, #tpu.memory_space<vmem>>
      %dma_start3A_247 = arith.constant 0 : i32
      %dma_start3A_248 = tpu.memref_slice %arg8[%dma_start3A_241, %dma_start3A_247] : memref<8x128xi32, #tpu.memory_space<vmem>> -> memref<1x128xi32, #tpu.memory_space<vmem>>
      %dma_start3A_249 = tpu.memref_squeeze %dma_start3A_248 : memref<1x128xi32, #tpu.memory_space<vmem>> -> memref<128xi32, #tpu.memory_space<vmem>>
      %dma_start3A_250 = arith.constant 0 : i32
      %dma_start3A_251 = arith.constant 0 : i32
      %dma_start3A_252 = tpu.memref_slice %arg5[%dma_start3A_250, %dma_start3A_251] : memref<20000x128xf32, #tpu.memory_space<hbm>> -> memref<20000x128xf32, #tpu.memory_space<hbm>>
      tpu.enqueue_indirect_dma source(%dma_start3A_252 : memref<20000x128xf32, #tpu.memory_space<hbm>>) target(%dma_start3A_246 : memref<128x128xf32, #tpu.memory_space<vmem>>) offsets(%dma_start3A_249 : memref<128xi32, #tpu.memory_space<vmem>>) semaphore(%arg15 : memref<!tpu.dma_semaphore, #tpu.memory_space<semaphore_mem>>)
      %dma_wait3A_253 = arith.constant 6 : i32
      %dma_wait3A_254 = arith.constant 0 : i32
      %dma_wait3A_255 = arith.constant 0 : i32
      %dma_wait3A_256 = arith.constant 0 : i32
      %dma_wait3A_257 = tpu.memref_slice %arg11[%dma_wait3A_254, %dma_wait3A_255, %dma_wait3A_256] : memref<2x128x128xf32, #tpu.memory_space<vmem>> -> memref<1x128x128xf32, #tpu.memory_space<vmem>>
      %dma_wait3A_258 = tpu.memref_squeeze %dma_wait3A_257 : memref<1x128x128xf32, #tpu.memory_space<vmem>> -> memref<128x128xf32, #tpu.memory_space<vmem>>
      %dma_wait3A_259 = arith.constant 0 : i32
      %dma_wait3A_260 = tpu.memref_slice %arg8[%dma_wait3A_253, %dma_wait3A_259] : memref<8x128xi32, #tpu.memory_space<vmem>> -> memref<1x128xi32, #tpu.memory_space<vmem>>
      %dma_wait3A_261 = tpu.memref_squeeze %dma_wait3A_260 : memref<1x128xi32, #tpu.memory_space<vmem>> -> memref<128xi32, #tpu.memory_space<vmem>>
      %dma_wait3A_262 = arith.constant 0 : i32
      %dma_wait3A_263 = arith.constant 0 : i32
      %dma_wait3A_264 = tpu.memref_slice %arg5[%dma_wait3A_262, %dma_wait3A_263] : memref<20000x128xf32, #tpu.memory_space<hbm>> -> memref<20000x128xf32, #tpu.memory_space<hbm>>
      tpu.wait_indirect_dma semaphore(%arg14 : memref<!tpu.dma_semaphore, #tpu.memory_space<semaphore_mem>>) src(%dma_wait3A_264 : memref<20000x128xf32, #tpu.memory_space<hbm>>) dst(%dma_wait3A_258 : memref<128x128xf32, #tpu.memory_space<vmem>>)
      %run_scoped3A_265 = arith.constant 0 : i32
      %run_scoped3A_266 = arith.constant 6 : i32
      "tpu.region"() ({
        %run_scoped3A_281 = tpu.sem_alloc : memref<!tpu.dma_semaphore, #tpu.memory_space<semaphore_mem>>
        %dma_start3A_282 = arith.constant 0 : i32
        %dma_start3A_283 = arith.constant 0 : i32
        %dma_start3A_284 = tpu.memref_slice %arg11[%run_scoped3A_265, %dma_start3A_282, %dma_start3A_283] : memref<2x128x128xf32, #tpu.memory_space<vmem>> -> memref<1x128x128xf32, #tpu.memory_space<vmem>>
        %dma_start3A_285 = tpu.memref_squeeze %dma_start3A_284 : memref<1x128x128xf32, #tpu.memory_space<vmem>> -> memref<128x128xf32, #tpu.memory_space<vmem>>
        %dma_start3A_286 = arith.constant 0 : i32
        %dma_start3A_287 = tpu.memref_slice %arg9[%run_scoped3A_266, %dma_start3A_286] : memref<8x128xi32, #tpu.memory_space<vmem>> -> memref<1x128xi32, #tpu.memory_space<vmem>>
        %dma_start3A_288 = tpu.memref_squeeze %dma_start3A_287 : memref<1x128xi32, #tpu.memory_space<vmem>> -> memref<128xi32, #tpu.memory_space<vmem>>
        %dma_start3A_289 = arith.constant 0 : i32
        %dma_start3A_290 = arith.constant 0 : i32
        %dma_start3A_291 = tpu.memref_slice %arg13[%dma_start3A_289, %dma_start3A_290] : memref<10240x128xf32, #tpu.memory_space<vmem_shared>> -> memref<10240x128xf32, #tpu.memory_space<vmem_shared>>
        tpu.enqueue_indirect_dma source(%dma_start3A_285 : memref<128x128xf32, #tpu.memory_space<vmem>>) target(%dma_start3A_291 : memref<10240x128xf32, #tpu.memory_space<vmem_shared>>) offsets(%dma_start3A_288 : memref<128xi32, #tpu.memory_space<vmem>>) semaphore(%run_scoped3A_281 : memref<!tpu.dma_semaphore, #tpu.memory_space<semaphore_mem>>) {add = true}
        %dma_wait3A_292 = arith.constant 0 : i32
        %dma_wait3A_293 = arith.constant 0 : i32
        %dma_wait3A_294 = tpu.memref_slice %arg11[%run_scoped3A_265, %dma_wait3A_292, %dma_wait3A_293] : memref<2x128x128xf32, #tpu.memory_space<vmem>> -> memref<1x128x128xf32, #tpu.memory_space<vmem>>
        %dma_wait3A_295 = tpu.memref_squeeze %dma_wait3A_294 : memref<1x128x128xf32, #tpu.memory_space<vmem>> -> memref<128x128xf32, #tpu.memory_space<vmem>>
        %dma_wait3A_296 = arith.constant 0 : i32
        %dma_wait3A_297 = tpu.memref_slice %arg9[%run_scoped3A_266, %dma_wait3A_296] : memref<8x128xi32, #tpu.memory_space<vmem>> -> memref<1x128xi32, #tpu.memory_space<vmem>>
        %dma_wait3A_298 = tpu.memref_squeeze %dma_wait3A_297 : memref<1x128xi32, #tpu.memory_space<vmem>> -> memref<128xi32, #tpu.memory_space<vmem>>
        %dma_wait3A_299 = arith.constant 0 : i32
        %dma_wait3A_300 = arith.constant 0 : i32
        %dma_wait3A_301 = tpu.memref_slice %arg13[%dma_wait3A_299, %dma_wait3A_300] : memref<10240x128xf32, #tpu.memory_space<vmem_shared>> -> memref<10240x128xf32, #tpu.memory_space<vmem_shared>>
        tpu.wait_indirect_dma semaphore(%run_scoped3A_281 : memref<!tpu.dma_semaphore, #tpu.memory_space<semaphore_mem>>) src(%dma_wait3A_295 : memref<128x128xf32, #tpu.memory_space<vmem>>) dst(%dma_wait3A_301 : memref<10240x128xf32, #tpu.memory_space<vmem_shared>>)
        tpu.yield
      }) : () -> ()
      %dma_wait3A_267 = arith.constant 7 : i32
      %dma_wait3A_268 = arith.constant 1 : i32
      %dma_wait3A_269 = arith.constant 0 : i32
      %dma_wait3A_270 = arith.constant 0 : i32
      %dma_wait3A_271 = tpu.memref_slice %arg11[%dma_wait3A_268, %dma_wait3A_269, %dma_wait3A_270] : memref<2x128x128xf32, #tpu.memory_space<vmem>> -> memref<1x128x128xf32, #tpu.memory_space<vmem>>
      %dma_wait3A_272 = tpu.memref_squeeze %dma_wait3A_271 : memref<1x128x128xf32, #tpu.memory_space<vmem>> -> memref<128x128xf32, #tpu.memory_space<vmem>>
      %dma_wait3A_273 = arith.constant 0 : i32
      %dma_wait3A_274 = tpu.memref_slice %arg8[%dma_wait3A_267, %dma_wait3A_273] : memref<8x128xi32, #tpu.memory_space<vmem>> -> memref<1x128xi32, #tpu.memory_space<vmem>>
      %dma_wait3A_275 = tpu.memref_squeeze %dma_wait3A_274 : memref<1x128xi32, #tpu.memory_space<vmem>> -> memref<128xi32, #tpu.memory_space<vmem>>
      %dma_wait3A_276 = arith.constant 0 : i32
      %dma_wait3A_277 = arith.constant 0 : i32
      %dma_wait3A_278 = tpu.memref_slice %arg5[%dma_wait3A_276, %dma_wait3A_277] : memref<20000x128xf32, #tpu.memory_space<hbm>> -> memref<20000x128xf32, #tpu.memory_space<hbm>>
      tpu.wait_indirect_dma semaphore(%arg15 : memref<!tpu.dma_semaphore, #tpu.memory_space<semaphore_mem>>) src(%dma_wait3A_278 : memref<20000x128xf32, #tpu.memory_space<hbm>>) dst(%dma_wait3A_272 : memref<128x128xf32, #tpu.memory_space<vmem>>)
      %run_scoped3A_279 = arith.constant 1 : i32
      %run_scoped3A_280 = arith.constant 7 : i32
      "tpu.region"() ({
        %run_scoped3A_281 = tpu.sem_alloc : memref<!tpu.dma_semaphore, #tpu.memory_space<semaphore_mem>>
        %dma_start3A_282 = arith.constant 0 : i32
        %dma_start3A_283 = arith.constant 0 : i32
        %dma_start3A_284 = tpu.memref_slice %arg11[%run_scoped3A_279, %dma_start3A_282, %dma_start3A_283] : memref<2x128x128xf32, #tpu.memory_space<vmem>> -> memref<1x128x128xf32, #tpu.memory_space<vmem>>
        %dma_start3A_285 = tpu.memref_squeeze %dma_start3A_284 : memref<1x128x128xf32, #tpu.memory_space<vmem>> -> memref<128x128xf32, #tpu.memory_space<vmem>>
        %dma_start3A_286 = arith.constant 0 : i32
        %dma_start3A_287 = tpu.memref_slice %arg9[%run_scoped3A_280, %dma_start3A_286] : memref<8x128xi32, #tpu.memory_space<vmem>> -> memref<1x128xi32, #tpu.memory_space<vmem>>
        %dma_start3A_288 = tpu.memref_squeeze %dma_start3A_287 : memref<1x128xi32, #tpu.memory_space<vmem>> -> memref<128xi32, #tpu.memory_space<vmem>>
        %dma_start3A_289 = arith.constant 0 : i32
        %dma_start3A_290 = arith.constant 0 : i32
        %dma_start3A_291 = tpu.memref_slice %arg13[%dma_start3A_289, %dma_start3A_290] : memref<10240x128xf32, #tpu.memory_space<vmem_shared>> -> memref<10240x128xf32, #tpu.memory_space<vmem_shared>>
        tpu.enqueue_indirect_dma source(%dma_start3A_285 : memref<128x128xf32, #tpu.memory_space<vmem>>) target(%dma_start3A_291 : memref<10240x128xf32, #tpu.memory_space<vmem_shared>>) offsets(%dma_start3A_288 : memref<128xi32, #tpu.memory_space<vmem>>) semaphore(%run_scoped3A_281 : memref<!tpu.dma_semaphore, #tpu.memory_space<semaphore_mem>>) {add = true}
        %dma_wait3A_292 = arith.constant 0 : i32
        %dma_wait3A_293 = arith.constant 0 : i32
        %dma_wait3A_294 = tpu.memref_slice %arg11[%run_scoped3A_279, %dma_wait3A_292, %dma_wait3A_293] : memref<2x128x128xf32, #tpu.memory_space<vmem>> -> memref<1x128x128xf32, #tpu.memory_space<vmem>>
        %dma_wait3A_295 = tpu.memref_squeeze %dma_wait3A_294 : memref<1x128x128xf32, #tpu.memory_space<vmem>> -> memref<128x128xf32, #tpu.memory_space<vmem>>
        %dma_wait3A_296 = arith.constant 0 : i32
        %dma_wait3A_297 = tpu.memref_slice %arg9[%run_scoped3A_280, %dma_wait3A_296] : memref<8x128xi32, #tpu.memory_space<vmem>> -> memref<1x128xi32, #tpu.memory_space<vmem>>
        %dma_wait3A_298 = tpu.memref_squeeze %dma_wait3A_297 : memref<1x128xi32, #tpu.memory_space<vmem>> -> memref<128xi32, #tpu.memory_space<vmem>>
        %dma_wait3A_299 = arith.constant 0 : i32
        %dma_wait3A_300 = arith.constant 0 : i32
        %dma_wait3A_301 = tpu.memref_slice %arg13[%dma_wait3A_299, %dma_wait3A_300] : memref<10240x128xf32, #tpu.memory_space<vmem_shared>> -> memref<10240x128xf32, #tpu.memory_space<vmem_shared>>
        tpu.wait_indirect_dma semaphore(%run_scoped3A_281 : memref<!tpu.dma_semaphore, #tpu.memory_space<semaphore_mem>>) src(%dma_wait3A_295 : memref<128x128xf32, #tpu.memory_space<vmem>>) dst(%dma_wait3A_301 : memref<10240x128xf32, #tpu.memory_space<vmem_shared>>)
        tpu.yield
      }) : () -> ()
    }
    %scan3A_41 = arith.constant 10 : i32
    %barrier3A_42 = arith.constant 0 : index
    tpu.barrier barrier_id(%barrier3A_42)
    %mul3A_43 = arith.constant 640 : i32
    %mul3A_44 = arith.muli %arg1, %mul3A_43 : i32
    %mul3A_45 = arith.constant 10240 : i32
    %mul3A_46 = arith.muli %arg0, %mul3A_45 : i32
    %mul3A_47 = arith.constant 640 : i32
    %mul3A_48 = arith.muli %arg1, %mul3A_47 : i32
    %add3A_49 = arith.addi %mul3A_46, %mul3A_48 : i32
    "tpu.region"() ({
      %run_scoped3A_52 = tpu.sem_alloc : memref<!tpu.dma_semaphore, #tpu.memory_space<semaphore_mem>>
      %dma_start3A = arith.constant 0 : i32
      %dma_start3A_53 = tpu.memref_slice %arg6[%add3A_49, %dma_start3A] : memref<20480x128xf32, #tpu.memory_space<hbm>> -> memref<640x128xf32, #tpu.memory_space<hbm>>
      %dma_start3A_54 = arith.constant 0 : i32
      %dma_start3A_55 = tpu.memref_slice %arg13[%mul3A_44, %dma_start3A_54] : memref<10240x128xf32, #tpu.memory_space<vmem_shared>> -> memref<640x128xf32, #tpu.memory_space<vmem_shared>>
      tpu.enqueue_dma source(%dma_start3A_55 : memref<640x128xf32, #tpu.memory_space<vmem_shared>>) target(%dma_start3A_53 : memref<640x128xf32, #tpu.memory_space<hbm>>) target_semaphore(%run_scoped3A_52 : memref<!tpu.dma_semaphore, #tpu.memory_space<semaphore_mem>>)
      %dma_wait3A = arith.constant 0 : i32
      %dma_wait3A_56 = tpu.memref_slice %arg6[%add3A_49, %dma_wait3A] : memref<20480x128xf32, #tpu.memory_space<hbm>> -> memref<640x128xf32, #tpu.memory_space<hbm>>
      %dma_wait3A_57 = arith.constant 0 : i32
      %dma_wait3A_58 = tpu.memref_slice %arg13[%mul3A_44, %dma_wait3A_57] : memref<10240x128xf32, #tpu.memory_space<vmem_shared>> -> memref<640x128xf32, #tpu.memory_space<vmem_shared>>
      tpu.wait_dma2 semaphore(%run_scoped3A_52 : memref<!tpu.dma_semaphore, #tpu.memory_space<semaphore_mem>>) src(%dma_wait3A_58 : memref<640x128xf32, #tpu.memory_space<vmem_shared>>) dst(%dma_wait3A_56 : memref<640x128xf32, #tpu.memory_space<hbm>>)
      tpu.yield
    }) : () -> ()
    %mul3A_50 = arith.constant 10240 : i32
    %mul3A_51 = arith.muli %add3A, %mul3A_50 : i32
    "tpu.region"() ({
      %run_scoped3A_52 = tpu.sem_alloc : memref<!tpu.dma_semaphore, #tpu.memory_space<semaphore_mem>>
      %dma_start3A = tpu.memref_slice %arg7[%mul3A_51] : memref<327680xi32, #tpu.memory_space<hbm>> -> memref<10240xi32, #tpu.memory_space<hbm>>
      %dma_start3A_53 = tpu.memref_slice %arg7[%mul3A_51] : memref<327680xi32, #tpu.memory_space<hbm>> -> memref<10240xi32, #tpu.memory_space<hbm>>
      tpu.enqueue_dma source(%arg12 : memref<10240xi32, #tpu.memory_space<vmem>>) target(%dma_start3A_53 : memref<10240xi32, #tpu.memory_space<hbm>>) target_semaphore(%run_scoped3A_52 : memref<!tpu.dma_semaphore, #tpu.memory_space<semaphore_mem>>)
      %dma_wait3A = tpu.memref_slice %arg7[%mul3A_51] : memref<327680xi32, #tpu.memory_space<hbm>> -> memref<10240xi32, #tpu.memory_space<hbm>>
      %dma_wait3A_54 = tpu.memref_slice %arg7[%mul3A_51] : memref<327680xi32, #tpu.memory_space<hbm>> -> memref<10240xi32, #tpu.memory_space<hbm>>
      tpu.wait_dma2 semaphore(%run_scoped3A_52 : memref<!tpu.dma_semaphore, #tpu.memory_space<semaphore_mem>>) src(%arg12 : memref<10240xi32, #tpu.memory_space<vmem>>) dst(%dma_wait3A_54 : memref<10240xi32, #tpu.memory_space<hbm>>)
      tpu.yield
    }) : () -> ()
    return
  }
}

#map = affine_map<(d0, d1) -> (0, 0)>
#map1 = affine_map<(d0, d1) -> (0)>
module attributes {stable_mosaic.version = 14 : i64} {
  func.func @_sc_body(%arg0: i32, %arg1: i32, %arg2: memref<2560x128xi32, #tpu.memory_space<hbm>>, %arg3: memref<1280x128xi32, #tpu.memory_space<hbm>>, %arg4: memref<163840xi32, #tpu.memory_space<hbm>>, %arg5: memref<20000x128xf32, #tpu.memory_space<hbm>>, %arg6: memref<20480x128xf32, #tpu.memory_space<hbm>>, %arg7: memref<327680xi32, #tpu.memory_space<hbm>>, %arg8: memref<8x128xi32, #tpu.memory_space<vmem>>, %arg9: memref<8x128xi32, #tpu.memory_space<vmem>>, %arg10: memref<1024xi32, #tpu.memory_space<vmem>>, %arg11: memref<2x128x128xf32, #tpu.memory_space<vmem>>, %arg12: memref<10240xi32, #tpu.memory_space<vmem>>, %arg13: memref<10240x128xf32, #tpu.memory_space<vmem_shared>>, %arg14: memref<!tpu.dma_semaphore, #tpu.memory_space<semaphore_mem>>, %arg15: memref<!tpu.dma_semaphore, #tpu.memory_space<semaphore_mem>>) attributes {dimension_semantics = [#tpu.dimension_semantics<core_parallel>, #tpu.dimension_semantics<subcore_parallel>], iteration_bounds = array<i64: 2, 16>, scalar_prefetch = 0 : i64, scratch_operands = 8 : i64, tpu.core_type = #tpu.core_type<sc_vector_subcore>, window_params = [{transform_indices = #map}, {transform_indices = #map}, {transform_indices = #map1}, {transform_indices = #map}, {transform_indices = #map}, {transform_indices = #map1}]} {
    %mul3A = arith.constant 16 : i32
    %mul3A_0 = arith.muli %arg0, %mul3A : i32
    %add3A = arith.addi %mul3A_0, %arg1 : i32
    %broadcast_in_dim3A = arith.constant 0.000000e+00 : f32
    %broadcast_in_dim3A_1 = vector.broadcast %broadcast_in_dim3A : f32 to vector<16xf32>
    %scan3A = arith.constant 0 : i32
    %scan3A_2 = arith.constant 128 : i32
    %scan3A_3 = arith.addi %scan3A, %scan3A_2 : i32
    %scan3A_4 = arith.constant 1 : i32
    scf.for %scan3A_52 = %scan3A to %scan3A_3 step %scan3A_4  : i32 {
      %mul3A_53 = arith.constant 1 : i32
      %mul3A_54 = arith.muli %scan3A_52, %mul3A_53 : i32
      %add3A_55 = arith.constant 0 : i32
      %add3A_56 = arith.addi %add3A_55, %mul3A_54 : i32
      %swap3A = arith.constant 0 : i32
      %swap3A_57 = arith.index_cast %swap3A : i32 to index
      %swap3A_58 = arith.index_cast %add3A_56 : i32 to index
      %swap3A_59 = arith.constant 0 : index
      %swap3A_60 = tpu.vector_load %arg11[%swap3A_57, %swap3A_58, %swap3A_59] {strides = array<i32>} : memref<2x128x128xf32, #tpu.memory_space<vmem>>, vector<1x1x16xf32>,
      %swap3A_61 = vector.shape_cast %swap3A_60 : vector<1x1x16xf32> to vector<16xf32>
      %swap3A_62 = vector.shape_cast %broadcast_in_dim3A_1 : vector<16xf32> to vector<1x1x16xf32>
      tpu.vector_store %arg11[%swap3A_57, %swap3A_58, %swap3A_59], %swap3A_62 {strides = array<i32>} : memref<2x128x128xf32, #tpu.memory_space<vmem>>, vector<1x1x16xf32>,
      %swap3A_63 = arith.constant 0 : i32
      %swap3A_64 = arith.index_cast %swap3A_63 : i32 to index
      %swap3A_65 = arith.index_cast %add3A_56 : i32 to index
      %swap3A_66 = arith.constant 16 : index
      %swap3A_67 = tpu.vector_load %arg11[%swap3A_64, %swap3A_65, %swap3A_66] {strides = array<i32>} : memref<2x128x128xf32, #tpu.memory_space<vmem>>, vector<1x1x16xf32>,
      %swap3A_68 = vector.shape_cast %swap3A_67 : vector<1x1x16xf32> to vector<16xf32>
      %swap3A_69 = vector.shape_cast %broadcast_in_dim3A_1 : vector<16xf32> to vector<1x1x16xf32>
      tpu.vector_store %arg11[%swap3A_64, %swap3A_65, %swap3A_66], %swap3A_69 {strides = array<i32>} : memref<2x128x128xf32, #tpu.memory_space<vmem>>, vector<1x1x16xf32>,
      %swap3A_70 = arith.constant 0 : i32
      %swap3A_71 = arith.index_cast %swap3A_70 : i32 to index
      %swap3A_72 = arith.index_cast %add3A_56 : i32 to index
      %swap3A_73 = arith.constant 32 : index
      %swap3A_74 = tpu.vector_load %arg11[%swap3A_71, %swap3A_72, %swap3A_73] {strides = array<i32>} : memref<2x128x128xf32, #tpu.memory_space<vmem>>, vector<1x1x16xf32>,
      %swap3A_75 = vector.shape_cast %swap3A_74 : vector<1x1x16xf32> to vector<16xf32>
      %swap3A_76 = vector.shape_cast %broadcast_in_dim3A_1 : vector<16xf32> to vector<1x1x16xf32>
      tpu.vector_store %arg11[%swap3A_71, %swap3A_72, %swap3A_73], %swap3A_76 {strides = array<i32>} : memref<2x128x128xf32, #tpu.memory_space<vmem>>, vector<1x1x16xf32>,
      %swap3A_77 = arith.constant 0 : i32
      %swap3A_78 = arith.index_cast %swap3A_77 : i32 to index
      %swap3A_79 = arith.index_cast %add3A_56 : i32 to index
      %swap3A_80 = arith.constant 48 : index
      %swap3A_81 = tpu.vector_load %arg11[%swap3A_78, %swap3A_79, %swap3A_80] {strides = array<i32>} : memref<2x128x128xf32, #tpu.memory_space<vmem>>, vector<1x1x16xf32>,
      %swap3A_82 = vector.shape_cast %swap3A_81 : vector<1x1x16xf32> to vector<16xf32>
      %swap3A_83 = vector.shape_cast %broadcast_in_dim3A_1 : vector<16xf32> to vector<1x1x16xf32>
      tpu.vector_store %arg11[%swap3A_78, %swap3A_79, %swap3A_80], %swap3A_83 {strides = array<i32>} : memref<2x128x128xf32, #tpu.memory_space<vmem>>, vector<1x1x16xf32>,
      %swap3A_84 = arith.constant 0 : i32
      %swap3A_85 = arith.index_cast %swap3A_84 : i32 to index
      %swap3A_86 = arith.index_cast %add3A_56 : i32 to index
      %swap3A_87 = arith.constant 64 : index
      %swap3A_88 = tpu.vector_load %arg11[%swap3A_85, %swap3A_86, %swap3A_87] {strides = array<i32>} : memref<2x128x128xf32, #tpu.memory_space<vmem>>, vector<1x1x16xf32>,
      %swap3A_89 = vector.shape_cast %swap3A_88 : vector<1x1x16xf32> to vector<16xf32>
      %swap3A_90 = vector.shape_cast %broadcast_in_dim3A_1 : vector<16xf32> to vector<1x1x16xf32>
      tpu.vector_store %arg11[%swap3A_85, %swap3A_86, %swap3A_87], %swap3A_90 {strides = array<i32>} : memref<2x128x128xf32, #tpu.memory_space<vmem>>, vector<1x1x16xf32>,
      %swap3A_91 = arith.constant 0 : i32
      %swap3A_92 = arith.index_cast %swap3A_91 : i32 to index
      %swap3A_93 = arith.index_cast %add3A_56 : i32 to index
      %swap3A_94 = arith.constant 80 : index
      %swap3A_95 = tpu.vector_load %arg11[%swap3A_92, %swap3A_93, %swap3A_94] {strides = array<i32>} : memref<2x128x128xf32, #tpu.memory_space<vmem>>, vector<1x1x16xf32>,
      %swap3A_96 = vector.shape_cast %swap3A_95 : vector<1x1x16xf32> to vector<16xf32>
      %swap3A_97 = vector.shape_cast %broadcast_in_dim3A_1 : vector<16xf32> to vector<1x1x16xf32>
      tpu.vector_store %arg11[%swap3A_92, %swap3A_93, %swap3A_94], %swap3A_97 {strides = array<i32>} : memref<2x128x128xf32, #tpu.memory_space<vmem>>, vector<1x1x16xf32>,
      %swap3A_98 = arith.constant 0 : i32
      %swap3A_99 = arith.index_cast %swap3A_98 : i32 to index
      %swap3A_100 = arith.index_cast %add3A_56 : i32 to index
      %swap3A_101 = arith.constant 96 : index
      %swap3A_102 = tpu.vector_load %arg11[%swap3A_99, %swap3A_100, %swap3A_101] {strides = array<i32>} : memref<2x128x128xf32, #tpu.memory_space<vmem>>, vector<1x1x16xf32>,
      %swap3A_103 = vector.shape_cast %swap3A_102 : vector<1x1x16xf32> to vector<16xf32>
      %swap3A_104 = vector.shape_cast %broadcast_in_dim3A_1 : vector<16xf32> to vector<1x1x16xf32>
      tpu.vector_store %arg11[%swap3A_99, %swap3A_100, %swap3A_101], %swap3A_104 {strides = array<i32>} : memref<2x128x128xf32, #tpu.memory_space<vmem>>, vector<1x1x16xf32>,
      %swap3A_105 = arith.constant 0 : i32
      %swap3A_106 = arith.index_cast %swap3A_105 : i32 to index
      %swap3A_107 = arith.index_cast %add3A_56 : i32 to index
      %swap3A_108 = arith.constant 112 : index
      %swap3A_109 = tpu.vector_load %arg11[%swap3A_106, %swap3A_107, %swap3A_108] {strides = array<i32>} : memref<2x128x128xf32, #tpu.memory_space<vmem>>, vector<1x1x16xf32>,
      %swap3A_110 = vector.shape_cast %swap3A_109 : vector<1x1x16xf32> to vector<16xf32>
      %swap3A_111 = vector.shape_cast %broadcast_in_dim3A_1 : vector<16xf32> to vector<1x1x16xf32>
      tpu.vector_store %arg11[%swap3A_106, %swap3A_107, %swap3A_108], %swap3A_111 {strides = array<i32>} : memref<2x128x128xf32, #tpu.memory_space<vmem>>, vector<1x1x16xf32>,
    }
    %scan3A_5 = arith.constant 128 : i32
    %mul3A_6 = arith.constant 640 : i32
    %mul3A_7 = arith.muli %arg1, %mul3A_6 : i32
    %add3A_8 = arith.constant 0 : i32
    %add3A_9 = arith.addi %mul3A_7, %add3A_8 : i32
    %run_scoped3A = arith.constant 0 : i32
    "tpu.region"() ({
      %run_scoped3A_52 = tpu.sem_alloc : memref<!tpu.dma_semaphore, #tpu.memory_space<semaphore_mem>>
      %dma_start3A = arith.constant 0 : i32
      %dma_start3A_53 = arith.constant 0 : i32
      %dma_start3A_54 = tpu.memref_slice %arg11[%run_scoped3A, %dma_start3A, %dma_start3A_53] : memref<2x128x128xf32, #tpu.memory_space<vmem>> -> memref<1x128x128xf32, #tpu.memory_space<vmem>>
      %dma_start3A_55 = tpu.memref_squeeze %dma_start3A_54 : memref<1x128x128xf32, #tpu.memory_space<vmem>> -> memref<128x128xf32, #tpu.memory_space<vmem>>
      %dma_start3A_56 = arith.constant 0 : i32
      %dma_start3A_57 = tpu.memref_slice %arg13[%add3A_9, %dma_start3A_56] : memref<10240x128xf32, #tpu.memory_space<vmem_shared>> -> memref<128x128xf32, #tpu.memory_space<vmem_shared>>
      %dma_start3A_58 = arith.constant 0 : i32
      %dma_start3A_59 = tpu.memref_slice %arg13[%add3A_9, %dma_start3A_58] : memref<10240x128xf32, #tpu.memory_space<vmem_shared>> -> memref<128x128xf32, #tpu.memory_space<vmem_shared>>
      %dma_start3A_60 = arith.constant 0 : i32
      %dma_start3A_61 = arith.constant 0 : i32
      %dma_start3A_62 = tpu.memref_slice %arg11[%run_scoped3A, %dma_start3A_60, %dma_start3A_61] : memref<2x128x128xf32, #tpu.memory_space<vmem>> -> memref<1x128x128xf32, #tpu.memory_space<vmem>>
      %dma_start3A_63 = tpu.memref_squeeze %dma_start3A_62 : memref<1x128x128xf32, #tpu.memory_space<vmem>> -> memref<128x128xf32, #tpu.memory_space<vmem>>
      tpu.enqueue_dma source(%dma_start3A_63 : memref<128x128xf32, #tpu.memory_space<vmem>>) target(%dma_start3A_59 : memref<128x128xf32, #tpu.memory_space<vmem_shared>>) target_semaphore(%run_scoped3A_52 : memref<!tpu.dma_semaphore, #tpu.memory_space<semaphore_mem>>)
      %dma_wait3A = arith.constant 0 : i32
      %dma_wait3A_64 = arith.constant 0 : i32
      %dma_wait3A_65 = tpu.memref_slice %arg11[%run_scoped3A, %dma_wait3A, %dma_wait3A_64] : memref<2x128x128xf32, #tpu.memory_space<vmem>> -> memref<1x128x128xf32, #tpu.memory_space<vmem>>
      %dma_wait3A_66 = tpu.memref_squeeze %dma_wait3A_65 : memref<1x128x128xf32, #tpu.memory_space<vmem>> -> memref<128x128xf32, #tpu.memory_space<vmem>>
      %dma_wait3A_67 = arith.constant 0 : i32
      %dma_wait3A_68 = tpu.memref_slice %arg13[%add3A_9, %dma_wait3A_67] : memref<10240x128xf32, #tpu.memory_space<vmem_shared>> -> memref<128x128xf32, #tpu.memory_space<vmem_shared>>
      %dma_wait3A_69 = arith.constant 0 : i32
      %dma_wait3A_70 = tpu.memref_slice %arg13[%add3A_9, %dma_wait3A_69] : memref<10240x128xf32, #tpu.memory_space<vmem_shared>> -> memref<128x128xf32, #tpu.memory_space<vmem_shared>>
      %dma_wait3A_71 = arith.constant 0 : i32
      %dma_wait3A_72 = arith.constant 0 : i32
      %dma_wait3A_73 = tpu.memref_slice %arg11[%run_scoped3A, %dma_wait3A_71, %dma_wait3A_72] : memref<2x128x128xf32, #tpu.memory_space<vmem>> -> memref<1x128x128xf32, #tpu.memory_space<vmem>>
      %dma_wait3A_74 = tpu.memref_squeeze %dma_wait3A_73 : memref<1x128x128xf32, #tpu.memory_space<vmem>> -> memref<128x128xf32, #tpu.memory_space<vmem>>
      tpu.wait_dma2 semaphore(%run_scoped3A_52 : memref<!tpu.dma_semaphore, #tpu.memory_space<semaphore_mem>>) src(%dma_wait3A_74 : memref<128x128xf32, #tpu.memory_space<vmem>>) dst(%dma_wait3A_70 : memref<128x128xf32, #tpu.memory_space<vmem_shared>>)
      tpu.yield
    }) : () -> ()
    %mul3A_10 = arith.constant 640 : i32
    %mul3A_11 = arith.muli %arg1, %mul3A_10 : i32
    %add3A_12 = arith.constant 128 : i32
    %add3A_13 = arith.addi %mul3A_11, %add3A_12 : i32
    %run_scoped3A_14 = arith.constant 0 : i32
    "tpu.region"() ({
      %run_scoped3A_52 = tpu.sem_alloc : memref<!tpu.dma_semaphore, #tpu.memory_space<semaphore_mem>>
      %dma_start3A = arith.constant 0 : i32
      %dma_start3A_53 = arith.constant 0 : i32
      %dma_start3A_54 = tpu.memref_slice %arg11[%run_scoped3A_14, %dma_start3A, %dma_start3A_53] : memref<2x128x128xf32, #tpu.memory_space<vmem>> -> memref<1x128x128xf32, #tpu.memory_space<vmem>>
      %dma_start3A_55 = tpu.memref_squeeze %dma_start3A_54 : memref<1x128x128xf32, #tpu.memory_space<vmem>> -> memref<128x128xf32, #tpu.memory_space<vmem>>
      %dma_start3A_56 = arith.constant 0 : i32
      %dma_start3A_57 = tpu.memref_slice %arg13[%add3A_13, %dma_start3A_56] : memref<10240x128xf32, #tpu.memory_space<vmem_shared>> -> memref<128x128xf32, #tpu.memory_space<vmem_shared>>
      %dma_start3A_58 = arith.constant 0 : i32
      %dma_start3A_59 = tpu.memref_slice %arg13[%add3A_13, %dma_start3A_58] : memref<10240x128xf32, #tpu.memory_space<vmem_shared>> -> memref<128x128xf32, #tpu.memory_space<vmem_shared>>
      %dma_start3A_60 = arith.constant 0 : i32
      %dma_start3A_61 = arith.constant 0 : i32
      %dma_start3A_62 = tpu.memref_slice %arg11[%run_scoped3A_14, %dma_start3A_60, %dma_start3A_61] : memref<2x128x128xf32, #tpu.memory_space<vmem>> -> memref<1x128x128xf32, #tpu.memory_space<vmem>>
      %dma_start3A_63 = tpu.memref_squeeze %dma_start3A_62 : memref<1x128x128xf32, #tpu.memory_space<vmem>> -> memref<128x128xf32, #tpu.memory_space<vmem>>
      tpu.enqueue_dma source(%dma_start3A_63 : memref<128x128xf32, #tpu.memory_space<vmem>>) target(%dma_start3A_59 : memref<128x128xf32, #tpu.memory_space<vmem_shared>>) target_semaphore(%run_scoped3A_52 : memref<!tpu.dma_semaphore, #tpu.memory_space<semaphore_mem>>)
      %dma_wait3A = arith.constant 0 : i32
      %dma_wait3A_64 = arith.constant 0 : i32
      %dma_wait3A_65 = tpu.memref_slice %arg11[%run_scoped3A_14, %dma_wait3A, %dma_wait3A_64] : memref<2x128x128xf32, #tpu.memory_space<vmem>> -> memref<1x128x128xf32, #tpu.memory_space<vmem>>
      %dma_wait3A_66 = tpu.memref_squeeze %dma_wait3A_65 : memref<1x128x128xf32, #tpu.memory_space<vmem>> -> memref<128x128xf32, #tpu.memory_space<vmem>>
      %dma_wait3A_67 = arith.constant 0 : i32
      %dma_wait3A_68 = tpu.memref_slice %arg13[%add3A_13, %dma_wait3A_67] : memref<10240x128xf32, #tpu.memory_space<vmem_shared>> -> memref<128x128xf32, #tpu.memory_space<vmem_shared>>
      %dma_wait3A_69 = arith.constant 0 : i32
      %dma_wait3A_70 = tpu.memref_slice %arg13[%add3A_13, %dma_wait3A_69] : memref<10240x128xf32, #tpu.memory_space<vmem_shared>> -> memref<128x128xf32, #tpu.memory_space<vmem_shared>>
      %dma_wait3A_71 = arith.constant 0 : i32
      %dma_wait3A_72 = arith.constant 0 : i32
      %dma_wait3A_73 = tpu.memref_slice %arg11[%run_scoped3A_14, %dma_wait3A_71, %dma_wait3A_72] : memref<2x128x128xf32, #tpu.memory_space<vmem>> -> memref<1x128x128xf32, #tpu.memory_space<vmem>>
      %dma_wait3A_74 = tpu.memref_squeeze %dma_wait3A_73 : memref<1x128x128xf32, #tpu.memory_space<vmem>> -> memref<128x128xf32, #tpu.memory_space<vmem>>
      tpu.wait_dma2 semaphore(%run_scoped3A_52 : memref<!tpu.dma_semaphore, #tpu.memory_space<semaphore_mem>>) src(%dma_wait3A_74 : memref<128x128xf32, #tpu.memory_space<vmem>>) dst(%dma_wait3A_70 : memref<128x128xf32, #tpu.memory_space<vmem_shared>>)
      tpu.yield
    }) : () -> ()
    %mul3A_15 = arith.constant 640 : i32
    %mul3A_16 = arith.muli %arg1, %mul3A_15 : i32
    %add3A_17 = arith.constant 256 : i32
    %add3A_18 = arith.addi %mul3A_16, %add3A_17 : i32
    %run_scoped3A_19 = arith.constant 0 : i32
    "tpu.region"() ({
      %run_scoped3A_52 = tpu.sem_alloc : memref<!tpu.dma_semaphore, #tpu.memory_space<semaphore_mem>>
      %dma_start3A = arith.constant 0 : i32
      %dma_start3A_53 = arith.constant 0 : i32
      %dma_start3A_54 = tpu.memref_slice %arg11[%run_scoped3A_19, %dma_start3A, %dma_start3A_53] : memref<2x128x128xf32, #tpu.memory_space<vmem>> -> memref<1x128x128xf32, #tpu.memory_space<vmem>>
      %dma_start3A_55 = tpu.memref_squeeze %dma_start3A_54 : memref<1x128x128xf32, #tpu.memory_space<vmem>> -> memref<128x128xf32, #tpu.memory_space<vmem>>
      %dma_start3A_56 = arith.constant 0 : i32
      %dma_start3A_57 = tpu.memref_slice %arg13[%add3A_18, %dma_start3A_56] : memref<10240x128xf32, #tpu.memory_space<vmem_shared>> -> memref<128x128xf32, #tpu.memory_space<vmem_shared>>
      %dma_start3A_58 = arith.constant 0 : i32
      %dma_start3A_59 = tpu.memref_slice %arg13[%add3A_18, %dma_start3A_58] : memref<10240x128xf32, #tpu.memory_space<vmem_shared>> -> memref<128x128xf32, #tpu.memory_space<vmem_shared>>
      %dma_start3A_60 = arith.constant 0 : i32
      %dma_start3A_61 = arith.constant 0 : i32
      %dma_start3A_62 = tpu.memref_slice %arg11[%run_scoped3A_19, %dma_start3A_60, %dma_start3A_61] : memref<2x128x128xf32, #tpu.memory_space<vmem>> -> memref<1x128x128xf32, #tpu.memory_space<vmem>>
      %dma_start3A_63 = tpu.memref_squeeze %dma_start3A_62 : memref<1x128x128xf32, #tpu.memory_space<vmem>> -> memref<128x128xf32, #tpu.memory_space<vmem>>
      tpu.enqueue_dma source(%dma_start3A_63 : memref<128x128xf32, #tpu.memory_space<vmem>>) target(%dma_start3A_59 : memref<128x128xf32, #tpu.memory_space<vmem_shared>>) target_semaphore(%run_scoped3A_52 : memref<!tpu.dma_semaphore, #tpu.memory_space<semaphore_mem>>)
      %dma_wait3A = arith.constant 0 : i32
      %dma_wait3A_64 = arith.constant 0 : i32
      %dma_wait3A_65 = tpu.memref_slice %arg11[%run_scoped3A_19, %dma_wait3A, %dma_wait3A_64] : memref<2x128x128xf32, #tpu.memory_space<vmem>> -> memref<1x128x128xf32, #tpu.memory_space<vmem>>
      %dma_wait3A_66 = tpu.memref_squeeze %dma_wait3A_65 : memref<1x128x128xf32, #tpu.memory_space<vmem>> -> memref<128x128xf32, #tpu.memory_space<vmem>>
      %dma_wait3A_67 = arith.constant 0 : i32
      %dma_wait3A_68 = tpu.memref_slice %arg13[%add3A_18, %dma_wait3A_67] : memref<10240x128xf32, #tpu.memory_space<vmem_shared>> -> memref<128x128xf32, #tpu.memory_space<vmem_shared>>
      %dma_wait3A_69 = arith.constant 0 : i32
      %dma_wait3A_70 = tpu.memref_slice %arg13[%add3A_18, %dma_wait3A_69] : memref<10240x128xf32, #tpu.memory_space<vmem_shared>> -> memref<128x128xf32, #tpu.memory_space<vmem_shared>>
      %dma_wait3A_71 = arith.constant 0 : i32
      %dma_wait3A_72 = arith.constant 0 : i32
      %dma_wait3A_73 = tpu.memref_slice %arg11[%run_scoped3A_19, %dma_wait3A_71, %dma_wait3A_72] : memref<2x128x128xf32, #tpu.memory_space<vmem>> -> memref<1x128x128xf32, #tpu.memory_space<vmem>>
      %dma_wait3A_74 = tpu.memref_squeeze %dma_wait3A_73 : memref<1x128x128xf32, #tpu.memory_space<vmem>> -> memref<128x128xf32, #tpu.memory_space<vmem>>
      tpu.wait_dma2 semaphore(%run_scoped3A_52 : memref<!tpu.dma_semaphore, #tpu.memory_space<semaphore_mem>>) src(%dma_wait3A_74 : memref<128x128xf32, #tpu.memory_space<vmem>>) dst(%dma_wait3A_70 : memref<128x128xf32, #tpu.memory_space<vmem_shared>>)
      tpu.yield
    }) : () -> ()
    %mul3A_20 = arith.constant 640 : i32
    %mul3A_21 = arith.muli %arg1, %mul3A_20 : i32
    %add3A_22 = arith.constant 384 : i32
    %add3A_23 = arith.addi %mul3A_21, %add3A_22 : i32
    %run_scoped3A_24 = arith.constant 0 : i32
    "tpu.region"() ({
      %run_scoped3A_52 = tpu.sem_alloc : memref<!tpu.dma_semaphore, #tpu.memory_space<semaphore_mem>>
      %dma_start3A = arith.constant 0 : i32
      %dma_start3A_53 = arith.constant 0 : i32
      %dma_start3A_54 = tpu.memref_slice %arg11[%run_scoped3A_24, %dma_start3A, %dma_start3A_53] : memref<2x128x128xf32, #tpu.memory_space<vmem>> -> memref<1x128x128xf32, #tpu.memory_space<vmem>>
      %dma_start3A_55 = tpu.memref_squeeze %dma_start3A_54 : memref<1x128x128xf32, #tpu.memory_space<vmem>> -> memref<128x128xf32, #tpu.memory_space<vmem>>
      %dma_start3A_56 = arith.constant 0 : i32
      %dma_start3A_57 = tpu.memref_slice %arg13[%add3A_23, %dma_start3A_56] : memref<10240x128xf32, #tpu.memory_space<vmem_shared>> -> memref<128x128xf32, #tpu.memory_space<vmem_shared>>
      %dma_start3A_58 = arith.constant 0 : i32
      %dma_start3A_59 = tpu.memref_slice %arg13[%add3A_23, %dma_start3A_58] : memref<10240x128xf32, #tpu.memory_space<vmem_shared>> -> memref<128x128xf32, #tpu.memory_space<vmem_shared>>
      %dma_start3A_60 = arith.constant 0 : i32
      %dma_start3A_61 = arith.constant 0 : i32
      %dma_start3A_62 = tpu.memref_slice %arg11[%run_scoped3A_24, %dma_start3A_60, %dma_start3A_61] : memref<2x128x128xf32, #tpu.memory_space<vmem>> -> memref<1x128x128xf32, #tpu.memory_space<vmem>>
      %dma_start3A_63 = tpu.memref_squeeze %dma_start3A_62 : memref<1x128x128xf32, #tpu.memory_space<vmem>> -> memref<128x128xf32, #tpu.memory_space<vmem>>
      tpu.enqueue_dma source(%dma_start3A_63 : memref<128x128xf32, #tpu.memory_space<vmem>>) target(%dma_start3A_59 : memref<128x128xf32, #tpu.memory_space<vmem_shared>>) target_semaphore(%run_scoped3A_52 : memref<!tpu.dma_semaphore, #tpu.memory_space<semaphore_mem>>)
      %dma_wait3A = arith.constant 0 : i32
      %dma_wait3A_64 = arith.constant 0 : i32
      %dma_wait3A_65 = tpu.memref_slice %arg11[%run_scoped3A_24, %dma_wait3A, %dma_wait3A_64] : memref<2x128x128xf32, #tpu.memory_space<vmem>> -> memref<1x128x128xf32, #tpu.memory_space<vmem>>
      %dma_wait3A_66 = tpu.memref_squeeze %dma_wait3A_65 : memref<1x128x128xf32, #tpu.memory_space<vmem>> -> memref<128x128xf32, #tpu.memory_space<vmem>>
      %dma_wait3A_67 = arith.constant 0 : i32
      %dma_wait3A_68 = tpu.memref_slice %arg13[%add3A_23, %dma_wait3A_67] : memref<10240x128xf32, #tpu.memory_space<vmem_shared>> -> memref<128x128xf32, #tpu.memory_space<vmem_shared>>
      %dma_wait3A_69 = arith.constant 0 : i32
      %dma_wait3A_70 = tpu.memref_slice %arg13[%add3A_23, %dma_wait3A_69] : memref<10240x128xf32, #tpu.memory_space<vmem_shared>> -> memref<128x128xf32, #tpu.memory_space<vmem_shared>>
      %dma_wait3A_71 = arith.constant 0 : i32
      %dma_wait3A_72 = arith.constant 0 : i32
      %dma_wait3A_73 = tpu.memref_slice %arg11[%run_scoped3A_24, %dma_wait3A_71, %dma_wait3A_72] : memref<2x128x128xf32, #tpu.memory_space<vmem>> -> memref<1x128x128xf32, #tpu.memory_space<vmem>>
      %dma_wait3A_74 = tpu.memref_squeeze %dma_wait3A_73 : memref<1x128x128xf32, #tpu.memory_space<vmem>> -> memref<128x128xf32, #tpu.memory_space<vmem>>
      tpu.wait_dma2 semaphore(%run_scoped3A_52 : memref<!tpu.dma_semaphore, #tpu.memory_space<semaphore_mem>>) src(%dma_wait3A_74 : memref<128x128xf32, #tpu.memory_space<vmem>>) dst(%dma_wait3A_70 : memref<128x128xf32, #tpu.memory_space<vmem_shared>>)
      tpu.yield
    }) : () -> ()
    %mul3A_25 = arith.constant 640 : i32
    %mul3A_26 = arith.muli %arg1, %mul3A_25 : i32
    %add3A_27 = arith.constant 512 : i32
    %add3A_28 = arith.addi %mul3A_26, %add3A_27 : i32
    %run_scoped3A_29 = arith.constant 0 : i32
    "tpu.region"() ({
      %run_scoped3A_52 = tpu.sem_alloc : memref<!tpu.dma_semaphore, #tpu.memory_space<semaphore_mem>>
      %dma_start3A = arith.constant 0 : i32
      %dma_start3A_53 = arith.constant 0 : i32
      %dma_start3A_54 = tpu.memref_slice %arg11[%run_scoped3A_29, %dma_start3A, %dma_start3A_53] : memref<2x128x128xf32, #tpu.memory_space<vmem>> -> memref<1x128x128xf32, #tpu.memory_space<vmem>>
      %dma_start3A_55 = tpu.memref_squeeze %dma_start3A_54 : memref<1x128x128xf32, #tpu.memory_space<vmem>> -> memref<128x128xf32, #tpu.memory_space<vmem>>
      %dma_start3A_56 = arith.constant 0 : i32
      %dma_start3A_57 = tpu.memref_slice %arg13[%add3A_28, %dma_start3A_56] : memref<10240x128xf32, #tpu.memory_space<vmem_shared>> -> memref<128x128xf32, #tpu.memory_space<vmem_shared>>
      %dma_start3A_58 = arith.constant 0 : i32
      %dma_start3A_59 = tpu.memref_slice %arg13[%add3A_28, %dma_start3A_58] : memref<10240x128xf32, #tpu.memory_space<vmem_shared>> -> memref<128x128xf32, #tpu.memory_space<vmem_shared>>
      %dma_start3A_60 = arith.constant 0 : i32
      %dma_start3A_61 = arith.constant 0 : i32
      %dma_start3A_62 = tpu.memref_slice %arg11[%run_scoped3A_29, %dma_start3A_60, %dma_start3A_61] : memref<2x128x128xf32, #tpu.memory_space<vmem>> -> memref<1x128x128xf32, #tpu.memory_space<vmem>>
      %dma_start3A_63 = tpu.memref_squeeze %dma_start3A_62 : memref<1x128x128xf32, #tpu.memory_space<vmem>> -> memref<128x128xf32, #tpu.memory_space<vmem>>
      tpu.enqueue_dma source(%dma_start3A_63 : memref<128x128xf32, #tpu.memory_space<vmem>>) target(%dma_start3A_59 : memref<128x128xf32, #tpu.memory_space<vmem_shared>>) target_semaphore(%run_scoped3A_52 : memref<!tpu.dma_semaphore, #tpu.memory_space<semaphore_mem>>)
      %dma_wait3A = arith.constant 0 : i32
      %dma_wait3A_64 = arith.constant 0 : i32
      %dma_wait3A_65 = tpu.memref_slice %arg11[%run_scoped3A_29, %dma_wait3A, %dma_wait3A_64] : memref<2x128x128xf32, #tpu.memory_space<vmem>> -> memref<1x128x128xf32, #tpu.memory_space<vmem>>
      %dma_wait3A_66 = tpu.memref_squeeze %dma_wait3A_65 : memref<1x128x128xf32, #tpu.memory_space<vmem>> -> memref<128x128xf32, #tpu.memory_space<vmem>>
      %dma_wait3A_67 = arith.constant 0 : i32
      %dma_wait3A_68 = tpu.memref_slice %arg13[%add3A_28, %dma_wait3A_67] : memref<10240x128xf32, #tpu.memory_space<vmem_shared>> -> memref<128x128xf32, #tpu.memory_space<vmem_shared>>
      %dma_wait3A_69 = arith.constant 0 : i32
      %dma_wait3A_70 = tpu.memref_slice %arg13[%add3A_28, %dma_wait3A_69] : memref<10240x128xf32, #tpu.memory_space<vmem_shared>> -> memref<128x128xf32, #tpu.memory_space<vmem_shared>>
      %dma_wait3A_71 = arith.constant 0 : i32
      %dma_wait3A_72 = arith.constant 0 : i32
      %dma_wait3A_73 = tpu.memref_slice %arg11[%run_scoped3A_29, %dma_wait3A_71, %dma_wait3A_72] : memref<2x128x128xf32, #tpu.memory_space<vmem>> -> memref<1x128x128xf32, #tpu.memory_space<vmem>>
      %dma_wait3A_74 = tpu.memref_squeeze %dma_wait3A_73 : memref<1x128x128xf32, #tpu.memory_space<vmem>> -> memref<128x128xf32, #tpu.memory_space<vmem>>
      tpu.wait_dma2 semaphore(%run_scoped3A_52 : memref<!tpu.dma_semaphore, #tpu.memory_space<semaphore_mem>>) src(%dma_wait3A_74 : memref<128x128xf32, #tpu.memory_space<vmem>>) dst(%dma_wait3A_70 : memref<128x128xf32, #tpu.memory_space<vmem_shared>>)
      tpu.yield
    }) : () -> ()
    %broadcast_in_dim3A_30 = arith.constant 0 : i32
    %broadcast_in_dim3A_31 = vector.broadcast %broadcast_in_dim3A_30 : i32 to vector<16xi32>
    %scan3A_32 = arith.constant 0 : i32
    %scan3A_33 = arith.constant 640 : i32
    %scan3A_34 = arith.addi %scan3A_32, %scan3A_33 : i32
    %scan3A_35 = arith.constant 1 : i32
    scf.for %scan3A_52 = %scan3A_32 to %scan3A_34 step %scan3A_35  : i32 {
      %mul3A_53 = arith.constant 1 : i32
      %mul3A_54 = arith.muli %scan3A_52, %mul3A_53 : i32
      %add3A_55 = arith.constant 0 : i32
      %add3A_56 = arith.addi %add3A_55, %mul3A_54 : i32
      %mul3A_57 = arith.constant 16 : i32
      %mul3A_58 = arith.muli %add3A_56, %mul3A_57 : i32
      %swap3A = arith.index_cast %mul3A_58 : i32 to index
      %swap3A_59 = tpu.vector_load %arg12[%swap3A] {strides = array<i32>} : memref<10240xi32, #tpu.memory_space<vmem>>, vector<16xi32>,
      %swap3A_60 = vector.shape_cast %swap3A_59 : vector<16xi32> to vector<16xi32>
      %swap3A_61 = vector.shape_cast %broadcast_in_dim3A_31 : vector<16xi32> to vector<16xi32>
      tpu.vector_store %arg12[%swap3A], %swap3A_61 {strides = array<i32>} : memref<10240xi32, #tpu.memory_space<vmem>>, vector<16xi32>,
    }
    %scan3A_36 = arith.constant 640 : i32
    %barrier3A = arith.constant 0 : index
    tpu.barrier barrier_id(%barrier3A)
    %iota3A = tpu.iota {dimensions = array<i32: 0>} : vector<16xi32>
    %scan3A_37 = arith.constant 0 : i32
    %scan3A_38 = arith.constant 10 : i32
    %scan3A_39 = arith.addi %scan3A_37, %scan3A_38 : i32
    %scan3A_40 = arith.constant 1 : i32
    scf.for %scan3A_52 = %scan3A_37 to %scan3A_39 step %scan3A_40  : i32 {
      %mul3A_53 = arith.constant 1 : i32
      %mul3A_54 = arith.muli %scan3A_52, %mul3A_53 : i32
      %add3A_55 = arith.constant 0 : i32
      %add3A_56 = arith.addi %add3A_55, %mul3A_54 : i32
      %mul3A_57 = arith.constant 8 : i32
      %mul3A_58 = arith.muli %add3A_56, %mul3A_57 : i32
      %mul3A_59 = arith.constant 80 : i32
      %mul3A_60 = arith.muli %add3A, %mul3A_59 : i32
      %add3A_61 = arith.addi %mul3A_60, %mul3A_58 : i32
      "tpu.region"() ({
        %run_scoped3A_281 = tpu.sem_alloc : memref<!tpu.dma_semaphore, #tpu.memory_space<semaphore_mem>>
        %dma_start3A_282 = arith.constant 0 : i32
        %dma_start3A_283 = tpu.memref_slice %arg2[%add3A_61, %dma_start3A_282] : memref<2560x128xi32, #tpu.memory_space<hbm>> -> memref<8x128xi32, #tpu.memory_space<hbm>>
        %dma_start3A_284 = arith.constant 0 : i32
        %dma_start3A_285 = tpu.memref_slice %arg2[%add3A_61, %dma_start3A_284] : memref<2560x128xi32, #tpu.memory_space<hbm>> -> memref<8x128xi32, #tpu.memory_space<hbm>>
        tpu.enqueue_dma source(%dma_start3A_285 : memref<8x128xi32, #tpu.memory_space<hbm>>) target(%arg8 : memref<8x128xi32, #tpu.memory_space<vmem>>) target_semaphore(%run_scoped3A_281 : memref<!tpu.dma_semaphore, #tpu.memory_space<semaphore_mem>>)
        %dma_wait3A_286 = arith.constant 0 : i32
        %dma_wait3A_287 = tpu.memref_slice %arg2[%add3A_61, %dma_wait3A_286] : memref<2560x128xi32, #tpu.memory_space<hbm>> -> memref<8x128xi32, #tpu.memory_space<hbm>>
        %dma_wait3A_288 = arith.constant 0 : i32
        %dma_wait3A_289 = tpu.memref_slice %arg2[%add3A_61, %dma_wait3A_288] : memref<2560x128xi32, #tpu.memory_space<hbm>> -> memref<8x128xi32, #tpu.memory_space<hbm>>
        tpu.wait_dma2 semaphore(%run_scoped3A_281 : memref<!tpu.dma_semaphore, #tpu.memory_space<semaphore_mem>>) src(%dma_wait3A_289 : memref<8x128xi32, #tpu.memory_space<hbm>>) dst(%arg8 : memref<8x128xi32, #tpu.memory_space<vmem>>)
        tpu.yield
      }) : () -> ()
      %mul3A_62 = arith.constant 80 : i32
      %mul3A_63 = arith.muli %arg1, %mul3A_62 : i32
      %add3A_64 = arith.addi %mul3A_63, %mul3A_58 : i32
      "tpu.region"() ({
        %run_scoped3A_281 = tpu.sem_alloc : memref<!tpu.dma_semaphore, #tpu.memory_space<semaphore_mem>>
        %dma_start3A_282 = arith.constant 0 : i32
        %dma_start3A_283 = tpu.memref_slice %arg3[%add3A_64, %dma_start3A_282] : memref<1280x128xi32, #tpu.memory_space<hbm>> -> memref<8x128xi32, #tpu.memory_space<hbm>>
        %dma_start3A_284 = arith.constant 0 : i32
        %dma_start3A_285 = tpu.memref_slice %arg3[%add3A_64, %dma_start3A_284] : memref<1280x128xi32, #tpu.memory_space<hbm>> -> memref<8x128xi32, #tpu.memory_space<hbm>>
        tpu.enqueue_dma source(%dma_start3A_285 : memref<8x128xi32, #tpu.memory_space<hbm>>) target(%arg9 : memref<8x128xi32, #tpu.memory_space<vmem>>) target_semaphore(%run_scoped3A_281 : memref<!tpu.dma_semaphore, #tpu.memory_space<semaphore_mem>>)
        %dma_wait3A_286 = arith.constant 0 : i32
        %dma_wait3A_287 = tpu.memref_slice %arg3[%add3A_64, %dma_wait3A_286] : memref<1280x128xi32, #tpu.memory_space<hbm>> -> memref<8x128xi32, #tpu.memory_space<hbm>>
        %dma_wait3A_288 = arith.constant 0 : i32
        %dma_wait3A_289 = tpu.memref_slice %arg3[%add3A_64, %dma_wait3A_288] : memref<1280x128xi32, #tpu.memory_space<hbm>> -> memref<8x128xi32, #tpu.memory_space<hbm>>
        tpu.wait_dma2 semaphore(%run_scoped3A_281 : memref<!tpu.dma_semaphore, #tpu.memory_space<semaphore_mem>>) src(%dma_wait3A_289 : memref<8x128xi32, #tpu.memory_space<hbm>>) dst(%arg9 : memref<8x128xi32, #tpu.memory_space<vmem>>)
        tpu.yield
      }) : () -> ()
      %mul3A_65 = arith.constant 10240 : i32
      %mul3A_66 = arith.muli %arg1, %mul3A_65 : i32
      %mul3A_67 = arith.constant 128 : i32
      %mul3A_68 = arith.muli %mul3A_58, %mul3A_67 : i32
      %add3A_69 = arith.addi %mul3A_66, %mul3A_68 : i32
      "tpu.region"() ({
        %run_scoped3A_281 = tpu.sem_alloc : memref<!tpu.dma_semaphore, #tpu.memory_space<semaphore_mem>>
        %dma_start3A_282 = tpu.memref_slice %arg4[%add3A_69] : memref<163840xi32, #tpu.memory_space<hbm>> -> memref<1024xi32, #tpu.memory_space<hbm>>
        %dma_start3A_283 = tpu.memref_slice %arg4[%add3A_69] : memref<163840xi32, #tpu.memory_space<hbm>> -> memref<1024xi32, #tpu.memory_space<hbm>>
        tpu.enqueue_dma source(%dma_start3A_283 : memref<1024xi32, #tpu.memory_space<hbm>>) target(%arg10 : memref<1024xi32, #tpu.memory_space<vmem>>) target_semaphore(%run_scoped3A_281 : memref<!tpu.dma_semaphore, #tpu.memory_space<semaphore_mem>>)
        %dma_wait3A_284 = tpu.memref_slice %arg4[%add3A_69] : memref<163840xi32, #tpu.memory_space<hbm>> -> memref<1024xi32, #tpu.memory_space<hbm>>
        %dma_wait3A_285 = tpu.memref_slice %arg4[%add3A_69] : memref<163840xi32, #tpu.memory_space<hbm>> -> memref<1024xi32, #tpu.memory_space<hbm>>
        tpu.wait_dma2 semaphore(%run_scoped3A_281 : memref<!tpu.dma_semaphore, #tpu.memory_space<semaphore_mem>>) src(%dma_wait3A_285 : memref<1024xi32, #tpu.memory_space<hbm>>) dst(%arg10 : memref<1024xi32, #tpu.memory_space<vmem>>)
        tpu.yield
      }) : () -> ()
      %dma_start3A = arith.constant 0 : i32
      %dma_start3A_70 = arith.constant 0 : i32
      %dma_start3A_71 = arith.constant 0 : i32
      %dma_start3A_72 = arith.constant 0 : i32
      %dma_start3A_73 = tpu.memref_slice %arg11[%dma_start3A_70, %dma_start3A_71, %dma_start3A_72] : memref<2x128x128xf32, #tpu.memory_space<vmem>> -> memref<1x128x128xf32, #tpu.memory_space<vmem>>
      %dma_start3A_74 = tpu.memref_squeeze %dma_start3A_73 : memref<1x128x128xf32, #tpu.memory_space<vmem>> -> memref<128x128xf32, #tpu.memory_space<vmem>>
      %dma_start3A_75 = arith.constant 0 : i32
      %dma_start3A_76 = tpu.memref_slice %arg8[%dma_start3A, %dma_start3A_75] : memref<8x128xi32, #tpu.memory_space<vmem>> -> memref<1x128xi32, #tpu.memory_space<vmem>>
      %dma_start3A_77 = tpu.memref_squeeze %dma_start3A_76 : memref<1x128xi32, #tpu.memory_space<vmem>> -> memref<128xi32, #tpu.memory_space<vmem>>
      %dma_start3A_78 = arith.constant 0 : i32
      %dma_start3A_79 = arith.constant 0 : i32
      %dma_start3A_80 = tpu.memref_slice %arg5[%dma_start3A_78, %dma_start3A_79] : memref<20000x128xf32, #tpu.memory_space<hbm>> -> memref<20000x128xf32, #tpu.memory_space<hbm>>
      tpu.enqueue_indirect_dma source(%dma_start3A_80 : memref<20000x128xf32, #tpu.memory_space<hbm>>) target(%dma_start3A_74 : memref<128x128xf32, #tpu.memory_space<vmem>>) offsets(%dma_start3A_77 : memref<128xi32, #tpu.memory_space<vmem>>) semaphore(%arg14 : memref<!tpu.dma_semaphore, #tpu.memory_space<semaphore_mem>>)
      %dma_start3A_81 = arith.constant 1 : i32
      %dma_start3A_82 = arith.constant 1 : i32
      %dma_start3A_83 = arith.constant 0 : i32
      %dma_start3A_84 = arith.constant 0 : i32
      %dma_start3A_85 = tpu.memref_slice %arg11[%dma_start3A_82, %dma_start3A_83, %dma_start3A_84] : memref<2x128x128xf32, #tpu.memory_space<vmem>> -> memref<1x128x128xf32, #tpu.memory_space<vmem>>
      %dma_start3A_86 = tpu.memref_squeeze %dma_start3A_85 : memref<1x128x128xf32, #tpu.memory_space<vmem>> -> memref<128x128xf32, #tpu.memory_space<vmem>>
      %dma_start3A_87 = arith.constant 0 : i32
      %dma_start3A_88 = tpu.memref_slice %arg8[%dma_start3A_81, %dma_start3A_87] : memref<8x128xi32, #tpu.memory_space<vmem>> -> memref<1x128xi32, #tpu.memory_space<vmem>>
      %dma_start3A_89 = tpu.memref_squeeze %dma_start3A_88 : memref<1x128xi32, #tpu.memory_space<vmem>> -> memref<128xi32, #tpu.memory_space<vmem>>
      %dma_start3A_90 = arith.constant 0 : i32
      %dma_start3A_91 = arith.constant 0 : i32
      %dma_start3A_92 = tpu.memref_slice %arg5[%dma_start3A_90, %dma_start3A_91] : memref<20000x128xf32, #tpu.memory_space<hbm>> -> memref<20000x128xf32, #tpu.memory_space<hbm>>
      tpu.enqueue_indirect_dma source(%dma_start3A_92 : memref<20000x128xf32, #tpu.memory_space<hbm>>) target(%dma_start3A_86 : memref<128x128xf32, #tpu.memory_space<vmem>>) offsets(%dma_start3A_89 : memref<128xi32, #tpu.memory_space<vmem>>) semaphore(%arg15 : memref<!tpu.dma_semaphore, #tpu.memory_space<semaphore_mem>>)
      %scan3A_93 = arith.constant 0 : i32
      %scan3A_94 = arith.constant 64 : i32
      %scan3A_95 = arith.addi %scan3A_93, %scan3A_94 : i32
      %scan3A_96 = arith.constant 1 : i32
      scf.for %scan3A_281 = %scan3A_93 to %scan3A_95 step %scan3A_96  : i32 {
        %mul3A_282 = arith.constant 1 : i32
        %mul3A_283 = arith.muli %scan3A_281, %mul3A_282 : i32
        %add3A_284 = arith.constant 0 : i32
        %add3A_285 = arith.addi %add3A_284, %mul3A_283 : i32
        %mul3A_286 = arith.constant 16 : i32
        %mul3A_287 = arith.muli %add3A_285, %mul3A_286 : i32
        %get3A = arith.index_cast %mul3A_287 : i32 to index
        %get3A_288 = tpu.vector_load %arg10[%get3A] {strides = array<i32>} : memref<1024xi32, #tpu.memory_space<vmem>>, vector<16xi32>,
        %get3A_289 = vector.shape_cast %get3A_288 : vector<16xi32> to vector<16xi32>
        %slice3A = vector.extract_strided_slice %get3A_289 {offsets = [0], sizes = [1], strides = [1]} : vector<16xi32> to vector<1xi32>
        %squeeze3A = vector.extract %slice3A[0] : i32 from vector<1xi32>
        %shift_right_arithmetic3A = arith.constant 4 : i32
        %shift_right_arithmetic3A_290 = arith.shrsi %squeeze3A, %shift_right_arithmetic3A : i32
        %shift_left3A = arith.constant 4 : i32
        %shift_left3A_291 = arith.shli %shift_right_arithmetic3A_290, %shift_left3A : i32
        %get3A_292 = arith.index_cast %shift_left3A_291 : i32 to index
        %get3A_293 = tpu.vector_load %arg12[%get3A_292] {strides = array<i32>} : memref<10240xi32, #tpu.memory_space<vmem>>, vector<16xi32>,
        %get3A_294 = vector.shape_cast %get3A_293 : vector<16xi32> to vector<16xi32>
        %sub3A = arith.subi %squeeze3A, %shift_left3A_291 : i32
        %eq3A = vector.broadcast %sub3A : i32 to vector<16xi32>
        %eq3A_295 = arith.cmpi eq, %iota3A, %eq3A : vector<16xi32>
        %jit3A = arith.constant 1 : i32
        %jit3A_296 = arith.constant 0 : i32
        %broadcast_in_dim3A_297 = vector.broadcast %jit3A : i32 to vector<16xi32>
        %broadcast_in_dim3A_298 = vector.broadcast %jit3A_296 : i32 to vector<16xi32>
        %select_n3A = arith.select %eq3A_295, %broadcast_in_dim3A_297, %broadcast_in_dim3A_298 : vector<16xi1>, vector<16xi32>
        %add3A_299 = arith.addi %get3A_294, %select_n3A : vector<16xi32>
        %swap3A = arith.index_cast %shift_left3A_291 : i32 to index
        %swap3A_300 = tpu.vector_load %arg12[%swap3A] {strides = array<i32>} : memref<10240xi32, #tpu.memory_space<vmem>>, vector<16xi32>,
        %swap3A_301 = vector.shape_cast %swap3A_300 : vector<16xi32> to vector<16xi32>
        %swap3A_302 = vector.shape_cast %add3A_299 : vector<16xi32> to vector<16xi32>
        tpu.vector_store %arg12[%swap3A], %swap3A_302 {strides = array<i32>} : memref<10240xi32, #tpu.memory_space<vmem>>, vector<16xi32>,
        %slice3A_303 = vector.extract_strided_slice %get3A_289 {offsets = [1], sizes = [1], strides = [1]} : vector<16xi32> to vector<1xi32>
        %squeeze3A_304 = vector.extract %slice3A_303[0] : i32 from vector<1xi32>
        %shift_right_arithmetic3A_305 = arith.constant 4 : i32
        %shift_right_arithmetic3A_306 = arith.shrsi %squeeze3A_304, %shift_right_arithmetic3A_305 : i32
        %shift_left3A_307 = arith.constant 4 : i32
        %shift_left3A_308 = arith.shli %shift_right_arithmetic3A_306, %shift_left3A_307 : i32
        %get3A_309 = arith.index_cast %shift_left3A_308 : i32 to index
        %get3A_310 = tpu.vector_load %arg12[%get3A_309] {strides = array<i32>} : memref<10240xi32, #tpu.memory_space<vmem>>, vector<16xi32>,
        %get3A_311 = vector.shape_cast %get3A_310 : vector<16xi32> to vector<16xi32>
        %sub3A_312 = arith.subi %squeeze3A_304, %shift_left3A_308 : i32
        %eq3A_313 = vector.broadcast %sub3A_312 : i32 to vector<16xi32>
        %eq3A_314 = arith.cmpi eq, %iota3A, %eq3A_313 : vector<16xi32>
        %jit3A_315 = arith.constant 1 : i32
        %jit3A_316 = arith.constant 0 : i32
        %broadcast_in_dim3A_317 = vector.broadcast %jit3A_315 : i32 to vector<16xi32>
        %broadcast_in_dim3A_318 = vector.broadcast %jit3A_316 : i32 to vector<16xi32>
        %select_n3A_319 = arith.select %eq3A_314, %broadcast_in_dim3A_317, %broadcast_in_dim3A_318 : vector<16xi1>, vector<16xi32>
        %add3A_320 = arith.addi %get3A_311, %select_n3A_319 : vector<16xi32>
        %swap3A_321 = arith.index_cast %shift_left3A_308 : i32 to index
        %swap3A_322 = tpu.vector_load %arg12[%swap3A_321] {strides = array<i32>} : memref<10240xi32, #tpu.memory_space<vmem>>, vector<16xi32>,
        %swap3A_323 = vector.shape_cast %swap3A_322 : vector<16xi32> to vector<16xi32>
        %swap3A_324 = vector.shape_cast %add3A_320 : vector<16xi32> to vector<16xi32>
        tpu.vector_store %arg12[%swap3A_321], %swap3A_324 {strides = array<i32>} : memref<10240xi32, #tpu.memory_space<vmem>>, vector<16xi32>,
        %slice3A_325 = vector.extract_strided_slice %get3A_289 {offsets = [2], sizes = [1], strides = [1]} : vector<16xi32> to vector<1xi32>
        %squeeze3A_326 = vector.extract %slice3A_325[0] : i32 from vector<1xi32>
        %shift_right_arithmetic3A_327 = arith.constant 4 : i32
        %shift_right_arithmetic3A_328 = arith.shrsi %squeeze3A_326, %shift_right_arithmetic3A_327 : i32
        %shift_left3A_329 = arith.constant 4 : i32
        %shift_left3A_330 = arith.shli %shift_right_arithmetic3A_328, %shift_left3A_329 : i32
        %get3A_331 = arith.index_cast %shift_left3A_330 : i32 to index
        %get3A_332 = tpu.vector_load %arg12[%get3A_331] {strides = array<i32>} : memref<10240xi32, #tpu.memory_space<vmem>>, vector<16xi32>,
        %get3A_333 = vector.shape_cast %get3A_332 : vector<16xi32> to vector<16xi32>
        %sub3A_334 = arith.subi %squeeze3A_326, %shift_left3A_330 : i32
        %eq3A_335 = vector.broadcast %sub3A_334 : i32 to vector<16xi32>
        %eq3A_336 = arith.cmpi eq, %iota3A, %eq3A_335 : vector<16xi32>
        %jit3A_337 = arith.constant 1 : i32
        %jit3A_338 = arith.constant 0 : i32
        %broadcast_in_dim3A_339 = vector.broadcast %jit3A_337 : i32 to vector<16xi32>
        %broadcast_in_dim3A_340 = vector.broadcast %jit3A_338 : i32 to vector<16xi32>
        %select_n3A_341 = arith.select %eq3A_336, %broadcast_in_dim3A_339, %broadcast_in_dim3A_340 : vector<16xi1>, vector<16xi32>
        %add3A_342 = arith.addi %get3A_333, %select_n3A_341 : vector<16xi32>
        %swap3A_343 = arith.index_cast %shift_left3A_330 : i32 to index
        %swap3A_344 = tpu.vector_load %arg12[%swap3A_343] {strides = array<i32>} : memref<10240xi32, #tpu.memory_space<vmem>>, vector<16xi32>,
        %swap3A_345 = vector.shape_cast %swap3A_344 : vector<16xi32> to vector<16xi32>
        %swap3A_346 = vector.shape_cast %add3A_342 : vector<16xi32> to vector<16xi32>
        tpu.vector_store %arg12[%swap3A_343], %swap3A_346 {strides = array<i32>} : memref<10240xi32, #tpu.memory_space<vmem>>, vector<16xi32>,
        %slice3A_347 = vector.extract_strided_slice %get3A_289 {offsets = [3], sizes = [1], strides = [1]} : vector<16xi32> to vector<1xi32>
        %squeeze3A_348 = vector.extract %slice3A_347[0] : i32 from vector<1xi32>
        %shift_right_arithmetic3A_349 = arith.constant 4 : i32
        %shift_right_arithmetic3A_350 = arith.shrsi %squeeze3A_348, %shift_right_arithmetic3A_349 : i32
        %shift_left3A_351 = arith.constant 4 : i32
        %shift_left3A_352 = arith.shli %shift_right_arithmetic3A_350, %shift_left3A_351 : i32
        %get3A_353 = arith.index_cast %shift_left3A_352 : i32 to index
        %get3A_354 = tpu.vector_load %arg12[%get3A_353] {strides = array<i32>} : memref<10240xi32, #tpu.memory_space<vmem>>, vector<16xi32>,
        %get3A_355 = vector.shape_cast %get3A_354 : vector<16xi32> to vector<16xi32>
        %sub3A_356 = arith.subi %squeeze3A_348, %shift_left3A_352 : i32
        %eq3A_357 = vector.broadcast %sub3A_356 : i32 to vector<16xi32>
        %eq3A_358 = arith.cmpi eq, %iota3A, %eq3A_357 : vector<16xi32>
        %jit3A_359 = arith.constant 1 : i32
        %jit3A_360 = arith.constant 0 : i32
        %broadcast_in_dim3A_361 = vector.broadcast %jit3A_359 : i32 to vector<16xi32>
        %broadcast_in_dim3A_362 = vector.broadcast %jit3A_360 : i32 to vector<16xi32>
        %select_n3A_363 = arith.select %eq3A_358, %broadcast_in_dim3A_361, %broadcast_in_dim3A_362 : vector<16xi1>, vector<16xi32>
        %add3A_364 = arith.addi %get3A_355, %select_n3A_363 : vector<16xi32>
        %swap3A_365 = arith.index_cast %shift_left3A_352 : i32 to index
        %swap3A_366 = tpu.vector_load %arg12[%swap3A_365] {strides = array<i32>} : memref<10240xi32, #tpu.memory_space<vmem>>, vector<16xi32>,
        %swap3A_367 = vector.shape_cast %swap3A_366 : vector<16xi32> to vector<16xi32>
        %swap3A_368 = vector.shape_cast %add3A_364 : vector<16xi32> to vector<16xi32>
        tpu.vector_store %arg12[%swap3A_365], %swap3A_368 {strides = array<i32>} : memref<10240xi32, #tpu.memory_space<vmem>>, vector<16xi32>,
        %slice3A_369 = vector.extract_strided_slice %get3A_289 {offsets = [4], sizes = [1], strides = [1]} : vector<16xi32> to vector<1xi32>
        %squeeze3A_370 = vector.extract %slice3A_369[0] : i32 from vector<1xi32>
        %shift_right_arithmetic3A_371 = arith.constant 4 : i32
        %shift_right_arithmetic3A_372 = arith.shrsi %squeeze3A_370, %shift_right_arithmetic3A_371 : i32
        %shift_left3A_373 = arith.constant 4 : i32
        %shift_left3A_374 = arith.shli %shift_right_arithmetic3A_372, %shift_left3A_373 : i32
        %get3A_375 = arith.index_cast %shift_left3A_374 : i32 to index
        %get3A_376 = tpu.vector_load %arg12[%get3A_375] {strides = array<i32>} : memref<10240xi32, #tpu.memory_space<vmem>>, vector<16xi32>,
        %get3A_377 = vector.shape_cast %get3A_376 : vector<16xi32> to vector<16xi32>
        %sub3A_378 = arith.subi %squeeze3A_370, %shift_left3A_374 : i32
        %eq3A_379 = vector.broadcast %sub3A_378 : i32 to vector<16xi32>
        %eq3A_380 = arith.cmpi eq, %iota3A, %eq3A_379 : vector<16xi32>
        %jit3A_381 = arith.constant 1 : i32
        %jit3A_382 = arith.constant 0 : i32
        %broadcast_in_dim3A_383 = vector.broadcast %jit3A_381 : i32 to vector<16xi32>
        %broadcast_in_dim3A_384 = vector.broadcast %jit3A_382 : i32 to vector<16xi32>
        %select_n3A_385 = arith.select %eq3A_380, %broadcast_in_dim3A_383, %broadcast_in_dim3A_384 : vector<16xi1>, vector<16xi32>
        %add3A_386 = arith.addi %get3A_377, %select_n3A_385 : vector<16xi32>
        %swap3A_387 = arith.index_cast %shift_left3A_374 : i32 to index
        %swap3A_388 = tpu.vector_load %arg12[%swap3A_387] {strides = array<i32>} : memref<10240xi32, #tpu.memory_space<vmem>>, vector<16xi32>,
        %swap3A_389 = vector.shape_cast %swap3A_388 : vector<16xi32> to vector<16xi32>
        %swap3A_390 = vector.shape_cast %add3A_386 : vector<16xi32> to vector<16xi32>
        tpu.vector_store %arg12[%swap3A_387], %swap3A_390 {strides = array<i32>} : memref<10240xi32, #tpu.memory_space<vmem>>, vector<16xi32>,
        %slice3A_391 = vector.extract_strided_slice %get3A_289 {offsets = [5], sizes = [1], strides = [1]} : vector<16xi32> to vector<1xi32>
        %squeeze3A_392 = vector.extract %slice3A_391[0] : i32 from vector<1xi32>
        %shift_right_arithmetic3A_393 = arith.constant 4 : i32
        %shift_right_arithmetic3A_394 = arith.shrsi %squeeze3A_392, %shift_right_arithmetic3A_393 : i32
        %shift_left3A_395 = arith.constant 4 : i32
        %shift_left3A_396 = arith.shli %shift_right_arithmetic3A_394, %shift_left3A_395 : i32
        %get3A_397 = arith.index_cast %shift_left3A_396 : i32 to index
        %get3A_398 = tpu.vector_load %arg12[%get3A_397] {strides = array<i32>} : memref<10240xi32, #tpu.memory_space<vmem>>, vector<16xi32>,
        %get3A_399 = vector.shape_cast %get3A_398 : vector<16xi32> to vector<16xi32>
        %sub3A_400 = arith.subi %squeeze3A_392, %shift_left3A_396 : i32
        %eq3A_401 = vector.broadcast %sub3A_400 : i32 to vector<16xi32>
        %eq3A_402 = arith.cmpi eq, %iota3A, %eq3A_401 : vector<16xi32>
        %jit3A_403 = arith.constant 1 : i32
        %jit3A_404 = arith.constant 0 : i32
        %broadcast_in_dim3A_405 = vector.broadcast %jit3A_403 : i32 to vector<16xi32>
        %broadcast_in_dim3A_406 = vector.broadcast %jit3A_404 : i32 to vector<16xi32>
        %select_n3A_407 = arith.select %eq3A_402, %broadcast_in_dim3A_405, %broadcast_in_dim3A_406 : vector<16xi1>, vector<16xi32>
        %add3A_408 = arith.addi %get3A_399, %select_n3A_407 : vector<16xi32>
        %swap3A_409 = arith.index_cast %shift_left3A_396 : i32 to index
        %swap3A_410 = tpu.vector_load %arg12[%swap3A_409] {strides = array<i32>} : memref<10240xi32, #tpu.memory_space<vmem>>, vector<16xi32>,
        %swap3A_411 = vector.shape_cast %swap3A_410 : vector<16xi32> to vector<16xi32>
        %swap3A_412 = vector.shape_cast %add3A_408 : vector<16xi32> to vector<16xi32>
        tpu.vector_store %arg12[%swap3A_409], %swap3A_412 {strides = array<i32>} : memref<10240xi32, #tpu.memory_space<vmem>>, vector<16xi32>,
        %slice3A_413 = vector.extract_strided_slice %get3A_289 {offsets = [6], sizes = [1], strides = [1]} : vector<16xi32> to vector<1xi32>
        %squeeze3A_414 = vector.extract %slice3A_413[0] : i32 from vector<1xi32>
        %shift_right_arithmetic3A_415 = arith.constant 4 : i32
        %shift_right_arithmetic3A_416 = arith.shrsi %squeeze3A_414, %shift_right_arithmetic3A_415 : i32
        %shift_left3A_417 = arith.constant 4 : i32
        %shift_left3A_418 = arith.shli %shift_right_arithmetic3A_416, %shift_left3A_417 : i32
        %get3A_419 = arith.index_cast %shift_left3A_418 : i32 to index
        %get3A_420 = tpu.vector_load %arg12[%get3A_419] {strides = array<i32>} : memref<10240xi32, #tpu.memory_space<vmem>>, vector<16xi32>,
        %get3A_421 = vector.shape_cast %get3A_420 : vector<16xi32> to vector<16xi32>
        %sub3A_422 = arith.subi %squeeze3A_414, %shift_left3A_418 : i32
        %eq3A_423 = vector.broadcast %sub3A_422 : i32 to vector<16xi32>
        %eq3A_424 = arith.cmpi eq, %iota3A, %eq3A_423 : vector<16xi32>
        %jit3A_425 = arith.constant 1 : i32
        %jit3A_426 = arith.constant 0 : i32
        %broadcast_in_dim3A_427 = vector.broadcast %jit3A_425 : i32 to vector<16xi32>
        %broadcast_in_dim3A_428 = vector.broadcast %jit3A_426 : i32 to vector<16xi32>
        %select_n3A_429 = arith.select %eq3A_424, %broadcast_in_dim3A_427, %broadcast_in_dim3A_428 : vector<16xi1>, vector<16xi32>
        %add3A_430 = arith.addi %get3A_421, %select_n3A_429 : vector<16xi32>
        %swap3A_431 = arith.index_cast %shift_left3A_418 : i32 to index
        %swap3A_432 = tpu.vector_load %arg12[%swap3A_431] {strides = array<i32>} : memref<10240xi32, #tpu.memory_space<vmem>>, vector<16xi32>,
        %swap3A_433 = vector.shape_cast %swap3A_432 : vector<16xi32> to vector<16xi32>
        %swap3A_434 = vector.shape_cast %add3A_430 : vector<16xi32> to vector<16xi32>
        tpu.vector_store %arg12[%swap3A_431], %swap3A_434 {strides = array<i32>} : memref<10240xi32, #tpu.memory_space<vmem>>, vector<16xi32>,
        %slice3A_435 = vector.extract_strided_slice %get3A_289 {offsets = [7], sizes = [1], strides = [1]} : vector<16xi32> to vector<1xi32>
        %squeeze3A_436 = vector.extract %slice3A_435[0] : i32 from vector<1xi32>
        %shift_right_arithmetic3A_437 = arith.constant 4 : i32
        %shift_right_arithmetic3A_438 = arith.shrsi %squeeze3A_436, %shift_right_arithmetic3A_437 : i32
        %shift_left3A_439 = arith.constant 4 : i32
        %shift_left3A_440 = arith.shli %shift_right_arithmetic3A_438, %shift_left3A_439 : i32
        %get3A_441 = arith.index_cast %shift_left3A_440 : i32 to index
        %get3A_442 = tpu.vector_load %arg12[%get3A_441] {strides = array<i32>} : memref<10240xi32, #tpu.memory_space<vmem>>, vector<16xi32>,
        %get3A_443 = vector.shape_cast %get3A_442 : vector<16xi32> to vector<16xi32>
        %sub3A_444 = arith.subi %squeeze3A_436, %shift_left3A_440 : i32
        %eq3A_445 = vector.broadcast %sub3A_444 : i32 to vector<16xi32>
        %eq3A_446 = arith.cmpi eq, %iota3A, %eq3A_445 : vector<16xi32>
        %jit3A_447 = arith.constant 1 : i32
        %jit3A_448 = arith.constant 0 : i32
        %broadcast_in_dim3A_449 = vector.broadcast %jit3A_447 : i32 to vector<16xi32>
        %broadcast_in_dim3A_450 = vector.broadcast %jit3A_448 : i32 to vector<16xi32>
        %select_n3A_451 = arith.select %eq3A_446, %broadcast_in_dim3A_449, %broadcast_in_dim3A_450 : vector<16xi1>, vector<16xi32>
        %add3A_452 = arith.addi %get3A_443, %select_n3A_451 : vector<16xi32>
        %swap3A_453 = arith.index_cast %shift_left3A_440 : i32 to index
        %swap3A_454 = tpu.vector_load %arg12[%swap3A_453] {strides = array<i32>} : memref<10240xi32, #tpu.memory_space<vmem>>, vector<16xi32>,
        %swap3A_455 = vector.shape_cast %swap3A_454 : vector<16xi32> to vector<16xi32>
        %swap3A_456 = vector.shape_cast %add3A_452 : vector<16xi32> to vector<16xi32>
        tpu.vector_store %arg12[%swap3A_453], %swap3A_456 {strides = array<i32>} : memref<10240xi32, #tpu.memory_space<vmem>>, vector<16xi32>,
        %slice3A_457 = vector.extract_strided_slice %get3A_289 {offsets = [8], sizes = [1], strides = [1]} : vector<16xi32> to vector<1xi32>
        %squeeze3A_458 = vector.extract %slice3A_457[0] : i32 from vector<1xi32>
        %shift_right_arithmetic3A_459 = arith.constant 4 : i32
        %shift_right_arithmetic3A_460 = arith.shrsi %squeeze3A_458, %shift_right_arithmetic3A_459 : i32
        %shift_left3A_461 = arith.constant 4 : i32
        %shift_left3A_462 = arith.shli %shift_right_arithmetic3A_460, %shift_left3A_461 : i32
        %get3A_463 = arith.index_cast %shift_left3A_462 : i32 to index
        %get3A_464 = tpu.vector_load %arg12[%get3A_463] {strides = array<i32>} : memref<10240xi32, #tpu.memory_space<vmem>>, vector<16xi32>,
        %get3A_465 = vector.shape_cast %get3A_464 : vector<16xi32> to vector<16xi32>
        %sub3A_466 = arith.subi %squeeze3A_458, %shift_left3A_462 : i32
        %eq3A_467 = vector.broadcast %sub3A_466 : i32 to vector<16xi32>
        %eq3A_468 = arith.cmpi eq, %iota3A, %eq3A_467 : vector<16xi32>
        %jit3A_469 = arith.constant 1 : i32
        %jit3A_470 = arith.constant 0 : i32
        %broadcast_in_dim3A_471 = vector.broadcast %jit3A_469 : i32 to vector<16xi32>
        %broadcast_in_dim3A_472 = vector.broadcast %jit3A_470 : i32 to vector<16xi32>
        %select_n3A_473 = arith.select %eq3A_468, %broadcast_in_dim3A_471, %broadcast_in_dim3A_472 : vector<16xi1>, vector<16xi32>
        %add3A_474 = arith.addi %get3A_465, %select_n3A_473 : vector<16xi32>
        %swap3A_475 = arith.index_cast %shift_left3A_462 : i32 to index
        %swap3A_476 = tpu.vector_load %arg12[%swap3A_475] {strides = array<i32>} : memref<10240xi32, #tpu.memory_space<vmem>>, vector<16xi32>,
        %swap3A_477 = vector.shape_cast %swap3A_476 : vector<16xi32> to vector<16xi32>
        %swap3A_478 = vector.shape_cast %add3A_474 : vector<16xi32> to vector<16xi32>
        tpu.vector_store %arg12[%swap3A_475], %swap3A_478 {strides = array<i32>} : memref<10240xi32, #tpu.memory_space<vmem>>, vector<16xi32>,
        %slice3A_479 = vector.extract_strided_slice %get3A_289 {offsets = [9], sizes = [1], strides = [1]} : vector<16xi32> to vector<1xi32>
        %squeeze3A_480 = vector.extract %slice3A_479[0] : i32 from vector<1xi32>
        %shift_right_arithmetic3A_481 = arith.constant 4 : i32
        %shift_right_arithmetic3A_482 = arith.shrsi %squeeze3A_480, %shift_right_arithmetic3A_481 : i32
        %shift_left3A_483 = arith.constant 4 : i32
        %shift_left3A_484 = arith.shli %shift_right_arithmetic3A_482, %shift_left3A_483 : i32
        %get3A_485 = arith.index_cast %shift_left3A_484 : i32 to index
        %get3A_486 = tpu.vector_load %arg12[%get3A_485] {strides = array<i32>} : memref<10240xi32, #tpu.memory_space<vmem>>, vector<16xi32>,
        %get3A_487 = vector.shape_cast %get3A_486 : vector<16xi32> to vector<16xi32>
        %sub3A_488 = arith.subi %squeeze3A_480, %shift_left3A_484 : i32
        %eq3A_489 = vector.broadcast %sub3A_488 : i32 to vector<16xi32>
        %eq3A_490 = arith.cmpi eq, %iota3A, %eq3A_489 : vector<16xi32>
        %jit3A_491 = arith.constant 1 : i32
        %jit3A_492 = arith.constant 0 : i32
        %broadcast_in_dim3A_493 = vector.broadcast %jit3A_491 : i32 to vector<16xi32>
        %broadcast_in_dim3A_494 = vector.broadcast %jit3A_492 : i32 to vector<16xi32>
        %select_n3A_495 = arith.select %eq3A_490, %broadcast_in_dim3A_493, %broadcast_in_dim3A_494 : vector<16xi1>, vector<16xi32>
        %add3A_496 = arith.addi %get3A_487, %select_n3A_495 : vector<16xi32>
        %swap3A_497 = arith.index_cast %shift_left3A_484 : i32 to index
        %swap3A_498 = tpu.vector_load %arg12[%swap3A_497] {strides = array<i32>} : memref<10240xi32, #tpu.memory_space<vmem>>, vector<16xi32>,
        %swap3A_499 = vector.shape_cast %swap3A_498 : vector<16xi32> to vector<16xi32>
        %swap3A_500 = vector.shape_cast %add3A_496 : vector<16xi32> to vector<16xi32>
        tpu.vector_store %arg12[%swap3A_497], %swap3A_500 {strides = array<i32>} : memref<10240xi32, #tpu.memory_space<vmem>>, vector<16xi32>,
        %slice3A_501 = vector.extract_strided_slice %get3A_289 {offsets = [10], sizes = [1], strides = [1]} : vector<16xi32> to vector<1xi32>
        %squeeze3A_502 = vector.extract %slice3A_501[0] : i32 from vector<1xi32>
        %shift_right_arithmetic3A_503 = arith.constant 4 : i32
        %shift_right_arithmetic3A_504 = arith.shrsi %squeeze3A_502, %shift_right_arithmetic3A_503 : i32
        %shift_left3A_505 = arith.constant 4 : i32
        %shift_left3A_506 = arith.shli %shift_right_arithmetic3A_504, %shift_left3A_505 : i32
        %get3A_507 = arith.index_cast %shift_left3A_506 : i32 to index
        %get3A_508 = tpu.vector_load %arg12[%get3A_507] {strides = array<i32>} : memref<10240xi32, #tpu.memory_space<vmem>>, vector<16xi32>,
        %get3A_509 = vector.shape_cast %get3A_508 : vector<16xi32> to vector<16xi32>
        %sub3A_510 = arith.subi %squeeze3A_502, %shift_left3A_506 : i32
        %eq3A_511 = vector.broadcast %sub3A_510 : i32 to vector<16xi32>
        %eq3A_512 = arith.cmpi eq, %iota3A, %eq3A_511 : vector<16xi32>
        %jit3A_513 = arith.constant 1 : i32
        %jit3A_514 = arith.constant 0 : i32
        %broadcast_in_dim3A_515 = vector.broadcast %jit3A_513 : i32 to vector<16xi32>
        %broadcast_in_dim3A_516 = vector.broadcast %jit3A_514 : i32 to vector<16xi32>
        %select_n3A_517 = arith.select %eq3A_512, %broadcast_in_dim3A_515, %broadcast_in_dim3A_516 : vector<16xi1>, vector<16xi32>
        %add3A_518 = arith.addi %get3A_509, %select_n3A_517 : vector<16xi32>
        %swap3A_519 = arith.index_cast %shift_left3A_506 : i32 to index
        %swap3A_520 = tpu.vector_load %arg12[%swap3A_519] {strides = array<i32>} : memref<10240xi32, #tpu.memory_space<vmem>>, vector<16xi32>,
        %swap3A_521 = vector.shape_cast %swap3A_520 : vector<16xi32> to vector<16xi32>
        %swap3A_522 = vector.shape_cast %add3A_518 : vector<16xi32> to vector<16xi32>
        tpu.vector_store %arg12[%swap3A_519], %swap3A_522 {strides = array<i32>} : memref<10240xi32, #tpu.memory_space<vmem>>, vector<16xi32>,
        %slice3A_523 = vector.extract_strided_slice %get3A_289 {offsets = [11], sizes = [1], strides = [1]} : vector<16xi32> to vector<1xi32>
        %squeeze3A_524 = vector.extract %slice3A_523[0] : i32 from vector<1xi32>
        %shift_right_arithmetic3A_525 = arith.constant 4 : i32
        %shift_right_arithmetic3A_526 = arith.shrsi %squeeze3A_524, %shift_right_arithmetic3A_525 : i32
        %shift_left3A_527 = arith.constant 4 : i32
        %shift_left3A_528 = arith.shli %shift_right_arithmetic3A_526, %shift_left3A_527 : i32
        %get3A_529 = arith.index_cast %shift_left3A_528 : i32 to index
        %get3A_530 = tpu.vector_load %arg12[%get3A_529] {strides = array<i32>} : memref<10240xi32, #tpu.memory_space<vmem>>, vector<16xi32>,
        %get3A_531 = vector.shape_cast %get3A_530 : vector<16xi32> to vector<16xi32>
        %sub3A_532 = arith.subi %squeeze3A_524, %shift_left3A_528 : i32
        %eq3A_533 = vector.broadcast %sub3A_532 : i32 to vector<16xi32>
        %eq3A_534 = arith.cmpi eq, %iota3A, %eq3A_533 : vector<16xi32>
        %jit3A_535 = arith.constant 1 : i32
        %jit3A_536 = arith.constant 0 : i32
        %broadcast_in_dim3A_537 = vector.broadcast %jit3A_535 : i32 to vector<16xi32>
        %broadcast_in_dim3A_538 = vector.broadcast %jit3A_536 : i32 to vector<16xi32>
        %select_n3A_539 = arith.select %eq3A_534, %broadcast_in_dim3A_537, %broadcast_in_dim3A_538 : vector<16xi1>, vector<16xi32>
        %add3A_540 = arith.addi %get3A_531, %select_n3A_539 : vector<16xi32>
        %swap3A_541 = arith.index_cast %shift_left3A_528 : i32 to index
        %swap3A_542 = tpu.vector_load %arg12[%swap3A_541] {strides = array<i32>} : memref<10240xi32, #tpu.memory_space<vmem>>, vector<16xi32>,
        %swap3A_543 = vector.shape_cast %swap3A_542 : vector<16xi32> to vector<16xi32>
        %swap3A_544 = vector.shape_cast %add3A_540 : vector<16xi32> to vector<16xi32>
        tpu.vector_store %arg12[%swap3A_541], %swap3A_544 {strides = array<i32>} : memref<10240xi32, #tpu.memory_space<vmem>>, vector<16xi32>,
        %slice3A_545 = vector.extract_strided_slice %get3A_289 {offsets = [12], sizes = [1], strides = [1]} : vector<16xi32> to vector<1xi32>
        %squeeze3A_546 = vector.extract %slice3A_545[0] : i32 from vector<1xi32>
        %shift_right_arithmetic3A_547 = arith.constant 4 : i32
        %shift_right_arithmetic3A_548 = arith.shrsi %squeeze3A_546, %shift_right_arithmetic3A_547 : i32
        %shift_left3A_549 = arith.constant 4 : i32
        %shift_left3A_550 = arith.shli %shift_right_arithmetic3A_548, %shift_left3A_549 : i32
        %get3A_551 = arith.index_cast %shift_left3A_550 : i32 to index
        %get3A_552 = tpu.vector_load %arg12[%get3A_551] {strides = array<i32>} : memref<10240xi32, #tpu.memory_space<vmem>>, vector<16xi32>,
        %get3A_553 = vector.shape_cast %get3A_552 : vector<16xi32> to vector<16xi32>
        %sub3A_554 = arith.subi %squeeze3A_546, %shift_left3A_550 : i32
        %eq3A_555 = vector.broadcast %sub3A_554 : i32 to vector<16xi32>
        %eq3A_556 = arith.cmpi eq, %iota3A, %eq3A_555 : vector<16xi32>
        %jit3A_557 = arith.constant 1 : i32
        %jit3A_558 = arith.constant 0 : i32
        %broadcast_in_dim3A_559 = vector.broadcast %jit3A_557 : i32 to vector<16xi32>
        %broadcast_in_dim3A_560 = vector.broadcast %jit3A_558 : i32 to vector<16xi32>
        %select_n3A_561 = arith.select %eq3A_556, %broadcast_in_dim3A_559, %broadcast_in_dim3A_560 : vector<16xi1>, vector<16xi32>
        %add3A_562 = arith.addi %get3A_553, %select_n3A_561 : vector<16xi32>
        %swap3A_563 = arith.index_cast %shift_left3A_550 : i32 to index
        %swap3A_564 = tpu.vector_load %arg12[%swap3A_563] {strides = array<i32>} : memref<10240xi32, #tpu.memory_space<vmem>>, vector<16xi32>,
        %swap3A_565 = vector.shape_cast %swap3A_564 : vector<16xi32> to vector<16xi32>
        %swap3A_566 = vector.shape_cast %add3A_562 : vector<16xi32> to vector<16xi32>
        tpu.vector_store %arg12[%swap3A_563], %swap3A_566 {strides = array<i32>} : memref<10240xi32, #tpu.memory_space<vmem>>, vector<16xi32>,
        %slice3A_567 = vector.extract_strided_slice %get3A_289 {offsets = [13], sizes = [1], strides = [1]} : vector<16xi32> to vector<1xi32>
        %squeeze3A_568 = vector.extract %slice3A_567[0] : i32 from vector<1xi32>
        %shift_right_arithmetic3A_569 = arith.constant 4 : i32
        %shift_right_arithmetic3A_570 = arith.shrsi %squeeze3A_568, %shift_right_arithmetic3A_569 : i32
        %shift_left3A_571 = arith.constant 4 : i32
        %shift_left3A_572 = arith.shli %shift_right_arithmetic3A_570, %shift_left3A_571 : i32
        %get3A_573 = arith.index_cast %shift_left3A_572 : i32 to index
        %get3A_574 = tpu.vector_load %arg12[%get3A_573] {strides = array<i32>} : memref<10240xi32, #tpu.memory_space<vmem>>, vector<16xi32>,
        %get3A_575 = vector.shape_cast %get3A_574 : vector<16xi32> to vector<16xi32>
        %sub3A_576 = arith.subi %squeeze3A_568, %shift_left3A_572 : i32
        %eq3A_577 = vector.broadcast %sub3A_576 : i32 to vector<16xi32>
        %eq3A_578 = arith.cmpi eq, %iota3A, %eq3A_577 : vector<16xi32>
        %jit3A_579 = arith.constant 1 : i32
        %jit3A_580 = arith.constant 0 : i32
        %broadcast_in_dim3A_581 = vector.broadcast %jit3A_579 : i32 to vector<16xi32>
        %broadcast_in_dim3A_582 = vector.broadcast %jit3A_580 : i32 to vector<16xi32>
        %select_n3A_583 = arith.select %eq3A_578, %broadcast_in_dim3A_581, %broadcast_in_dim3A_582 : vector<16xi1>, vector<16xi32>
        %add3A_584 = arith.addi %get3A_575, %select_n3A_583 : vector<16xi32>
        %swap3A_585 = arith.index_cast %shift_left3A_572 : i32 to index
        %swap3A_586 = tpu.vector_load %arg12[%swap3A_585] {strides = array<i32>} : memref<10240xi32, #tpu.memory_space<vmem>>, vector<16xi32>,
        %swap3A_587 = vector.shape_cast %swap3A_586 : vector<16xi32> to vector<16xi32>
        %swap3A_588 = vector.shape_cast %add3A_584 : vector<16xi32> to vector<16xi32>
        tpu.vector_store %arg12[%swap3A_585], %swap3A_588 {strides = array<i32>} : memref<10240xi32, #tpu.memory_space<vmem>>, vector<16xi32>,
        %slice3A_589 = vector.extract_strided_slice %get3A_289 {offsets = [14], sizes = [1], strides = [1]} : vector<16xi32> to vector<1xi32>
        %squeeze3A_590 = vector.extract %slice3A_589[0] : i32 from vector<1xi32>
        %shift_right_arithmetic3A_591 = arith.constant 4 : i32
        %shift_right_arithmetic3A_592 = arith.shrsi %squeeze3A_590, %shift_right_arithmetic3A_591 : i32
        %shift_left3A_593 = arith.constant 4 : i32
        %shift_left3A_594 = arith.shli %shift_right_arithmetic3A_592, %shift_left3A_593 : i32
        %get3A_595 = arith.index_cast %shift_left3A_594 : i32 to index
        %get3A_596 = tpu.vector_load %arg12[%get3A_595] {strides = array<i32>} : memref<10240xi32, #tpu.memory_space<vmem>>, vector<16xi32>,
        %get3A_597 = vector.shape_cast %get3A_596 : vector<16xi32> to vector<16xi32>
        %sub3A_598 = arith.subi %squeeze3A_590, %shift_left3A_594 : i32
        %eq3A_599 = vector.broadcast %sub3A_598 : i32 to vector<16xi32>
        %eq3A_600 = arith.cmpi eq, %iota3A, %eq3A_599 : vector<16xi32>
        %jit3A_601 = arith.constant 1 : i32
        %jit3A_602 = arith.constant 0 : i32
        %broadcast_in_dim3A_603 = vector.broadcast %jit3A_601 : i32 to vector<16xi32>
        %broadcast_in_dim3A_604 = vector.broadcast %jit3A_602 : i32 to vector<16xi32>
        %select_n3A_605 = arith.select %eq3A_600, %broadcast_in_dim3A_603, %broadcast_in_dim3A_604 : vector<16xi1>, vector<16xi32>
        %add3A_606 = arith.addi %get3A_597, %select_n3A_605 : vector<16xi32>
        %swap3A_607 = arith.index_cast %shift_left3A_594 : i32 to index
        %swap3A_608 = tpu.vector_load %arg12[%swap3A_607] {strides = array<i32>} : memref<10240xi32, #tpu.memory_space<vmem>>, vector<16xi32>,
        %swap3A_609 = vector.shape_cast %swap3A_608 : vector<16xi32> to vector<16xi32>
        %swap3A_610 = vector.shape_cast %add3A_606 : vector<16xi32> to vector<16xi32>
        tpu.vector_store %arg12[%swap3A_607], %swap3A_610 {strides = array<i32>} : memref<10240xi32, #tpu.memory_space<vmem>>, vector<16xi32>,
        %slice3A_611 = vector.extract_strided_slice %get3A_289 {offsets = [15], sizes = [1], strides = [1]} : vector<16xi32> to vector<1xi32>
        %squeeze3A_612 = vector.extract %slice3A_611[0] : i32 from vector<1xi32>
        %shift_right_arithmetic3A_613 = arith.constant 4 : i32
        %shift_right_arithmetic3A_614 = arith.shrsi %squeeze3A_612, %shift_right_arithmetic3A_613 : i32
        %shift_left3A_615 = arith.constant 4 : i32
        %shift_left3A_616 = arith.shli %shift_right_arithmetic3A_614, %shift_left3A_615 : i32
        %get3A_617 = arith.index_cast %shift_left3A_616 : i32 to index
        %get3A_618 = tpu.vector_load %arg12[%get3A_617] {strides = array<i32>} : memref<10240xi32, #tpu.memory_space<vmem>>, vector<16xi32>,
        %get3A_619 = vector.shape_cast %get3A_618 : vector<16xi32> to vector<16xi32>
        %sub3A_620 = arith.subi %squeeze3A_612, %shift_left3A_616 : i32
        %eq3A_621 = vector.broadcast %sub3A_620 : i32 to vector<16xi32>
        %eq3A_622 = arith.cmpi eq, %iota3A, %eq3A_621 : vector<16xi32>
        %jit3A_623 = arith.constant 1 : i32
        %jit3A_624 = arith.constant 0 : i32
        %broadcast_in_dim3A_625 = vector.broadcast %jit3A_623 : i32 to vector<16xi32>
        %broadcast_in_dim3A_626 = vector.broadcast %jit3A_624 : i32 to vector<16xi32>
        %select_n3A_627 = arith.select %eq3A_622, %broadcast_in_dim3A_625, %broadcast_in_dim3A_626 : vector<16xi1>, vector<16xi32>
        %add3A_628 = arith.addi %get3A_619, %select_n3A_627 : vector<16xi32>
        %swap3A_629 = arith.index_cast %shift_left3A_616 : i32 to index
        %swap3A_630 = tpu.vector_load %arg12[%swap3A_629] {strides = array<i32>} : memref<10240xi32, #tpu.memory_space<vmem>>, vector<16xi32>,
        %swap3A_631 = vector.shape_cast %swap3A_630 : vector<16xi32> to vector<16xi32>
        %swap3A_632 = vector.shape_cast %add3A_628 : vector<16xi32> to vector<16xi32>
        tpu.vector_store %arg12[%swap3A_629], %swap3A_632 {strides = array<i32>} : memref<10240xi32, #tpu.memory_space<vmem>>, vector<16xi32>,
      }
      %scan3A_97 = arith.constant 64 : i32
      %dma_wait3A = arith.constant 0 : i32
      %dma_wait3A_98 = arith.constant 0 : i32
      %dma_wait3A_99 = arith.constant 0 : i32
      %dma_wait3A_100 = arith.constant 0 : i32
      %dma_wait3A_101 = tpu.memref_slice %arg11[%dma_wait3A_98, %dma_wait3A_99, %dma_wait3A_100] : memref<2x128x128xf32, #tpu.memory_space<vmem>> -> memref<1x128x128xf32, #tpu.memory_space<vmem>>
      %dma_wait3A_102 = tpu.memref_squeeze %dma_wait3A_101 : memref<1x128x128xf32, #tpu.memory_space<vmem>> -> memref<128x128xf32, #tpu.memory_space<vmem>>
      %dma_wait3A_103 = arith.constant 0 : i32
      %dma_wait3A_104 = tpu.memref_slice %arg8[%dma_wait3A, %dma_wait3A_103] : memref<8x128xi32, #tpu.memory_space<vmem>> -> memref<1x128xi32, #tpu.memory_space<vmem>>
      %dma_wait3A_105 = tpu.memref_squeeze %dma_wait3A_104 : memref<1x128xi32, #tpu.memory_space<vmem>> -> memref<128xi32, #tpu.memory_space<vmem>>
      %dma_wait3A_106 = arith.constant 0 : i32
      %dma_wait3A_107 = arith.constant 0 : i32
      %dma_wait3A_108 = tpu.memref_slice %arg5[%dma_wait3A_106, %dma_wait3A_107] : memref<20000x128xf32, #tpu.memory_space<hbm>> -> memref<20000x128xf32, #tpu.memory_space<hbm>>
      tpu.wait_indirect_dma semaphore(%arg14 : memref<!tpu.dma_semaphore, #tpu.memory_space<semaphore_mem>>) src(%dma_wait3A_108 : memref<20000x128xf32, #tpu.memory_space<hbm>>) dst(%dma_wait3A_102 : memref<128x128xf32, #tpu.memory_space<vmem>>)
      %run_scoped3A_109 = arith.constant 0 : i32
      %run_scoped3A_110 = arith.constant 0 : i32
      "tpu.region"() ({
        %run_scoped3A_281 = tpu.sem_alloc : memref<!tpu.dma_semaphore, #tpu.memory_space<semaphore_mem>>
        %dma_start3A_282 = arith.constant 0 : i32
        %dma_start3A_283 = arith.constant 0 : i32
        %dma_start3A_284 = tpu.memref_slice %arg11[%run_scoped3A_109, %dma_start3A_282, %dma_start3A_283] : memref<2x128x128xf32, #tpu.memory_space<vmem>> -> memref<1x128x128xf32, #tpu.memory_space<vmem>>
        %dma_start3A_285 = tpu.memref_squeeze %dma_start3A_284 : memref<1x128x128xf32, #tpu.memory_space<vmem>> -> memref<128x128xf32, #tpu.memory_space<vmem>>
        %dma_start3A_286 = arith.constant 0 : i32
        %dma_start3A_287 = tpu.memref_slice %arg9[%run_scoped3A_110, %dma_start3A_286] : memref<8x128xi32, #tpu.memory_space<vmem>> -> memref<1x128xi32, #tpu.memory_space<vmem>>
        %dma_start3A_288 = tpu.memref_squeeze %dma_start3A_287 : memref<1x128xi32, #tpu.memory_space<vmem>> -> memref<128xi32, #tpu.memory_space<vmem>>
        %dma_start3A_289 = arith.constant 0 : i32
        %dma_start3A_290 = arith.constant 0 : i32
        %dma_start3A_291 = tpu.memref_slice %arg13[%dma_start3A_289, %dma_start3A_290] : memref<10240x128xf32, #tpu.memory_space<vmem_shared>> -> memref<10240x128xf32, #tpu.memory_space<vmem_shared>>
        tpu.enqueue_indirect_dma source(%dma_start3A_285 : memref<128x128xf32, #tpu.memory_space<vmem>>) target(%dma_start3A_291 : memref<10240x128xf32, #tpu.memory_space<vmem_shared>>) offsets(%dma_start3A_288 : memref<128xi32, #tpu.memory_space<vmem>>) semaphore(%run_scoped3A_281 : memref<!tpu.dma_semaphore, #tpu.memory_space<semaphore_mem>>) {add = true}
        %dma_wait3A_292 = arith.constant 0 : i32
        %dma_wait3A_293 = arith.constant 0 : i32
        %dma_wait3A_294 = tpu.memref_slice %arg11[%run_scoped3A_109, %dma_wait3A_292, %dma_wait3A_293] : memref<2x128x128xf32, #tpu.memory_space<vmem>> -> memref<1x128x128xf32, #tpu.memory_space<vmem>>
        %dma_wait3A_295 = tpu.memref_squeeze %dma_wait3A_294 : memref<1x128x128xf32, #tpu.memory_space<vmem>> -> memref<128x128xf32, #tpu.memory_space<vmem>>
        %dma_wait3A_296 = arith.constant 0 : i32
        %dma_wait3A_297 = tpu.memref_slice %arg9[%run_scoped3A_110, %dma_wait3A_296] : memref<8x128xi32, #tpu.memory_space<vmem>> -> memref<1x128xi32, #tpu.memory_space<vmem>>
        %dma_wait3A_298 = tpu.memref_squeeze %dma_wait3A_297 : memref<1x128xi32, #tpu.memory_space<vmem>> -> memref<128xi32, #tpu.memory_space<vmem>>
        %dma_wait3A_299 = arith.constant 0 : i32
        %dma_wait3A_300 = arith.constant 0 : i32
        %dma_wait3A_301 = tpu.memref_slice %arg13[%dma_wait3A_299, %dma_wait3A_300] : memref<10240x128xf32, #tpu.memory_space<vmem_shared>> -> memref<10240x128xf32, #tpu.memory_space<vmem_shared>>
        tpu.wait_indirect_dma semaphore(%run_scoped3A_281 : memref<!tpu.dma_semaphore, #tpu.memory_space<semaphore_mem>>) src(%dma_wait3A_295 : memref<128x128xf32, #tpu.memory_space<vmem>>) dst(%dma_wait3A_301 : memref<10240x128xf32, #tpu.memory_space<vmem_shared>>)
        tpu.yield
      }) : () -> ()
      %dma_start3A_111 = arith.constant 2 : i32
      %dma_start3A_112 = arith.constant 0 : i32
      %dma_start3A_113 = arith.constant 0 : i32
      %dma_start3A_114 = arith.constant 0 : i32
      %dma_start3A_115 = tpu.memref_slice %arg11[%dma_start3A_112, %dma_start3A_113, %dma_start3A_114] : memref<2x128x128xf32, #tpu.memory_space<vmem>> -> memref<1x128x128xf32, #tpu.memory_space<vmem>>
      %dma_start3A_116 = tpu.memref_squeeze %dma_start3A_115 : memref<1x128x128xf32, #tpu.memory_space<vmem>> -> memref<128x128xf32, #tpu.memory_space<vmem>>
      %dma_start3A_117 = arith.constant 0 : i32
      %dma_start3A_118 = tpu.memref_slice %arg8[%dma_start3A_111, %dma_start3A_117] : memref<8x128xi32, #tpu.memory_space<vmem>> -> memref<1x128xi32, #tpu.memory_space<vmem>>
      %dma_start3A_119 = tpu.memref_squeeze %dma_start3A_118 : memref<1x128xi32, #tpu.memory_space<vmem>> -> memref<128xi32, #tpu.memory_space<vmem>>
      %dma_start3A_120 = arith.constant 0 : i32
      %dma_start3A_121 = arith.constant 0 : i32
      %dma_start3A_122 = tpu.memref_slice %arg5[%dma_start3A_120, %dma_start3A_121] : memref<20000x128xf32, #tpu.memory_space<hbm>> -> memref<20000x128xf32, #tpu.memory_space<hbm>>
      tpu.enqueue_indirect_dma source(%dma_start3A_122 : memref<20000x128xf32, #tpu.memory_space<hbm>>) target(%dma_start3A_116 : memref<128x128xf32, #tpu.memory_space<vmem>>) offsets(%dma_start3A_119 : memref<128xi32, #tpu.memory_space<vmem>>) semaphore(%arg14 : memref<!tpu.dma_semaphore, #tpu.memory_space<semaphore_mem>>)
      %dma_wait3A_123 = arith.constant 1 : i32
      %dma_wait3A_124 = arith.constant 1 : i32
      %dma_wait3A_125 = arith.constant 0 : i32
      %dma_wait3A_126 = arith.constant 0 : i32
      %dma_wait3A_127 = tpu.memref_slice %arg11[%dma_wait3A_124, %dma_wait3A_125, %dma_wait3A_126] : memref<2x128x128xf32, #tpu.memory_space<vmem>> -> memref<1x128x128xf32, #tpu.memory_space<vmem>>
      %dma_wait3A_128 = tpu.memref_squeeze %dma_wait3A_127 : memref<1x128x128xf32, #tpu.memory_space<vmem>> -> memref<128x128xf32, #tpu.memory_space<vmem>>
      %dma_wait3A_129 = arith.constant 0 : i32
      %dma_wait3A_130 = tpu.memref_slice %arg8[%dma_wait3A_123, %dma_wait3A_129] : memref<8x128xi32, #tpu.memory_space<vmem>> -> memref<1x128xi32, #tpu.memory_space<vmem>>
      %dma_wait3A_131 = tpu.memref_squeeze %dma_wait3A_130 : memref<1x128xi32, #tpu.memory_space<vmem>> -> memref<128xi32, #tpu.memory_space<vmem>>
      %dma_wait3A_132 = arith.constant 0 : i32
      %dma_wait3A_133 = arith.constant 0 : i32
      %dma_wait3A_134 = tpu.memref_slice %arg5[%dma_wait3A_132, %dma_wait3A_133] : memref<20000x128xf32, #tpu.memory_space<hbm>> -> memref<20000x128xf32, #tpu.memory_space<hbm>>
      tpu.wait_indirect_dma semaphore(%arg15 : memref<!tpu.dma_semaphore, #tpu.memory_space<semaphore_mem>>) src(%dma_wait3A_134 : memref<20000x128xf32, #tpu.memory_space<hbm>>) dst(%dma_wait3A_128 : memref<128x128xf32, #tpu.memory_space<vmem>>)
      %run_scoped3A_135 = arith.constant 1 : i32
      %run_scoped3A_136 = arith.constant 1 : i32
      "tpu.region"() ({
        %run_scoped3A_281 = tpu.sem_alloc : memref<!tpu.dma_semaphore, #tpu.memory_space<semaphore_mem>>
        %dma_start3A_282 = arith.constant 0 : i32
        %dma_start3A_283 = arith.constant 0 : i32
        %dma_start3A_284 = tpu.memref_slice %arg11[%run_scoped3A_135, %dma_start3A_282, %dma_start3A_283] : memref<2x128x128xf32, #tpu.memory_space<vmem>> -> memref<1x128x128xf32, #tpu.memory_space<vmem>>
        %dma_start3A_285 = tpu.memref_squeeze %dma_start3A_284 : memref<1x128x128xf32, #tpu.memory_space<vmem>> -> memref<128x128xf32, #tpu.memory_space<vmem>>
        %dma_start3A_286 = arith.constant 0 : i32
        %dma_start3A_287 = tpu.memref_slice %arg9[%run_scoped3A_136, %dma_start3A_286] : memref<8x128xi32, #tpu.memory_space<vmem>> -> memref<1x128xi32, #tpu.memory_space<vmem>>
        %dma_start3A_288 = tpu.memref_squeeze %dma_start3A_287 : memref<1x128xi32, #tpu.memory_space<vmem>> -> memref<128xi32, #tpu.memory_space<vmem>>
        %dma_start3A_289 = arith.constant 0 : i32
        %dma_start3A_290 = arith.constant 0 : i32
        %dma_start3A_291 = tpu.memref_slice %arg13[%dma_start3A_289, %dma_start3A_290] : memref<10240x128xf32, #tpu.memory_space<vmem_shared>> -> memref<10240x128xf32, #tpu.memory_space<vmem_shared>>
        tpu.enqueue_indirect_dma source(%dma_start3A_285 : memref<128x128xf32, #tpu.memory_space<vmem>>) target(%dma_start3A_291 : memref<10240x128xf32, #tpu.memory_space<vmem_shared>>) offsets(%dma_start3A_288 : memref<128xi32, #tpu.memory_space<vmem>>) semaphore(%run_scoped3A_281 : memref<!tpu.dma_semaphore, #tpu.memory_space<semaphore_mem>>) {add = true}
        %dma_wait3A_292 = arith.constant 0 : i32
        %dma_wait3A_293 = arith.constant 0 : i32
        %dma_wait3A_294 = tpu.memref_slice %arg11[%run_scoped3A_135, %dma_wait3A_292, %dma_wait3A_293] : memref<2x128x128xf32, #tpu.memory_space<vmem>> -> memref<1x128x128xf32, #tpu.memory_space<vmem>>
        %dma_wait3A_295 = tpu.memref_squeeze %dma_wait3A_294 : memref<1x128x128xf32, #tpu.memory_space<vmem>> -> memref<128x128xf32, #tpu.memory_space<vmem>>
        %dma_wait3A_296 = arith.constant 0 : i32
        %dma_wait3A_297 = tpu.memref_slice %arg9[%run_scoped3A_136, %dma_wait3A_296] : memref<8x128xi32, #tpu.memory_space<vmem>> -> memref<1x128xi32, #tpu.memory_space<vmem>>
        %dma_wait3A_298 = tpu.memref_squeeze %dma_wait3A_297 : memref<1x128xi32, #tpu.memory_space<vmem>> -> memref<128xi32, #tpu.memory_space<vmem>>
        %dma_wait3A_299 = arith.constant 0 : i32
        %dma_wait3A_300 = arith.constant 0 : i32
        %dma_wait3A_301 = tpu.memref_slice %arg13[%dma_wait3A_299, %dma_wait3A_300] : memref<10240x128xf32, #tpu.memory_space<vmem_shared>> -> memref<10240x128xf32, #tpu.memory_space<vmem_shared>>
        tpu.wait_indirect_dma semaphore(%run_scoped3A_281 : memref<!tpu.dma_semaphore, #tpu.memory_space<semaphore_mem>>) src(%dma_wait3A_295 : memref<128x128xf32, #tpu.memory_space<vmem>>) dst(%dma_wait3A_301 : memref<10240x128xf32, #tpu.memory_space<vmem_shared>>)
        tpu.yield
      }) : () -> ()
      %dma_start3A_137 = arith.constant 3 : i32
      %dma_start3A_138 = arith.constant 1 : i32
      %dma_start3A_139 = arith.constant 0 : i32
      %dma_start3A_140 = arith.constant 0 : i32
      %dma_start3A_141 = tpu.memref_slice %arg11[%dma_start3A_138, %dma_start3A_139, %dma_start3A_140] : memref<2x128x128xf32, #tpu.memory_space<vmem>> -> memref<1x128x128xf32, #tpu.memory_space<vmem>>
      %dma_start3A_142 = tpu.memref_squeeze %dma_start3A_141 : memref<1x128x128xf32, #tpu.memory_space<vmem>> -> memref<128x128xf32, #tpu.memory_space<vmem>>
      %dma_start3A_143 = arith.constant 0 : i32
      %dma_start3A_144 = tpu.memref_slice %arg8[%dma_start3A_137, %dma_start3A_143] : memref<8x128xi32, #tpu.memory_space<vmem>> -> memref<1x128xi32, #tpu.memory_space<vmem>>
      %dma_start3A_145 = tpu.memref_squeeze %dma_start3A_144 : memref<1x128xi32, #tpu.memory_space<vmem>> -> memref<128xi32, #tpu.memory_space<vmem>>
      %dma_start3A_146 = arith.constant 0 : i32
      %dma_start3A_147 = arith.constant 0 : i32
      %dma_start3A_148 = tpu.memref_slice %arg5[%dma_start3A_146, %dma_start3A_147] : memref<20000x128xf32, #tpu.memory_space<hbm>> -> memref<20000x128xf32, #tpu.memory_space<hbm>>
      tpu.enqueue_indirect_dma source(%dma_start3A_148 : memref<20000x128xf32, #tpu.memory_space<hbm>>) target(%dma_start3A_142 : memref<128x128xf32, #tpu.memory_space<vmem>>) offsets(%dma_start3A_145 : memref<128xi32, #tpu.memory_space<vmem>>) semaphore(%arg15 : memref<!tpu.dma_semaphore, #tpu.memory_space<semaphore_mem>>)
      %dma_wait3A_149 = arith.constant 2 : i32
      %dma_wait3A_150 = arith.constant 0 : i32
      %dma_wait3A_151 = arith.constant 0 : i32
      %dma_wait3A_152 = arith.constant 0 : i32
      %dma_wait3A_153 = tpu.memref_slice %arg11[%dma_wait3A_150, %dma_wait3A_151, %dma_wait3A_152] : memref<2x128x128xf32, #tpu.memory_space<vmem>> -> memref<1x128x128xf32, #tpu.memory_space<vmem>>
      %dma_wait3A_154 = tpu.memref_squeeze %dma_wait3A_153 : memref<1x128x128xf32, #tpu.memory_space<vmem>> -> memref<128x128xf32, #tpu.memory_space<vmem>>
      %dma_wait3A_155 = arith.constant 0 : i32
      %dma_wait3A_156 = tpu.memref_slice %arg8[%dma_wait3A_149, %dma_wait3A_155] : memref<8x128xi32, #tpu.memory_space<vmem>> -> memref<1x128xi32, #tpu.memory_space<vmem>>
      %dma_wait3A_157 = tpu.memref_squeeze %dma_wait3A_156 : memref<1x128xi32, #tpu.memory_space<vmem>> -> memref<128xi32, #tpu.memory_space<vmem>>
      %dma_wait3A_158 = arith.constant 0 : i32
      %dma_wait3A_159 = arith.constant 0 : i32
      %dma_wait3A_160 = tpu.memref_slice %arg5[%dma_wait3A_158, %dma_wait3A_159] : memref<20000x128xf32, #tpu.memory_space<hbm>> -> memref<20000x128xf32, #tpu.memory_space<hbm>>
      tpu.wait_indirect_dma semaphore(%arg14 : memref<!tpu.dma_semaphore, #tpu.memory_space<semaphore_mem>>) src(%dma_wait3A_160 : memref<20000x128xf32, #tpu.memory_space<hbm>>) dst(%dma_wait3A_154 : memref<128x128xf32, #tpu.memory_space<vmem>>)
      %run_scoped3A_161 = arith.constant 0 : i32
      %run_scoped3A_162 = arith.constant 2 : i32
      "tpu.region"() ({
        %run_scoped3A_281 = tpu.sem_alloc : memref<!tpu.dma_semaphore, #tpu.memory_space<semaphore_mem>>
        %dma_start3A_282 = arith.constant 0 : i32
        %dma_start3A_283 = arith.constant 0 : i32
        %dma_start3A_284 = tpu.memref_slice %arg11[%run_scoped3A_161, %dma_start3A_282, %dma_start3A_283] : memref<2x128x128xf32, #tpu.memory_space<vmem>> -> memref<1x128x128xf32, #tpu.memory_space<vmem>>
        %dma_start3A_285 = tpu.memref_squeeze %dma_start3A_284 : memref<1x128x128xf32, #tpu.memory_space<vmem>> -> memref<128x128xf32, #tpu.memory_space<vmem>>
        %dma_start3A_286 = arith.constant 0 : i32
        %dma_start3A_287 = tpu.memref_slice %arg9[%run_scoped3A_162, %dma_start3A_286] : memref<8x128xi32, #tpu.memory_space<vmem>> -> memref<1x128xi32, #tpu.memory_space<vmem>>
        %dma_start3A_288 = tpu.memref_squeeze %dma_start3A_287 : memref<1x128xi32, #tpu.memory_space<vmem>> -> memref<128xi32, #tpu.memory_space<vmem>>
        %dma_start3A_289 = arith.constant 0 : i32
        %dma_start3A_290 = arith.constant 0 : i32
        %dma_start3A_291 = tpu.memref_slice %arg13[%dma_start3A_289, %dma_start3A_290] : memref<10240x128xf32, #tpu.memory_space<vmem_shared>> -> memref<10240x128xf32, #tpu.memory_space<vmem_shared>>
        tpu.enqueue_indirect_dma source(%dma_start3A_285 : memref<128x128xf32, #tpu.memory_space<vmem>>) target(%dma_start3A_291 : memref<10240x128xf32, #tpu.memory_space<vmem_shared>>) offsets(%dma_start3A_288 : memref<128xi32, #tpu.memory_space<vmem>>) semaphore(%run_scoped3A_281 : memref<!tpu.dma_semaphore, #tpu.memory_space<semaphore_mem>>) {add = true}
        %dma_wait3A_292 = arith.constant 0 : i32
        %dma_wait3A_293 = arith.constant 0 : i32
        %dma_wait3A_294 = tpu.memref_slice %arg11[%run_scoped3A_161, %dma_wait3A_292, %dma_wait3A_293] : memref<2x128x128xf32, #tpu.memory_space<vmem>> -> memref<1x128x128xf32, #tpu.memory_space<vmem>>
        %dma_wait3A_295 = tpu.memref_squeeze %dma_wait3A_294 : memref<1x128x128xf32, #tpu.memory_space<vmem>> -> memref<128x128xf32, #tpu.memory_space<vmem>>
        %dma_wait3A_296 = arith.constant 0 : i32
        %dma_wait3A_297 = tpu.memref_slice %arg9[%run_scoped3A_162, %dma_wait3A_296] : memref<8x128xi32, #tpu.memory_space<vmem>> -> memref<1x128xi32, #tpu.memory_space<vmem>>
        %dma_wait3A_298 = tpu.memref_squeeze %dma_wait3A_297 : memref<1x128xi32, #tpu.memory_space<vmem>> -> memref<128xi32, #tpu.memory_space<vmem>>
        %dma_wait3A_299 = arith.constant 0 : i32
        %dma_wait3A_300 = arith.constant 0 : i32
        %dma_wait3A_301 = tpu.memref_slice %arg13[%dma_wait3A_299, %dma_wait3A_300] : memref<10240x128xf32, #tpu.memory_space<vmem_shared>> -> memref<10240x128xf32, #tpu.memory_space<vmem_shared>>
        tpu.wait_indirect_dma semaphore(%run_scoped3A_281 : memref<!tpu.dma_semaphore, #tpu.memory_space<semaphore_mem>>) src(%dma_wait3A_295 : memref<128x128xf32, #tpu.memory_space<vmem>>) dst(%dma_wait3A_301 : memref<10240x128xf32, #tpu.memory_space<vmem_shared>>)
        tpu.yield
      }) : () -> ()
      %dma_start3A_163 = arith.constant 4 : i32
      %dma_start3A_164 = arith.constant 0 : i32
      %dma_start3A_165 = arith.constant 0 : i32
      %dma_start3A_166 = arith.constant 0 : i32
      %dma_start3A_167 = tpu.memref_slice %arg11[%dma_start3A_164, %dma_start3A_165, %dma_start3A_166] : memref<2x128x128xf32, #tpu.memory_space<vmem>> -> memref<1x128x128xf32, #tpu.memory_space<vmem>>
      %dma_start3A_168 = tpu.memref_squeeze %dma_start3A_167 : memref<1x128x128xf32, #tpu.memory_space<vmem>> -> memref<128x128xf32, #tpu.memory_space<vmem>>
      %dma_start3A_169 = arith.constant 0 : i32
      %dma_start3A_170 = tpu.memref_slice %arg8[%dma_start3A_163, %dma_start3A_169] : memref<8x128xi32, #tpu.memory_space<vmem>> -> memref<1x128xi32, #tpu.memory_space<vmem>>
      %dma_start3A_171 = tpu.memref_squeeze %dma_start3A_170 : memref<1x128xi32, #tpu.memory_space<vmem>> -> memref<128xi32, #tpu.memory_space<vmem>>
      %dma_start3A_172 = arith.constant 0 : i32
      %dma_start3A_173 = arith.constant 0 : i32
      %dma_start3A_174 = tpu.memref_slice %arg5[%dma_start3A_172, %dma_start3A_173] : memref<20000x128xf32, #tpu.memory_space<hbm>> -> memref<20000x128xf32, #tpu.memory_space<hbm>>
      tpu.enqueue_indirect_dma source(%dma_start3A_174 : memref<20000x128xf32, #tpu.memory_space<hbm>>) target(%dma_start3A_168 : memref<128x128xf32, #tpu.memory_space<vmem>>) offsets(%dma_start3A_171 : memref<128xi32, #tpu.memory_space<vmem>>) semaphore(%arg14 : memref<!tpu.dma_semaphore, #tpu.memory_space<semaphore_mem>>)
      %dma_wait3A_175 = arith.constant 3 : i32
      %dma_wait3A_176 = arith.constant 1 : i32
      %dma_wait3A_177 = arith.constant 0 : i32
      %dma_wait3A_178 = arith.constant 0 : i32
      %dma_wait3A_179 = tpu.memref_slice %arg11[%dma_wait3A_176, %dma_wait3A_177, %dma_wait3A_178] : memref<2x128x128xf32, #tpu.memory_space<vmem>> -> memref<1x128x128xf32, #tpu.memory_space<vmem>>
      %dma_wait3A_180 = tpu.memref_squeeze %dma_wait3A_179 : memref<1x128x128xf32, #tpu.memory_space<vmem>> -> memref<128x128xf32, #tpu.memory_space<vmem>>
      %dma_wait3A_181 = arith.constant 0 : i32
      %dma_wait3A_182 = tpu.memref_slice %arg8[%dma_wait3A_175, %dma_wait3A_181] : memref<8x128xi32, #tpu.memory_space<vmem>> -> memref<1x128xi32, #tpu.memory_space<vmem>>
      %dma_wait3A_183 = tpu.memref_squeeze %dma_wait3A_182 : memref<1x128xi32, #tpu.memory_space<vmem>> -> memref<128xi32, #tpu.memory_space<vmem>>
      %dma_wait3A_184 = arith.constant 0 : i32
      %dma_wait3A_185 = arith.constant 0 : i32
      %dma_wait3A_186 = tpu.memref_slice %arg5[%dma_wait3A_184, %dma_wait3A_185] : memref<20000x128xf32, #tpu.memory_space<hbm>> -> memref<20000x128xf32, #tpu.memory_space<hbm>>
      tpu.wait_indirect_dma semaphore(%arg15 : memref<!tpu.dma_semaphore, #tpu.memory_space<semaphore_mem>>) src(%dma_wait3A_186 : memref<20000x128xf32, #tpu.memory_space<hbm>>) dst(%dma_wait3A_180 : memref<128x128xf32, #tpu.memory_space<vmem>>)
      %run_scoped3A_187 = arith.constant 1 : i32
      %run_scoped3A_188 = arith.constant 3 : i32
      "tpu.region"() ({
        %run_scoped3A_281 = tpu.sem_alloc : memref<!tpu.dma_semaphore, #tpu.memory_space<semaphore_mem>>
        %dma_start3A_282 = arith.constant 0 : i32
        %dma_start3A_283 = arith.constant 0 : i32
        %dma_start3A_284 = tpu.memref_slice %arg11[%run_scoped3A_187, %dma_start3A_282, %dma_start3A_283] : memref<2x128x128xf32, #tpu.memory_space<vmem>> -> memref<1x128x128xf32, #tpu.memory_space<vmem>>
        %dma_start3A_285 = tpu.memref_squeeze %dma_start3A_284 : memref<1x128x128xf32, #tpu.memory_space<vmem>> -> memref<128x128xf32, #tpu.memory_space<vmem>>
        %dma_start3A_286 = arith.constant 0 : i32
        %dma_start3A_287 = tpu.memref_slice %arg9[%run_scoped3A_188, %dma_start3A_286] : memref<8x128xi32, #tpu.memory_space<vmem>> -> memref<1x128xi32, #tpu.memory_space<vmem>>
        %dma_start3A_288 = tpu.memref_squeeze %dma_start3A_287 : memref<1x128xi32, #tpu.memory_space<vmem>> -> memref<128xi32, #tpu.memory_space<vmem>>
        %dma_start3A_289 = arith.constant 0 : i32
        %dma_start3A_290 = arith.constant 0 : i32
        %dma_start3A_291 = tpu.memref_slice %arg13[%dma_start3A_289, %dma_start3A_290] : memref<10240x128xf32, #tpu.memory_space<vmem_shared>> -> memref<10240x128xf32, #tpu.memory_space<vmem_shared>>
        tpu.enqueue_indirect_dma source(%dma_start3A_285 : memref<128x128xf32, #tpu.memory_space<vmem>>) target(%dma_start3A_291 : memref<10240x128xf32, #tpu.memory_space<vmem_shared>>) offsets(%dma_start3A_288 : memref<128xi32, #tpu.memory_space<vmem>>) semaphore(%run_scoped3A_281 : memref<!tpu.dma_semaphore, #tpu.memory_space<semaphore_mem>>) {add = true}
        %dma_wait3A_292 = arith.constant 0 : i32
        %dma_wait3A_293 = arith.constant 0 : i32
        %dma_wait3A_294 = tpu.memref_slice %arg11[%run_scoped3A_187, %dma_wait3A_292, %dma_wait3A_293] : memref<2x128x128xf32, #tpu.memory_space<vmem>> -> memref<1x128x128xf32, #tpu.memory_space<vmem>>
        %dma_wait3A_295 = tpu.memref_squeeze %dma_wait3A_294 : memref<1x128x128xf32, #tpu.memory_space<vmem>> -> memref<128x128xf32, #tpu.memory_space<vmem>>
        %dma_wait3A_296 = arith.constant 0 : i32
        %dma_wait3A_297 = tpu.memref_slice %arg9[%run_scoped3A_188, %dma_wait3A_296] : memref<8x128xi32, #tpu.memory_space<vmem>> -> memref<1x128xi32, #tpu.memory_space<vmem>>
        %dma_wait3A_298 = tpu.memref_squeeze %dma_wait3A_297 : memref<1x128xi32, #tpu.memory_space<vmem>> -> memref<128xi32, #tpu.memory_space<vmem>>
        %dma_wait3A_299 = arith.constant 0 : i32
        %dma_wait3A_300 = arith.constant 0 : i32
        %dma_wait3A_301 = tpu.memref_slice %arg13[%dma_wait3A_299, %dma_wait3A_300] : memref<10240x128xf32, #tpu.memory_space<vmem_shared>> -> memref<10240x128xf32, #tpu.memory_space<vmem_shared>>
        tpu.wait_indirect_dma semaphore(%run_scoped3A_281 : memref<!tpu.dma_semaphore, #tpu.memory_space<semaphore_mem>>) src(%dma_wait3A_295 : memref<128x128xf32, #tpu.memory_space<vmem>>) dst(%dma_wait3A_301 : memref<10240x128xf32, #tpu.memory_space<vmem_shared>>)
        tpu.yield
      }) : () -> ()
      %dma_start3A_189 = arith.constant 5 : i32
      %dma_start3A_190 = arith.constant 1 : i32
      %dma_start3A_191 = arith.constant 0 : i32
      %dma_start3A_192 = arith.constant 0 : i32
      %dma_start3A_193 = tpu.memref_slice %arg11[%dma_start3A_190, %dma_start3A_191, %dma_start3A_192] : memref<2x128x128xf32, #tpu.memory_space<vmem>> -> memref<1x128x128xf32, #tpu.memory_space<vmem>>
      %dma_start3A_194 = tpu.memref_squeeze %dma_start3A_193 : memref<1x128x128xf32, #tpu.memory_space<vmem>> -> memref<128x128xf32, #tpu.memory_space<vmem>>
      %dma_start3A_195 = arith.constant 0 : i32
      %dma_start3A_196 = tpu.memref_slice %arg8[%dma_start3A_189, %dma_start3A_195] : memref<8x128xi32, #tpu.memory_space<vmem>> -> memref<1x128xi32, #tpu.memory_space<vmem>>
      %dma_start3A_197 = tpu.memref_squeeze %dma_start3A_196 : memref<1x128xi32, #tpu.memory_space<vmem>> -> memref<128xi32, #tpu.memory_space<vmem>>
      %dma_start3A_198 = arith.constant 0 : i32
      %dma_start3A_199 = arith.constant 0 : i32
      %dma_start3A_200 = tpu.memref_slice %arg5[%dma_start3A_198, %dma_start3A_199] : memref<20000x128xf32, #tpu.memory_space<hbm>> -> memref<20000x128xf32, #tpu.memory_space<hbm>>
      tpu.enqueue_indirect_dma source(%dma_start3A_200 : memref<20000x128xf32, #tpu.memory_space<hbm>>) target(%dma_start3A_194 : memref<128x128xf32, #tpu.memory_space<vmem>>) offsets(%dma_start3A_197 : memref<128xi32, #tpu.memory_space<vmem>>) semaphore(%arg15 : memref<!tpu.dma_semaphore, #tpu.memory_space<semaphore_mem>>)
      %dma_wait3A_201 = arith.constant 4 : i32
      %dma_wait3A_202 = arith.constant 0 : i32
      %dma_wait3A_203 = arith.constant 0 : i32
      %dma_wait3A_204 = arith.constant 0 : i32
      %dma_wait3A_205 = tpu.memref_slice %arg11[%dma_wait3A_202, %dma_wait3A_203, %dma_wait3A_204] : memref<2x128x128xf32, #tpu.memory_space<vmem>> -> memref<1x128x128xf32, #tpu.memory_space<vmem>>
      %dma_wait3A_206 = tpu.memref_squeeze %dma_wait3A_205 : memref<1x128x128xf32, #tpu.memory_space<vmem>> -> memref<128x128xf32, #tpu.memory_space<vmem>>
      %dma_wait3A_207 = arith.constant 0 : i32
      %dma_wait3A_208 = tpu.memref_slice %arg8[%dma_wait3A_201, %dma_wait3A_207] : memref<8x128xi32, #tpu.memory_space<vmem>> -> memref<1x128xi32, #tpu.memory_space<vmem>>
      %dma_wait3A_209 = tpu.memref_squeeze %dma_wait3A_208 : memref<1x128xi32, #tpu.memory_space<vmem>> -> memref<128xi32, #tpu.memory_space<vmem>>
      %dma_wait3A_210 = arith.constant 0 : i32
      %dma_wait3A_211 = arith.constant 0 : i32
      %dma_wait3A_212 = tpu.memref_slice %arg5[%dma_wait3A_210, %dma_wait3A_211] : memref<20000x128xf32, #tpu.memory_space<hbm>> -> memref<20000x128xf32, #tpu.memory_space<hbm>>
      tpu.wait_indirect_dma semaphore(%arg14 : memref<!tpu.dma_semaphore, #tpu.memory_space<semaphore_mem>>) src(%dma_wait3A_212 : memref<20000x128xf32, #tpu.memory_space<hbm>>) dst(%dma_wait3A_206 : memref<128x128xf32, #tpu.memory_space<vmem>>)
      %run_scoped3A_213 = arith.constant 0 : i32
      %run_scoped3A_214 = arith.constant 4 : i32
      "tpu.region"() ({
        %run_scoped3A_281 = tpu.sem_alloc : memref<!tpu.dma_semaphore, #tpu.memory_space<semaphore_mem>>
        %dma_start3A_282 = arith.constant 0 : i32
        %dma_start3A_283 = arith.constant 0 : i32
        %dma_start3A_284 = tpu.memref_slice %arg11[%run_scoped3A_213, %dma_start3A_282, %dma_start3A_283] : memref<2x128x128xf32, #tpu.memory_space<vmem>> -> memref<1x128x128xf32, #tpu.memory_space<vmem>>
        %dma_start3A_285 = tpu.memref_squeeze %dma_start3A_284 : memref<1x128x128xf32, #tpu.memory_space<vmem>> -> memref<128x128xf32, #tpu.memory_space<vmem>>
        %dma_start3A_286 = arith.constant 0 : i32
        %dma_start3A_287 = tpu.memref_slice %arg9[%run_scoped3A_214, %dma_start3A_286] : memref<8x128xi32, #tpu.memory_space<vmem>> -> memref<1x128xi32, #tpu.memory_space<vmem>>
        %dma_start3A_288 = tpu.memref_squeeze %dma_start3A_287 : memref<1x128xi32, #tpu.memory_space<vmem>> -> memref<128xi32, #tpu.memory_space<vmem>>
        %dma_start3A_289 = arith.constant 0 : i32
        %dma_start3A_290 = arith.constant 0 : i32
        %dma_start3A_291 = tpu.memref_slice %arg13[%dma_start3A_289, %dma_start3A_290] : memref<10240x128xf32, #tpu.memory_space<vmem_shared>> -> memref<10240x128xf32, #tpu.memory_space<vmem_shared>>
        tpu.enqueue_indirect_dma source(%dma_start3A_285 : memref<128x128xf32, #tpu.memory_space<vmem>>) target(%dma_start3A_291 : memref<10240x128xf32, #tpu.memory_space<vmem_shared>>) offsets(%dma_start3A_288 : memref<128xi32, #tpu.memory_space<vmem>>) semaphore(%run_scoped3A_281 : memref<!tpu.dma_semaphore, #tpu.memory_space<semaphore_mem>>) {add = true}
        %dma_wait3A_292 = arith.constant 0 : i32
        %dma_wait3A_293 = arith.constant 0 : i32
        %dma_wait3A_294 = tpu.memref_slice %arg11[%run_scoped3A_213, %dma_wait3A_292, %dma_wait3A_293] : memref<2x128x128xf32, #tpu.memory_space<vmem>> -> memref<1x128x128xf32, #tpu.memory_space<vmem>>
        %dma_wait3A_295 = tpu.memref_squeeze %dma_wait3A_294 : memref<1x128x128xf32, #tpu.memory_space<vmem>> -> memref<128x128xf32, #tpu.memory_space<vmem>>
        %dma_wait3A_296 = arith.constant 0 : i32
        %dma_wait3A_297 = tpu.memref_slice %arg9[%run_scoped3A_214, %dma_wait3A_296] : memref<8x128xi32, #tpu.memory_space<vmem>> -> memref<1x128xi32, #tpu.memory_space<vmem>>
        %dma_wait3A_298 = tpu.memref_squeeze %dma_wait3A_297 : memref<1x128xi32, #tpu.memory_space<vmem>> -> memref<128xi32, #tpu.memory_space<vmem>>
        %dma_wait3A_299 = arith.constant 0 : i32
        %dma_wait3A_300 = arith.constant 0 : i32
        %dma_wait3A_301 = tpu.memref_slice %arg13[%dma_wait3A_299, %dma_wait3A_300] : memref<10240x128xf32, #tpu.memory_space<vmem_shared>> -> memref<10240x128xf32, #tpu.memory_space<vmem_shared>>
        tpu.wait_indirect_dma semaphore(%run_scoped3A_281 : memref<!tpu.dma_semaphore, #tpu.memory_space<semaphore_mem>>) src(%dma_wait3A_295 : memref<128x128xf32, #tpu.memory_space<vmem>>) dst(%dma_wait3A_301 : memref<10240x128xf32, #tpu.memory_space<vmem_shared>>)
        tpu.yield
      }) : () -> ()
      %dma_start3A_215 = arith.constant 6 : i32
      %dma_start3A_216 = arith.constant 0 : i32
      %dma_start3A_217 = arith.constant 0 : i32
      %dma_start3A_218 = arith.constant 0 : i32
      %dma_start3A_219 = tpu.memref_slice %arg11[%dma_start3A_216, %dma_start3A_217, %dma_start3A_218] : memref<2x128x128xf32, #tpu.memory_space<vmem>> -> memref<1x128x128xf32, #tpu.memory_space<vmem>>
      %dma_start3A_220 = tpu.memref_squeeze %dma_start3A_219 : memref<1x128x128xf32, #tpu.memory_space<vmem>> -> memref<128x128xf32, #tpu.memory_space<vmem>>
      %dma_start3A_221 = arith.constant 0 : i32
      %dma_start3A_222 = tpu.memref_slice %arg8[%dma_start3A_215, %dma_start3A_221] : memref<8x128xi32, #tpu.memory_space<vmem>> -> memref<1x128xi32, #tpu.memory_space<vmem>>
      %dma_start3A_223 = tpu.memref_squeeze %dma_start3A_222 : memref<1x128xi32, #tpu.memory_space<vmem>> -> memref<128xi32, #tpu.memory_space<vmem>>
      %dma_start3A_224 = arith.constant 0 : i32
      %dma_start3A_225 = arith.constant 0 : i32
      %dma_start3A_226 = tpu.memref_slice %arg5[%dma_start3A_224, %dma_start3A_225] : memref<20000x128xf32, #tpu.memory_space<hbm>> -> memref<20000x128xf32, #tpu.memory_space<hbm>>
      tpu.enqueue_indirect_dma source(%dma_start3A_226 : memref<20000x128xf32, #tpu.memory_space<hbm>>) target(%dma_start3A_220 : memref<128x128xf32, #tpu.memory_space<vmem>>) offsets(%dma_start3A_223 : memref<128xi32, #tpu.memory_space<vmem>>) semaphore(%arg14 : memref<!tpu.dma_semaphore, #tpu.memory_space<semaphore_mem>>)
      %dma_wait3A_227 = arith.constant 5 : i32
      %dma_wait3A_228 = arith.constant 1 : i32
      %dma_wait3A_229 = arith.constant 0 : i32
      %dma_wait3A_230 = arith.constant 0 : i32
      %dma_wait3A_231 = tpu.memref_slice %arg11[%dma_wait3A_228, %dma_wait3A_229, %dma_wait3A_230] : memref<2x128x128xf32, #tpu.memory_space<vmem>> -> memref<1x128x128xf32, #tpu.memory_space<vmem>>
      %dma_wait3A_232 = tpu.memref_squeeze %dma_wait3A_231 : memref<1x128x128xf32, #tpu.memory_space<vmem>> -> memref<128x128xf32, #tpu.memory_space<vmem>>
      %dma_wait3A_233 = arith.constant 0 : i32
      %dma_wait3A_234 = tpu.memref_slice %arg8[%dma_wait3A_227, %dma_wait3A_233] : memref<8x128xi32, #tpu.memory_space<vmem>> -> memref<1x128xi32, #tpu.memory_space<vmem>>
      %dma_wait3A_235 = tpu.memref_squeeze %dma_wait3A_234 : memref<1x128xi32, #tpu.memory_space<vmem>> -> memref<128xi32, #tpu.memory_space<vmem>>
      %dma_wait3A_236 = arith.constant 0 : i32
      %dma_wait3A_237 = arith.constant 0 : i32
      %dma_wait3A_238 = tpu.memref_slice %arg5[%dma_wait3A_236, %dma_wait3A_237] : memref<20000x128xf32, #tpu.memory_space<hbm>> -> memref<20000x128xf32, #tpu.memory_space<hbm>>
      tpu.wait_indirect_dma semaphore(%arg15 : memref<!tpu.dma_semaphore, #tpu.memory_space<semaphore_mem>>) src(%dma_wait3A_238 : memref<20000x128xf32, #tpu.memory_space<hbm>>) dst(%dma_wait3A_232 : memref<128x128xf32, #tpu.memory_space<vmem>>)
      %run_scoped3A_239 = arith.constant 1 : i32
      %run_scoped3A_240 = arith.constant 5 : i32
      "tpu.region"() ({
        %run_scoped3A_281 = tpu.sem_alloc : memref<!tpu.dma_semaphore, #tpu.memory_space<semaphore_mem>>
        %dma_start3A_282 = arith.constant 0 : i32
        %dma_start3A_283 = arith.constant 0 : i32
        %dma_start3A_284 = tpu.memref_slice %arg11[%run_scoped3A_239, %dma_start3A_282, %dma_start3A_283] : memref<2x128x128xf32, #tpu.memory_space<vmem>> -> memref<1x128x128xf32, #tpu.memory_space<vmem>>
        %dma_start3A_285 = tpu.memref_squeeze %dma_start3A_284 : memref<1x128x128xf32, #tpu.memory_space<vmem>> -> memref<128x128xf32, #tpu.memory_space<vmem>>
        %dma_start3A_286 = arith.constant 0 : i32
        %dma_start3A_287 = tpu.memref_slice %arg9[%run_scoped3A_240, %dma_start3A_286] : memref<8x128xi32, #tpu.memory_space<vmem>> -> memref<1x128xi32, #tpu.memory_space<vmem>>
        %dma_start3A_288 = tpu.memref_squeeze %dma_start3A_287 : memref<1x128xi32, #tpu.memory_space<vmem>> -> memref<128xi32, #tpu.memory_space<vmem>>
        %dma_start3A_289 = arith.constant 0 : i32
        %dma_start3A_290 = arith.constant 0 : i32
        %dma_start3A_291 = tpu.memref_slice %arg13[%dma_start3A_289, %dma_start3A_290] : memref<10240x128xf32, #tpu.memory_space<vmem_shared>> -> memref<10240x128xf32, #tpu.memory_space<vmem_shared>>
        tpu.enqueue_indirect_dma source(%dma_start3A_285 : memref<128x128xf32, #tpu.memory_space<vmem>>) target(%dma_start3A_291 : memref<10240x128xf32, #tpu.memory_space<vmem_shared>>) offsets(%dma_start3A_288 : memref<128xi32, #tpu.memory_space<vmem>>) semaphore(%run_scoped3A_281 : memref<!tpu.dma_semaphore, #tpu.memory_space<semaphore_mem>>) {add = true}
        %dma_wait3A_292 = arith.constant 0 : i32
        %dma_wait3A_293 = arith.constant 0 : i32
        %dma_wait3A_294 = tpu.memref_slice %arg11[%run_scoped3A_239, %dma_wait3A_292, %dma_wait3A_293] : memref<2x128x128xf32, #tpu.memory_space<vmem>> -> memref<1x128x128xf32, #tpu.memory_space<vmem>>
        %dma_wait3A_295 = tpu.memref_squeeze %dma_wait3A_294 : memref<1x128x128xf32, #tpu.memory_space<vmem>> -> memref<128x128xf32, #tpu.memory_space<vmem>>
        %dma_wait3A_296 = arith.constant 0 : i32
        %dma_wait3A_297 = tpu.memref_slice %arg9[%run_scoped3A_240, %dma_wait3A_296] : memref<8x128xi32, #tpu.memory_space<vmem>> -> memref<1x128xi32, #tpu.memory_space<vmem>>
        %dma_wait3A_298 = tpu.memref_squeeze %dma_wait3A_297 : memref<1x128xi32, #tpu.memory_space<vmem>> -> memref<128xi32, #tpu.memory_space<vmem>>
        %dma_wait3A_299 = arith.constant 0 : i32
        %dma_wait3A_300 = arith.constant 0 : i32
        %dma_wait3A_301 = tpu.memref_slice %arg13[%dma_wait3A_299, %dma_wait3A_300] : memref<10240x128xf32, #tpu.memory_space<vmem_shared>> -> memref<10240x128xf32, #tpu.memory_space<vmem_shared>>
        tpu.wait_indirect_dma semaphore(%run_scoped3A_281 : memref<!tpu.dma_semaphore, #tpu.memory_space<semaphore_mem>>) src(%dma_wait3A_295 : memref<128x128xf32, #tpu.memory_space<vmem>>) dst(%dma_wait3A_301 : memref<10240x128xf32, #tpu.memory_space<vmem_shared>>)
        tpu.yield
      }) : () -> ()
      %dma_start3A_241 = arith.constant 7 : i32
      %dma_start3A_242 = arith.constant 1 : i32
      %dma_start3A_243 = arith.constant 0 : i32
      %dma_start3A_244 = arith.constant 0 : i32
      %dma_start3A_245 = tpu.memref_slice %arg11[%dma_start3A_242, %dma_start3A_243, %dma_start3A_244] : memref<2x128x128xf32, #tpu.memory_space<vmem>> -> memref<1x128x128xf32, #tpu.memory_space<vmem>>
      %dma_start3A_246 = tpu.memref_squeeze %dma_start3A_245 : memref<1x128x128xf32, #tpu.memory_space<vmem>> -> memref<128x128xf32, #tpu.memory_space<vmem>>
      %dma_start3A_247 = arith.constant 0 : i32
      %dma_start3A_248 = tpu.memref_slice %arg8[%dma_start3A_241, %dma_start3A_247] : memref<8x128xi32, #tpu.memory_space<vmem>> -> memref<1x128xi32, #tpu.memory_space<vmem>>
      %dma_start3A_249 = tpu.memref_squeeze %dma_start3A_248 : memref<1x128xi32, #tpu.memory_space<vmem>> -> memref<128xi32, #tpu.memory_space<vmem>>
      %dma_start3A_250 = arith.constant 0 : i32
      %dma_start3A_251 = arith.constant 0 : i32
      %dma_start3A_252 = tpu.memref_slice %arg5[%dma_start3A_250, %dma_start3A_251] : memref<20000x128xf32, #tpu.memory_space<hbm>> -> memref<20000x128xf32, #tpu.memory_space<hbm>>
      tpu.enqueue_indirect_dma source(%dma_start3A_252 : memref<20000x128xf32, #tpu.memory_space<hbm>>) target(%dma_start3A_246 : memref<128x128xf32, #tpu.memory_space<vmem>>) offsets(%dma_start3A_249 : memref<128xi32, #tpu.memory_space<vmem>>) semaphore(%arg15 : memref<!tpu.dma_semaphore, #tpu.memory_space<semaphore_mem>>)
      %dma_wait3A_253 = arith.constant 6 : i32
      %dma_wait3A_254 = arith.constant 0 : i32
      %dma_wait3A_255 = arith.constant 0 : i32
      %dma_wait3A_256 = arith.constant 0 : i32
      %dma_wait3A_257 = tpu.memref_slice %arg11[%dma_wait3A_254, %dma_wait3A_255, %dma_wait3A_256] : memref<2x128x128xf32, #tpu.memory_space<vmem>> -> memref<1x128x128xf32, #tpu.memory_space<vmem>>
      %dma_wait3A_258 = tpu.memref_squeeze %dma_wait3A_257 : memref<1x128x128xf32, #tpu.memory_space<vmem>> -> memref<128x128xf32, #tpu.memory_space<vmem>>
      %dma_wait3A_259 = arith.constant 0 : i32
      %dma_wait3A_260 = tpu.memref_slice %arg8[%dma_wait3A_253, %dma_wait3A_259] : memref<8x128xi32, #tpu.memory_space<vmem>> -> memref<1x128xi32, #tpu.memory_space<vmem>>
      %dma_wait3A_261 = tpu.memref_squeeze %dma_wait3A_260 : memref<1x128xi32, #tpu.memory_space<vmem>> -> memref<128xi32, #tpu.memory_space<vmem>>
      %dma_wait3A_262 = arith.constant 0 : i32
      %dma_wait3A_263 = arith.constant 0 : i32
      %dma_wait3A_264 = tpu.memref_slice %arg5[%dma_wait3A_262, %dma_wait3A_263] : memref<20000x128xf32, #tpu.memory_space<hbm>> -> memref<20000x128xf32, #tpu.memory_space<hbm>>
      tpu.wait_indirect_dma semaphore(%arg14 : memref<!tpu.dma_semaphore, #tpu.memory_space<semaphore_mem>>) src(%dma_wait3A_264 : memref<20000x128xf32, #tpu.memory_space<hbm>>) dst(%dma_wait3A_258 : memref<128x128xf32, #tpu.memory_space<vmem>>)
      %run_scoped3A_265 = arith.constant 0 : i32
      %run_scoped3A_266 = arith.constant 6 : i32
      "tpu.region"() ({
        %run_scoped3A_281 = tpu.sem_alloc : memref<!tpu.dma_semaphore, #tpu.memory_space<semaphore_mem>>
        %dma_start3A_282 = arith.constant 0 : i32
        %dma_start3A_283 = arith.constant 0 : i32
        %dma_start3A_284 = tpu.memref_slice %arg11[%run_scoped3A_265, %dma_start3A_282, %dma_start3A_283] : memref<2x128x128xf32, #tpu.memory_space<vmem>> -> memref<1x128x128xf32, #tpu.memory_space<vmem>>
        %dma_start3A_285 = tpu.memref_squeeze %dma_start3A_284 : memref<1x128x128xf32, #tpu.memory_space<vmem>> -> memref<128x128xf32, #tpu.memory_space<vmem>>
        %dma_start3A_286 = arith.constant 0 : i32
        %dma_start3A_287 = tpu.memref_slice %arg9[%run_scoped3A_266, %dma_start3A_286] : memref<8x128xi32, #tpu.memory_space<vmem>> -> memref<1x128xi32, #tpu.memory_space<vmem>>
        %dma_start3A_288 = tpu.memref_squeeze %dma_start3A_287 : memref<1x128xi32, #tpu.memory_space<vmem>> -> memref<128xi32, #tpu.memory_space<vmem>>
        %dma_start3A_289 = arith.constant 0 : i32
        %dma_start3A_290 = arith.constant 0 : i32
        %dma_start3A_291 = tpu.memref_slice %arg13[%dma_start3A_289, %dma_start3A_290] : memref<10240x128xf32, #tpu.memory_space<vmem_shared>> -> memref<10240x128xf32, #tpu.memory_space<vmem_shared>>
        tpu.enqueue_indirect_dma source(%dma_start3A_285 : memref<128x128xf32, #tpu.memory_space<vmem>>) target(%dma_start3A_291 : memref<10240x128xf32, #tpu.memory_space<vmem_shared>>) offsets(%dma_start3A_288 : memref<128xi32, #tpu.memory_space<vmem>>) semaphore(%run_scoped3A_281 : memref<!tpu.dma_semaphore, #tpu.memory_space<semaphore_mem>>) {add = true}
        %dma_wait3A_292 = arith.constant 0 : i32
        %dma_wait3A_293 = arith.constant 0 : i32
        %dma_wait3A_294 = tpu.memref_slice %arg11[%run_scoped3A_265, %dma_wait3A_292, %dma_wait3A_293] : memref<2x128x128xf32, #tpu.memory_space<vmem>> -> memref<1x128x128xf32, #tpu.memory_space<vmem>>
        %dma_wait3A_295 = tpu.memref_squeeze %dma_wait3A_294 : memref<1x128x128xf32, #tpu.memory_space<vmem>> -> memref<128x128xf32, #tpu.memory_space<vmem>>
        %dma_wait3A_296 = arith.constant 0 : i32
        %dma_wait3A_297 = tpu.memref_slice %arg9[%run_scoped3A_266, %dma_wait3A_296] : memref<8x128xi32, #tpu.memory_space<vmem>> -> memref<1x128xi32, #tpu.memory_space<vmem>>
        %dma_wait3A_298 = tpu.memref_squeeze %dma_wait3A_297 : memref<1x128xi32, #tpu.memory_space<vmem>> -> memref<128xi32, #tpu.memory_space<vmem>>
        %dma_wait3A_299 = arith.constant 0 : i32
        %dma_wait3A_300 = arith.constant 0 : i32
        %dma_wait3A_301 = tpu.memref_slice %arg13[%dma_wait3A_299, %dma_wait3A_300] : memref<10240x128xf32, #tpu.memory_space<vmem_shared>> -> memref<10240x128xf32, #tpu.memory_space<vmem_shared>>
        tpu.wait_indirect_dma semaphore(%run_scoped3A_281 : memref<!tpu.dma_semaphore, #tpu.memory_space<semaphore_mem>>) src(%dma_wait3A_295 : memref<128x128xf32, #tpu.memory_space<vmem>>) dst(%dma_wait3A_301 : memref<10240x128xf32, #tpu.memory_space<vmem_shared>>)
        tpu.yield
      }) : () -> ()
      %dma_wait3A_267 = arith.constant 7 : i32
      %dma_wait3A_268 = arith.constant 1 : i32
      %dma_wait3A_269 = arith.constant 0 : i32
      %dma_wait3A_270 = arith.constant 0 : i32
      %dma_wait3A_271 = tpu.memref_slice %arg11[%dma_wait3A_268, %dma_wait3A_269, %dma_wait3A_270] : memref<2x128x128xf32, #tpu.memory_space<vmem>> -> memref<1x128x128xf32, #tpu.memory_space<vmem>>
      %dma_wait3A_272 = tpu.memref_squeeze %dma_wait3A_271 : memref<1x128x128xf32, #tpu.memory_space<vmem>> -> memref<128x128xf32, #tpu.memory_space<vmem>>
      %dma_wait3A_273 = arith.constant 0 : i32
      %dma_wait3A_274 = tpu.memref_slice %arg8[%dma_wait3A_267, %dma_wait3A_273] : memref<8x128xi32, #tpu.memory_space<vmem>> -> memref<1x128xi32, #tpu.memory_space<vmem>>
      %dma_wait3A_275 = tpu.memref_squeeze %dma_wait3A_274 : memref<1x128xi32, #tpu.memory_space<vmem>> -> memref<128xi32, #tpu.memory_space<vmem>>
      %dma_wait3A_276 = arith.constant 0 : i32
      %dma_wait3A_277 = arith.constant 0 : i32
      %dma_wait3A_278 = tpu.memref_slice %arg5[%dma_wait3A_276, %dma_wait3A_277] : memref<20000x128xf32, #tpu.memory_space<hbm>> -> memref<20000x128xf32, #tpu.memory_space<hbm>>
      tpu.wait_indirect_dma semaphore(%arg15 : memref<!tpu.dma_semaphore, #tpu.memory_space<semaphore_mem>>) src(%dma_wait3A_278 : memref<20000x128xf32, #tpu.memory_space<hbm>>) dst(%dma_wait3A_272 : memref<128x128xf32, #tpu.memory_space<vmem>>)
      %run_scoped3A_279 = arith.constant 1 : i32
      %run_scoped3A_280 = arith.constant 7 : i32
      "tpu.region"() ({
        %run_scoped3A_281 = tpu.sem_alloc : memref<!tpu.dma_semaphore, #tpu.memory_space<semaphore_mem>>
        %dma_start3A_282 = arith.constant 0 : i32
        %dma_start3A_283 = arith.constant 0 : i32
        %dma_start3A_284 = tpu.memref_slice %arg11[%run_scoped3A_279, %dma_start3A_282, %dma_start3A_283] : memref<2x128x128xf32, #tpu.memory_space<vmem>> -> memref<1x128x128xf32, #tpu.memory_space<vmem>>
        %dma_start3A_285 = tpu.memref_squeeze %dma_start3A_284 : memref<1x128x128xf32, #tpu.memory_space<vmem>> -> memref<128x128xf32, #tpu.memory_space<vmem>>
        %dma_start3A_286 = arith.constant 0 : i32
        %dma_start3A_287 = tpu.memref_slice %arg9[%run_scoped3A_280, %dma_start3A_286] : memref<8x128xi32, #tpu.memory_space<vmem>> -> memref<1x128xi32, #tpu.memory_space<vmem>>
        %dma_start3A_288 = tpu.memref_squeeze %dma_start3A_287 : memref<1x128xi32, #tpu.memory_space<vmem>> -> memref<128xi32, #tpu.memory_space<vmem>>
        %dma_start3A_289 = arith.constant 0 : i32
        %dma_start3A_290 = arith.constant 0 : i32
        %dma_start3A_291 = tpu.memref_slice %arg13[%dma_start3A_289, %dma_start3A_290] : memref<10240x128xf32, #tpu.memory_space<vmem_shared>> -> memref<10240x128xf32, #tpu.memory_space<vmem_shared>>
        tpu.enqueue_indirect_dma source(%dma_start3A_285 : memref<128x128xf32, #tpu.memory_space<vmem>>) target(%dma_start3A_291 : memref<10240x128xf32, #tpu.memory_space<vmem_shared>>) offsets(%dma_start3A_288 : memref<128xi32, #tpu.memory_space<vmem>>) semaphore(%run_scoped3A_281 : memref<!tpu.dma_semaphore, #tpu.memory_space<semaphore_mem>>) {add = true}
        %dma_wait3A_292 = arith.constant 0 : i32
        %dma_wait3A_293 = arith.constant 0 : i32
        %dma_wait3A_294 = tpu.memref_slice %arg11[%run_scoped3A_279, %dma_wait3A_292, %dma_wait3A_293] : memref<2x128x128xf32, #tpu.memory_space<vmem>> -> memref<1x128x128xf32, #tpu.memory_space<vmem>>
        %dma_wait3A_295 = tpu.memref_squeeze %dma_wait3A_294 : memref<1x128x128xf32, #tpu.memory_space<vmem>> -> memref<128x128xf32, #tpu.memory_space<vmem>>
        %dma_wait3A_296 = arith.constant 0 : i32
        %dma_wait3A_297 = tpu.memref_slice %arg9[%run_scoped3A_280, %dma_wait3A_296] : memref<8x128xi32, #tpu.memory_space<vmem>> -> memref<1x128xi32, #tpu.memory_space<vmem>>
        %dma_wait3A_298 = tpu.memref_squeeze %dma_wait3A_297 : memref<1x128xi32, #tpu.memory_space<vmem>> -> memref<128xi32, #tpu.memory_space<vmem>>
        %dma_wait3A_299 = arith.constant 0 : i32
        %dma_wait3A_300 = arith.constant 0 : i32
        %dma_wait3A_301 = tpu.memref_slice %arg13[%dma_wait3A_299, %dma_wait3A_300] : memref<10240x128xf32, #tpu.memory_space<vmem_shared>> -> memref<10240x128xf32, #tpu.memory_space<vmem_shared>>
        tpu.wait_indirect_dma semaphore(%run_scoped3A_281 : memref<!tpu.dma_semaphore, #tpu.memory_space<semaphore_mem>>) src(%dma_wait3A_295 : memref<128x128xf32, #tpu.memory_space<vmem>>) dst(%dma_wait3A_301 : memref<10240x128xf32, #tpu.memory_space<vmem_shared>>)
        tpu.yield
      }) : () -> ()
    }
    %scan3A_41 = arith.constant 10 : i32
    %barrier3A_42 = arith.constant 0 : index
    tpu.barrier barrier_id(%barrier3A_42)
    %mul3A_43 = arith.constant 640 : i32
    %mul3A_44 = arith.muli %arg1, %mul3A_43 : i32
    %mul3A_45 = arith.constant 10240 : i32
    %mul3A_46 = arith.muli %arg0, %mul3A_45 : i32
    %mul3A_47 = arith.constant 640 : i32
    %mul3A_48 = arith.muli %arg1, %mul3A_47 : i32
    %add3A_49 = arith.addi %mul3A_46, %mul3A_48 : i32
    "tpu.region"() ({
      %run_scoped3A_52 = tpu.sem_alloc : memref<!tpu.dma_semaphore, #tpu.memory_space<semaphore_mem>>
      %dma_start3A = arith.constant 0 : i32
      %dma_start3A_53 = tpu.memref_slice %arg6[%add3A_49, %dma_start3A] : memref<20480x128xf32, #tpu.memory_space<hbm>> -> memref<640x128xf32, #tpu.memory_space<hbm>>
      %dma_start3A_54 = arith.constant 0 : i32
      %dma_start3A_55 = tpu.memref_slice %arg13[%mul3A_44, %dma_start3A_54] : memref<10240x128xf32, #tpu.memory_space<vmem_shared>> -> memref<640x128xf32, #tpu.memory_space<vmem_shared>>
      tpu.enqueue_dma source(%dma_start3A_55 : memref<640x128xf32, #tpu.memory_space<vmem_shared>>) target(%dma_start3A_53 : memref<640x128xf32, #tpu.memory_space<hbm>>) target_semaphore(%run_scoped3A_52 : memref<!tpu.dma_semaphore, #tpu.memory_space<semaphore_mem>>)
      %dma_wait3A = arith.constant 0 : i32
      %dma_wait3A_56 = tpu.memref_slice %arg6[%add3A_49, %dma_wait3A] : memref<20480x128xf32, #tpu.memory_space<hbm>> -> memref<640x128xf32, #tpu.memory_space<hbm>>
      %dma_wait3A_57 = arith.constant 0 : i32
      %dma_wait3A_58 = tpu.memref_slice %arg13[%mul3A_44, %dma_wait3A_57] : memref<10240x128xf32, #tpu.memory_space<vmem_shared>> -> memref<640x128xf32, #tpu.memory_space<vmem_shared>>
      tpu.wait_dma2 semaphore(%run_scoped3A_52 : memref<!tpu.dma_semaphore, #tpu.memory_space<semaphore_mem>>) src(%dma_wait3A_58 : memref<640x128xf32, #tpu.memory_space<vmem_shared>>) dst(%dma_wait3A_56 : memref<640x128xf32, #tpu.memory_space<hbm>>)
      tpu.yield
    }) : () -> ()
    %mul3A_50 = arith.constant 10240 : i32
    %mul3A_51 = arith.muli %add3A, %mul3A_50 : i32
    "tpu.region"() ({
      %run_scoped3A_52 = tpu.sem_alloc : memref<!tpu.dma_semaphore, #tpu.memory_space<semaphore_mem>>
      %dma_start3A = tpu.memref_slice %arg7[%mul3A_51] : memref<327680xi32, #tpu.memory_space<hbm>> -> memref<10240xi32, #tpu.memory_space<hbm>>
      %dma_start3A_53 = tpu.memref_slice %arg7[%mul3A_51] : memref<327680xi32, #tpu.memory_space<hbm>> -> memref<10240xi32, #tpu.memory_space<hbm>>
      tpu.enqueue_dma source(%arg12 : memref<10240xi32, #tpu.memory_space<vmem>>) target(%dma_start3A_53 : memref<10240xi32, #tpu.memory_space<hbm>>) target_semaphore(%run_scoped3A_52 : memref<!tpu.dma_semaphore, #tpu.memory_space<semaphore_mem>>)
      %dma_wait3A = tpu.memref_slice %arg7[%mul3A_51] : memref<327680xi32, #tpu.memory_space<hbm>> -> memref<10240xi32, #tpu.memory_space<hbm>>
      %dma_wait3A_54 = tpu.memref_slice %arg7[%mul3A_51] : memref<327680xi32, #tpu.memory_space<hbm>> -> memref<10240xi32, #tpu.memory_space<hbm>>
      tpu.wait_dma2 semaphore(%run_scoped3A_52 : memref<!tpu.dma_semaphore, #tpu.memory_space<semaphore_mem>>) src(%arg12 : memref<10240xi32, #tpu.memory_space<vmem>>) dst(%dma_wait3A_54 : memref<10240xi32, #tpu.memory_space<hbm>>)
      tpu.yield
    }) : () -> ()
    return
  }
}

module attributes {stable_mosaic.version = 14 : i64} {
  func.func @_tc_body(%arg0: i32, %arg1: memref<256x256xf32, #tpu.memory_space<vmem>>, %arg2: memref<256x128xf32, #tpu.memory_space<vmem>>, %arg3: memref<256x128xf32, #tpu.memory_space<vmem>>, %arg4: memref<16x256xi32, #tpu.memory_space<vmem>>, %arg5: memref<256x256xf32, #tpu.memory_space<vmem>>, %arg6: memref<1x256xf32, #tpu.memory_space<vmem>>, %arg7: memref<256x256xf32, #tpu.memory_space<vmem>>, %arg8: memref<1x256xf32, #tpu.memory_space<vmem>>, %arg9: memref<256x256xf32, #tpu.memory_space<vmem>>, %arg10: memref<256x256xf32, #tpu.memory_space<vmem>>) attributes {dimension_semantics = [#tpu.dimension_semantics<arbitrary>], iteration_bounds = array<i64: 40>, scalar_prefetch = 0 : i64, scratch_operands = 0 : i64, tpu.core_type = #tpu.core_type<tc>, window_params = [{transform_indices = @transform_0, window_bounds = array<i64: 256, 256>}, {transform_indices = @transform_1, window_bounds = array<i64: 256, 128>}, {transform_indices = @transform_2, window_bounds = array<i64: 256, 128>}, {transform_indices = @transform_3, window_bounds = array<i64: 16, 256>}, {pipeline_mode = #tpu.pipeline_mode<synchronous>, transform_indices = @transform_4, window_bounds = array<i64: 256, 256>}, {pipeline_mode = #tpu.pipeline_mode<synchronous>, transform_indices = @transform_5, window_bounds = array<i64: 1, 256>}, {pipeline_mode = #tpu.pipeline_mode<synchronous>, transform_indices = @transform_6, window_bounds = array<i64: 256, 256>}, {pipeline_mode = #tpu.pipeline_mode<synchronous>, transform_indices = @transform_7, window_bounds = array<i64: 1, 256>}, {pipeline_mode = #tpu.pipeline_mode<synchronous>, transform_indices = @transform_8, window_bounds = array<i64: 256, 256>}, {transform_indices = @transform_9, window_bounds = array<i64: 256, 256>}]} {
    %get3A = arith.constant 0 : index
    %get3A_0 = arith.constant 0 : index
    %get3A_1 = vector.load %arg4[%get3A, %get3A_0] : memref<16x256xi32, #tpu.memory_space<vmem>>, vector<16x256xi32>
    %reduce_sum3A = arith.constant dense<0> : vector<256xi32>
    %reduce_sum3A_2 = vector.multi_reduction <add>, %get3A_1, %reduce_sum3A [0] : vector<16x256xi32> to vector<256xi32>
    %convert_element_type3A = arith.sitofp %reduce_sum3A_2 : vector<256xi32> to vector<256xf32>
    %reshape3A = vector.shape_cast %convert_element_type3A : vector<256xf32> to vector<256x1xf32>
    %gt3A = arith.constant 0.000000e+00 : f32
    %gt3A_3 = vector.broadcast %gt3A : f32 to vector<256x1xf32>
    %gt3A_4 = arith.cmpf ogt, %reshape3A, %gt3A_3 : vector<256x1xf32>
    %div3A = arith.constant 1.000000e+00 : f32
    %div3A_5 = vector.broadcast %div3A : f32 to vector<256x1xf32>
    %div3A_6 = arith.divf %div3A_5, %reshape3A : vector<256x1xf32>
    %jit3A = arith.constant 0.000000e+00 : f32
    %broadcast_in_dim3A = vector.broadcast %jit3A : f32 to vector<256x1xf32>
    %select_n3A = arith.select %gt3A_4, %div3A_6, %broadcast_in_dim3A : vector<256x1xi1>, vector<256x1xf32>
    %get3A_7 = arith.constant 0 : index
    %get3A_8 = arith.constant 0 : index
    %get3A_9 = vector.load %arg8[%get3A_7, %get3A_8] : memref<1x256xf32, #tpu.memory_space<vmem>>, vector<1x256xf32>
    %get3A_10 = arith.constant 0 : index
    %get3A_11 = arith.constant 0 : index
    %get3A_12 = vector.load %arg9[%get3A_10, %get3A_11] : memref<256x256xf32, #tpu.memory_space<vmem>>, vector<256x256xf32>
    %dot_general3A = arith.constant dense<0.000000e+00> : vector<1x256xf32>
    %dot_general3A_13 = tpu.matmul %get3A_9, %get3A_12, %dot_general3A {dimension_numbers = #tpu.dot_dimension_numbers<[1], [0], [0], [1], [0, 0, 1, 1], [], []>, transpose_lhs_hint = false} : vector<1x256xf32>, vector<256x256xf32>, vector<1x256xf32> -> vector<1x256xf32>
    %get3A_14 = arith.constant 0 : index
    %get3A_15 = arith.constant 0 : index
    %get3A_16 = vector.load %arg2[%get3A_14, %get3A_15] : memref<256x128xf32, #tpu.memory_space<vmem>>, vector<256x128xf32>
    %mul3A = vector.broadcast %select_n3A : vector<256x1xf32> to vector<256x128xf32>
    %mul3A_17 = arith.mulf %get3A_16, %mul3A : vector<256x128xf32>
    %slice3A = vector.extract_strided_slice %dot_general3A_13 {offsets = [0, 0], sizes = [1, 128], strides = [1, 1]} : vector<1x256xf32> to vector<1x128xf32>
    %jit3A_18 = arith.constant 0.000000e+00 : f32
    %broadcast_in_dim3A_19 = vector.shape_cast %gt3A_4 : vector<256x1xi1> to vector<256x1xi1>
    %broadcast_in_dim3A_20 = vector.broadcast %broadcast_in_dim3A_19 : vector<256x1xi1> to vector<256x128xi1>
    %broadcast_in_dim3A_21 = vector.shape_cast %slice3A : vector<1x128xf32> to vector<1x128xf32>
    %broadcast_in_dim3A_22 = vector.broadcast %broadcast_in_dim3A_21 : vector<1x128xf32> to vector<256x128xf32>
    %broadcast_in_dim3A_23 = vector.broadcast %jit3A_18 : f32 to vector<256x128xf32>
    %select_n3A_24 = arith.select %broadcast_in_dim3A_20, %broadcast_in_dim3A_22, %broadcast_in_dim3A_23 : vector<256x128xi1>, vector<256x128xf32>
    %sub3A = arith.subf %mul3A_17, %select_n3A_24 : vector<256x128xf32>
    %get3A_25 = arith.constant 0 : index
    %get3A_26 = arith.constant 0 : index
    %get3A_27 = vector.load %arg3[%get3A_25, %get3A_26] : memref<256x128xf32, #tpu.memory_space<vmem>>, vector<256x128xf32>
    %mul3A_28 = vector.broadcast %select_n3A : vector<256x1xf32> to vector<256x128xf32>
    %mul3A_29 = arith.mulf %get3A_27, %mul3A_28 : vector<256x128xf32>
    %slice3A_30 = vector.extract_strided_slice %dot_general3A_13 {offsets = [0, 128], sizes = [1, 128], strides = [1, 1]} : vector<1x256xf32> to vector<1x128xf32>
    %jit3A_31 = arith.constant 0.000000e+00 : f32
    %broadcast_in_dim3A_32 = vector.shape_cast %gt3A_4 : vector<256x1xi1> to vector<256x1xi1>
    %broadcast_in_dim3A_33 = vector.broadcast %broadcast_in_dim3A_32 : vector<256x1xi1> to vector<256x128xi1>
    %broadcast_in_dim3A_34 = vector.shape_cast %slice3A_30 : vector<1x128xf32> to vector<1x128xf32>
    %broadcast_in_dim3A_35 = vector.broadcast %broadcast_in_dim3A_34 : vector<1x128xf32> to vector<256x128xf32>
    %broadcast_in_dim3A_36 = vector.broadcast %jit3A_31 : f32 to vector<256x128xf32>
    %select_n3A_37 = arith.select %broadcast_in_dim3A_33, %broadcast_in_dim3A_35, %broadcast_in_dim3A_36 : vector<256x128xi1>, vector<256x128xf32>
    %sub3A_38 = arith.subf %mul3A_29, %select_n3A_37 : vector<256x128xf32>
    %get3A_39 = arith.constant 0 : index
    %get3A_40 = arith.constant 0 : index
    %get3A_41 = vector.load %arg1[%get3A_39, %get3A_40] : memref<256x256xf32, #tpu.memory_space<vmem>>, vector<256x256xf32>
    %get3A_42 = arith.constant 0 : index
    %get3A_43 = arith.constant 0 : index
    %get3A_44 = vector.load %arg5[%get3A_42, %get3A_43] : memref<256x256xf32, #tpu.memory_space<vmem>>, vector<256x256xf32>
    %dot_general3A_45 = arith.constant dense<0.000000e+00> : vector<256x256xf32>
    %dot_general3A_46 = tpu.matmul %get3A_41, %get3A_44, %dot_general3A_45 {dimension_numbers = #tpu.dot_dimension_numbers<[1], [0], [0], [1], [0, 0, 1, 1], [], []>, transpose_lhs_hint = false} : vector<256x256xf32>, vector<256x256xf32>, vector<256x256xf32> -> vector<256x256xf32>
    %get3A_47 = arith.constant 0 : index
    %get3A_48 = arith.constant 0 : index
    %get3A_49 = vector.load %arg7[%get3A_47, %get3A_48] : memref<256x256xf32, #tpu.memory_space<vmem>>, vector<128x256xf32>
    %dot_general3A_50 = arith.constant dense<0.000000e+00> : vector<256x256xf32>
    %dot_general3A_51 = tpu.matmul %sub3A, %get3A_49, %dot_general3A_50 {dimension_numbers = #tpu.dot_dimension_numbers<[1], [0], [0], [1], [0, 0, 1, 1], [], []>, transpose_lhs_hint = false} : vector<256x128xf32>, vector<128x256xf32>, vector<256x256xf32> -> vector<256x256xf32>
    %add3A = arith.addf %dot_general3A_46, %dot_general3A_51 : vector<256x256xf32>
    %get3A_52 = arith.constant 128 : index
    %get3A_53 = arith.constant 0 : index
    %get3A_54 = vector.load %arg7[%get3A_52, %get3A_53] : memref<256x256xf32, #tpu.memory_space<vmem>>, vector<128x256xf32>
    %dot_general3A_55 = arith.constant dense<0.000000e+00> : vector<256x256xf32>
    %dot_general3A_56 = tpu.matmul %sub3A_38, %get3A_54, %dot_general3A_55 {dimension_numbers = #tpu.dot_dimension_numbers<[1], [0], [0], [1], [0, 0, 1, 1], [], []>, transpose_lhs_hint = false} : vector<256x128xf32>, vector<128x256xf32>, vector<256x256xf32> -> vector<256x256xf32>
    %add3A_57 = arith.addf %add3A, %dot_general3A_56 : vector<256x256xf32>
    %get3A_58 = arith.constant 0 : index
    %get3A_59 = arith.constant 0 : index
    %get3A_60 = vector.load %arg6[%get3A_58, %get3A_59] : memref<1x256xf32, #tpu.memory_space<vmem>>, vector<1x256xf32>
    %add3A_61 = vector.broadcast %get3A_60 : vector<1x256xf32> to vector<256x256xf32>
    %add3A_62 = arith.addf %add3A_57, %add3A_61 : vector<256x256xf32>
    %gt3A_63 = arith.constant 0.000000e+00 : f32
    %gt3A_64 = vector.broadcast %gt3A_63 : f32 to vector<256x256xf32>
    %gt3A_65 = arith.cmpf ogt, %add3A_62, %gt3A_64 : vector<256x256xf32>
    %exp3A = math.exp %add3A_62 : vector<256x256xf32>
    %sub3A_66 = arith.constant 1.000000e+00 : f32
    %sub3A_67 = vector.broadcast %sub3A_66 : f32 to vector<256x256xf32>
    %sub3A_68 = arith.subf %exp3A, %sub3A_67 : vector<256x256xf32>
    %select_n3A_69 = arith.select %gt3A_65, %add3A_62, %sub3A_68 : vector<256x256xi1>, vector<256x256xf32>
    %swap3A = arith.constant 0 : index
    %swap3A_70 = arith.constant 0 : index
    %swap3A_71 = vector.load %arg10[%swap3A, %swap3A_70] : memref<256x256xf32, #tpu.memory_space<vmem>>, vector<256x256xf32>
    tpu.vector_store %arg10[%swap3A, %swap3A_70], %select_n3A_69 {strides = array<i32>} : memref<256x256xf32, #tpu.memory_space<vmem>>, vector<256x256xf32>,
    return
  }
  func.func @transform_0(%arg0: i32) -> (i32, i32) {
    %c0_i32 = arith.constant 0 : i32
    %c0_i32_0 = arith.constant 0 : i32
    return %arg0, %c0_i32 : i32, i32
  }
  func.func @transform_1(%arg0: i32) -> (i32, i32) {
    %c0_i32 = arith.constant 0 : i32
    %c0_i32_0 = arith.constant 0 : i32
    return %arg0, %c0_i32 : i32, i32
  }
  func.func @transform_2(%arg0: i32) -> (i32, i32) {
    %c0_i32 = arith.constant 0 : i32
    %c0_i32_0 = arith.constant 0 : i32
    return %arg0, %c0_i32 : i32, i32
  }
  func.func @transform_3(%arg0: i32) -> (i32, i32) {
    %c0_i32 = arith.constant 0 : i32
    %c0_i32_0 = arith.constant 0 : i32
    return %c0_i32, %arg0 : i32, i32
  }
  func.func @transform_4(%arg0: i32) -> (i32, i32) {
    %c0_i32 = arith.constant 0 : i32
    %c0_i32_0 = arith.constant 0 : i32
    %c0_i32_1 = arith.constant 0 : i32
    return %c0_i32, %c0_i32_0 : i32, i32
  }
  func.func @transform_5(%arg0: i32) -> (i32, i32) {
    %c0_i32 = arith.constant 0 : i32
    %c0_i32_0 = arith.constant 0 : i32
    %c0_i32_1 = arith.constant 0 : i32
    return %c0_i32, %c0_i32_0 : i32, i32
  }
  func.func @transform_6(%arg0: i32) -> (i32, i32) {
    %c0_i32 = arith.constant 0 : i32
    %c0_i32_0 = arith.constant 0 : i32
    %c0_i32_1 = arith.constant 0 : i32
    return %c0_i32, %c0_i32_0 : i32, i32
  }
  func.func @transform_7(%arg0: i32) -> (i32, i32) {
    %c0_i32 = arith.constant 0 : i32
    %c0_i32_0 = arith.constant 0 : i32
    %c0_i32_1 = arith.constant 0 : i32
    return %c0_i32, %c0_i32_0 : i32, i32
  }
  func.func @transform_8(%arg0: i32) -> (i32, i32) {
    %c0_i32 = arith.constant 0 : i32
    %c0_i32_0 = arith.constant 0 : i32
    %c0_i32_1 = arith.constant 0 : i32
    return %c0_i32, %c0_i32_0 : i32, i32
  }
  func.func @transform_9(%arg0: i32) -> (i32, i32) {
    %c0_i32 = arith.constant 0 : i32
    %c0_i32_0 = arith.constant 0 : i32
    return %arg0, %c0_i32 : i32, i32
  }
}

</mosaic_0001>

<sc_bundles>
// kernel: kernel.6.cloned.1.call-start
scs
__scs_entry_jumppad:
0x0: {  	(pc) =	sbr.rel $0x88, $3  }
0x1: {  	(tag) =	ssettag $0x0;
	lr =	simm.s32 $0x1  }
0x2: {  	[smem:$0x3F94] =	sst lr;
	_ =	strace $0xD0000000  }
0x3: {  	_ = 	snop  }
0x4: {  	_ = 	snop  }
0x5: {  	_ = 	snop  }
0x6: {  	_ = 	snop  }
0x7: {  	_ = 	snop  }
__scs_overlays_trampoline_lowered:
0x8: {  	[smem:$0x3FA3] =	sst s0  }
0x9: {  	[smem:$0x3FA4] =	sst s1  }
0xa: {  	[smem:$0x3FA5] =	sst s2  }
0xb: {  	[smem:$0x3FA6] =	sst s3  }
0xc: {  	[smem:$0x3FA7] =	sst s4  }
0xd: {  	[smem:$0x3FA8] =	sst s5  }
0xe: {  	[smem:$0x3FA9] =	sst s6  }
0xf: {  	[smem:$0x3FAA] =	sst s7  }
0x10: {  	[smem:$0x3FAB] =	sst s8  }
0x11: {  	[smem:$0x3FAC] =	sst s9;
	s0 =	simm.s32 @!p0 $0x0  }
0x12: {  	s1 =	sld [smem:$0x3F92];
	s0 =	simm.s32 @p0 $0x1  }
0x13: {  	[smem:$0x3FAD] =	sst s0;
	s0 =	simm.s32 @!p1 $0x0  }
0x14: {  	s2 =	sld [smem:$0x3F91];
	s0 =	simm.s32 @p1 $0x1  }
0x15: {  	[smem:$0x3FAE] =	sst s0;
	s0 =	simm.s32 @!p2 $0x0  }
0x16: {  	s3 =	sld [smem:$0x3FDB];
	s0 =	simm.s32 @p2 $0x1  }
0x17: {  	s4 =	simm.s32 $0x1BF5;
	[smem:$0x3FB0] =	sst s0  }
0x18: {  	s0 =	sld [smem:$0x3F93];
	_ =	swait.ge [sflag:s4], $0x0  }
0x19: {  	s7 =	sld [smem:$0x3F94]  }
0x1a: {  	s8 =	sadd.s32 $0xFFFFE003, lr  }
0x1b: {  	s9 =	sadd.s32 $0xFFFFFEF7, lr;
	s5 =	simm.s32 $0xFFFFFFFF;
	p2 =	slt.u32 s8, $0xFFFFF086  }
0x1c: {  	p1 =	slt.u32 s9, $0xF7A;
	s5 =	simm.s32 @!p2 $0x0  }
0x1d: {  	s5 =	simm.s32 @p1 $0x1;
	p0 =	seq.s32 s7, s2  }
0x1e: {  	s7 =	smul.u32 @!p0 $0xF7A, s2;
	p2 =	seq.s32 @!p0 s5, $0x0  }
0x1f: {  	s9 =	smul.u32 $0xF7A, s1;
	s8 =	simm.s32 @!p0 $0x1BF5;
	p2 =	por !p2, p0  }
0x20: {  	[sflag:s8] =	ssyncset.s32 @!p0 $0xFFFFF086;
	s6 =	sadd.s32 @!p0 s3, s7;
	s7 =	simm.s32 @!p0 $0x108  }
0x21: {  	s3 =	sadd.s32 s3, s9;
	s6 =	sadd.s32 @!p0 $0x88, s6;
	s7 =	simm.s32 @p2 $0x1082  }
0x22: {  	[simem:s7], [sflag:s8] =	dma.local @!p0 [hbm:s6], $0xF7A  }
0x23: {  	s9 =	sor.u32 $0xD0000000, s2;
	s6 =	simm.s32 $0x108;
	_ =	swait.ge @!p0 [sflag:s8], $0x0  }
0x24: {  	s3 =	sadd.s32 $0x88, s3;
	s6 =	simm.s32 @!p1 $0x1082;
	[sflag:s4] =	ssyncset.s32 $0xFFFFF086  }
0x25: {  	[simem:s6], [sflag:s4] =	dma.local [hbm:s3], $0xF7A  }
0x26: {  	[smem:$0x3F94] =	sst s1;
	(tag) =	ssettag s2;
	_ =	strace s9  }
0x27: {  	s1 =	sld [smem:$0x3FA4]  }
0x28: {  	s2 =	sld [smem:$0x3FA5]  }
0x29: {  	s4 =	sld [smem:$0x3FA7]  }
0x2a: {  	p0 =	seq.s32 s5, $0x0;
	s5 =	sld [smem:$0x3FA8]  }
0x2b: {  	s6 =	sld [smem:$0x3FA9]  }
0x2c: {  	s7 =	sld [smem:$0x3FAA]  }
0x2d: {  	s3 =	simm.s32 $0x108;
	s8 =	sld [smem:$0x3FAB]  }
0x2e: {  	s3 =	simm.s32 @!p0 $0x1082;
	s9 =	sld [smem:$0x3FAC]  }
0x2f: {  	lr =	sadd.s32 s0, s3;
	s0 =	sld [smem:$0x3FA3]  }
0x30: {  	s3 =	sld [smem:$0x3FA6]  }
0x31: {  	[smem:$0x3FAF] =	sst s10  }
0x32: {  	s10 =	sld [smem:$0x3FAD];
	_ =	sdelay $0x3  }
0x33: {  	p0 =	seq.s32 s10, $0x1;
	s10 =	sld [smem:$0x3FAF];
	_ =	sdelay $0x3  }
0x34: {  	[smem:$0x3FAF] =	sst s10  }
0x35: {  	s10 =	sld [smem:$0x3FAE];
	_ =	sdelay $0x3  }
0x36: {  	p1 =	seq.s32 s10, $0x1;
	s10 =	sld [smem:$0x3FAF];
	_ =	sdelay $0x3  }
0x37: {  	[smem:$0x3FAF] =	sst s10  }
0x38: {  	s10 =	sld [smem:$0x3FB0]  }
0x39: {  	_ = 	snop;
	(pc) =	sbr.ind lr, $3  }
0x3a: {  	_ = 	snop  }
0x3b: {  	_ = 	snop  }
0x3c: {  	p2 =	seq.s32 s10, $0x1;
	s10 =	sld [smem:$0x3FAF]  }
0x3d: {  	_ =	shalt  }
0x3e: {  	_ =	shalt  }
0x3f: {  	_ =	shalt  }
0x40: {  	_ =	shalt  }
0x41: {  	_ =	shalt  }
0x42: {  	_ =	shalt  }
0x43: {  	_ =	shalt  }
0x44: {  	_ =	shalt  }
0x45: {  	_ =	shalt  }
0x46: {  	_ =	shalt  }
0x47: {  	_ =	shalt  }
0x48: {  	_ =	shalt  }
0x49: {  	_ =	shalt  }
0x4a: {  	_ =	shalt  }
0x4b: {  	_ =	shalt  }
0x4c: {  	_ =	shalt  }
0x4d: {  	_ =	shalt  }
0x4e: {  	_ =	shalt  }
0x4f: {  	_ =	shalt  }
0x50: {  	_ =	shalt  }
0x51: {  	_ =	shalt  }
0x52: {  	_ =	shalt  }
0x53: {  	_ =	shalt  }
0x54: {  	_ =	shalt  }
0x55: {  	_ =	shalt  }
0x56: {  	_ =	shalt  }
0x57: {  	_ =	shalt  }
0x58: {  	_ =	shalt  }
0x59: {  	_ =	shalt  }
0x5a: {  	_ =	shalt  }
0x5b: {  	_ =	shalt  }
0x5c: {  	_ =	shalt  }
0x5d: {  	_ =	shalt  }
0x5e: {  	_ =	shalt  }
0x5f: {  	_ =	shalt  }
0x60: {  	_ =	shalt  }
0x61: {  	_ =	shalt  }
0x62: {  	_ =	shalt  }
0x63: {  	_ =	shalt  }
0x64: {  	_ =	shalt  }
0x65: {  	_ =	shalt  }
0x66: {  	_ =	shalt  }
0x67: {  	_ =	shalt  }
0x68: {  	_ =	shalt  }
0x69: {  	_ =	shalt  }
0x6a: {  	_ =	shalt  }
0x6b: {  	_ =	shalt  }
0x6c: {  	_ =	shalt  }
0x6d: {  	_ =	shalt  }
0x6e: {  	_ =	shalt  }
0x6f: {  	_ =	shalt  }
0x70: {  	_ =	shalt  }
0x71: {  	_ =	shalt  }
0x72: {  	_ =	shalt  }
0x73: {  	_ =	shalt  }
0x74: {  	_ =	shalt  }
0x75: {  	_ =	shalt  }
0x76: {  	_ =	shalt  }
0x77: {  	_ =	shalt  }
0x78: {  	_ =	shalt  }
0x79: {  	_ =	shalt  }
0x7a: {  	_ =	shalt  }
0x7b: {  	_ =	shalt  }
0x7c: {  	_ =	shalt  }
0x7d: {  	_ =	shalt  }
0x7e: {  	_ =	shalt  }
0x7f: {  	_ =	shalt  }
0x80: {  	_ =	shalt  }
0x81: {  	_ =	shalt  }
0x82: {  	_ =	shalt  }
0x83: {  	_ =	shalt  }
0x84: {  	_ =	shalt  }
0x85: {  	_ =	shalt  }
0x86: {  	_ =	shalt  }
0x87: {  	_ =	shalt  }
.Lfunc_end0:
.L_simem_size_0:
called_computation_lowered:
.L_overlay_start_0:
0x88: {  	s2 =	sld [smem:$0x3FD9]  }
0x89: {  	s3 =	sld [smem:$0x3FFE];
	_ =	sdelay $0x1  }
0x8a: {  	s1 =	srdreg.scid  }
0x8b: {  	s0 =	sand.u32 $0x1, s1  }
0x8c: {  	s14 =	sshll.u32 s0, $0xA;
	s2 =	sadd.s32 s3, s2  }
0x8d: {  	s2 =	sadd.s32 s2, s14  }
0x8e: {  	[smem:$0x3FBB] =	sst s2  }
0x8f: {  	_ = 	snop  }
0x90: {  	s2 =	sld [smem:$0x3FD0];
	_ =	sdelay $0x2  }
0x91: {  	s15 =	simm.s32 $0xA;
	s4 =	simm.s32 $0x10  }
0x92: {  	[smem:s4], [sflag:s15] =	dma.local [hbm:s2], $0x1  }
0x93: {  	_ =	swait.eq [sflag:s15], $0x1  }
0x94: {  	[sflag:s15] =	ssyncset.done $0x0  }
0x95: {  	[sflag:s15] =	ssyncadd.s32 $0xFFFFFFFF  }
0x96: {  	s16 =	sld [smem:$0x11];
	(tm) =	ssettm $0x1  }
0x97: {  	s17 =	sld [smem:$0x3FFB];
	_ =	sdelay $0x3  }
0x98: {  	_ =	strace s17  }
0x99: {  	s3 =	sld [smem:$0x3FFC];
	_ =	sdelay $0x3  }
0x9a: {  	_ =	strace s3  }
0x9b: {  	s3 =	sld [smem:$0x3FFD];
	_ =	sdelay $0x3  }
0x9c: {  	_ =	strace s3  }
0x9d: {  	_ =	strace $0x8FFFFFFF  }
0x9e: {  	s18 =	sld [smem:$0x3FDB];
	_ =	sdelay $0x1  }
0x9f: {  	s19 =	simm.s32 $_scs_section_size  }
0xa0: {  	s5 =	simm.s32 $_size__tile_overlayer_lowered;
	s6 =	simm.s32 $_tile_overlayer_lowered  }
0xa1: {  	s22 =	simm.s32 $0x1BFF;
	s21 =	sshll.u32 s6, $0x1;
	s3 =	sadd.s32 s19, s18  }
0xa2: {  	s7 =	simm.s32 $0x0;
	s20 =	sshll.u32 s5, $0x1;
	s5 =	sadd.s32 s21, s3  }
0xa3: {  	[timem:s7], [sflag:s22] =	dma.local [hbm:s5], s20  }
0xa4: {  	_ =	swait.ge [sflag:s22], s20  }
0xa5: {  	s4 =	ssub.s32 $0x0, s20;
	[sflag:s22] =	ssyncset.done $0x0  }
0xa6: {  	[sflag:s22] =	ssyncadd.s32 s4;
	_ =	sdelay $0x1  }
0xa7: {  	s23 =	simm.s32 $0x1B8B  }
0xa8: {  	_ =	swait.ge [sflag:s23], $0x1  }
0xa9: {  	[sflag:s23] =	ssyncset.done $0x0  }
0xaa: {  	s25 =	simm.s32 $0x1B8E;
	s24 =	sld [smem:$0x3FFE];
	[sflag:s23] =	ssyncadd.s32 $0xFFFFFFFF  }
0xab: {  	s26 =	simm.s32 $execute0_lowered;
	[smem:$0x3FD2] =	sst s25  }
0xac: {  	s5 =	sshll.u32 s26, $0x1;
	_ =	strace $0x80000046;
	[dreg:$0x1] =	wrdreg $0xFFFFFFFF  }
0xad: {  	s28 =	simm.s32 $_size_execute0_lowered;
	s3 =	sadd.s32 s3, s5;
	[dreg:$0x0] =	wrdreg $0x0  }
0xae: {  	s5 =	sshll.u32 s28, $0x1;
	[dreg:$0x2] =	wrdreg s3  }
0xaf: {  	[dreg:$0x3] =	wrdreg s5  }
0xb0: {  	[dreg:$0x4] =	wrdreg $0xC0  }
0xb1: {  	_ =	task [dreg:s7], $0x5FFFF  }
0xb2: {  	[dreg:$0x1] =	wrdreg $0xFFFFFFFF  }
0xb3: {  	[dreg:$0x0] =	wrdreg $0x60  }
0xb4: {  	[dreg:$0x2] =	wrdreg s24  }
0xb5: {  	[dreg:$0x3] =	wrdreg s16  }
0xb6: {  	[dreg:$0x4] =	wrdreg $0xB4000  }
0xb7: {  	[dreg:$0x5] =	wrdreg $0x9  }
0xb8: {  	_ =	task.clear_ibuf [dreg:s7], $0x6FFFF;
	_ =	strace $0x90000046  }
0xb9: {  	s29 =	simm.s32 $0x9;
	_ =	strace $0x80000048  }
0xba: {  	_ =	swait.ge [sflag:s29], $0x1  }
0xbb: {  	[sflag:s29] =	ssyncadd.s32 $0xFFFFFFFF  }
0xbc: {  	_ =	strace $0x90000048  }
0xbd: {  	_ =	sfence  }
0xbe: {  	s30 =	sld [smem:$0x0];
	_ =	sdelay $0x2  }
0xbf: {  	s31 =	sshll.u32 s1, $0xD;
	s1 =	sshrl.u32 s1, $0x2  }
0xc0: {  	s3 =	sand.u32 $0x4000, s31;
	s1 =	sadd.s32 s1, s30  }
0xc1: {  	s0 =	sor.u32 s3, s0;
	s1 =	sshll.u32 s1, $0x11  }
0xc2: {  	s0 =	sor.u32 s1, s0  }
0xc3: {  	s0 =	sadd.s32 $0x8F2B, s0  }
0xc4: {  	[sflag:s0] =	ssyncadd.remote.s32 $0x1  }
0xc5: {  	_ =	sfence.sel $0xFFFF  }
0xc6: {  	[dreg:$0x0] =	wrdreg $0xFFFFFFFF;
	(pc) =	sbr.abs _section_cstart, $3  }
0xc7: {  	[dreg:$0x1] =	wrdreg $0xFFFFFFFF  }
0xc8: {  	_ =	task.clear_ibuf [dreg:s7], $0x2FFFF;
	_ =	strace $0x9FFFFFFF  }
0xc9: {  	(tm) =	ssettm $0x7FFFFFFF  }
tec
execute0_lowered:
.L_overlay_start_1:
0x0: {  	(tag) =	ssettag $0x1  }
0x1: {  	s0 =	rddreg [dreg:$0x0]  }
0x2: {  	s1 =	rddreg [dreg:$0x1]  }
0x3: {  	s2 =	rddreg [dreg:$0x2];
	s3 =	simm.s32 $0x0;
	s22 =	srdreg.scid  }
0x4: {  	s6 =	stileid.u32;
	s19 =	simm.s32 $0xC00;
	s20 =	simm.s32 $0x3  }
0x5: {  	s21 =	simm.s32 $0x400;
	s28 =	simm.s32 $0x2;
	[smem:$0x7FF] =	sst s3  }
0x6: {  	s3 =	sand.u32 $0x1, s22;
	s7 =	smul.u32 $0x2800, s6;
	s4 =	sadd.s32 $0xE200, s0  }
0x7: {  	s8 =	sadd.s32 $0x9200, s0;
	s9 =	smul.u32 $0x50000, s6;
	s24 =	sadd.s32 $0x4200, s0  }
0x8: {  	s15 =	smul.u32 $0x50, s6;
	_ =	strace $0x80000047;
	[dreg:$0x4] =	wrdreg s4  }
0x9: {  	s23 =	smul.u32 $0x28000, s3;
	s5 =	sshll.u32 s3, $0x4;
	[dreg:$0x5] =	wrdreg s8  }
0xa: {  	[dreg:$0x6] =	wrdreg s24;
	s3 =	ssub.s32 $0x2, s3;
	s24 =	simm.s32 $0x4C00  }
0xb: {  	s5 =	sor.u32 s6, s5;
	s8 =	smov.u32 s7;
	s9 =	sshrl.u32 s9, $0x2  }
0xc: {  	s25 =	sshrl.u32 s3, $0x1;
	s4 =	sadd.s32 s7, s23;
	s7 =	sadd.s32 s9, s2  }
0xd: {  	s10 =	smul.u32 $0x500, s5;
	s9 =	sadd.s32 $0x4000, s7;
	[dreg:$0x7] =	wrdreg s7  }
0xe: {  	s3 =	ssub.s32 s3, s25;
	s26 =	sadd.s32 $0x8000, s7;
	[dreg:$0x8] =	wrdreg s9  }
0xf: {  	s14 =	smul.u32 $0x50, s5;
	s29 =	sadd.s32 $0xC000, s7;
	[dreg:$0x9] =	wrdreg s26  }
0x10: {  	s23 =	simm.s32 $0x80;
	s30 =	sadd.s32 $0x10000, s7;
	[dreg:$0xa] =	wrdreg s29  }
0x11: {  	s4 =	sadd.s32 s4, s0;
	s31 =	smax.u32 s3, $0x1;
	[dreg:$0xb] =	wrdreg s30  }
0x12: {  	s0 =	sadd.s32 s10, s0;
	s4 =	sadd.s32 $0x22200, s4;
	[dreg:$0xe] =	wrdreg s31  }
0x13: {  	s25 =	simm.s32 $0x1;
	[dreg:$0xc] =	wrdreg s4;
	s0 =	sadd.s32 $0x18200, s0  }
0x14: {  	v0 =	vimm.f32 $0.0e+00;
	v1 =	vimm.s32 $0x0;
	v2 =	vlaneseq.u32;
	s3 =	simm.s32 $0x0;
	s9 =	simm.s32 $0x0;
	[dreg:$0xd] =	wrdreg s0  }
.LBB2_1:
0x15: {  	[dreg:$0xf] =	wrdreg s3;
	s0 =	simm.s32 $0x0;
	s3 =	simm.s32 $0x200  }
.LBB2_2:
0x16: {  	p0 =	sne.s32 s3, $0xFE00;
	[tilespmem:s0+$0xC70] =	vst v0  }
0x17: {  	[tilespmem:s0+$0xC00] =	vst v0  }
0x18: {  	[tilespmem:s0+$0xC10] =	vst v0  }
.Ltmp0:
0x19: {  	[tilespmem:s0+$0xC20] =	vst v0;
	(pc) =	sbr.rel @p0 .LBB2_2-.Ltmp0, $4  }
0x1a: {  	[tilespmem:s0+$0xC30] =	vst v0  }
0x1b: {  	[tilespmem:s0+$0xC40] =	vst v0  }
0x1c: {  	[tilespmem:s0+$0xC50] =	vst v0  }
0x1d: {  	[tilespmem:s0+$0xC60] =	vst v0;
	s0 =	sshra.s32 s3, $0x2;
	s3 =	sadd.s32 $0x200, s3  }
0x1e: {  	[tilespmem:s0+$0xC70] =	vst v0  }
0x1f: {  	[tilespmem:s0+$0xC00] =	vst v0  }
0x20: {  	[tilespmem:s0+$0xC10] =	vst v0  }
0x21: {  	[tilespmem:s0+$0xC20] =	vst v0  }
0x22: {  	[tilespmem:s0+$0xC30] =	vst v0  }
0x23: {  	[tilespmem:s0+$0xC40] =	vst v0  }
0x24: {  	[tilespmem:s0+$0xC50] =	vst v0  }
0x25: {  	[tilespmem:s0+$0xC60] =	vst v0  }
0x26: {  	[spmem:s7] =	stream.linear.scatter [tilespmem:s19], [sflag:$0x3], $0x4000, $0x38;
	[tilespmem:$0x1F400] =	vst v63  }
0x27: {  	_ =	swait.ge [sflag:s20], $0x4000  }
0x28: {  	[sflag:s20] =	ssyncset.done $0x0  }
0x29: {  	s26 =	rddreg [dreg:$0x8];
	[sflag:s20] =	ssyncadd.s32 $0xFFFFC000  }
0x2a: {  	[spmem:s26] =	stream.linear.scatter [tilespmem:s19], [sflag:$0x3], $0x4000, $0x38;
	[tilespmem:$0x1F400] =	vst v63  }
0x2b: {  	_ =	swait.ge [sflag:s20], $0x4000  }
0x2c: {  	[sflag:s20] =	ssyncset.done $0x0  }
0x2d: {  	s29 =	rddreg [dreg:$0x9];
	[sflag:s20] =	ssyncadd.s32 $0xFFFFC000  }
0x2e: {  	[spmem:s29] =	stream.linear.scatter [tilespmem:s19], [sflag:$0x3], $0x4000, $0x38;
	[tilespmem:$0x1F400] =	vst v63  }
0x2f: {  	_ =	swait.ge [sflag:s20], $0x4000  }
0x30: {  	[sflag:s20] =	ssyncset.done $0x0  }
0x31: {  	s30 =	rddreg [dreg:$0xa];
	[sflag:s20] =	ssyncadd.s32 $0xFFFFC000  }
0x32: {  	[spmem:s30] =	stream.linear.scatter [tilespmem:s19], [sflag:$0x3], $0x4000, $0x38;
	[tilespmem:$0x1F400] =	vst v63  }
0x33: {  	_ =	swait.ge [sflag:s20], $0x4000  }
0x34: {  	[sflag:s20] =	ssyncset.done $0x0  }
0x35: {  	s31 =	rddreg [dreg:$0xb];
	[sflag:s20] =	ssyncadd.s32 $0xFFFFC000  }
0x36: {  	[spmem:s31] =	stream.linear.scatter [tilespmem:s19], [sflag:$0x3], $0x4000, $0x38;
	[tilespmem:$0x1F400] =	vst v63  }
0x37: {  	_ =	swait.ge [sflag:s20], $0x4000  }
0x38: {  	[sflag:s20] =	ssyncset.done $0x0  }
0x39: {  	s0 =	simm.s32 $0x40;
	s3 =	simm.s32 $0x0;
	[sflag:s20] =	ssyncadd.s32 $0xFFFFC000  }
.LBB2_4:
0x3a: {  	p0 =	sne.s32 s0, $0x9FC0;
	[tilespmem:s3+$0x8C00] =	vst v1;
	s3 =	smov.u32 s0;
	s0 =	sadd.s32 $0x40, s0  }
.Ltmp1:
0x3b: {  	(pc) =	sbr.rel @p0 .LBB2_4-.Ltmp1, $2  }
0x3c: {  	_ =	sdelay $0x2  }
0x3d: {  	s3 =	sshra.s32 s3, $0x2  }
0x3e: {  	[tilespmem:s3+$0x8C00] =	vst v1  }
0x3f: {  	s18 =	simm.s32 $0x0;
	[bflag:$0x0] =	sbarrier.arrive $0xFFFF  }
.LBB2_6:
0x40: {  	s0 =	sshll.u32 s18, $0x3  }
0x41: {  	s3 =	sadd.s32 s14, s0  }
0x42: {  	s4 =	rddreg [dreg:$0x4];
	s3 =	sshll.u32 s3, $0x4  }
0x43: {  	s3 =	sadd.s32 s4, s3  }
0x44: {  	[tilespmem:s9], [sflag:$0x3] =	stream.linear.gather [hbm4b:s3+s9], $0x400, $0x38;
	[tilespmem:$0x1F400] =	vst v63  }
0x45: {  	s0 =	sadd.s32 s15, s0;
	_ =	swait.ge [sflag:s20], $0x400  }
0x46: {  	s0 =	sshll.u32 s0, $0x4;
	[sflag:s20] =	ssyncset.done $0x0;
	s16 =	rddreg [dreg:$0x5]  }
0x47: {  	s17 =	sshll.u32 s18, $0xA;
	[sflag:s20] =	ssyncadd.s32 $0xFFFFFC00;
	s0 =	sadd.s32 s16, s0  }
0x48: {  	[tilespmem:s21], [sflag:$0x3] =	stream.linear.gather [hbm4b:s0+s9], $0x400, $0x38;
	[tilespmem:$0x1F400] =	vst v63  }
0x49: {  	s0 =	sadd.s32 s8, s17;
	_ =	swait.ge [sflag:s20], $0x400  }
0x4a: {  	s0 =	sshrl.u32 s0, $0x3;
	[sflag:s20] =	ssyncset.done $0x0;
	s22 =	rddreg [dreg:$0x6]  }
0x4b: {  	s26 =	simm.s32 $0x800;
	[sflag:s20] =	ssyncadd.s32 $0xFFFFFC00;
	s0 =	sadd.s32 s22, s0  }
0x4c: {  	[tilespmem:s26], [sflag:$0x3] =	stream.linear.gather [hbm4b:s0+s9], $0x400, $0x38;
	[tilespmem:$0x1F400] =	vst v63  }
0x4d: {  	_ =	swait.ge [sflag:s20], $0x400  }
0x4e: {  	[sflag:s20] =	ssyncset.done $0x0  }
0x4f: {  	[sflag:s20] =	ssyncadd.s32 $0xFFFFFC00  }
0x50: {  	[tilespmem:s19], [sflag:$0x1] =	stream.indirect.gather [hbm4b:s1+s23], $0x80, s9, s23, $0xb8;
	[tilespmem:$0x1F400] =	vst v63  }
0x51: {  	s29 =	simm.s32 $0x0  }
0x52: {  	[tilespmem:s24], [sflag:$0x2] =	stream.indirect.gather [hbm4b:s1+s23], $0x80, s23, s23, $0xb8;
	[tilespmem:$0x1F400] =	vst v63  }
0x53: {  	v3 =	vld [tilespmem:s29+$0x800];
	_ =	sdelay $0x4  }
0x54: {  	(v2sf) =	vpush v3, $0x0;
	_ =	sdelay $0x6  }
0x55: {  	(v2sf) =	vpush v3, $0x1;
	_ =	sdelay $0x6  }
0x56: {  	(v2sf) =	vpush v3, $0x2  }
0x57: {  	s30 =	spop (v2sf)  }
0x58: {  	s31 =	sand.u32 $0xFFFFFFF0, s30  }
0x59: {  	v4 =	vld [tilespmem:s31+$0x8C00]  }
0x5a: {  	s0 =	sand.u32 $0xF, s30  }
0x5b: {  	v5 =	vmov s0  }
0x5c: {  	vm0 =	veq.s32 v5, v2  }
0x5d: {  	(v2sf) =	vpush v3, $0x3;
	v5 =	vsel vm0, $0x1, v1  }
0x5e: {  	s4 =	spop (v2sf);
	v4 =	vadd.s32 v5, v4  }
0x5f: {  	s5 =	sand.u32 $0xFFFFFFF0, s4;
	[tilespmem:s31+$0x8C00] =	vst v4  }
0x60: {  	v4 =	vld [tilespmem:s5+$0x8C00]  }
0x61: {  	s0 =	sand.u32 $0xF, s4  }
0x62: {  	v5 =	vmov s0  }
0x63: {  	vm13 =	veq.s32 v5, v2  }
0x64: {  	(v2sf) =	vpush v3, $0x4;
	v5 =	vsel vm13, $0x1, v1  }
0x65: {  	s6 =	spop (v2sf);
	v4 =	vadd.s32 v5, v4  }
0x66: {  	s7 =	sand.u32 $0xFFFFFFF0, s6;
	[tilespmem:s5+$0x8C00] =	vst v4  }
0x67: {  	v4 =	vld [tilespmem:s7+$0x8C00]  }
0x68: {  	s0 =	sand.u32 $0xF, s6  }
0x69: {  	v5 =	vmov s0  }
0x6a: {  	vm14 =	veq.s32 v5, v2  }
0x6b: {  	(v2sf) =	vpush v3, $0x5;
	v5 =	vsel vm14, $0x1, v1  }
0x6c: {  	s10 =	spop (v2sf);
	v4 =	vadd.s32 v5, v4  }
0x6d: {  	s11 =	sand.u32 $0xFFFFFFF0, s10;
	[tilespmem:s7+$0x8C00] =	vst v4  }
0x6e: {  	v4 =	vld [tilespmem:s11+$0x8C00]  }
0x6f: {  	s0 =	sand.u32 $0xF, s10  }
0x70: {  	v5 =	vmov s0  }
0x71: {  	vm15 =	veq.s32 v5, v2  }
0x72: {  	(v2sf) =	vpush v3, $0x6;
	v5 =	vsel vm15, $0x1, v1  }
0x73: {  	s12 =	spop (v2sf);
	v4 =	vadd.s32 v5, v4  }
0x74: {  	s13 =	sand.u32 $0xFFFFFFF0, s12;
	[tilespmem:s11+$0x8C00] =	vst v4  }
0x75: {  	v4 =	vld [tilespmem:s13+$0x8C00]  }
0x76: {  	s0 =	sand.u32 $0xF, s12  }
0x77: {  	v5 =	vmov s0  }
0x78: {  	vm4 =	veq.s32 v5, v2  }
0x79: {  	(v2sf) =	vpush v3, $0x7;
	v5 =	vsel vm4, $0x1, v1  }
0x7a: {  	s16 =	spop (v2sf);
	v4 =	vadd.s32 v5, v4  }
0x7b: {  	s17 =	sand.u32 $0xFFFFFFF0, s16;
	[tilespmem:s13+$0x8C00] =	vst v4  }
0x7c: {  	v4 =	vld [tilespmem:s17+$0x8C00]  }
0x7d: {  	s0 =	sand.u32 $0xF, s16  }
0x7e: {  	v5 =	vmov s0  }
0x7f: {  	vm5 =	veq.s32 v5, v2  }
0x80: {  	(v2sf) =	vpush v3, $0x8;
	v5 =	vsel vm5, $0x1, v1  }
0x81: {  	s22 =	spop (v2sf);
	v4 =	vadd.s32 v5, v4  }
0x82: {  	s26 =	sand.u32 $0xFFFFFFF0, s22;
	[tilespmem:s17+$0x8C00] =	vst v4  }
0x83: {  	v4 =	vld [tilespmem:s26+$0x8C00]  }
0x84: {  	s0 =	sand.u32 $0xF, s22  }
0x85: {  	v5 =	vmov s0  }
0x86: {  	vm6 =	veq.s32 v5, v2  }
0x87: {  	(v2sf) =	vpush v3, $0x9;
	v5 =	vsel vm6, $0x1, v1  }
0x88: {  	s29 =	spop (v2sf);
	v4 =	vadd.s32 v5, v4  }
0x89: {  	s30 =	sand.u32 $0xFFFFFFF0, s29;
	[tilespmem:s26+$0x8C00] =	vst v4  }
0x8a: {  	v4 =	vld [tilespmem:s30+$0x8C00]  }
0x8b: {  	s0 =	sand.u32 $0xF, s29  }
0x8c: {  	v5 =	vmov s0  }
0x8d: {  	vm7 =	veq.s32 v5, v2  }
0x8e: {  	(v2sf) =	vpush v3, $0xA;
	v5 =	vsel vm7, $0x1, v1  }
0x8f: {  	s31 =	spop (v2sf);
	v4 =	vadd.s32 v5, v4  }
0x90: {  	s4 =	sand.u32 $0xFFFFFFF0, s31;
	[tilespmem:s30+$0x8C00] =	vst v4  }
0x91: {  	v4 =	vld [tilespmem:s4+$0x8C00]  }
0x92: {  	s0 =	sand.u32 $0xF, s31  }
0x93: {  	v5 =	vmov s0  }
0x94: {  	vm8 =	veq.s32 v5, v2  }
0x95: {  	(v2sf) =	vpush v3, $0xB;
	v5 =	vsel vm8, $0x1, v1  }
0x96: {  	s5 =	spop (v2sf);
	v4 =	vadd.s32 v5, v4  }
0x97: {  	s6 =	sand.u32 $0xFFFFFFF0, s5;
	[tilespmem:s4+$0x8C00] =	vst v4  }
0x98: {  	v4 =	vld [tilespmem:s6+$0x8C00]  }
0x99: {  	s0 =	sand.u32 $0xF, s5  }
0x9a: {  	v5 =	vmov s0  }
0x9b: {  	vm9 =	veq.s32 v5, v2  }
0x9c: {  	(v2sf) =	vpush v3, $0xC;
	v5 =	vsel vm9, $0x1, v1  }
0x9d: {  	s7 =	spop (v2sf);
	v4 =	vadd.s32 v5, v4  }
0x9e: {  	s10 =	sand.u32 $0xFFFFFFF0, s7;
	[tilespmem:s6+$0x8C00] =	vst v4  }
0x9f: {  	v4 =	vld [tilespmem:s10+$0x8C00]  }
0xa0: {  	s0 =	sand.u32 $0xF, s7  }
0xa1: {  	v5 =	vmov s0  }
0xa2: {  	vm10 =	veq.s32 v5, v2  }
0xa3: {  	(v2sf) =	vpush v3, $0xD;
	v5 =	vsel vm10, $0x1, v1  }
0xa4: {  	s11 =	spop (v2sf);
	v4 =	vadd.s32 v5, v4  }
0xa5: {  	s12 =	sand.u32 $0xFFFFFFF0, s11;
	[tilespmem:s10+$0x8C00] =	vst v4  }
0xa6: {  	v4 =	vld [tilespmem:s12+$0x8C00]  }
0xa7: {  	s0 =	sand.u32 $0xF, s11  }
0xa8: {  	v5 =	vmov s0  }
0xa9: {  	vm11 =	veq.s32 v5, v2  }
0xaa: {  	(v2sf) =	vpush v3, $0xE;
	v5 =	vsel vm11, $0x1, v1  }
0xab: {  	s13 =	spop (v2sf);
	v4 =	vadd.s32 v5, v4  }
0xac: {  	s16 =	sand.u32 $0xFFFFFFF0, s13;
	[tilespmem:s12+$0x8C00] =	vst v4  }
0xad: {  	v4 =	vld [tilespmem:s16+$0x8C00]  }
0xae: {  	s0 =	sand.u32 $0xF, s13  }
0xaf: {  	v5 =	vmov s0  }
0xb0: {  	vm12 =	veq.s32 v5, v2  }
0xb1: {  	(v2sf) =	vpush v3, $0xF;
	v3 =	vsel vm12, $0x1, v1  }
0xb2: {  	s17 =	spop (v2sf);
	v3 =	vadd.s32 v3, v4  }
0xb3: {  	s22 =	sand.u32 $0xFFFFFFF0, s17;
	[tilespmem:s16+$0x8C00] =	vst v3  }
0xb4: {  	v3 =	vld [tilespmem:s22+$0x8C00]  }
0xb5: {  	s0 =	sand.u32 $0xF, s17  }
0xb6: {  	v4 =	vmov s0  }
0xb7: {  	vm13 =	veq.s32 v4, v2  }
0xb8: {  	v4 =	vsel vm13, $0x1, v1  }
0xb9: {  	s26 =	spop (v2sf);
	v3 =	vadd.s32 v4, v3  }
0xba: {  	s29 =	sand.u32 $0xFFFFFFF0, s26;
	[tilespmem:s22+$0x8C00] =	vst v3  }
0xbb: {  	v3 =	vld [tilespmem:s29+$0x8C00]  }
0xbc: {  	s0 =	sand.u32 $0xF, s26  }
0xbd: {  	v4 =	vmov s0  }
0xbe: {  	vm14 =	veq.s32 v4, v2  }
0xbf: {  	v4 =	vsel vm14, $0x1, v1  }
0xc0: {  	s30 =	spop (v2sf);
	v3 =	vadd.s32 v4, v3  }
0xc1: {  	s0 =	sand.u32 $0xFFFFFFF0, s30;
	[tilespmem:s29+$0x8C00] =	vst v3  }
0xc2: {  	v3 =	vld [tilespmem:s0+$0x8C00]  }
0xc3: {  	s31 =	sand.u32 $0xF, s30  }
0xc4: {  	v4 =	vmov s31  }
0xc5: {  	vm15 =	veq.s32 v4, v2  }
0xc6: {  	v4 =	vsel vm15, $0x1, v1  }
0xc7: {  	s26 =	simm.s32 $0x80;
	s22 =	simm.s32 $0x40;
	v3 =	vadd.s32 v4, v3  }
.LBB2_7:
0xc8: {  	p0 =	sne.s32 s26, $0xFC0  }
0xc9: {  	s3 =	sshra.s32 s22, $0x2;
	[tilespmem:s0+$0x8C00] =	vst v3;
	s22 =	smov.u32 s26;
	s26 =	sadd.s32 $0x40, s26  }
0xca: {  	v3 =	vld [tilespmem:s3+$0x800];
	_ =	sdelay $0x4  }
0xcb: {  	(v2sf) =	vpush v3, $0x0  }
0xcc: {  	(v2sf) =	vpush v3, $0x1  }
0xcd: {  	(v2sf) =	vpush v3, $0x2  }
0xce: {  	(v2sf) =	vpush v3, $0x3  }
0xcf: {  	(v2sf) =	vpush v3, $0x4  }
0xd0: {  	(v2sf) =	vpush v3, $0x5  }
0xd1: {  	(v2sf) =	vpush v3, $0x6  }
0xd2: {  	(v2sf) =	vpush v3, $0x7  }
0xd3: {  	(v2sf) =	vpush v3, $0x8  }
0xd4: {  	(v2sf) =	vpush v3, $0x9  }
0xd5: {  	(v2sf) =	vpush v3, $0xA  }
0xd6: {  	(v2sf) =	vpush v3, $0xB  }
0xd7: {  	(v2sf) =	vpush v3, $0xC  }
0xd8: {  	(v2sf) =	vpush v3, $0xD  }
0xd9: {  	(v2sf) =	vpush v3, $0xE  }
0xda: {  	s0 =	spop (v2sf);
	(v2sf) =	vpush v3, $0xF  }
0xdb: {  	s3 =	sand.u32 $0xFFFFFFF0, s0;
	s0 =	sand.u32 $0xF, s0;
	s4 =	spop (v2sf)  }
0xdc: {  	v3 =	vld [tilespmem:s3+$0x8C00];
	v4 =	vmov s0;
	s0 =	sand.u32 $0xF, s4;
	s29 =	spop (v2sf)  }
0xdd: {  	vm1 =	veq.s32 v4, v2;
	v4 =	vmov s0;
	s0 =	sand.u32 $0xF, s29;
	s5 =	spop (v2sf)  }
0xde: {  	vm0 =	veq.s32 v4, v2;
	v4 =	vmov s0;
	s0 =	sand.u32 $0xF, s5;
	s17 =	spop (v2sf)  }
0xdf: {  	vm13 =	veq.s32 v4, v2;
	v4 =	vmov s0;
	s0 =	sand.u32 $0xF, s17;
	s16 =	spop (v2sf)  }
0xe0: {  	v5 =	vsel vm1, $0x1, v1;
	vm12 =	veq.s32 v4, v2;
	v4 =	vmov s0;
	s0 =	sand.u32 $0xF, s16;
	s13 =	spop (v2sf)  }
0xe1: {  	v3 =	vadd.s32 v5, v3;
	vm11 =	veq.s32 v4, v2;
	v4 =	vmov s0;
	s0 =	sand.u32 $0xF, s13;
	s12 =	spop (v2sf)  }
0xe2: {  	s6 =	sand.u32 $0xFFFFFFF0, s4;
	[tilespmem:s3+$0x8C00] =	vst v3;
	vm10 =	veq.s32 v4, v2;
	v3 =	vmov s0;
	s0 =	sand.u32 $0xF, s12;
	s11 =	spop (v2sf)  }
0xe3: {  	v4 =	vld [tilespmem:s6+$0x8C00];
	vm9 =	veq.s32 v3, v2;
	v3 =	vmov s0;
	s0 =	sand.u32 $0xF, s11;
	s10 =	spop (v2sf)  }
0xe4: {  	vm8 =	veq.s32 v3, v2;
	v3 =	vmov s0;
	s0 =	sand.u32 $0xF, s10;
	s3 =	spop (v2sf)  }
0xe5: {  	vm7 =	veq.s32 v3, v2;
	v3 =	vmov s0;
	s0 =	sand.u32 $0xF, s3;
	s4 =	spop (v2sf)  }
0xe6: {  	vm6 =	veq.s32 v3, v2;
	v3 =	vmov s0;
	s30 =	sand.u32 $0xF, s4;
	s0 =	spop (v2sf)  }
0xe7: {  	v5 =	vsel vm0, $0x1, v1;
	vm5 =	veq.s32 v3, v2;
	v3 =	vmov s30;
	s30 =	sand.u32 $0xF, s0;
	s31 =	spop (v2sf)  }
0xe8: {  	v4 =	vadd.s32 v5, v4;
	vm4 =	veq.s32 v3, v2;
	v3 =	vmov s30;
	s7 =	sand.u32 $0xF, s31;
	s30 =	spop (v2sf)  }
0xe9: {  	[tilespmem:s6+$0x8C00] =	vst v4;
	s6 =	sand.u32 $0xFFFFFFF0, s29;
	vm3 =	veq.s32 v3, v2;
	v3 =	vmov s7;
	s7 =	sand.u32 $0xF, s30;
	s29 =	spop (v2sf)  }
0xea: {  	v4 =	vld [tilespmem:s6+$0x8C00];
	vm2 =	veq.s32 v3, v2;
	v3 =	vmov s7;
	s7 =	sand.u32 $0xF, s29  }
0xeb: {  	vm1 =	veq.s32 v3, v2;
	v3 =	vmov s7  }
0xec: {  	vm0 =	veq.s32 v3, v2;
	_ =	sdelay $0x1  }
0xed: {  	v3 =	vsel vm13, $0x1, v1  }
0xee: {  	v3 =	vadd.s32 v3, v4  }
0xef: {  	s5 =	sand.u32 $0xFFFFFFF0, s5;
	[tilespmem:s6+$0x8C00] =	vst v3  }
0xf0: {  	v3 =	vld [tilespmem:s5+$0x8C00];
	_ =	sdelay $0x3  }
0xf1: {  	v4 =	vsel vm12, $0x1, v1  }
0xf2: {  	v3 =	vadd.s32 v4, v3  }
0xf3: {  	[tilespmem:s5+$0x8C00] =	vst v3;
	s5 =	sand.u32 $0xFFFFFFF0, s17  }
0xf4: {  	v3 =	vld [tilespmem:s5+$0x8C00];
	_ =	sdelay $0x3  }
0xf5: {  	v4 =	vsel vm11, $0x1, v1  }
0xf6: {  	v3 =	vadd.s32 v4, v3  }
0xf7: {  	[tilespmem:s5+$0x8C00] =	vst v3;
	s5 =	sand.u32 $0xFFFFFFF0, s16  }
0xf8: {  	v3 =	vld [tilespmem:s5+$0x8C00];
	_ =	sdelay $0x3  }
0xf9: {  	v4 =	vsel vm10, $0x1, v1  }
0xfa: {  	v3 =	vadd.s32 v4, v3  }
0xfb: {  	[tilespmem:s5+$0x8C00] =	vst v3;
	s5 =	sand.u32 $0xFFFFFFF0, s13  }
0xfc: {  	v3 =	vld [tilespmem:s5+$0x8C00];
	_ =	sdelay $0x3  }
0xfd: {  	v4 =	vsel vm9, $0x1, v1  }
0xfe: {  	v3 =	vadd.s32 v4, v3  }
0xff: {  	[tilespmem:s5+$0x8C00] =	vst v3;
	s5 =	sand.u32 $0xFFFFFFF0, s12  }
0x100: {  	v3 =	vld [tilespmem:s5+$0x8C00];
	_ =	sdelay $0x3  }
0x101: {  	v4 =	vsel vm8, $0x1, v1  }
0x102: {  	v3 =	vadd.s32 v4, v3  }
0x103: {  	[tilespmem:s5+$0x8C00] =	vst v3;
	s5 =	sand.u32 $0xFFFFFFF0, s11  }
0x104: {  	v3 =	vld [tilespmem:s5+$0x8C00];
	_ =	sdelay $0x3  }
0x105: {  	v4 =	vsel vm7, $0x1, v1  }
0x106: {  	v3 =	vadd.s32 v4, v3  }
0x107: {  	[tilespmem:s5+$0x8C00] =	vst v3;
	s5 =	sand.u32 $0xFFFFFFF0, s10  }
0x108: {  	v3 =	vld [tilespmem:s5+$0x8C00];
	_ =	sdelay $0x3  }
0x109: {  	v4 =	vsel vm6, $0x1, v1  }
0x10a: {  	v3 =	vadd.s32 v4, v3  }
0x10b: {  	s3 =	sand.u32 $0xFFFFFFF0, s3;
	[tilespmem:s5+$0x8C00] =	vst v3  }
0x10c: {  	v3 =	vld [tilespmem:s3+$0x8C00];
	_ =	sdelay $0x3  }
0x10d: {  	v4 =	vsel vm5, $0x1, v1  }
0x10e: {  	v3 =	vadd.s32 v4, v3  }
0x10f: {  	[tilespmem:s3+$0x8C00] =	vst v3;
	s3 =	sand.u32 $0xFFFFFFF0, s4  }
0x110: {  	v3 =	vld [tilespmem:s3+$0x8C00];
	_ =	sdelay $0x3  }
0x111: {  	v4 =	vsel vm4, $0x1, v1  }
0x112: {  	v3 =	vadd.s32 v4, v3  }
0x113: {  	s0 =	sand.u32 $0xFFFFFFF0, s0;
	[tilespmem:s3+$0x8C00] =	vst v3  }
0x114: {  	v3 =	vld [tilespmem:s0+$0x8C00];
	_ =	sdelay $0x3  }
0x115: {  	v4 =	vsel vm3, $0x1, v1  }
0x116: {  	v3 =	vadd.s32 v4, v3  }
0x117: {  	[tilespmem:s0+$0x8C00] =	vst v3;
	s0 =	sand.u32 $0xFFFFFFF0, s31  }
0x118: {  	v3 =	vld [tilespmem:s0+$0x8C00];
	_ =	sdelay $0x3  }
0x119: {  	v4 =	vsel vm2, $0x1, v1  }
0x11a: {  	v3 =	vadd.s32 v4, v3  }
0x11b: {  	[tilespmem:s0+$0x8C00] =	vst v3;
	s0 =	sand.u32 $0xFFFFFFF0, s30  }
0x11c: {  	v3 =	vld [tilespmem:s0+$0x8C00];
	_ =	sdelay $0x3  }
0x11d: {  	v4 =	vsel vm1, $0x1, v1  }
0x11e: {  	v3 =	vadd.s32 v4, v3  }
0x11f: {  	[tilespmem:s0+$0x8C00] =	vst v3;
	s0 =	sand.u32 $0xFFFFFFF0, s29  }
0x120: {  	v3 =	vld [tilespmem:s0+$0x8C00]  }
.Ltmp2:
0x121: {  	(pc) =	sbr.rel @p0 .LBB2_7-.Ltmp2, $3  }
0x122: {  	_ =	sdelay $0x1  }
0x123: {  	v4 =	vsel vm0, $0x1, v1  }
0x124: {  	v3 =	vadd.s32 v4, v3  }
0x125: {  	s3 =	sshra.s32 s22, $0x2;
	[tilespmem:s0+$0x8C00] =	vst v3  }
0x126: {  	v3 =	vld [tilespmem:s3+$0x800];
	_ =	sdelay $0x4  }
0x127: {  	(v2sf) =	vpush v3, $0x0;
	_ =	sdelay $0x6  }
0x128: {  	(v2sf) =	vpush v3, $0x1;
	_ =	sdelay $0x6  }
0x129: {  	(v2sf) =	vpush v3, $0x2  }
0x12a: {  	s4 =	spop (v2sf)  }
0x12b: {  	s5 =	sand.u32 $0xFFFFFFF0, s4  }
0x12c: {  	v4 =	vld [tilespmem:s5+$0x8C00]  }
0x12d: {  	s0 =	sand.u32 $0xF, s4  }
0x12e: {  	v5 =	vmov s0  }
0x12f: {  	vm0 =	veq.s32 v5, v2  }
0x130: {  	(v2sf) =	vpush v3, $0x3;
	v5 =	vsel vm0, $0x1, v1  }
0x131: {  	s6 =	spop (v2sf);
	v4 =	vadd.s32 v5, v4  }
0x132: {  	s7 =	sand.u32 $0xFFFFFFF0, s6;
	[tilespmem:s5+$0x8C00] =	vst v4  }
0x133: {  	v4 =	vld [tilespmem:s7+$0x8C00]  }
0x134: {  	s0 =	sand.u32 $0xF, s6  }
0x135: {  	v49 =	vmov s0  }
0x136: {  	vm13 =	veq.s32 v49, v2  }
0x137: {  	(v2sf) =	vpush v3, $0x4;
	v5 =	vsel vm13, $0x1, v1  }
0x138: {  	s10 =	spop (v2sf);
	v4 =	vadd.s32 v5, v4  }
0x139: {  	s11 =	sand.u32 $0xFFFFFFF0, s10;
	[tilespmem:s7+$0x8C00] =	vst v4  }
0x13a: {  	v4 =	vld [tilespmem:s11+$0x8C00]  }
0x13b: {  	s0 =	sand.u32 $0xF, s10  }
0x13c: {  	v50 =	vmov s0  }
0x13d: {  	vm14 =	veq.s32 v50, v2  }
0x13e: {  	(v2sf) =	vpush v3, $0x5;
	v5 =	vsel vm14, $0x1, v1  }
0x13f: {  	s12 =	spop (v2sf);
	v4 =	vadd.s32 v5, v4  }
0x140: {  	s13 =	sand.u32 $0xFFFFFFF0, s12;
	[tilespmem:s11+$0x8C00] =	vst v4  }
0x141: {  	v4 =	vld [tilespmem:s13+$0x8C00]  }
0x142: {  	s0 =	sand.u32 $0xF, s12  }
0x143: {  	v51 =	vmov s0  }
0x144: {  	vm15 =	veq.s32 v51, v2  }
0x145: {  	(v2sf) =	vpush v3, $0x6;
	v5 =	vsel vm15, $0x1, v1  }
0x146: {  	s16 =	spop (v2sf);
	v4 =	vadd.s32 v5, v4  }
0x147: {  	s17 =	sand.u32 $0xFFFFFFF0, s16;
	[tilespmem:s13+$0x8C00] =	vst v4  }
0x148: {  	v4 =	vld [tilespmem:s17+$0x8C00]  }
0x149: {  	s0 =	sand.u32 $0xF, s16  }
0x14a: {  	v52 =	vmov s0  }
0x14b: {  	vm4 =	veq.s32 v52, v2  }
0x14c: {  	(v2sf) =	vpush v3, $0x7;
	v5 =	vsel vm4, $0x1, v1  }
0x14d: {  	s22 =	spop (v2sf);
	v4 =	vadd.s32 v5, v4  }
0x14e: {  	s26 =	sand.u32 $0xFFFFFFF0, s22;
	[tilespmem:s17+$0x8C00] =	vst v4  }
0x14f: {  	v4 =	vld [tilespmem:s26+$0x8C00]  }
0x150: {  	s0 =	sand.u32 $0xF, s22  }
0x151: {  	v53 =	vmov s0  }
0x152: {  	vm5 =	veq.s32 v53, v2  }
0x153: {  	(v2sf) =	vpush v3, $0x8;
	v5 =	vsel vm5, $0x1, v1  }
0x154: {  	s29 =	spop (v2sf);
	v4 =	vadd.s32 v5, v4  }
0x155: {  	s30 =	sand.u32 $0xFFFFFFF0, s29;
	[tilespmem:s26+$0x8C00] =	vst v4  }
0x156: {  	v4 =	vld [tilespmem:s30+$0x8C00]  }
0x157: {  	s0 =	sand.u32 $0xF, s29  }
0x158: {  	v54 =	vmov s0  }
0x159: {  	vm6 =	veq.s32 v54, v2  }
0x15a: {  	(v2sf) =	vpush v3, $0x9;
	v5 =	vsel vm6, $0x1, v1  }
0x15b: {  	s31 =	spop (v2sf);
	v4 =	vadd.s32 v5, v4  }
0x15c: {  	s4 =	sand.u32 $0xFFFFFFF0, s31;
	[tilespmem:s30+$0x8C00] =	vst v4  }
0x15d: {  	v4 =	vld [tilespmem:s4+$0x8C00]  }
0x15e: {  	s0 =	sand.u32 $0xF, s31  }
0x15f: {  	v55 =	vmov s0  }
0x160: {  	vm7 =	veq.s32 v55, v2  }
0x161: {  	(v2sf) =	vpush v3, $0xA;
	v5 =	vsel vm7, $0x1, v1  }
0x162: {  	s5 =	spop (v2sf);
	v4 =	vadd.s32 v5, v4  }
0x163: {  	s6 =	sand.u32 $0xFFFFFFF0, s5;
	[tilespmem:s4+$0x8C00] =	vst v4  }
0x164: {  	v4 =	vld [tilespmem:s6+$0x8C00]  }
0x165: {  	s0 =	sand.u32 $0xF, s5  }
0x166: {  	v56 =	vmov s0  }
0x167: {  	vm8 =	veq.s32 v56, v2  }
0x168: {  	(v2sf) =	vpush v3, $0xB;
	v5 =	vsel vm8, $0x1, v1  }
0x169: {  	s7 =	spop (v2sf);
	v4 =	vadd.s32 v5, v4  }
0x16a: {  	s10 =	sand.u32 $0xFFFFFFF0, s7;
	[tilespmem:s6+$0x8C00] =	vst v4  }
0x16b: {  	v4 =	vld [tilespmem:s10+$0x8C00]  }
0x16c: {  	s0 =	sand.u32 $0xF, s7  }
0x16d: {  	v57 =	vmov s0  }
0x16e: {  	vm9 =	veq.s32 v57, v2  }
0x16f: {  	(v2sf) =	vpush v3, $0xC;
	v5 =	vsel vm9, $0x1, v1  }
0x170: {  	s11 =	spop (v2sf);
	v4 =	vadd.s32 v5, v4  }
0x171: {  	s12 =	sand.u32 $0xFFFFFFF0, s11;
	[tilespmem:s10+$0x8C00] =	vst v4  }
0x172: {  	v4 =	vld [tilespmem:s12+$0x8C00]  }
0x173: {  	s0 =	sand.u32 $0xF, s11  }
0x174: {  	v58 =	vmov s0  }
0x175: {  	vm10 =	veq.s32 v58, v2  }
0x176: {  	(v2sf) =	vpush v3, $0xD;
	v5 =	vsel vm10, $0x1, v1  }
0x177: {  	s13 =	spop (v2sf);
	v4 =	vadd.s32 v5, v4  }
0x178: {  	s16 =	sand.u32 $0xFFFFFFF0, s13;
	[tilespmem:s12+$0x8C00] =	vst v4  }
0x179: {  	v4 =	vld [tilespmem:s16+$0x8C00]  }
0x17a: {  	s0 =	sand.u32 $0xF, s13  }
0x17b: {  	v59 =	vmov s0  }
0x17c: {  	vm11 =	veq.s32 v59, v2  }
0x17d: {  	(v2sf) =	vpush v3, $0xE;
	v5 =	vsel vm11, $0x1, v1  }
0x17e: {  	s17 =	spop (v2sf);
	v4 =	vadd.s32 v5, v4  }
0x17f: {  	s22 =	sand.u32 $0xFFFFFFF0, s17;
	[tilespmem:s16+$0x8C00] =	vst v4  }
0x180: {  	v4 =	vld [tilespmem:s22+$0x8C00]  }
0x181: {  	s0 =	sand.u32 $0xF, s17  }
0x182: {  	v60 =	vmov s0  }
0x183: {  	vm12 =	veq.s32 v60, v2  }
0x184: {  	(v2sf) =	vpush v3, $0xF;
	v3 =	vsel vm12, $0x1, v1  }
0x185: {  	s26 =	spop (v2sf);
	v3 =	vadd.s32 v3, v4  }
0x186: {  	s29 =	sand.u32 $0xFFFFFFF0, s26;
	[tilespmem:s22+$0x8C00] =	vst v3  }
0x187: {  	v3 =	vld [tilespmem:s29+$0x8C00]  }
0x188: {  	s0 =	sand.u32 $0xF, s26  }
0x189: {  	v61 =	vmov s0  }
0x18a: {  	vm13 =	veq.s32 v61, v2  }
0x18b: {  	v4 =	vsel vm13, $0x1, v1  }
0x18c: {  	s30 =	spop (v2sf);
	v3 =	vadd.s32 v4, v3  }
0x18d: {  	s31 =	sand.u32 $0xFFFFFFF0, s30;
	[tilespmem:s29+$0x8C00] =	vst v3  }
0x18e: {  	v3 =	vld [tilespmem:s31+$0x8C00]  }
0x18f: {  	s0 =	sand.u32 $0xF, s30  }
0x190: {  	v62 =	vmov s0  }
0x191: {  	vm14 =	veq.s32 v62, v2  }
0x192: {  	v4 =	vsel vm14, $0x1, v1  }
0x193: {  	s4 =	spop (v2sf);
	v3 =	vadd.s32 v4, v3  }
0x194: {  	s5 =	sand.u32 $0xFFFFFFF0, s4;
	[tilespmem:s31+$0x8C00] =	vst v3  }
0x195: {  	v3 =	vld [tilespmem:s5+$0x8C00]  }
0x196: {  	s0 =	sand.u32 $0xF, s4  }
0x197: {  	v63 =	vmov s0  }
0x198: {  	vm15 =	veq.s32 v63, v2  }
0x199: {  	v4 =	vsel vm15, $0x1, v1  }
0x19a: {  	v3 =	vadd.s32 v4, v3  }
0x19b: {  	[tilespmem:s5+$0x8C00] =	vst v3  }
0x19c: {  	_ =	swait.ge [sflag:s25], $0x4000  }
0x19d: {  	[sflag:s25] =	ssyncset.done $0x0  }
0x19e: {  	[sflag:s25] =	ssyncadd.s32 $0xFFFFC000  }
0x19f: {  	[spmem:s2] =	stream.indirect.scatter.add.f32 [tilespmem:s19], [sflag:$0x3], $0x80, s21, s23, $0xb8;
	[tilespmem:$0x1F400] =	vst v63  }
0x1a0: {  	_ =	swait.ge [sflag:s20], $0x4000  }
0x1a1: {  	[sflag:s20] =	ssyncset.done $0x0  }
0x1a2: {  	s6 =	simm.s32 $0x100;
	[sflag:s20] =	ssyncadd.s32 $0xFFFFC000  }
0x1a3: {  	[tilespmem:s19], [sflag:$0x1] =	stream.indirect.gather [hbm4b:s1+s23], $0x80, s6, s23, $0xb8;
	[tilespmem:$0x1F400] =	vst v63  }
0x1a4: {  	_ =	swait.ge [sflag:s28], $0x4000  }
0x1a5: {  	[sflag:s28] =	ssyncset.done $0x0  }
0x1a6: {  	s7 =	simm.s32 $0x480;
	[sflag:s28] =	ssyncadd.s32 $0xFFFFC000  }
0x1a7: {  	[spmem:s2] =	stream.indirect.scatter.add.f32 [tilespmem:s24], [sflag:$0x3], $0x80, s7, s23, $0xb8;
	[tilespmem:$0x1F400] =	vst v63  }
0x1a8: {  	_ =	swait.ge [sflag:s20], $0x4000  }
0x1a9: {  	[sflag:s20] =	ssyncset.done $0x0  }
0x1aa: {  	s10 =	simm.s32 $0x180;
	[sflag:s20] =	ssyncadd.s32 $0xFFFFC000  }
0x1ab: {  	[tilespmem:s24], [sflag:$0x2] =	stream.indirect.gather [hbm4b:s1+s23], $0x80, s10, s23, $0xb8;
	[tilespmem:$0x1F400] =	vst v63  }
0x1ac: {  	_ =	swait.ge [sflag:s25], $0x4000  }
0x1ad: {  	[sflag:s25] =	ssyncset.done $0x0  }
0x1ae: {  	s11 =	simm.s32 $0x500;
	[sflag:s25] =	ssyncadd.s32 $0xFFFFC000  }
0x1af: {  	[spmem:s2] =	stream.indirect.scatter.add.f32 [tilespmem:s19], [sflag:$0x3], $0x80, s11, s23, $0xb8;
	[tilespmem:$0x1F400] =	vst v63  }
0x1b0: {  	_ =	swait.ge [sflag:s20], $0x4000  }
0x1b1: {  	[sflag:s20] =	ssyncset.done $0x0  }
0x1b2: {  	s12 =	simm.s32 $0x200;
	[sflag:s20] =	ssyncadd.s32 $0xFFFFC000  }
0x1b3: {  	[tilespmem:s19], [sflag:$0x1] =	stream.indirect.gather [hbm4b:s1+s23], $0x80, s12, s23, $0xb8;
	[tilespmem:$0x1F400] =	vst v63  }
0x1b4: {  	_ =	swait.ge [sflag:s28], $0x4000  }
0x1b5: {  	[sflag:s28] =	ssyncset.done $0x0  }
0x1b6: {  	s13 =	simm.s32 $0x580;
	[sflag:s28] =	ssyncadd.s32 $0xFFFFC000  }
0x1b7: {  	[spmem:s2] =	stream.indirect.scatter.add.f32 [tilespmem:s24], [sflag:$0x3], $0x80, s13, s23, $0xb8;
	[tilespmem:$0x1F400] =	vst v63  }
0x1b8: {  	_ =	swait.ge [sflag:s20], $0x4000  }
0x1b9: {  	[sflag:s20] =	ssyncset.done $0x0  }
0x1ba: {  	s16 =	simm.s32 $0x280;
	[sflag:s20] =	ssyncadd.s32 $0xFFFFC000  }
0x1bb: {  	[tilespmem:s24], [sflag:$0x2] =	stream.indirect.gather [hbm4b:s1+s23], $0x80, s16, s23, $0xb8;
	[tilespmem:$0x1F400] =	vst v63  }
0x1bc: {  	_ =	swait.ge [sflag:s25], $0x4000  }
0x1bd: {  	[sflag:s25] =	ssyncset.done $0x0  }
0x1be: {  	s17 =	simm.s32 $0x600;
	[sflag:s25] =	ssyncadd.s32 $0xFFFFC000  }
0x1bf: {  	[spmem:s2] =	stream.indirect.scatter.add.f32 [tilespmem:s19], [sflag:$0x3], $0x80, s17, s23, $0xb8;
	[tilespmem:$0x1F400] =	vst v63  }
0x1c0: {  	_ =	swait.ge [sflag:s20], $0x4000  }
0x1c1: {  	[sflag:s20] =	ssyncset.done $0x0  }
0x1c2: {  	s22 =	simm.s32 $0x300;
	[sflag:s20] =	ssyncadd.s32 $0xFFFFC000  }
0x1c3: {  	[tilespmem:s19], [sflag:$0x1] =	stream.indirect.gather [hbm4b:s1+s23], $0x80, s22, s23, $0xb8;
	[tilespmem:$0x1F400] =	vst v63  }
0x1c4: {  	_ =	swait.ge [sflag:s28], $0x4000  }
0x1c5: {  	[sflag:s28] =	ssyncset.done $0x0  }
0x1c6: {  	s26 =	simm.s32 $0x680;
	[sflag:s28] =	ssyncadd.s32 $0xFFFFC000  }
0x1c7: {  	[spmem:s2] =	stream.indirect.scatter.add.f32 [tilespmem:s24], [sflag:$0x3], $0x80, s26, s23, $0xb8;
	[tilespmem:$0x1F400] =	vst v63  }
0x1c8: {  	_ =	swait.ge [sflag:s20], $0x4000  }
0x1c9: {  	[sflag:s20] =	ssyncset.done $0x0  }
0x1ca: {  	s29 =	simm.s32 $0x380;
	[sflag:s20] =	ssyncadd.s32 $0xFFFFC000  }
0x1cb: {  	[tilespmem:s24], [sflag:$0x2] =	stream.indirect.gather [hbm4b:s1+s23], $0x80, s29, s23, $0xb8;
	[tilespmem:$0x1F400] =	vst v63  }
0x1cc: {  	_ =	swait.ge [sflag:s25], $0x4000  }
0x1cd: {  	[sflag:s25] =	ssyncset.done $0x0  }
0x1ce: {  	s30 =	simm.s32 $0x700;
	[sflag:s25] =	ssyncadd.s32 $0xFFFFC000  }
0x1cf: {  	[spmem:s2] =	stream.indirect.scatter.add.f32 [tilespmem:s19], [sflag:$0x3], $0x80, s30, s23, $0xb8;
	[tilespmem:$0x1F400] =	vst v63  }
0x1d0: {  	_ =	swait.ge [sflag:s20], $0x4000  }
0x1d1: {  	[sflag:s20] =	ssyncset.done $0x0  }
0x1d2: {  	[sflag:s20] =	ssyncadd.s32 $0xFFFFC000  }
0x1d3: {  	s18 =	sadd.s32 $0x1, s18;
	_ =	swait.ge [sflag:s28], $0x4000  }
0x1d4: {  	p0 =	sne.s32 s18, $0xA;
	[sflag:s28] =	ssyncset.done $0x0  }
.Ltmp3:
0x1d5: {  	s31 =	simm.s32 $0x780;
	[sflag:s28] =	ssyncadd.s32 $0xFFFFC000;
	(pc) =	sbr.rel @p0 .LBB2_6-.Ltmp3, $4  }
0x1d6: {  	[spmem:s2] =	stream.indirect.scatter.add.f32 [tilespmem:s24], [sflag:$0x3], $0x80, s31, s23, $0xb8;
	[tilespmem:$0x1F400] =	vst v63  }
0x1d7: {  	_ =	swait.ge [sflag:s20], $0x4000  }
0x1d8: {  	[sflag:s20] =	ssyncset.done $0x0  }
0x1d9: {  	[sflag:s20] =	ssyncadd.s32 $0xFFFFC000  }
0x1da: {  	s0 =	stileid.u32;
	[bflag:$0x0] =	sbarrier.arrive $0xFFFF  }
0x1db: {  	s0 =	sshll.u32 s0, $0x6;
	s7 =	rddreg [dreg:$0x7]  }
0x1dc: {  	s4 =	rddreg [dreg:$0xc];
	s0 =	sor.u32 $0x1C03, s0;
	s3 =	sshrl.u32 s7, $0x3  }
0x1dd: {  	[hbm:s4], [sflag:s0] =	dma.local [spmem:s3], $0x2800  }
0x1de: {  	_ =	swait.ge [sflag:s20], $0x2800  }
0x1df: {  	s22 =	simm.s32 $0x0;
	[sflag:s20] =	ssyncset.done $0x0  }
0x1e0: {  	s29 =	simm.s32 $0x8C00;
	s26 =	rddreg [dreg:$0xd];
	[sflag:s20] =	ssyncadd.s32 $0xFFFFD800  }
0x1e1: {  	[hbm4b:s26+s22] =	stream.linear.scatter [tilespmem:s29], [sflag:$0x3], $0x2800, $0x38;
	[tilespmem:$0x1F400] =	vst v63  }
0x1e2: {  	_ =	swait.ge [sflag:s20], $0x2800  }
0x1e3: {  	s30 =	rddreg [dreg:$0xf]  }
0x1e4: {  	s31 =	rddreg [dreg:$0xe];
	s3 =	sadd.s32 $0x1, s30  }
0x1e5: {  	p0 =	sne.s32 s3, s31  }
.Ltmp4:
0x1e6: {  	_ = 	snop;
	(pc) =	sbr.rel @p0 .LBB2_1-.Ltmp4, $3  }
0x1e7: {  	_ =	sdelay $0x1  }
0x1e8: {  	[sflag:s20] =	ssyncset.done $0x0  }
0x1e9: {  	[sflag:s20] =	ssyncadd.s32 $0xFFFFD800  }
0x1ea: {  	_ =	sfence.sel $0x180000  }
0x1eb: {  	[bflag:$0x0] =	sbarrier.arrive $0xFFFF  }
0x1ec: {  	_ =	strace $0x90000047  }
0x1ed: {  	s0 =	stileid.u32;
	[bflag:$0x2] =	sbarrier.arrive $0xFFFF  }
0x1ee: {  	p0 =	sne.s32 s0, $0x0;
	s0 =	rddreg [dreg:$0x3]  }
0x1ef: {  	s0 =	sadd.s32 @!p0 $0x100000, s0  }
0x1f0: {  	[sflag:s0] =	ssyncadd.tile.s32 @!p0 $0x1;
	_ =	shalt  }
.Lfunc_end2:
_tile_overlayer_lowered:
.L_overlay_start_2:
0x1f1: {  	(tag) =	ssettag $0x2  }
0x1f2: {  	s0 =	rddreg [dreg:$0x0];
	s2 =	stileid.u32  }
0x1f3: {  	s1 =	rddreg [dreg:$0x1];
	p0 =	sne.s32 s2, $0x0  }
0x1f4: {  	s3 =	rddreg [dreg:$0x2];
	[bflag:$0x3] =	sbarrier.arrive $0xFFFF;
	s2 =	simm.s32 @!p0 $0x1C03  }
0x1f5: {  	[timem:s3], [sflag:s2] =	dma.local @!p0 [hbm:s0], s1  }
0x1f6: {  	s0 =	simm.s32 @!p0 $0x3  }
0x1f7: {  	_ =	swait.ge @!p0 [sflag:s0], s1  }
0x1f8: {  	s1 =	ssub.s32 @!p0 $0x0, s1;
	[sflag:s0] =	ssyncset.done @!p0 $0x0  }
0x1f9: {  	[sflag:s0] =	ssyncadd.s32 @!p0 s1  }
0x1fa: {  	[bflag:$0x3] =	sbarrier.arrive $0xFFFF  }
0x1fb: {  	_ =	shalt  }

// kernel: kernel.9.cloned.1.call-start
scs
__scs_entry_jumppad:
0x0: {  	(pc) =	sbr.rel $0x88, $3  }
0x1: {  	(tag) =	ssettag $0x0;
	lr =	simm.s32 $0x1  }
0x2: {  	[smem:$0x3F94] =	sst lr;
	_ =	strace $0xD0000000  }
0x3: {  	_ = 	snop  }
0x4: {  	_ = 	snop  }
0x5: {  	_ = 	snop  }
0x6: {  	_ = 	snop  }
0x7: {  	_ = 	snop  }
__scs_overlays_trampoline_lowered:
0x8: {  	[smem:$0x3FA3] =	sst s0  }
0x9: {  	[smem:$0x3FA4] =	sst s1  }
0xa: {  	[smem:$0x3FA5] =	sst s2  }
0xb: {  	[smem:$0x3FA6] =	sst s3  }
0xc: {  	[smem:$0x3FA7] =	sst s4  }
0xd: {  	[smem:$0x3FA8] =	sst s5  }
0xe: {  	[smem:$0x3FA9] =	sst s6  }
0xf: {  	[smem:$0x3FAA] =	sst s7  }
0x10: {  	[smem:$0x3FAB] =	sst s8  }
0x11: {  	[smem:$0x3FAC] =	sst s9;
	s0 =	simm.s32 @!p0 $0x0  }
0x12: {  	s1 =	sld [smem:$0x3F92];
	s0 =	simm.s32 @p0 $0x1  }
0x13: {  	[smem:$0x3FAD] =	sst s0;
	s0 =	simm.s32 @!p1 $0x0  }
0x14: {  	s2 =	sld [smem:$0x3F91];
	s0 =	simm.s32 @p1 $0x1  }
0x15: {  	[smem:$0x3FAE] =	sst s0;
	s0 =	simm.s32 @!p2 $0x0  }
0x16: {  	s3 =	sld [smem:$0x3FDB];
	s0 =	simm.s32 @p2 $0x1  }
0x17: {  	s4 =	simm.s32 $0x1BF5;
	[smem:$0x3FB0] =	sst s0  }
0x18: {  	s0 =	sld [smem:$0x3F93];
	_ =	swait.ge [sflag:s4], $0x0  }
0x19: {  	s7 =	sld [smem:$0x3F94]  }
0x1a: {  	s8 =	sadd.s32 $0xFFFFE003, lr  }
0x1b: {  	s9 =	sadd.s32 $0xFFFFFEF7, lr;
	s5 =	simm.s32 $0xFFFFFFFF;
	p2 =	slt.u32 s8, $0xFFFFF086  }
0x1c: {  	p1 =	slt.u32 s9, $0xF7A;
	s5 =	simm.s32 @!p2 $0x0  }
0x1d: {  	s5 =	simm.s32 @p1 $0x1;
	p0 =	seq.s32 s7, s2  }
0x1e: {  	s7 =	smul.u32 @!p0 $0xF7A, s2;
	p2 =	seq.s32 @!p0 s5, $0x0  }
0x1f: {  	s9 =	smul.u32 $0xF7A, s1;
	s8 =	simm.s32 @!p0 $0x1BF5;
	p2 =	por !p2, p0  }
0x20: {  	[sflag:s8] =	ssyncset.s32 @!p0 $0xFFFFF086;
	s6 =	sadd.s32 @!p0 s3, s7;
	s7 =	simm.s32 @!p0 $0x108  }
0x21: {  	s3 =	sadd.s32 s3, s9;
	s6 =	sadd.s32 @!p0 $0x88, s6;
	s7 =	simm.s32 @p2 $0x1082  }
0x22: {  	[simem:s7], [sflag:s8] =	dma.local @!p0 [hbm:s6], $0xF7A  }
0x23: {  	s9 =	sor.u32 $0xD0000000, s2;
	s6 =	simm.s32 $0x108;
	_ =	swait.ge @!p0 [sflag:s8], $0x0  }
0x24: {  	s3 =	sadd.s32 $0x88, s3;
	s6 =	simm.s32 @!p1 $0x1082;
	[sflag:s4] =	ssyncset.s32 $0xFFFFF086  }
0x25: {  	[simem:s6], [sflag:s4] =	dma.local [hbm:s3], $0xF7A  }
0x26: {  	[smem:$0x3F94] =	sst s1;
	(tag) =	ssettag s2;
	_ =	strace s9  }
0x27: {  	s1 =	sld [smem:$0x3FA4]  }
0x28: {  	s2 =	sld [smem:$0x3FA5]  }
0x29: {  	s4 =	sld [smem:$0x3FA7]  }
0x2a: {  	p0 =	seq.s32 s5, $0x0;
	s5 =	sld [smem:$0x3FA8]  }
0x2b: {  	s6 =	sld [smem:$0x3FA9]  }
0x2c: {  	s7 =	sld [smem:$0x3FAA]  }
0x2d: {  	s3 =	simm.s32 $0x108;
	s8 =	sld [smem:$0x3FAB]  }
0x2e: {  	s3 =	simm.s32 @!p0 $0x1082;
	s9 =	sld [smem:$0x3FAC]  }
0x2f: {  	lr =	sadd.s32 s0, s3;
	s0 =	sld [smem:$0x3FA3]  }
0x30: {  	s3 =	sld [smem:$0x3FA6]  }
0x31: {  	[smem:$0x3FAF] =	sst s10  }
0x32: {  	s10 =	sld [smem:$0x3FAD];
	_ =	sdelay $0x3  }
0x33: {  	p0 =	seq.s32 s10, $0x1;
	s10 =	sld [smem:$0x3FAF];
	_ =	sdelay $0x3  }
0x34: {  	[smem:$0x3FAF] =	sst s10  }
0x35: {  	s10 =	sld [smem:$0x3FAE];
	_ =	sdelay $0x3  }
0x36: {  	p1 =	seq.s32 s10, $0x1;
	s10 =	sld [smem:$0x3FAF];
	_ =	sdelay $0x3  }
0x37: {  	[smem:$0x3FAF] =	sst s10  }
0x38: {  	s10 =	sld [smem:$0x3FB0]  }
0x39: {  	_ = 	snop;
	(pc) =	sbr.ind lr, $3  }
0x3a: {  	_ = 	snop  }
0x3b: {  	_ = 	snop  }
0x3c: {  	p2 =	seq.s32 s10, $0x1;
	s10 =	sld [smem:$0x3FAF]  }
0x3d: {  	_ =	shalt  }
0x3e: {  	_ =	shalt  }
0x3f: {  	_ =	shalt  }
0x40: {  	_ =	shalt  }
0x41: {  	_ =	shalt  }
0x42: {  	_ =	shalt  }
0x43: {  	_ =	shalt  }
0x44: {  	_ =	shalt  }
0x45: {  	_ =	shalt  }
0x46: {  	_ =	shalt  }
0x47: {  	_ =	shalt  }
0x48: {  	_ =	shalt  }
0x49: {  	_ =	shalt  }
0x4a: {  	_ =	shalt  }
0x4b: {  	_ =	shalt  }
0x4c: {  	_ =	shalt  }
0x4d: {  	_ =	shalt  }
0x4e: {  	_ =	shalt  }
0x4f: {  	_ =	shalt  }
0x50: {  	_ =	shalt  }
0x51: {  	_ =	shalt  }
0x52: {  	_ =	shalt  }
0x53: {  	_ =	shalt  }
0x54: {  	_ =	shalt  }
0x55: {  	_ =	shalt  }
0x56: {  	_ =	shalt  }
0x57: {  	_ =	shalt  }
0x58: {  	_ =	shalt  }
0x59: {  	_ =	shalt  }
0x5a: {  	_ =	shalt  }
0x5b: {  	_ =	shalt  }
0x5c: {  	_ =	shalt  }
0x5d: {  	_ =	shalt  }
0x5e: {  	_ =	shalt  }
0x5f: {  	_ =	shalt  }
0x60: {  	_ =	shalt  }
0x61: {  	_ =	shalt  }
0x62: {  	_ =	shalt  }
0x63: {  	_ =	shalt  }
0x64: {  	_ =	shalt  }
0x65: {  	_ =	shalt  }
0x66: {  	_ =	shalt  }
0x67: {  	_ =	shalt  }
0x68: {  	_ =	shalt  }
0x69: {  	_ =	shalt  }
0x6a: {  	_ =	shalt  }
0x6b: {  	_ =	shalt  }
0x6c: {  	_ =	shalt  }
0x6d: {  	_ =	shalt  }
0x6e: {  	_ =	shalt  }
0x6f: {  	_ =	shalt  }
0x70: {  	_ =	shalt  }
0x71: {  	_ =	shalt  }
0x72: {  	_ =	shalt  }
0x73: {  	_ =	shalt  }
0x74: {  	_ =	shalt  }
0x75: {  	_ =	shalt  }
0x76: {  	_ =	shalt  }
0x77: {  	_ =	shalt  }
0x78: {  	_ =	shalt  }
0x79: {  	_ =	shalt  }
0x7a: {  	_ =	shalt  }
0x7b: {  	_ =	shalt  }
0x7c: {  	_ =	shalt  }
0x7d: {  	_ =	shalt  }
0x7e: {  	_ =	shalt  }
0x7f: {  	_ =	shalt  }
0x80: {  	_ =	shalt  }
0x81: {  	_ =	shalt  }
0x82: {  	_ =	shalt  }
0x83: {  	_ =	shalt  }
0x84: {  	_ =	shalt  }
0x85: {  	_ =	shalt  }
0x86: {  	_ =	shalt  }
0x87: {  	_ =	shalt  }
.Lfunc_end0:
.L_simem_size_0:
called_computation.1_lowered:
.L_overlay_start_0:
0x88: {  	s2 =	sld [smem:$0x3FD9]  }
0x89: {  	s3 =	sld [smem:$0x3FFE];
	_ =	sdelay $0x1  }
0x8a: {  	s1 =	srdreg.scid  }
0x8b: {  	s0 =	sand.u32 $0x1, s1  }
0x8c: {  	s14 =	sshll.u32 s0, $0xA;
	s2 =	sadd.s32 s3, s2  }
0x8d: {  	s2 =	sadd.s32 s2, s14  }
0x8e: {  	[smem:$0x3FBB] =	sst s2  }
0x8f: {  	_ = 	snop  }
0x90: {  	s2 =	sld [smem:$0x3FD0];
	_ =	sdelay $0x2  }
0x91: {  	s15 =	simm.s32 $0xA;
	s4 =	simm.s32 $0x10  }
0x92: {  	[smem:s4], [sflag:s15] =	dma.local [hbm:s2], $0x1  }
0x93: {  	_ =	swait.eq [sflag:s15], $0x1  }
0x94: {  	[sflag:s15] =	ssyncset.done $0x0  }
0x95: {  	[sflag:s15] =	ssyncadd.s32 $0xFFFFFFFF  }
0x96: {  	s16 =	sld [smem:$0x10];
	(tm) =	ssettm $0x1  }
0x97: {  	s17 =	sld [smem:$0x3FFB];
	_ =	sdelay $0x3  }
0x98: {  	_ =	strace s17  }
0x99: {  	s3 =	sld [smem:$0x3FFC];
	_ =	sdelay $0x3  }
0x9a: {  	_ =	strace s3  }
0x9b: {  	s3 =	sld [smem:$0x3FFD];
	_ =	sdelay $0x3  }
0x9c: {  	_ =	strace s3  }
0x9d: {  	_ =	strace $0x8FFFFFFF  }
0x9e: {  	s18 =	sld [smem:$0x3FDB];
	_ =	sdelay $0x1  }
0x9f: {  	s19 =	simm.s32 $_scs_section_size  }
0xa0: {  	s5 =	simm.s32 $_size__tile_overlayer_lowered;
	s6 =	simm.s32 $_tile_overlayer_lowered  }
0xa1: {  	s22 =	simm.s32 $0x1BFF;
	s21 =	sshll.u32 s6, $0x1;
	s3 =	sadd.s32 s19, s18  }
0xa2: {  	s7 =	simm.s32 $0x0;
	s20 =	sshll.u32 s5, $0x1;
	s5 =	sadd.s32 s21, s3  }
0xa3: {  	[timem:s7], [sflag:s22] =	dma.local [hbm:s5], s20  }
0xa4: {  	_ =	swait.ge [sflag:s22], s20  }
0xa5: {  	s4 =	ssub.s32 $0x0, s20;
	[sflag:s22] =	ssyncset.done $0x0  }
0xa6: {  	[sflag:s22] =	ssyncadd.s32 s4;
	_ =	sdelay $0x1  }
0xa7: {  	s23 =	simm.s32 $0x1B8B  }
0xa8: {  	_ =	swait.ge [sflag:s23], $0x1  }
0xa9: {  	[sflag:s23] =	ssyncset.done $0x0  }
0xaa: {  	s25 =	simm.s32 $0x1B8E;
	s24 =	sld [smem:$0x3FFE];
	[sflag:s23] =	ssyncadd.s32 $0xFFFFFFFF  }
0xab: {  	s26 =	simm.s32 $execute0_lowered;
	[smem:$0x3FD2] =	sst s25  }
0xac: {  	s5 =	sshll.u32 s26, $0x1;
	_ =	strace $0x80000049;
	[dreg:$0x1] =	wrdreg $0xFFFFFFFF  }
0xad: {  	s28 =	simm.s32 $_size_execute0_lowered;
	s3 =	sadd.s32 s3, s5;
	[dreg:$0x0] =	wrdreg $0x0  }
0xae: {  	s5 =	sshll.u32 s28, $0x1;
	[dreg:$0x2] =	wrdreg s3  }
0xaf: {  	[dreg:$0x3] =	wrdreg s5  }
0xb0: {  	[dreg:$0x4] =	wrdreg $0xC0  }
0xb1: {  	_ =	task [dreg:s7], $0x5FFFF  }
0xb2: {  	[dreg:$0x1] =	wrdreg $0xFFFFFFFF  }
0xb3: {  	[dreg:$0x0] =	wrdreg $0x60  }
0xb4: {  	[dreg:$0x2] =	wrdreg s24  }
0xb5: {  	[dreg:$0x3] =	wrdreg s16  }
0xb6: {  	[dreg:$0x4] =	wrdreg $0xB4000  }
0xb7: {  	[dreg:$0x5] =	wrdreg $0x9  }
0xb8: {  	_ =	task.clear_ibuf [dreg:s7], $0x6FFFF;
	_ =	strace $0x90000049  }
0xb9: {  	s29 =	simm.s32 $0x9;
	_ =	strace $0x8000004B  }
0xba: {  	_ =	swait.ge [sflag:s29], $0x1  }
0xbb: {  	[sflag:s29] =	ssyncadd.s32 $0xFFFFFFFF  }
0xbc: {  	_ =	strace $0x9000004B  }
0xbd: {  	_ =	sfence  }
0xbe: {  	s30 =	sld [smem:$0x0];
	_ =	sdelay $0x2  }
0xbf: {  	s31 =	sshll.u32 s1, $0xD;
	s1 =	sshrl.u32 s1, $0x2  }
0xc0: {  	s3 =	sand.u32 $0x4000, s31;
	s1 =	sadd.s32 s1, s30  }
0xc1: {  	s0 =	sor.u32 s3, s0;
	s1 =	sshll.u32 s1, $0x11  }
0xc2: {  	s0 =	sor.u32 s1, s0  }
0xc3: {  	s0 =	sadd.s32 $0x8F2B, s0  }
0xc4: {  	[sflag:s0] =	ssyncadd.remote.s32 $0x1  }
0xc5: {  	_ =	sfence.sel $0xFFFF  }
0xc6: {  	[dreg:$0x0] =	wrdreg $0xFFFFFFFF;
	(pc) =	sbr.abs _section_cstart, $3  }
0xc7: {  	[dreg:$0x1] =	wrdreg $0xFFFFFFFF  }
0xc8: {  	_ =	task.clear_ibuf [dreg:s7], $0x2FFFF;
	_ =	strace $0x9FFFFFFF  }
0xc9: {  	(tm) =	ssettm $0x7FFFFFFF  }
tec
execute0_lowered:
.L_overlay_start_1:
0x0: {  	(tag) =	ssettag $0x1  }
0x1: {  	s0 =	rddreg [dreg:$0x0]  }
0x2: {  	s1 =	rddreg [dreg:$0x1]  }
0x3: {  	s2 =	rddreg [dreg:$0x2];
	s3 =	simm.s32 $0x0;
	s22 =	srdreg.scid  }
0x4: {  	s6 =	stileid.u32;
	s19 =	simm.s32 $0xC00;
	s20 =	simm.s32 $0x3  }
0x5: {  	s21 =	simm.s32 $0x400;
	s28 =	simm.s32 $0x2;
	[smem:$0x7FF] =	sst s3  }
0x6: {  	s3 =	sand.u32 $0x1, s22;
	s7 =	smul.u32 $0x2800, s6;
	s4 =	sadd.s32 $0x7C200, s0  }
0x7: {  	s8 =	sadd.s32 $0x77200, s0;
	s9 =	smul.u32 $0x50000, s6;
	s24 =	sadd.s32 $0x72200, s0  }
0x8: {  	s15 =	smul.u32 $0x50, s6;
	_ =	strace $0x8000004A;
	[dreg:$0x4] =	wrdreg s4  }
0x9: {  	s23 =	smul.u32 $0x28000, s3;
	s5 =	sshll.u32 s3, $0x4;
	[dreg:$0x5] =	wrdreg s8  }
0xa: {  	[dreg:$0x6] =	wrdreg s24;
	s3 =	ssub.s32 $0x2, s3;
	s24 =	simm.s32 $0x4C00  }
0xb: {  	s5 =	sor.u32 s6, s5;
	s8 =	smov.u32 s7;
	s9 =	sshrl.u32 s9, $0x2  }
0xc: {  	s25 =	sshrl.u32 s3, $0x1;
	s4 =	sadd.s32 s7, s23;
	s7 =	sadd.s32 s9, s2  }
0xd: {  	s10 =	smul.u32 $0x500, s5;
	s9 =	sadd.s32 $0x4000, s7;
	[dreg:$0x7] =	wrdreg s7  }
0xe: {  	s3 =	ssub.s32 s3, s25;
	s26 =	sadd.s32 $0x8000, s7;
	[dreg:$0x8] =	wrdreg s9  }
0xf: {  	s14 =	smul.u32 $0x50, s5;
	s29 =	sadd.s32 $0xC000, s7;
	[dreg:$0x9] =	wrdreg s26  }
0x10: {  	s23 =	simm.s32 $0x80;
	s30 =	sadd.s32 $0x10000, s7;
	[dreg:$0xa] =	wrdreg s29  }
0x11: {  	s4 =	sadd.s32 s4, s0;
	s31 =	smax.u32 s3, $0x1;
	[dreg:$0xb] =	wrdreg s30  }
0x12: {  	s0 =	sadd.s32 s10, s0;
	s4 =	sadd.s32 $0x86200, s4;
	[dreg:$0xe] =	wrdreg s31  }
0x13: {  	s25 =	simm.s32 $0x1;
	[dreg:$0xc] =	wrdreg s4;
	s0 =	sadd.s32 $0x4200, s0  }
0x14: {  	v0 =	vimm.f32 $0.0e+00;
	v1 =	vimm.s32 $0x0;
	v2 =	vlaneseq.u32;
	s3 =	simm.s32 $0x0;
	s9 =	simm.s32 $0x0;
	[dreg:$0xd] =	wrdreg s0  }
.LBB2_1:
0x15: {  	[dreg:$0xf] =	wrdreg s3;
	s0 =	simm.s32 $0x0;
	s3 =	simm.s32 $0x200  }
.LBB2_2:
0x16: {  	p0 =	sne.s32 s3, $0xFE00;
	[tilespmem:s0+$0xC70] =	vst v0  }
0x17: {  	[tilespmem:s0+$0xC00] =	vst v0  }
0x18: {  	[tilespmem:s0+$0xC10] =	vst v0  }
.Ltmp0:
0x19: {  	[tilespmem:s0+$0xC20] =	vst v0;
	(pc) =	sbr.rel @p0 .LBB2_2-.Ltmp0, $4  }
0x1a: {  	[tilespmem:s0+$0xC30] =	vst v0  }
0x1b: {  	[tilespmem:s0+$0xC40] =	vst v0  }
0x1c: {  	[tilespmem:s0+$0xC50] =	vst v0  }
0x1d: {  	[tilespmem:s0+$0xC60] =	vst v0;
	s0 =	sshra.s32 s3, $0x2;
	s3 =	sadd.s32 $0x200, s3  }
0x1e: {  	[tilespmem:s0+$0xC70] =	vst v0  }
0x1f: {  	[tilespmem:s0+$0xC00] =	vst v0  }
0x20: {  	[tilespmem:s0+$0xC10] =	vst v0  }
0x21: {  	[tilespmem:s0+$0xC20] =	vst v0  }
0x22: {  	[tilespmem:s0+$0xC30] =	vst v0  }
0x23: {  	[tilespmem:s0+$0xC40] =	vst v0  }
0x24: {  	[tilespmem:s0+$0xC50] =	vst v0  }
0x25: {  	[tilespmem:s0+$0xC60] =	vst v0  }
0x26: {  	[spmem:s7] =	stream.linear.scatter [tilespmem:s19], [sflag:$0x3], $0x4000, $0x38;
	[tilespmem:$0x1F400] =	vst v63  }
0x27: {  	_ =	swait.ge [sflag:s20], $0x4000  }
0x28: {  	[sflag:s20] =	ssyncset.done $0x0  }
0x29: {  	s26 =	rddreg [dreg:$0x8];
	[sflag:s20] =	ssyncadd.s32 $0xFFFFC000  }
0x2a: {  	[spmem:s26] =	stream.linear.scatter [tilespmem:s19], [sflag:$0x3], $0x4000, $0x38;
	[tilespmem:$0x1F400] =	vst v63  }
0x2b: {  	_ =	swait.ge [sflag:s20], $0x4000  }
0x2c: {  	[sflag:s20] =	ssyncset.done $0x0  }
0x2d: {  	s29 =	rddreg [dreg:$0x9];
	[sflag:s20] =	ssyncadd.s32 $0xFFFFC000  }
0x2e: {  	[spmem:s29] =	stream.linear.scatter [tilespmem:s19], [sflag:$0x3], $0x4000, $0x38;
	[tilespmem:$0x1F400] =	vst v63  }
0x2f: {  	_ =	swait.ge [sflag:s20], $0x4000  }
0x30: {  	[sflag:s20] =	ssyncset.done $0x0  }
0x31: {  	s30 =	rddreg [dreg:$0xa];
	[sflag:s20] =	ssyncadd.s32 $0xFFFFC000  }
0x32: {  	[spmem:s30] =	stream.linear.scatter [tilespmem:s19], [sflag:$0x3], $0x4000, $0x38;
	[tilespmem:$0x1F400] =	vst v63  }
0x33: {  	_ =	swait.ge [sflag:s20], $0x4000  }
0x34: {  	[sflag:s20] =	ssyncset.done $0x0  }
0x35: {  	s31 =	rddreg [dreg:$0xb];
	[sflag:s20] =	ssyncadd.s32 $0xFFFFC000  }
0x36: {  	[spmem:s31] =	stream.linear.scatter [tilespmem:s19], [sflag:$0x3], $0x4000, $0x38;
	[tilespmem:$0x1F400] =	vst v63  }
0x37: {  	_ =	swait.ge [sflag:s20], $0x4000  }
0x38: {  	[sflag:s20] =	ssyncset.done $0x0  }
0x39: {  	s0 =	simm.s32 $0x40;
	s3 =	simm.s32 $0x0;
	[sflag:s20] =	ssyncadd.s32 $0xFFFFC000  }
.LBB2_4:
0x3a: {  	p0 =	sne.s32 s0, $0x9FC0;
	[tilespmem:s3+$0x8C00] =	vst v1;
	s3 =	smov.u32 s0;
	s0 =	sadd.s32 $0x40, s0  }
.Ltmp1:
0x3b: {  	(pc) =	sbr.rel @p0 .LBB2_4-.Ltmp1, $2  }
0x3c: {  	_ =	sdelay $0x2  }
0x3d: {  	s3 =	sshra.s32 s3, $0x2  }
0x3e: {  	[tilespmem:s3+$0x8C00] =	vst v1  }
0x3f: {  	s18 =	simm.s32 $0x0;
	[bflag:$0x0] =	sbarrier.arrive $0xFFFF  }
.LBB2_6:
0x40: {  	s0 =	sshll.u32 s18, $0x3  }
0x41: {  	s3 =	sadd.s32 s14, s0  }
0x42: {  	s4 =	rddreg [dreg:$0x4];
	s3 =	sshll.u32 s3, $0x4  }
0x43: {  	s3 =	sadd.s32 s4, s3  }
0x44: {  	[tilespmem:s9], [sflag:$0x3] =	stream.linear.gather [hbm4b:s3+s9], $0x400, $0x38;
	[tilespmem:$0x1F400] =	vst v63  }
0x45: {  	s0 =	sadd.s32 s15, s0;
	_ =	swait.ge [sflag:s20], $0x400  }
0x46: {  	s0 =	sshll.u32 s0, $0x4;
	[sflag:s20] =	ssyncset.done $0x0;
	s16 =	rddreg [dreg:$0x5]  }
0x47: {  	s17 =	sshll.u32 s18, $0xA;
	[sflag:s20] =	ssyncadd.s32 $0xFFFFFC00;
	s0 =	sadd.s32 s16, s0  }
0x48: {  	[tilespmem:s21], [sflag:$0x3] =	stream.linear.gather [hbm4b:s0+s9], $0x400, $0x38;
	[tilespmem:$0x1F400] =	vst v63  }
0x49: {  	s0 =	sadd.s32 s8, s17;
	_ =	swait.ge [sflag:s20], $0x400  }
0x4a: {  	s0 =	sshrl.u32 s0, $0x3;
	[sflag:s20] =	ssyncset.done $0x0;
	s22 =	rddreg [dreg:$0x6]  }
0x4b: {  	s26 =	simm.s32 $0x800;
	[sflag:s20] =	ssyncadd.s32 $0xFFFFFC00;
	s0 =	sadd.s32 s22, s0  }
0x4c: {  	[tilespmem:s26], [sflag:$0x3] =	stream.linear.gather [hbm4b:s0+s9], $0x400, $0x38;
	[tilespmem:$0x1F400] =	vst v63  }
0x4d: {  	_ =	swait.ge [sflag:s20], $0x400  }
0x4e: {  	[sflag:s20] =	ssyncset.done $0x0  }
0x4f: {  	[sflag:s20] =	ssyncadd.s32 $0xFFFFFC00  }
0x50: {  	[tilespmem:s19], [sflag:$0x1] =	stream.indirect.gather [hbm4b:s1+s23], $0x80, s9, s23, $0xb8;
	[tilespmem:$0x1F400] =	vst v63  }
0x51: {  	s29 =	simm.s32 $0x0  }
0x52: {  	[tilespmem:s24], [sflag:$0x2] =	stream.indirect.gather [hbm4b:s1+s23], $0x80, s23, s23, $0xb8;
	[tilespmem:$0x1F400] =	vst v63  }
0x53: {  	v3 =	vld [tilespmem:s29+$0x800];
	_ =	sdelay $0x4  }
0x54: {  	(v2sf) =	vpush v3, $0x0;
	_ =	sdelay $0x6  }
0x55: {  	(v2sf) =	vpush v3, $0x1;
	_ =	sdelay $0x6  }
0x56: {  	(v2sf) =	vpush v3, $0x2  }
0x57: {  	s30 =	spop (v2sf)  }
0x58: {  	s31 =	sand.u32 $0xFFFFFFF0, s30  }
0x59: {  	v4 =	vld [tilespmem:s31+$0x8C00]  }
0x5a: {  	s0 =	sand.u32 $0xF, s30  }
0x5b: {  	v5 =	vmov s0  }
0x5c: {  	vm0 =	veq.s32 v5, v2  }
0x5d: {  	(v2sf) =	vpush v3, $0x3;
	v5 =	vsel vm0, $0x1, v1  }
0x5e: {  	s4 =	spop (v2sf);
	v4 =	vadd.s32 v5, v4  }
0x5f: {  	s5 =	sand.u32 $0xFFFFFFF0, s4;
	[tilespmem:s31+$0x8C00] =	vst v4  }
0x60: {  	v4 =	vld [tilespmem:s5+$0x8C00]  }
0x61: {  	s0 =	sand.u32 $0xF, s4  }
0x62: {  	v5 =	vmov s0  }
0x63: {  	vm13 =	veq.s32 v5, v2  }
0x64: {  	(v2sf) =	vpush v3, $0x4;
	v5 =	vsel vm13, $0x1, v1  }
0x65: {  	s6 =	spop (v2sf);
	v4 =	vadd.s32 v5, v4  }
0x66: {  	s7 =	sand.u32 $0xFFFFFFF0, s6;
	[tilespmem:s5+$0x8C00] =	vst v4  }
0x67: {  	v4 =	vld [tilespmem:s7+$0x8C00]  }
0x68: {  	s0 =	sand.u32 $0xF, s6  }
0x69: {  	v5 =	vmov s0  }
0x6a: {  	vm14 =	veq.s32 v5, v2  }
0x6b: {  	(v2sf) =	vpush v3, $0x5;
	v5 =	vsel vm14, $0x1, v1  }
0x6c: {  	s10 =	spop (v2sf);
	v4 =	vadd.s32 v5, v4  }
0x6d: {  	s11 =	sand.u32 $0xFFFFFFF0, s10;
	[tilespmem:s7+$0x8C00] =	vst v4  }
0x6e: {  	v4 =	vld [tilespmem:s11+$0x8C00]  }
0x6f: {  	s0 =	sand.u32 $0xF, s10  }
0x70: {  	v5 =	vmov s0  }
0x71: {  	vm15 =	veq.s32 v5, v2  }
0x72: {  	(v2sf) =	vpush v3, $0x6;
	v5 =	vsel vm15, $0x1, v1  }
0x73: {  	s12 =	spop (v2sf);
	v4 =	vadd.s32 v5, v4  }
0x74: {  	s13 =	sand.u32 $0xFFFFFFF0, s12;
	[tilespmem:s11+$0x8C00] =	vst v4  }
0x75: {  	v4 =	vld [tilespmem:s13+$0x8C00]  }
0x76: {  	s0 =	sand.u32 $0xF, s12  }
0x77: {  	v5 =	vmov s0  }
0x78: {  	vm4 =	veq.s32 v5, v2  }
0x79: {  	(v2sf) =	vpush v3, $0x7;
	v5 =	vsel vm4, $0x1, v1  }
0x7a: {  	s16 =	spop (v2sf);
	v4 =	vadd.s32 v5, v4  }
0x7b: {  	s17 =	sand.u32 $0xFFFFFFF0, s16;
	[tilespmem:s13+$0x8C00] =	vst v4  }
0x7c: {  	v4 =	vld [tilespmem:s17+$0x8C00]  }
0x7d: {  	s0 =	sand.u32 $0xF, s16  }
0x7e: {  	v5 =	vmov s0  }
0x7f: {  	vm5 =	veq.s32 v5, v2  }
0x80: {  	(v2sf) =	vpush v3, $0x8;
	v5 =	vsel vm5, $0x1, v1  }
0x81: {  	s22 =	spop (v2sf);
	v4 =	vadd.s32 v5, v4  }
0x82: {  	s26 =	sand.u32 $0xFFFFFFF0, s22;
	[tilespmem:s17+$0x8C00] =	vst v4  }
0x83: {  	v4 =	vld [tilespmem:s26+$0x8C00]  }
0x84: {  	s0 =	sand.u32 $0xF, s22  }
0x85: {  	v5 =	vmov s0  }
0x86: {  	vm6 =	veq.s32 v5, v2  }
0x87: {  	(v2sf) =	vpush v3, $0x9;
	v5 =	vsel vm6, $0x1, v1  }
0x88: {  	s29 =	spop (v2sf);
	v4 =	vadd.s32 v5, v4  }
0x89: {  	s30 =	sand.u32 $0xFFFFFFF0, s29;
	[tilespmem:s26+$0x8C00] =	vst v4  }
0x8a: {  	v4 =	vld [tilespmem:s30+$0x8C00]  }
0x8b: {  	s0 =	sand.u32 $0xF, s29  }
0x8c: {  	v5 =	vmov s0  }
0x8d: {  	vm7 =	veq.s32 v5, v2  }
0x8e: {  	(v2sf) =	vpush v3, $0xA;
	v5 =	vsel vm7, $0x1, v1  }
0x8f: {  	s31 =	spop (v2sf);
	v4 =	vadd.s32 v5, v4  }
0x90: {  	s4 =	sand.u32 $0xFFFFFFF0, s31;
	[tilespmem:s30+$0x8C00] =	vst v4  }
0x91: {  	v4 =	vld [tilespmem:s4+$0x8C00]  }
0x92: {  	s0 =	sand.u32 $0xF, s31  }
0x93: {  	v5 =	vmov s0  }
0x94: {  	vm8 =	veq.s32 v5, v2  }
0x95: {  	(v2sf) =	vpush v3, $0xB;
	v5 =	vsel vm8, $0x1, v1  }
0x96: {  	s5 =	spop (v2sf);
	v4 =	vadd.s32 v5, v4  }
0x97: {  	s6 =	sand.u32 $0xFFFFFFF0, s5;
	[tilespmem:s4+$0x8C00] =	vst v4  }
0x98: {  	v4 =	vld [tilespmem:s6+$0x8C00]  }
0x99: {  	s0 =	sand.u32 $0xF, s5  }
0x9a: {  	v5 =	vmov s0  }
0x9b: {  	vm9 =	veq.s32 v5, v2  }
0x9c: {  	(v2sf) =	vpush v3, $0xC;
	v5 =	vsel vm9, $0x1, v1  }
0x9d: {  	s7 =	spop (v2sf);
	v4 =	vadd.s32 v5, v4  }
0x9e: {  	s10 =	sand.u32 $0xFFFFFFF0, s7;
	[tilespmem:s6+$0x8C00] =	vst v4  }
0x9f: {  	v4 =	vld [tilespmem:s10+$0x8C00]  }
0xa0: {  	s0 =	sand.u32 $0xF, s7  }
0xa1: {  	v5 =	vmov s0  }
0xa2: {  	vm10 =	veq.s32 v5, v2  }
0xa3: {  	(v2sf) =	vpush v3, $0xD;
	v5 =	vsel vm10, $0x1, v1  }
0xa4: {  	s11 =	spop (v2sf);
	v4 =	vadd.s32 v5, v4  }
0xa5: {  	s12 =	sand.u32 $0xFFFFFFF0, s11;
	[tilespmem:s10+$0x8C00] =	vst v4  }
0xa6: {  	v4 =	vld [tilespmem:s12+$0x8C00]  }
0xa7: {  	s0 =	sand.u32 $0xF, s11  }
0xa8: {  	v5 =	vmov s0  }
0xa9: {  	vm11 =	veq.s32 v5, v2  }
0xaa: {  	(v2sf) =	vpush v3, $0xE;
	v5 =	vsel vm11, $0x1, v1  }
0xab: {  	s13 =	spop (v2sf);
	v4 =	vadd.s32 v5, v4  }
0xac: {  	s16 =	sand.u32 $0xFFFFFFF0, s13;
	[tilespmem:s12+$0x8C00] =	vst v4  }
0xad: {  	v4 =	vld [tilespmem:s16+$0x8C00]  }
0xae: {  	s0 =	sand.u32 $0xF, s13  }
0xaf: {  	v5 =	vmov s0  }
0xb0: {  	vm12 =	veq.s32 v5, v2  }
0xb1: {  	(v2sf) =	vpush v3, $0xF;
	v3 =	vsel vm12, $0x1, v1  }
0xb2: {  	s17 =	spop (v2sf);
	v3 =	vadd.s32 v3, v4  }
0xb3: {  	s22 =	sand.u32 $0xFFFFFFF0, s17;
	[tilespmem:s16+$0x8C00] =	vst v3  }
0xb4: {  	v3 =	vld [tilespmem:s22+$0x8C00]  }
0xb5: {  	s0 =	sand.u32 $0xF, s17  }
0xb6: {  	v4 =	vmov s0  }
0xb7: {  	vm13 =	veq.s32 v4, v2  }
0xb8: {  	v4 =	vsel vm13, $0x1, v1  }
0xb9: {  	s26 =	spop (v2sf);
	v3 =	vadd.s32 v4, v3  }
0xba: {  	s29 =	sand.u32 $0xFFFFFFF0, s26;
	[tilespmem:s22+$0x8C00] =	vst v3  }
0xbb: {  	v3 =	vld [tilespmem:s29+$0x8C00]  }
0xbc: {  	s0 =	sand.u32 $0xF, s26  }
0xbd: {  	v4 =	vmov s0  }
0xbe: {  	vm14 =	veq.s32 v4, v2  }
0xbf: {  	v4 =	vsel vm14, $0x1, v1  }
0xc0: {  	s30 =	spop (v2sf);
	v3 =	vadd.s32 v4, v3  }
0xc1: {  	s0 =	sand.u32 $0xFFFFFFF0, s30;
	[tilespmem:s29+$0x8C00] =	vst v3  }
0xc2: {  	v3 =	vld [tilespmem:s0+$0x8C00]  }
0xc3: {  	s31 =	sand.u32 $0xF, s30  }
0xc4: {  	v4 =	vmov s31  }
0xc5: {  	vm15 =	veq.s32 v4, v2  }
0xc6: {  	v4 =	vsel vm15, $0x1, v1  }
0xc7: {  	s26 =	simm.s32 $0x80;
	s22 =	simm.s32 $0x40;
	v3 =	vadd.s32 v4, v3  }
.LBB2_7:
0xc8: {  	p0 =	sne.s32 s26, $0xFC0  }
0xc9: {  	s3 =	sshra.s32 s22, $0x2;
	[tilespmem:s0+$0x8C00] =	vst v3;
	s22 =	smov.u32 s26;
	s26 =	sadd.s32 $0x40, s26  }
0xca: {  	v3 =	vld [tilespmem:s3+$0x800];
	_ =	sdelay $0x4  }
0xcb: {  	(v2sf) =	vpush v3, $0x0  }
0xcc: {  	(v2sf) =	vpush v3, $0x1  }
0xcd: {  	(v2sf) =	vpush v3, $0x2  }
0xce: {  	(v2sf) =	vpush v3, $0x3  }
0xcf: {  	(v2sf) =	vpush v3, $0x4  }
0xd0: {  	(v2sf) =	vpush v3, $0x5  }
0xd1: {  	(v2sf) =	vpush v3, $0x6  }
0xd2: {  	(v2sf) =	vpush v3, $0x7  }
0xd3: {  	(v2sf) =	vpush v3, $0x8  }
0xd4: {  	(v2sf) =	vpush v3, $0x9  }
0xd5: {  	(v2sf) =	vpush v3, $0xA  }
0xd6: {  	(v2sf) =	vpush v3, $0xB  }
0xd7: {  	(v2sf) =	vpush v3, $0xC  }
0xd8: {  	(v2sf) =	vpush v3, $0xD  }
0xd9: {  	(v2sf) =	vpush v3, $0xE  }
0xda: {  	s0 =	spop (v2sf);
	(v2sf) =	vpush v3, $0xF  }
0xdb: {  	s3 =	sand.u32 $0xFFFFFFF0, s0;
	s0 =	sand.u32 $0xF, s0;
	s4 =	spop (v2sf)  }
0xdc: {  	v3 =	vld [tilespmem:s3+$0x8C00];
	v4 =	vmov s0;
	s0 =	sand.u32 $0xF, s4;
	s29 =	spop (v2sf)  }
0xdd: {  	vm1 =	veq.s32 v4, v2;
	v4 =	vmov s0;
	s0 =	sand.u32 $0xF, s29;
	s5 =	spop (v2sf)  }
0xde: {  	vm0 =	veq.s32 v4, v2;
	v4 =	vmov s0;
	s0 =	sand.u32 $0xF, s5;
	s17 =	spop (v2sf)  }
0xdf: {  	vm13 =	veq.s32 v4, v2;
	v4 =	vmov s0;
	s0 =	sand.u32 $0xF, s17;
	s16 =	spop (v2sf)  }
0xe0: {  	v5 =	vsel vm1, $0x1, v1;
	vm12 =	veq.s32 v4, v2;
	v4 =	vmov s0;
	s0 =	sand.u32 $0xF, s16;
	s13 =	spop (v2sf)  }
0xe1: {  	v3 =	vadd.s32 v5, v3;
	vm11 =	veq.s32 v4, v2;
	v4 =	vmov s0;
	s0 =	sand.u32 $0xF, s13;
	s12 =	spop (v2sf)  }
0xe2: {  	s6 =	sand.u32 $0xFFFFFFF0, s4;
	[tilespmem:s3+$0x8C00] =	vst v3;
	vm10 =	veq.s32 v4, v2;
	v3 =	vmov s0;
	s0 =	sand.u32 $0xF, s12;
	s11 =	spop (v2sf)  }
0xe3: {  	v4 =	vld [tilespmem:s6+$0x8C00];
	vm9 =	veq.s32 v3, v2;
	v3 =	vmov s0;
	s0 =	sand.u32 $0xF, s11;
	s10 =	spop (v2sf)  }
0xe4: {  	vm8 =	veq.s32 v3, v2;
	v3 =	vmov s0;
	s0 =	sand.u32 $0xF, s10;
	s3 =	spop (v2sf)  }
0xe5: {  	vm7 =	veq.s32 v3, v2;
	v3 =	vmov s0;
	s0 =	sand.u32 $0xF, s3;
	s4 =	spop (v2sf)  }
0xe6: {  	vm6 =	veq.s32 v3, v2;
	v3 =	vmov s0;
	s30 =	sand.u32 $0xF, s4;
	s0 =	spop (v2sf)  }
0xe7: {  	v5 =	vsel vm0, $0x1, v1;
	vm5 =	veq.s32 v3, v2;
	v3 =	vmov s30;
	s30 =	sand.u32 $0xF, s0;
	s31 =	spop (v2sf)  }
0xe8: {  	v4 =	vadd.s32 v5, v4;
	vm4 =	veq.s32 v3, v2;
	v3 =	vmov s30;
	s7 =	sand.u32 $0xF, s31;
	s30 =	spop (v2sf)  }
0xe9: {  	[tilespmem:s6+$0x8C00] =	vst v4;
	s6 =	sand.u32 $0xFFFFFFF0, s29;
	vm3 =	veq.s32 v3, v2;
	v3 =	vmov s7;
	s7 =	sand.u32 $0xF, s30;
	s29 =	spop (v2sf)  }
0xea: {  	v4 =	vld [tilespmem:s6+$0x8C00];
	vm2 =	veq.s32 v3, v2;
	v3 =	vmov s7;
	s7 =	sand.u32 $0xF, s29  }
0xeb: {  	vm1 =	veq.s32 v3, v2;
	v3 =	vmov s7  }
0xec: {  	vm0 =	veq.s32 v3, v2;
	_ =	sdelay $0x1  }
0xed: {  	v3 =	vsel vm13, $0x1, v1  }
0xee: {  	v3 =	vadd.s32 v3, v4  }
0xef: {  	s5 =	sand.u32 $0xFFFFFFF0, s5;
	[tilespmem:s6+$0x8C00] =	vst v3  }
0xf0: {  	v3 =	vld [tilespmem:s5+$0x8C00];
	_ =	sdelay $0x3  }
0xf1: {  	v4 =	vsel vm12, $0x1, v1  }
0xf2: {  	v3 =	vadd.s32 v4, v3  }
0xf3: {  	[tilespmem:s5+$0x8C00] =	vst v3;
	s5 =	sand.u32 $0xFFFFFFF0, s17  }
0xf4: {  	v3 =	vld [tilespmem:s5+$0x8C00];
	_ =	sdelay $0x3  }
0xf5: {  	v4 =	vsel vm11, $0x1, v1  }
0xf6: {  	v3 =	vadd.s32 v4, v3  }
0xf7: {  	[tilespmem:s5+$0x8C00] =	vst v3;
	s5 =	sand.u32 $0xFFFFFFF0, s16  }
0xf8: {  	v3 =	vld [tilespmem:s5+$0x8C00];
	_ =	sdelay $0x3  }
0xf9: {  	v4 =	vsel vm10, $0x1, v1  }
0xfa: {  	v3 =	vadd.s32 v4, v3  }
0xfb: {  	[tilespmem:s5+$0x8C00] =	vst v3;
	s5 =	sand.u32 $0xFFFFFFF0, s13  }
0xfc: {  	v3 =	vld [tilespmem:s5+$0x8C00];
	_ =	sdelay $0x3  }
0xfd: {  	v4 =	vsel vm9, $0x1, v1  }
0xfe: {  	v3 =	vadd.s32 v4, v3  }
0xff: {  	[tilespmem:s5+$0x8C00] =	vst v3;
	s5 =	sand.u32 $0xFFFFFFF0, s12  }
0x100: {  	v3 =	vld [tilespmem:s5+$0x8C00];
	_ =	sdelay $0x3  }
0x101: {  	v4 =	vsel vm8, $0x1, v1  }
0x102: {  	v3 =	vadd.s32 v4, v3  }
0x103: {  	[tilespmem:s5+$0x8C00] =	vst v3;
	s5 =	sand.u32 $0xFFFFFFF0, s11  }
0x104: {  	v3 =	vld [tilespmem:s5+$0x8C00];
	_ =	sdelay $0x3  }
0x105: {  	v4 =	vsel vm7, $0x1, v1  }
0x106: {  	v3 =	vadd.s32 v4, v3  }
0x107: {  	[tilespmem:s5+$0x8C00] =	vst v3;
	s5 =	sand.u32 $0xFFFFFFF0, s10  }
0x108: {  	v3 =	vld [tilespmem:s5+$0x8C00];
	_ =	sdelay $0x3  }
0x109: {  	v4 =	vsel vm6, $0x1, v1  }
0x10a: {  	v3 =	vadd.s32 v4, v3  }
0x10b: {  	s3 =	sand.u32 $0xFFFFFFF0, s3;
	[tilespmem:s5+$0x8C00] =	vst v3  }
0x10c: {  	v3 =	vld [tilespmem:s3+$0x8C00];
	_ =	sdelay $0x3  }
0x10d: {  	v4 =	vsel vm5, $0x1, v1  }
0x10e: {  	v3 =	vadd.s32 v4, v3  }
0x10f: {  	[tilespmem:s3+$0x8C00] =	vst v3;
	s3 =	sand.u32 $0xFFFFFFF0, s4  }
0x110: {  	v3 =	vld [tilespmem:s3+$0x8C00];
	_ =	sdelay $0x3  }
0x111: {  	v4 =	vsel vm4, $0x1, v1  }
0x112: {  	v3 =	vadd.s32 v4, v3  }
0x113: {  	s0 =	sand.u32 $0xFFFFFFF0, s0;
	[tilespmem:s3+$0x8C00] =	vst v3  }
0x114: {  	v3 =	vld [tilespmem:s0+$0x8C00];
	_ =	sdelay $0x3  }
0x115: {  	v4 =	vsel vm3, $0x1, v1  }
0x116: {  	v3 =	vadd.s32 v4, v3  }
0x117: {  	[tilespmem:s0+$0x8C00] =	vst v3;
	s0 =	sand.u32 $0xFFFFFFF0, s31  }
0x118: {  	v3 =	vld [tilespmem:s0+$0x8C00];
	_ =	sdelay $0x3  }
0x119: {  	v4 =	vsel vm2, $0x1, v1  }
0x11a: {  	v3 =	vadd.s32 v4, v3  }
0x11b: {  	[tilespmem:s0+$0x8C00] =	vst v3;
	s0 =	sand.u32 $0xFFFFFFF0, s30  }
0x11c: {  	v3 =	vld [tilespmem:s0+$0x8C00];
	_ =	sdelay $0x3  }
0x11d: {  	v4 =	vsel vm1, $0x1, v1  }
0x11e: {  	v3 =	vadd.s32 v4, v3  }
0x11f: {  	[tilespmem:s0+$0x8C00] =	vst v3;
	s0 =	sand.u32 $0xFFFFFFF0, s29  }
0x120: {  	v3 =	vld [tilespmem:s0+$0x8C00]  }
.Ltmp2:
0x121: {  	(pc) =	sbr.rel @p0 .LBB2_7-.Ltmp2, $3  }
0x122: {  	_ =	sdelay $0x1  }
0x123: {  	v4 =	vsel vm0, $0x1, v1  }
0x124: {  	v3 =	vadd.s32 v4, v3  }
0x125: {  	s3 =	sshra.s32 s22, $0x2;
	[tilespmem:s0+$0x8C00] =	vst v3  }
0x126: {  	v3 =	vld [tilespmem:s3+$0x800];
	_ =	sdelay $0x4  }
0x127: {  	(v2sf) =	vpush v3, $0x0;
	_ =	sdelay $0x6  }
0x128: {  	(v2sf) =	vpush v3, $0x1;
	_ =	sdelay $0x6  }
0x129: {  	(v2sf) =	vpush v3, $0x2  }
0x12a: {  	s4 =	spop (v2sf)  }
0x12b: {  	s5 =	sand.u32 $0xFFFFFFF0, s4  }
0x12c: {  	v4 =	vld [tilespmem:s5+$0x8C00]  }
0x12d: {  	s0 =	sand.u32 $0xF, s4  }
0x12e: {  	v5 =	vmov s0  }
0x12f: {  	vm0 =	veq.s32 v5, v2  }
0x130: {  	(v2sf) =	vpush v3, $0x3;
	v5 =	vsel vm0, $0x1, v1  }
0x131: {  	s6 =	spop (v2sf);
	v4 =	vadd.s32 v5, v4  }
0x132: {  	s7 =	sand.u32 $0xFFFFFFF0, s6;
	[tilespmem:s5+$0x8C00] =	vst v4  }
0x133: {  	v4 =	vld [tilespmem:s7+$0x8C00]  }
0x134: {  	s0 =	sand.u32 $0xF, s6  }
0x135: {  	v49 =	vmov s0  }
0x136: {  	vm13 =	veq.s32 v49, v2  }
0x137: {  	(v2sf) =	vpush v3, $0x4;
	v5 =	vsel vm13, $0x1, v1  }
0x138: {  	s10 =	spop (v2sf);
	v4 =	vadd.s32 v5, v4  }
0x139: {  	s11 =	sand.u32 $0xFFFFFFF0, s10;
	[tilespmem:s7+$0x8C00] =	vst v4  }
0x13a: {  	v4 =	vld [tilespmem:s11+$0x8C00]  }
0x13b: {  	s0 =	sand.u32 $0xF, s10  }
0x13c: {  	v50 =	vmov s0  }
0x13d: {  	vm14 =	veq.s32 v50, v2  }
0x13e: {  	(v2sf) =	vpush v3, $0x5;
	v5 =	vsel vm14, $0x1, v1  }
0x13f: {  	s12 =	spop (v2sf);
	v4 =	vadd.s32 v5, v4  }
0x140: {  	s13 =	sand.u32 $0xFFFFFFF0, s12;
	[tilespmem:s11+$0x8C00] =	vst v4  }
0x141: {  	v4 =	vld [tilespmem:s13+$0x8C00]  }
0x142: {  	s0 =	sand.u32 $0xF, s12  }
0x143: {  	v51 =	vmov s0  }
0x144: {  	vm15 =	veq.s32 v51, v2  }
0x145: {  	(v2sf) =	vpush v3, $0x6;
	v5 =	vsel vm15, $0x1, v1  }
0x146: {  	s16 =	spop (v2sf);
	v4 =	vadd.s32 v5, v4  }
0x147: {  	s17 =	sand.u32 $0xFFFFFFF0, s16;
	[tilespmem:s13+$0x8C00] =	vst v4  }
0x148: {  	v4 =	vld [tilespmem:s17+$0x8C00]  }
0x149: {  	s0 =	sand.u32 $0xF, s16  }
0x14a: {  	v52 =	vmov s0  }
0x14b: {  	vm4 =	veq.s32 v52, v2  }
0x14c: {  	(v2sf) =	vpush v3, $0x7;
	v5 =	vsel vm4, $0x1, v1  }
0x14d: {  	s22 =	spop (v2sf);
	v4 =	vadd.s32 v5, v4  }
0x14e: {  	s26 =	sand.u32 $0xFFFFFFF0, s22;
	[tilespmem:s17+$0x8C00] =	vst v4  }
0x14f: {  	v4 =	vld [tilespmem:s26+$0x8C00]  }
0x150: {  	s0 =	sand.u32 $0xF, s22  }
0x151: {  	v53 =	vmov s0  }
0x152: {  	vm5 =	veq.s32 v53, v2  }
0x153: {  	(v2sf) =	vpush v3, $0x8;
	v5 =	vsel vm5, $0x1, v1  }
0x154: {  	s29 =	spop (v2sf);
	v4 =	vadd.s32 v5, v4  }
0x155: {  	s30 =	sand.u32 $0xFFFFFFF0, s29;
	[tilespmem:s26+$0x8C00] =	vst v4  }
0x156: {  	v4 =	vld [tilespmem:s30+$0x8C00]  }
0x157: {  	s0 =	sand.u32 $0xF, s29  }
0x158: {  	v54 =	vmov s0  }
0x159: {  	vm6 =	veq.s32 v54, v2  }
0x15a: {  	(v2sf) =	vpush v3, $0x9;
	v5 =	vsel vm6, $0x1, v1  }
0x15b: {  	s31 =	spop (v2sf);
	v4 =	vadd.s32 v5, v4  }
0x15c: {  	s4 =	sand.u32 $0xFFFFFFF0, s31;
	[tilespmem:s30+$0x8C00] =	vst v4  }
0x15d: {  	v4 =	vld [tilespmem:s4+$0x8C00]  }
0x15e: {  	s0 =	sand.u32 $0xF, s31  }
0x15f: {  	v55 =	vmov s0  }
0x160: {  	vm7 =	veq.s32 v55, v2  }
0x161: {  	(v2sf) =	vpush v3, $0xA;
	v5 =	vsel vm7, $0x1, v1  }
0x162: {  	s5 =	spop (v2sf);
	v4 =	vadd.s32 v5, v4  }
0x163: {  	s6 =	sand.u32 $0xFFFFFFF0, s5;
	[tilespmem:s4+$0x8C00] =	vst v4  }
0x164: {  	v4 =	vld [tilespmem:s6+$0x8C00]  }
0x165: {  	s0 =	sand.u32 $0xF, s5  }
0x166: {  	v56 =	vmov s0  }
0x167: {  	vm8 =	veq.s32 v56, v2  }
0x168: {  	(v2sf) =	vpush v3, $0xB;
	v5 =	vsel vm8, $0x1, v1  }
0x169: {  	s7 =	spop (v2sf);
	v4 =	vadd.s32 v5, v4  }
0x16a: {  	s10 =	sand.u32 $0xFFFFFFF0, s7;
	[tilespmem:s6+$0x8C00] =	vst v4  }
0x16b: {  	v4 =	vld [tilespmem:s10+$0x8C00]  }
0x16c: {  	s0 =	sand.u32 $0xF, s7  }
0x16d: {  	v57 =	vmov s0  }
0x16e: {  	vm9 =	veq.s32 v57, v2  }
0x16f: {  	(v2sf) =	vpush v3, $0xC;
	v5 =	vsel vm9, $0x1, v1  }
0x170: {  	s11 =	spop (v2sf);
	v4 =	vadd.s32 v5, v4  }
0x171: {  	s12 =	sand.u32 $0xFFFFFFF0, s11;
	[tilespmem:s10+$0x8C00] =	vst v4  }
0x172: {  	v4 =	vld [tilespmem:s12+$0x8C00]  }
0x173: {  	s0 =	sand.u32 $0xF, s11  }
0x174: {  	v58 =	vmov s0  }
0x175: {  	vm10 =	veq.s32 v58, v2  }
0x176: {  	(v2sf) =	vpush v3, $0xD;
	v5 =	vsel vm10, $0x1, v1  }
0x177: {  	s13 =	spop (v2sf);
	v4 =	vadd.s32 v5, v4  }
0x178: {  	s16 =	sand.u32 $0xFFFFFFF0, s13;
	[tilespmem:s12+$0x8C00] =	vst v4  }
0x179: {  	v4 =	vld [tilespmem:s16+$0x8C00]  }
0x17a: {  	s0 =	sand.u32 $0xF, s13  }
0x17b: {  	v59 =	vmov s0  }
0x17c: {  	vm11 =	veq.s32 v59, v2  }
0x17d: {  	(v2sf) =	vpush v3, $0xE;
	v5 =	vsel vm11, $0x1, v1  }
0x17e: {  	s17 =	spop (v2sf);
	v4 =	vadd.s32 v5, v4  }
0x17f: {  	s22 =	sand.u32 $0xFFFFFFF0, s17;
	[tilespmem:s16+$0x8C00] =	vst v4  }
0x180: {  	v4 =	vld [tilespmem:s22+$0x8C00]  }
0x181: {  	s0 =	sand.u32 $0xF, s17  }
0x182: {  	v60 =	vmov s0  }
0x183: {  	vm12 =	veq.s32 v60, v2  }
0x184: {  	(v2sf) =	vpush v3, $0xF;
	v3 =	vsel vm12, $0x1, v1  }
0x185: {  	s26 =	spop (v2sf);
	v3 =	vadd.s32 v3, v4  }
0x186: {  	s29 =	sand.u32 $0xFFFFFFF0, s26;
	[tilespmem:s22+$0x8C00] =	vst v3  }
0x187: {  	v3 =	vld [tilespmem:s29+$0x8C00]  }
0x188: {  	s0 =	sand.u32 $0xF, s26  }
0x189: {  	v61 =	vmov s0  }
0x18a: {  	vm13 =	veq.s32 v61, v2  }
0x18b: {  	v4 =	vsel vm13, $0x1, v1  }
0x18c: {  	s30 =	spop (v2sf);
	v3 =	vadd.s32 v4, v3  }
0x18d: {  	s31 =	sand.u32 $0xFFFFFFF0, s30;
	[tilespmem:s29+$0x8C00] =	vst v3  }
0x18e: {  	v3 =	vld [tilespmem:s31+$0x8C00]  }
0x18f: {  	s0 =	sand.u32 $0xF, s30  }
0x190: {  	v62 =	vmov s0  }
0x191: {  	vm14 =	veq.s32 v62, v2  }
0x192: {  	v4 =	vsel vm14, $0x1, v1  }
0x193: {  	s4 =	spop (v2sf);
	v3 =	vadd.s32 v4, v3  }
0x194: {  	s5 =	sand.u32 $0xFFFFFFF0, s4;
	[tilespmem:s31+$0x8C00] =	vst v3  }
0x195: {  	v3 =	vld [tilespmem:s5+$0x8C00]  }
0x196: {  	s0 =	sand.u32 $0xF, s4  }
0x197: {  	v63 =	vmov s0  }
0x198: {  	vm15 =	veq.s32 v63, v2  }
0x199: {  	v4 =	vsel vm15, $0x1, v1  }
0x19a: {  	v3 =	vadd.s32 v4, v3  }
0x19b: {  	[tilespmem:s5+$0x8C00] =	vst v3  }
0x19c: {  	_ =	swait.ge [sflag:s25], $0x4000  }
0x19d: {  	[sflag:s25] =	ssyncset.done $0x0  }
0x19e: {  	[sflag:s25] =	ssyncadd.s32 $0xFFFFC000  }
0x19f: {  	[spmem:s2] =	stream.indirect.scatter.add.f32 [tilespmem:s19], [sflag:$0x3], $0x80, s21, s23, $0xb8;
	[tilespmem:$0x1F400] =	vst v63  }
0x1a0: {  	_ =	swait.ge [sflag:s20], $0x4000  }
0x1a1: {  	[sflag:s20] =	ssyncset.done $0x0  }
0x1a2: {  	s6 =	simm.s32 $0x100;
	[sflag:s20] =	ssyncadd.s32 $0xFFFFC000  }
0x1a3: {  	[tilespmem:s19], [sflag:$0x1] =	stream.indirect.gather [hbm4b:s1+s23], $0x80, s6, s23, $0xb8;
	[tilespmem:$0x1F400] =	vst v63  }
0x1a4: {  	_ =	swait.ge [sflag:s28], $0x4000  }
0x1a5: {  	[sflag:s28] =	ssyncset.done $0x0  }
0x1a6: {  	s7 =	simm.s32 $0x480;
	[sflag:s28] =	ssyncadd.s32 $0xFFFFC000  }
0x1a7: {  	[spmem:s2] =	stream.indirect.scatter.add.f32 [tilespmem:s24], [sflag:$0x3], $0x80, s7, s23, $0xb8;
	[tilespmem:$0x1F400] =	vst v63  }
0x1a8: {  	_ =	swait.ge [sflag:s20], $0x4000  }
0x1a9: {  	[sflag:s20] =	ssyncset.done $0x0  }
0x1aa: {  	s10 =	simm.s32 $0x180;
	[sflag:s20] =	ssyncadd.s32 $0xFFFFC000  }
0x1ab: {  	[tilespmem:s24], [sflag:$0x2] =	stream.indirect.gather [hbm4b:s1+s23], $0x80, s10, s23, $0xb8;
	[tilespmem:$0x1F400] =	vst v63  }
0x1ac: {  	_ =	swait.ge [sflag:s25], $0x4000  }
0x1ad: {  	[sflag:s25] =	ssyncset.done $0x0  }
0x1ae: {  	s11 =	simm.s32 $0x500;
	[sflag:s25] =	ssyncadd.s32 $0xFFFFC000  }
0x1af: {  	[spmem:s2] =	stream.indirect.scatter.add.f32 [tilespmem:s19], [sflag:$0x3], $0x80, s11, s23, $0xb8;
	[tilespmem:$0x1F400] =	vst v63  }
0x1b0: {  	_ =	swait.ge [sflag:s20], $0x4000  }
0x1b1: {  	[sflag:s20] =	ssyncset.done $0x0  }
0x1b2: {  	s12 =	simm.s32 $0x200;
	[sflag:s20] =	ssyncadd.s32 $0xFFFFC000  }
0x1b3: {  	[tilespmem:s19], [sflag:$0x1] =	stream.indirect.gather [hbm4b:s1+s23], $0x80, s12, s23, $0xb8;
	[tilespmem:$0x1F400] =	vst v63  }
0x1b4: {  	_ =	swait.ge [sflag:s28], $0x4000  }
0x1b5: {  	[sflag:s28] =	ssyncset.done $0x0  }
0x1b6: {  	s13 =	simm.s32 $0x580;
	[sflag:s28] =	ssyncadd.s32 $0xFFFFC000  }
0x1b7: {  	[spmem:s2] =	stream.indirect.scatter.add.f32 [tilespmem:s24], [sflag:$0x3], $0x80, s13, s23, $0xb8;
	[tilespmem:$0x1F400] =	vst v63  }
0x1b8: {  	_ =	swait.ge [sflag:s20], $0x4000  }
0x1b9: {  	[sflag:s20] =	ssyncset.done $0x0  }
0x1ba: {  	s16 =	simm.s32 $0x280;
	[sflag:s20] =	ssyncadd.s32 $0xFFFFC000  }
0x1bb: {  	[tilespmem:s24], [sflag:$0x2] =	stream.indirect.gather [hbm4b:s1+s23], $0x80, s16, s23, $0xb8;
	[tilespmem:$0x1F400] =	vst v63  }
0x1bc: {  	_ =	swait.ge [sflag:s25], $0x4000  }
0x1bd: {  	[sflag:s25] =	ssyncset.done $0x0  }
0x1be: {  	s17 =	simm.s32 $0x600;
	[sflag:s25] =	ssyncadd.s32 $0xFFFFC000  }
0x1bf: {  	[spmem:s2] =	stream.indirect.scatter.add.f32 [tilespmem:s19], [sflag:$0x3], $0x80, s17, s23, $0xb8;
	[tilespmem:$0x1F400] =	vst v63  }
0x1c0: {  	_ =	swait.ge [sflag:s20], $0x4000  }
0x1c1: {  	[sflag:s20] =	ssyncset.done $0x0  }
0x1c2: {  	s22 =	simm.s32 $0x300;
	[sflag:s20] =	ssyncadd.s32 $0xFFFFC000  }
0x1c3: {  	[tilespmem:s19], [sflag:$0x1] =	stream.indirect.gather [hbm4b:s1+s23], $0x80, s22, s23, $0xb8;
	[tilespmem:$0x1F400] =	vst v63  }
0x1c4: {  	_ =	swait.ge [sflag:s28], $0x4000  }
0x1c5: {  	[sflag:s28] =	ssyncset.done $0x0  }
0x1c6: {  	s26 =	simm.s32 $0x680;
	[sflag:s28] =	ssyncadd.s32 $0xFFFFC000  }
0x1c7: {  	[spmem:s2] =	stream.indirect.scatter.add.f32 [tilespmem:s24], [sflag:$0x3], $0x80, s26, s23, $0xb8;
	[tilespmem:$0x1F400] =	vst v63  }
0x1c8: {  	_ =	swait.ge [sflag:s20], $0x4000  }
0x1c9: {  	[sflag:s20] =	ssyncset.done $0x0  }
0x1ca: {  	s29 =	simm.s32 $0x380;
	[sflag:s20] =	ssyncadd.s32 $0xFFFFC000  }
0x1cb: {  	[tilespmem:s24], [sflag:$0x2] =	stream.indirect.gather [hbm4b:s1+s23], $0x80, s29, s23, $0xb8;
	[tilespmem:$0x1F400] =	vst v63  }
0x1cc: {  	_ =	swait.ge [sflag:s25], $0x4000  }
0x1cd: {  	[sflag:s25] =	ssyncset.done $0x0  }
0x1ce: {  	s30 =	simm.s32 $0x700;
	[sflag:s25] =	ssyncadd.s32 $0xFFFFC000  }
0x1cf: {  	[spmem:s2] =	stream.indirect.scatter.add.f32 [tilespmem:s19], [sflag:$0x3], $0x80, s30, s23, $0xb8;
	[tilespmem:$0x1F400] =	vst v63  }
0x1d0: {  	_ =	swait.ge [sflag:s20], $0x4000  }
0x1d1: {  	[sflag:s20] =	ssyncset.done $0x0  }
0x1d2: {  	[sflag:s20] =	ssyncadd.s32 $0xFFFFC000  }
0x1d3: {  	s18 =	sadd.s32 $0x1, s18;
	_ =	swait.ge [sflag:s28], $0x4000  }
0x1d4: {  	p0 =	sne.s32 s18, $0xA;
	[sflag:s28] =	ssyncset.done $0x0  }
.Ltmp3:
0x1d5: {  	s31 =	simm.s32 $0x780;
	[sflag:s28] =	ssyncadd.s32 $0xFFFFC000;
	(pc) =	sbr.rel @p0 .LBB2_6-.Ltmp3, $4  }
0x1d6: {  	[spmem:s2] =	stream.indirect.scatter.add.f32 [tilespmem:s24], [sflag:$0x3], $0x80, s31, s23, $0xb8;
	[tilespmem:$0x1F400] =	vst v63  }
0x1d7: {  	_ =	swait.ge [sflag:s20], $0x4000  }
0x1d8: {  	[sflag:s20] =	ssyncset.done $0x0  }
0x1d9: {  	[sflag:s20] =	ssyncadd.s32 $0xFFFFC000  }
0x1da: {  	s0 =	stileid.u32;
	[bflag:$0x0] =	sbarrier.arrive $0xFFFF  }
0x1db: {  	s0 =	sshll.u32 s0, $0x6;
	s7 =	rddreg [dreg:$0x7]  }
0x1dc: {  	s4 =	rddreg [dreg:$0xc];
	s0 =	sor.u32 $0x1C03, s0;
	s3 =	sshrl.u32 s7, $0x3  }
0x1dd: {  	[hbm:s4], [sflag:s0] =	dma.local [spmem:s3], $0x2800  }
0x1de: {  	_ =	swait.ge [sflag:s20], $0x2800  }
0x1df: {  	s22 =	simm.s32 $0x0;
	[sflag:s20] =	ssyncset.done $0x0  }
0x1e0: {  	s29 =	simm.s32 $0x8C00;
	s26 =	rddreg [dreg:$0xd];
	[sflag:s20] =	ssyncadd.s32 $0xFFFFD800  }
0x1e1: {  	[hbm4b:s26+s22] =	stream.linear.scatter [tilespmem:s29], [sflag:$0x3], $0x2800, $0x38;
	[tilespmem:$0x1F400] =	vst v63  }
0x1e2: {  	_ =	swait.ge [sflag:s20], $0x2800  }
0x1e3: {  	s30 =	rddreg [dreg:$0xf]  }
0x1e4: {  	s31 =	rddreg [dreg:$0xe];
	s3 =	sadd.s32 $0x1, s30  }
0x1e5: {  	p0 =	sne.s32 s3, s31  }
.Ltmp4:
0x1e6: {  	_ = 	snop;
	(pc) =	sbr.rel @p0 .LBB2_1-.Ltmp4, $3  }
0x1e7: {  	_ =	sdelay $0x1  }
0x1e8: {  	[sflag:s20] =	ssyncset.done $0x0  }
0x1e9: {  	[sflag:s20] =	ssyncadd.s32 $0xFFFFD800  }
0x1ea: {  	_ =	sfence.sel $0x180000  }
0x1eb: {  	[bflag:$0x0] =	sbarrier.arrive $0xFFFF  }
0x1ec: {  	_ =	strace $0x9000004A  }
0x1ed: {  	s0 =	stileid.u32;
	[bflag:$0x2] =	sbarrier.arrive $0xFFFF  }
0x1ee: {  	p0 =	sne.s32 s0, $0x0;
	s0 =	rddreg [dreg:$0x3]  }
0x1ef: {  	s0 =	sadd.s32 @!p0 $0x100000, s0  }
0x1f0: {  	[sflag:s0] =	ssyncadd.tile.s32 @!p0 $0x1;
	_ =	shalt  }
.Lfunc_end2:
_tile_overlayer_lowered:
.L_overlay_start_2:
0x1f1: {  	(tag) =	ssettag $0x2  }
0x1f2: {  	s0 =	rddreg [dreg:$0x0];
	s2 =	stileid.u32  }
0x1f3: {  	s1 =	rddreg [dreg:$0x1];
	p0 =	sne.s32 s2, $0x0  }
0x1f4: {  	s3 =	rddreg [dreg:$0x2];
	[bflag:$0x3] =	sbarrier.arrive $0xFFFF;
	s2 =	simm.s32 @!p0 $0x1C03  }
0x1f5: {  	[timem:s3], [sflag:s2] =	dma.local @!p0 [hbm:s0], s1  }
0x1f6: {  	s0 =	simm.s32 @!p0 $0x3  }
0x1f7: {  	_ =	swait.ge @!p0 [sflag:s0], s1  }
0x1f8: {  	s1 =	ssub.s32 @!p0 $0x0, s1;
	[sflag:s0] =	ssyncset.done @!p0 $0x0  }
0x1f9: {  	[sflag:s0] =	ssyncadd.s32 @!p0 s1  }
0x1fa: {  	[bflag:$0x3] =	sbarrier.arrive $0xFFFF  }
0x1fb: {  	_ =	shalt  }

</sc_bundles>
